<compile_context>
chip_gen: v7x
topology: tpu7x:2x2x1
jax: 0.10.2.dev20260603
libtpu: 0.0.44.dev20260713+nightly
codegen_flags: <defaults>
</compile_context>

<pallas_src>
import functools

import jax
import jax.numpy as jnp
from jax import lax
from jax.experimental import pallas as pl
from jax.experimental.pallas import tpu as pltpu
from jax.experimental.pallas import tpu_sc as plsc

N = 10000
E = 320000
D_IN = 128
DIM = 64
D_EDGE = 16
CUTOFF = 8.0
N_BLOCKS = 3
N_GRAPHS = 100

NPAD = 10240
LOG2 = 0.6931471805599453

NC = 2
NS = 16
CHUNK = 80
EDGES_PER_WORKER = E // (NC * NS)
NCHUNK = EDGES_PER_WORKER // CHUNK
ROWS_PER_SUB = NPAD // NS


LOG2E = 1.4426950408889634


def _ssp(v):
    t = lax.exp2(jnp.abs(v) * -LOG2E)
    return jnp.maximum(v, 0.0) + jnp.log2(1.0 + t) * LOG2 - LOG2


BE = 2000
E2 = E // 2
NE = E2 // BE


def _we_body(eaA_ref, eaB_ref, ewA_ref, ewB_ref,
             w1t_ref, b1_ref, w2t_ref, b2_ref, o0_ref, o1_ref, o2_ref):
    outs = (o0_ref, o1_ref, o2_ref)
    for half, (ea_ref, ew_ref) in enumerate(((eaA_ref, ewA_ref),
                                             (eaB_ref, ewB_ref))):
        ea = ea_ref[...]
        c = 0.5 * (jnp.cos(ew_ref[...] * (jnp.pi / CUTOFF)) + 1.0)
        for k in range(N_BLOCKS):
            h = _ssp(jnp.dot(ea, w1t_ref[k],
                             preferred_element_type=jnp.float32) + b1_ref[k])
            we = (jnp.dot(h, w2t_ref[k],
                          preferred_element_type=jnp.float32) + b2_ref[k]) * c
            outs[k][:, half * DIM:(half + 1) * DIM] = we


def _we_call(edge_attr, ew2d, w1t, b1, w2t, b2):
    full = lambda *shape: pl.BlockSpec(shape, lambda e: (0,) * len(shape))
    return pl.pallas_call(
        _we_body,
        grid=(NE,),
        in_specs=[
            pl.BlockSpec((BE, D_EDGE), lambda e: (e, 0)),
            pl.BlockSpec((BE, D_EDGE), lambda e: (e + NE, 0)),
            pl.BlockSpec((BE, 1), lambda e: (e, 0)),
            pl.BlockSpec((BE, 1), lambda e: (e + NE, 0)),
            full(N_BLOCKS, D_EDGE, DIM),
            full(N_BLOCKS, 1, DIM),
            full(N_BLOCKS, DIM, DIM),
            full(N_BLOCKS, 1, DIM),
        ],
        out_specs=[pl.BlockSpec((BE, 2 * DIM), lambda e: (e, 0))] * N_BLOCKS,
        out_shape=[jax.ShapeDtypeStruct((E2, 2 * DIM), jnp.float32)] * N_BLOCKS,
    )(edge_attr, edge_attr, ew2d, ew2d, w1t, b1, w2t, b2)


RN = 1000


def _pre_body(x_ref, wpt_ref, bp_ref, wl1t_ref, out_ref, x1_ref):
    o = jnp.maximum(
        jnp.dot(x_ref[...], wpt_ref[...], preferred_element_type=jnp.float32)
        + bp_ref[...], 0.0)
    out_ref[...] = o
    x1_ref[...] = jnp.dot(o, wl1t_ref[...], preferred_element_type=jnp.float32)


def _pre_call(x, wpt, bp, wl1t):
    grid = (N // RN,)
    return pl.pallas_call(
        _pre_body,
        grid=grid,
        in_specs=[
            pl.BlockSpec((RN, D_IN), lambda i: (i, 0)),
            pl.BlockSpec((D_IN, DIM), lambda i: (0, 0)),
            pl.BlockSpec((1, DIM), lambda i: (0, 0)),
            pl.BlockSpec((DIM, DIM), lambda i: (0, 0)),
        ],
        out_specs=[pl.BlockSpec((RN, DIM), lambda i: (i, 0))] * 2,
        out_shape=[jax.ShapeDtypeStruct((N, DIM), jnp.float32)] * 2,
    )(x, wpt, bp, wl1t)


def _sc_body(x1_hbm, we_hbm, src_hbm, dst_hbm, out_hbm, agg_sp,
             src_v0, dst_v0, rows_v0, we_v0,
             src_v1, dst_v1, rows_v1, we_v1,
             sem_i0, sem_w0, sem_g0, sem_i1, sem_w1, sem_g1):
    c = lax.axis_index("c")
    s = lax.axis_index("s")
    wid = c * NS + s
    ebase = wid * EDGES_PER_WORKER

    bufs = ((src_v0, dst_v0, rows_v0, we_v0, sem_i0, sem_w0, sem_g0),
            (src_v1, dst_v1, rows_v1, we_v1, sem_i1, sem_w1, sem_g1))

    @plsc.parallel_loop(0, CHUNK, unroll=4)
    def _(i):
        for k in range(DIM // 16):
            rows_v0[i, pl.ds(k * 16, 16)] = jnp.zeros((16,), jnp.float32)
    for j in range(ROWS_PER_SUB // CHUNK):
        pltpu.sync_copy(rows_v0,
                        agg_sp.at[pl.ds(s * ROWS_PER_SUB + j * CHUNK, CHUNK)])
    plsc.subcore_barrier()

    col = c * DIM

    def issue_copies(cid, b):
        src_v, dst_v, _, we_v, sem_i, sem_w, _ = bufs[b]
        base = ebase + cid * CHUNK
        rbase = s * EDGES_PER_WORKER + cid * CHUNK
        pltpu.async_copy(src_hbm.at[pl.ds(base, CHUNK)], src_v, sem_i)
        pltpu.async_copy(dst_hbm.at[pl.ds(base, CHUNK)], dst_v, sem_i)
        pltpu.async_copy(we_hbm.at[pl.ds(rbase, CHUNK), pl.ds(col, DIM)],
                         we_v, sem_w)

    def wait_idx(b):
        src_v, dst_v, _, _, sem_i, _, _ = bufs[b]
        pltpu.make_async_copy(src_hbm.at[pl.ds(0, CHUNK)], src_v, sem_i).wait()
        pltpu.make_async_copy(dst_hbm.at[pl.ds(0, CHUNK)], dst_v, sem_i).wait()

    def issue_gather(b):
        src_v, _, rows_v, _, _, _, sem_g = bufs[b]
        pltpu.async_copy(x1_hbm.at[src_v], rows_v, sem_g)

    def finish_chunk(b):
        src_v, dst_v, rows_v, we_v, _, sem_w, sem_g = bufs[b]
        pltpu.make_async_copy(we_hbm.at[pl.ds(0, CHUNK), pl.ds(0, DIM)],
                              we_v, sem_w).wait()
        pltpu.make_async_copy(x1_hbm.at[src_v], rows_v, sem_g).wait()

        @plsc.parallel_loop(0, CHUNK, unroll=4)
        def _(i):
            for k in range(DIM // 16):
                sl = pl.ds(k * 16, 16)
                rows_v[i, sl] = rows_v[i, sl] * we_v[i, sl]
        pltpu.sync_copy(rows_v, agg_sp.at[dst_v], add=True)

    issue_copies(0, 0)
    issue_copies(1, 1)
    wait_idx(0)
    issue_gather(0)

    def step(jj, _):
        c0 = 2 * jj
        wait_idx(1)
        issue_gather(1)
        finish_chunk(0)
        issue_copies(c0 + 2, 0)
        wait_idx(0)
        issue_gather(0)
        finish_chunk(1)

        @pl.when(c0 + 3 < NCHUNK)
        def _():
            issue_copies(c0 + 3, 1)
        return 0

    lax.fori_loop(0, NCHUNK // 2, step, 0)
    finish_chunk(0)
    plsc.subcore_barrier()

    pltpu.sync_copy(agg_sp.at[pl.ds(s * ROWS_PER_SUB, ROWS_PER_SUB)],
                    out_hbm.at[c, pl.ds(s * ROWS_PER_SUB, ROWS_PER_SUB)])


@functools.lru_cache(maxsize=1)
def _get_sc_message():
    return pl.kernel(
        _sc_body,
        out_type=jax.ShapeDtypeStruct((NC, NPAD, DIM), jnp.float32),
        mesh=plsc.VectorSubcoreMesh(core_axis_name="c", subcore_axis_name="s",
                                    num_cores=NC, num_subcores=NS),
        scratch_types=[
            pltpu.VMEM_SHARED((NPAD, DIM), jnp.float32),
            pltpu.VMEM((CHUNK,), jnp.int32),
            pltpu.VMEM((CHUNK,), jnp.int32),
            pltpu.VMEM((CHUNK, DIM), jnp.float32),
            pltpu.VMEM((CHUNK, DIM), jnp.float32),
            pltpu.VMEM((CHUNK,), jnp.int32),
            pltpu.VMEM((CHUNK,), jnp.int32),
            pltpu.VMEM((CHUNK, DIM), jnp.float32),
            pltpu.VMEM((CHUNK, DIM), jnp.float32),
            pltpu.SemaphoreType.DMA,
            pltpu.SemaphoreType.DMA,
            pltpu.SemaphoreType.DMA,
            pltpu.SemaphoreType.DMA,
            pltpu.SemaphoreType.DMA,
            pltpu.SemaphoreType.DMA,
        ],
        compiler_params=pltpu.CompilerParams(use_tc_tiling_on_sc=False),
    )


def _sc_message(x1, we_k, src, dst):
    return _get_sc_message()(x1, we_k, src, dst)


def _upd_body(aggp_ref, prev_ref, wl2t_ref, bl2_ref, wbt_ref, bb_ref,
              out_ref, stats_ref, acc):
    i = pl.program_id(0)

    @pl.when(i == 0)
    def _():
        acc[...] = jnp.zeros_like(acc)

    agg = aggp_ref[0] + aggp_ref[1]
    t = _ssp(jnp.dot(agg, wl2t_ref[...], preferred_element_type=jnp.float32)
             + bl2_ref[...])
    h2 = jnp.dot(t, wbt_ref[...], preferred_element_type=jnp.float32) + bb_ref[...]
    o = prev_ref[...] + h2
    out_ref[...] = o
    acc[0:1, :] += jnp.sum(o, axis=0, keepdims=True)
    acc[1:2, :] += jnp.sum(o * o, axis=0, keepdims=True)

    @pl.when(i == pl.num_programs(0) - 1)
    def _():
        stats_ref[...] = acc[...]


def _upd_call(aggp, prev, wl2t, bl2, wbt, bb):
    grid = (N // RN,)
    return pl.pallas_call(
        _upd_body,
        grid=grid,
        in_specs=[
            pl.BlockSpec((NC, RN, DIM), lambda i: (0, i, 0)),
            pl.BlockSpec((RN, DIM), lambda i: (i, 0)),
            pl.BlockSpec((DIM, DIM), lambda i: (0, 0)),
            pl.BlockSpec((1, DIM), lambda i: (0, 0)),
            pl.BlockSpec((DIM, DIM), lambda i: (0, 0)),
            pl.BlockSpec((1, DIM), lambda i: (0, 0)),
        ],
        out_specs=[pl.BlockSpec((RN, DIM), lambda i: (i, 0)),
                   pl.BlockSpec((8, DIM), lambda i: (0, 0))],
        out_shape=[jax.ShapeDtypeStruct((N, DIM), jnp.float32),
                   jax.ShapeDtypeStruct((8, DIM), jnp.float32)],
        scratch_shapes=[pltpu.VMEM((8, DIM), jnp.float32)],
    )(aggp, prev, wl2t, bl2, wbt, bb)


def _norm_body(raw_ref, stats_ref, g_ref, b_ref, wl1t_ref, out_ref, x1_ref):
    mean = stats_ref[0:1, :] * (1.0 / N)
    var = stats_ref[1:2, :] * (1.0 / N) - mean * mean
    inv = lax.rsqrt(var + 1e-5) * g_ref[...]
    o = (raw_ref[...] - mean) * inv + b_ref[...]
    out_ref[...] = o
    x1_ref[...] = jnp.dot(o, wl1t_ref[...], preferred_element_type=jnp.float32)


def _norm_call(raw, stats, g, b, wl1t):
    grid = (N // RN,)
    return pl.pallas_call(
        _norm_body,
        grid=grid,
        in_specs=[
            pl.BlockSpec((RN, DIM), lambda i: (i, 0)),
            pl.BlockSpec((8, DIM), lambda i: (0, 0)),
            pl.BlockSpec((1, DIM), lambda i: (0, 0)),
            pl.BlockSpec((1, DIM), lambda i: (0, 0)),
            pl.BlockSpec((DIM, DIM), lambda i: (0, 0)),
        ],
        out_specs=[pl.BlockSpec((RN, DIM), lambda i: (i, 0))] * 2,
        out_shape=[jax.ShapeDtypeStruct((N, DIM), jnp.float32)] * 2,
    )(raw, stats, g, b, wl1t)


def _head_body(raw_ref, stats_ref, g_ref, b_ref, batch_ref,
               wpt_ref, bp_ref, wot_ref, bo_ref, y_ref, sums, cnts):
    i = pl.program_id(0)

    @pl.when(i == 0)
    def _():
        sums[...] = jnp.zeros_like(sums)
        cnts[...] = jnp.zeros_like(cnts)

    mean = stats_ref[0:1, :] * (1.0 / N)
    var = stats_ref[1:2, :] * (1.0 / N) - mean * mean
    inv = lax.rsqrt(var + 1e-5) * g_ref[...]
    o = (raw_ref[...] - mean) * inv + b_ref[...]

    ids = lax.broadcasted_iota(jnp.int32, (RN, N_GRAPHS), 1)
    onehot = jnp.where(batch_ref[...] == ids, 1.0, 0.0).astype(jnp.float32)
    dn = (((0,), (0,)), ((), ()))
    sums[0:N_GRAPHS, :] += lax.dot_general(
        onehot, o, dn, preferred_element_type=jnp.float32)
    cnts[0:N_GRAPHS, :] += lax.dot_general(
        onehot, jnp.ones_like(o), dn, preferred_element_type=jnp.float32)

    @pl.when(i == pl.num_programs(0) - 1)
    def _():
        pooled = sums[0:N_GRAPHS, :] / jnp.maximum(cnts[0:N_GRAPHS, :], 1.0)
        p = jnp.maximum(
            jnp.dot(pooled, wpt_ref[...], preferred_element_type=jnp.float32)
            + bp_ref[...], 0.0)
        y_ref[...] = (jnp.dot(p, wot_ref[...],
                              preferred_element_type=jnp.float32)
                      + bo_ref[...])


def _head_call(raw, stats, g, b, batch2d, wpt, bp, wot, bo):
    grid = (N // RN,)
    return pl.pallas_call(
        _head_body,
        grid=grid,
        in_specs=[
            pl.BlockSpec((RN, DIM), lambda i: (i, 0)),
            pl.BlockSpec((8, DIM), lambda i: (0, 0)),
            pl.BlockSpec((1, DIM), lambda i: (0, 0)),
            pl.BlockSpec((1, DIM), lambda i: (0, 0)),
            pl.BlockSpec((RN, 1), lambda i: (i, 0)),
            pl.BlockSpec((DIM, DIM), lambda i: (0, 0)),
            pl.BlockSpec((1, DIM), lambda i: (0, 0)),
            pl.BlockSpec((DIM, 1), lambda i: (0, 0)),
            pl.BlockSpec((1, 1), lambda i: (0, 0)),
        ],
        out_specs=pl.BlockSpec((N_GRAPHS, 1), lambda i: (0, 0)),
        out_shape=jax.ShapeDtypeStruct((N_GRAPHS, 1), jnp.float32),
        scratch_shapes=[pltpu.VMEM((104, DIM), jnp.float32),
                        pltpu.VMEM((104, DIM), jnp.float32)],
    )(raw, stats, g, b, batch2d, wpt, bp, wot, bo)


def kernel(x, edge_index, edge_weight, edge_attr, batch,
           W_pre, b_pre, Wm1, bm1, Wm2, bm2, Wl1, Wl2, bl2,
           Wblin, bblin, bn_gamma, bn_beta, W_post, b_post, W_out, b_out):
    src = edge_index[0]
    dst = edge_index[1]
    ew2d = edge_weight.reshape(E, 1)
    batch2d = batch.reshape(N, 1)

    w1t = jnp.transpose(Wm1, (0, 2, 1))
    w2t = jnp.transpose(Wm2, (0, 2, 1))
    we = _we_call(edge_attr, ew2d, w1t, bm1[:, None, :], w2t, bm2[:, None, :])

    out, x1 = _pre_call(x, W_pre.T, b_pre[None, :], Wl1[0].T)

    for k in range(N_BLOCKS):
        aggp = _sc_message(x1, we[k], src, dst)
        raw, stats = _upd_call(aggp, out, Wl2[k].T, bl2[k][None, :],
                               Wblin[k].T, bblin[k][None, :])
        if k < N_BLOCKS - 1:
            out, x1 = _norm_call(raw, stats, bn_gamma[k][None, :],
                                 bn_beta[k][None, :], Wl1[k + 1].T)
        else:
            y = _head_call(raw, stats, bn_gamma[k][None, :],
                           bn_beta[k][None, :], batch2d,
                           W_post.T, b_post[None, :], W_out.T,
                           b_out[None, :])
    return y.reshape(-1)

# --- scband reference (transcript-rebuilt; emitter-appended) ---
"""Pipeline reference for scband-sch-net-36301063586427 (READ-ONLY COPY).

The authoritative reference and input builder live on the scoring server;
editing this copy changes nothing except your own understanding.
"""

import jax, jax.numpy as jnp
import numpy as np

N = 10000
E = 320000
D_IN = 128
DIM = 64
D_EDGE = 16
CUTOFF = 8.0
N_BLOCKS = 3
N_GRAPHS = 100


def ssp(x):
    # ShiftedSoftplus used by SchNet
    return jax.nn.softplus(x) - jnp.log(2.0)


def setup_inputs(seed: int = 0) -> dict:
    key = jax.random.key(seed)
    ks = jax.random.split(key, 32)
    inp = {}
    inp["x"] = jax.random.normal(ks[0], (N, D_IN), dtype=jnp.float32)
    inp["edge_index"] = jax.random.randint(ks[1], (2, E), 0, N, dtype=jnp.int32)
    inp["edge_weight"] = jax.random.uniform(ks[2], (E,), dtype=jnp.float32) * CUTOFF
    inp["edge_attr"] = jax.random.normal(ks[3], (E, D_EDGE), dtype=jnp.float32)
    inp["batch"] = jnp.sort(jax.random.randint(ks[4], (N,), 0, N_GRAPHS, dtype=jnp.int32))
    s = 0.1
    # pre FC
    inp["W_pre"] = jax.random.normal(ks[5], (DIM, D_IN), dtype=jnp.float32) * s
    inp["b_pre"] = jnp.zeros((DIM,), dtype=jnp.float32)
    # stacked interaction-block params (3 blocks)
    inp["Wm1"] = jax.random.normal(ks[6], (N_BLOCKS, DIM, D_EDGE), dtype=jnp.float32) * s
    inp["bm1"] = jnp.zeros((N_BLOCKS, DIM), dtype=jnp.float32)
    inp["Wm2"] = jax.random.normal(ks[7], (N_BLOCKS, DIM, DIM), dtype=jnp.float32) * s
    inp["bm2"] = jnp.zeros((N_BLOCKS, DIM), dtype=jnp.float32)
    inp["Wl1"] = jax.random.normal(ks[8], (N_BLOCKS, DIM, DIM), dtype=jnp.float32) * s
    inp["Wl2"] = jax.random.normal(ks[9], (N_BLOCKS, DIM, DIM), dtype=jnp.float32) * s
    inp["bl2"] = jnp.zeros((N_BLOCKS, DIM), dtype=jnp.float32)
    inp["Wblin"] = jax.random.normal(ks[10], (N_BLOCKS, DIM, DIM), dtype=jnp.float32) * s
    inp["bblin"] = jnp.zeros((N_BLOCKS, DIM), dtype=jnp.float32)
    inp["bn_gamma"] = jnp.ones((N_BLOCKS, DIM), dtype=jnp.float32)
    inp["bn_beta"] = jnp.zeros((N_BLOCKS, DIM), dtype=jnp.float32)
    # post FC + output head
    inp["W_post"] = jax.random.normal(ks[11], (DIM, DIM), dtype=jnp.float32) * s
    inp["b_post"] = jnp.zeros((DIM,), dtype=jnp.float32)
    inp["W_out"] = jax.random.normal(ks[12], (1, DIM), dtype=jnp.float32) * s
    inp["b_out"] = jnp.zeros((1,), dtype=jnp.float32)
    return inp


def reference(x, edge_index, edge_weight, edge_attr, batch,
              W_pre, b_pre, Wm1, bm1, Wm2, bm2, Wl1, Wl2, bl2,
              Wblin, bblin, bn_gamma, bn_beta, W_post, b_post, W_out, b_out):
    src = edge_index[0]
    dst = edge_index[1]
    # pre FC
    out = jax.nn.relu(x @ W_pre.T + b_pre)
    # cosine cutoff factor on edge weights (distances)
    C = 0.5 * (jnp.cos(edge_weight * jnp.pi / CUTOFF) + 1.0)
    for i in range(N_BLOCKS):
        # filter-generating MLP over edge_attr (SchNet CFConv)
        h = ssp(edge_attr @ Wm1[i].T + bm1[i])
        W_e = (h @ Wm2[i].T + bm2[i]) * C[:, None]
        x1 = out @ Wl1[i].T                      # lin1 (no bias)
        msg = jnp.take(x1, src, axis=0) * W_e    # gather + modulate
        agg = jax.ops.segment_sum(msg, dst, num_segments=N)  # scatter-add
        h2 = agg @ Wl2[i].T + bl2[i]             # lin2
        h2 = ssp(h2)
        h2 = h2 @ Wblin[i].T + bblin[i]          # block lin
        out = out + h2                           # residual
        # BatchNorm1d (training-mode batch stats)
        mean = jnp.mean(out, axis=0)
        var = jnp.var(out, axis=0)
        out = (out - mean) / jnp.sqrt(var + 1e-5) * bn_gamma[i] + bn_beta[i]
        # dropout p=0.0 -> identity
    # global_mean_pool by graph id
    sums = jax.ops.segment_sum(out, batch, num_segments=N_GRAPHS)
    counts = jax.ops.segment_sum(jnp.ones((out.shape[0],), dtype=out.dtype), batch, num_segments=N_GRAPHS)
    pooled = sums / jnp.maximum(counts, 1.0)[:, None]
    pooled = jax.nn.relu(pooled @ W_post.T + b_post)
    y = pooled @ W_out.T + b_out
    return y.reshape(-1)

if __name__ == "__main__":
    import jax
    _d = setup_inputs()
    print(jax.jit(kernel)(*tuple(_d.values())))

</pallas_src>

<mosaic_0001>
#map = affine_map<(d0, d1) -> (0, 0)>
#map1 = affine_map<(d0, d1) -> (0)>
#map2 = affine_map<(d0, d1) -> (0, 0, 0)>
module attributes {stable_mosaic.version = 14 : i64} {
  func.func @_sc_body(%arg0: i32, %arg1: i32, %arg2: memref<10000x64xf32, #tpu.memory_space<hbm>>, %arg3: memref<160000x128xf32, #tpu.memory_space<hbm>>, %arg4: memref<320000xi32, #tpu.memory_space<hbm>>, %arg5: memref<320000xi32, #tpu.memory_space<hbm>>, %arg6: memref<2x10240x64xf32, #tpu.memory_space<hbm>>, %arg7: memref<10240x64xf32, #tpu.memory_space<vmem_shared>>, %arg8: memref<80xi32, #tpu.memory_space<vmem>>, %arg9: memref<80xi32, #tpu.memory_space<vmem>>, %arg10: memref<80x64xf32, #tpu.memory_space<vmem>>, %arg11: memref<80x64xf32, #tpu.memory_space<vmem>>, %arg12: memref<80xi32, #tpu.memory_space<vmem>>, %arg13: memref<80xi32, #tpu.memory_space<vmem>>, %arg14: memref<80x64xf32, #tpu.memory_space<vmem>>, %arg15: memref<80x64xf32, #tpu.memory_space<vmem>>, %arg16: memref<!tpu.dma_semaphore, #tpu.memory_space<semaphore_mem>>, %arg17: memref<!tpu.dma_semaphore, #tpu.memory_space<semaphore_mem>>, %arg18: memref<!tpu.dma_semaphore, #tpu.memory_space<semaphore_mem>>, %arg19: memref<!tpu.dma_semaphore, #tpu.memory_space<semaphore_mem>>, %arg20: memref<!tpu.dma_semaphore, #tpu.memory_space<semaphore_mem>>, %arg21: memref<!tpu.dma_semaphore, #tpu.memory_space<semaphore_mem>>) attributes {dimension_semantics = [#tpu.dimension_semantics<core_parallel>, #tpu.dimension_semantics<subcore_parallel>], iteration_bounds = array<i64: 2, 16>, scalar_prefetch = 0 : i64, scratch_operands = 15 : i64, tpu.core_type = #tpu.core_type<sc_vector_subcore>, window_params = [{transform_indices = #map}, {transform_indices = #map}, {transform_indices = #map1}, {transform_indices = #map1}, {transform_indices = #map2}]} {
    %mul3A = arith.constant 16 : i32
    %mul3A_0 = arith.muli %arg0, %mul3A : i32
    %add3A = arith.addi %mul3A_0, %arg1 : i32
    %mul3A_1 = arith.constant 10000 : i32
    %mul3A_2 = arith.muli %add3A, %mul3A_1 : i32
    %parallel_loop3A = arith.constant 0 : i32
    %parallel_loop3A_3 = arith.constant 80 : i32
    %parallel_loop3A_4 = arith.constant 1 : i32
    scf.for %parallel_loop3A_95 = %parallel_loop3A to %parallel_loop3A_3 step %parallel_loop3A_4  : i32 {
      %parallel_loop3A_96 = arith.constant 0.000000e+00 : f32
      %parallel_loop3A_97 = vector.broadcast %parallel_loop3A_96 : f32 to vector<16xf32>
      %parallel_loop3A_98 = arith.index_cast %parallel_loop3A_95 : i32 to index
      %parallel_loop3A_99 = arith.constant 0 : index
      %parallel_loop3A_100 = tpu.vector_load %arg10[%parallel_loop3A_98, %parallel_loop3A_99] {strides = array<i32>} : memref<80x64xf32, #tpu.memory_space<vmem>>, vector<1x16xf32>,
      %parallel_loop3A_101 = vector.shape_cast %parallel_loop3A_100 : vector<1x16xf32> to vector<16xf32>
      %parallel_loop3A_102 = vector.shape_cast %parallel_loop3A_97 : vector<16xf32> to vector<1x16xf32>
      tpu.vector_store %arg10[%parallel_loop3A_98, %parallel_loop3A_99], %parallel_loop3A_102 {strides = array<i32>} : memref<80x64xf32, #tpu.memory_space<vmem>>, vector<1x16xf32>,
      %parallel_loop3A_103 = arith.constant 0.000000e+00 : f32
      %parallel_loop3A_104 = vector.broadcast %parallel_loop3A_103 : f32 to vector<16xf32>
      %parallel_loop3A_105 = arith.index_cast %parallel_loop3A_95 : i32 to index
      %parallel_loop3A_106 = arith.constant 16 : index
      %parallel_loop3A_107 = tpu.vector_load %arg10[%parallel_loop3A_105, %parallel_loop3A_106] {strides = array<i32>} : memref<80x64xf32, #tpu.memory_space<vmem>>, vector<1x16xf32>,
      %parallel_loop3A_108 = vector.shape_cast %parallel_loop3A_107 : vector<1x16xf32> to vector<16xf32>
      %parallel_loop3A_109 = vector.shape_cast %parallel_loop3A_104 : vector<16xf32> to vector<1x16xf32>
      tpu.vector_store %arg10[%parallel_loop3A_105, %parallel_loop3A_106], %parallel_loop3A_109 {strides = array<i32>} : memref<80x64xf32, #tpu.memory_space<vmem>>, vector<1x16xf32>,
      %parallel_loop3A_110 = arith.constant 0.000000e+00 : f32
      %parallel_loop3A_111 = vector.broadcast %parallel_loop3A_110 : f32 to vector<16xf32>
      %parallel_loop3A_112 = arith.index_cast %parallel_loop3A_95 : i32 to index
      %parallel_loop3A_113 = arith.constant 32 : index
      %parallel_loop3A_114 = tpu.vector_load %arg10[%parallel_loop3A_112, %parallel_loop3A_113] {strides = array<i32>} : memref<80x64xf32, #tpu.memory_space<vmem>>, vector<1x16xf32>,
      %parallel_loop3A_115 = vector.shape_cast %parallel_loop3A_114 : vector<1x16xf32> to vector<16xf32>
      %parallel_loop3A_116 = vector.shape_cast %parallel_loop3A_111 : vector<16xf32> to vector<1x16xf32>
      tpu.vector_store %arg10[%parallel_loop3A_112, %parallel_loop3A_113], %parallel_loop3A_116 {strides = array<i32>} : memref<80x64xf32, #tpu.memory_space<vmem>>, vector<1x16xf32>,
      %parallel_loop3A_117 = arith.constant 0.000000e+00 : f32
      %parallel_loop3A_118 = vector.broadcast %parallel_loop3A_117 : f32 to vector<16xf32>
      %parallel_loop3A_119 = arith.index_cast %parallel_loop3A_95 : i32 to index
      %parallel_loop3A_120 = arith.constant 48 : index
      %parallel_loop3A_121 = tpu.vector_load %arg10[%parallel_loop3A_119, %parallel_loop3A_120] {strides = array<i32>} : memref<80x64xf32, #tpu.memory_space<vmem>>, vector<1x16xf32>,
      %parallel_loop3A_122 = vector.shape_cast %parallel_loop3A_121 : vector<1x16xf32> to vector<16xf32>
      %parallel_loop3A_123 = vector.shape_cast %parallel_loop3A_118 : vector<16xf32> to vector<1x16xf32>
      tpu.vector_store %arg10[%parallel_loop3A_119, %parallel_loop3A_120], %parallel_loop3A_123 {strides = array<i32>} : memref<80x64xf32, #tpu.memory_space<vmem>>, vector<1x16xf32>,
    } {sc.loop_unroll_factor = 4 : i64, sc.parallel_access}
    %mul3A_5 = arith.constant 640 : i32
    %mul3A_6 = arith.muli %arg1, %mul3A_5 : i32
    %add3A_7 = arith.constant 0 : i32
    %add3A_8 = arith.addi %mul3A_6, %add3A_7 : i32
    "tpu.region"() ({
      %run_scoped3A = tpu.sem_alloc : memref<!tpu.dma_semaphore, #tpu.memory_space<semaphore_mem>>
      %dma_start3A_95 = arith.constant 0 : i32
      %dma_start3A_96 = tpu.memref_slice %arg7[%add3A_8, %dma_start3A_95] : memref<10240x64xf32, #tpu.memory_space<vmem_shared>> -> memref<80x64xf32, #tpu.memory_space<vmem_shared>>
      %dma_start3A_97 = arith.constant 0 : i32
      %dma_start3A_98 = tpu.memref_slice %arg7[%add3A_8, %dma_start3A_97] : memref<10240x64xf32, #tpu.memory_space<vmem_shared>> -> memref<80x64xf32, #tpu.memory_space<vmem_shared>>
      tpu.enqueue_dma source(%arg10 : memref<80x64xf32, #tpu.memory_space<vmem>>) target(%dma_start3A_98 : memref<80x64xf32, #tpu.memory_space<vmem_shared>>) target_semaphore(%run_scoped3A : memref<!tpu.dma_semaphore, #tpu.memory_space<semaphore_mem>>)
      %dma_wait3A_99 = arith.constant 0 : i32
      %dma_wait3A_100 = tpu.memref_slice %arg7[%add3A_8, %dma_wait3A_99] : memref<10240x64xf32, #tpu.memory_space<vmem_shared>> -> memref<80x64xf32, #tpu.memory_space<vmem_shared>>
      %dma_wait3A_101 = arith.constant 0 : i32
      %dma_wait3A_102 = tpu.memref_slice %arg7[%add3A_8, %dma_wait3A_101] : memref<10240x64xf32, #tpu.memory_space<vmem_shared>> -> memref<80x64xf32, #tpu.memory_space<vmem_shared>>
      tpu.wait_dma2 semaphore(%run_scoped3A : memref<!tpu.dma_semaphore, #tpu.memory_space<semaphore_mem>>) src(%arg10 : memref<80x64xf32, #tpu.memory_space<vmem>>) dst(%dma_wait3A_102 : memref<80x64xf32, #tpu.memory_space<vmem_shared>>)
      tpu.yield
    }) : () -> ()
    %mul3A_9 = arith.constant 640 : i32
    %mul3A_10 = arith.muli %arg1, %mul3A_9 : i32
    %add3A_11 = arith.constant 80 : i32
    %add3A_12 = arith.addi %mul3A_10, %add3A_11 : i32
    "tpu.region"() ({
      %run_scoped3A = tpu.sem_alloc : memref<!tpu.dma_semaphore, #tpu.memory_space<semaphore_mem>>
      %dma_start3A_95 = arith.constant 0 : i32
      %dma_start3A_96 = tpu.memref_slice %arg7[%add3A_12, %dma_start3A_95] : memref<10240x64xf32, #tpu.memory_space<vmem_shared>> -> memref<80x64xf32, #tpu.memory_space<vmem_shared>>
      %dma_start3A_97 = arith.constant 0 : i32
      %dma_start3A_98 = tpu.memref_slice %arg7[%add3A_12, %dma_start3A_97] : memref<10240x64xf32, #tpu.memory_space<vmem_shared>> -> memref<80x64xf32, #tpu.memory_space<vmem_shared>>
      tpu.enqueue_dma source(%arg10 : memref<80x64xf32, #tpu.memory_space<vmem>>) target(%dma_start3A_98 : memref<80x64xf32, #tpu.memory_space<vmem_shared>>) target_semaphore(%run_scoped3A : memref<!tpu.dma_semaphore, #tpu.memory_space<semaphore_mem>>)
      %dma_wait3A_99 = arith.constant 0 : i32
      %dma_wait3A_100 = tpu.memref_slice %arg7[%add3A_12, %dma_wait3A_99] : memref<10240x64xf32, #tpu.memory_space<vmem_shared>> -> memref<80x64xf32, #tpu.memory_space<vmem_shared>>
      %dma_wait3A_101 = arith.constant 0 : i32
      %dma_wait3A_102 = tpu.memref_slice %arg7[%add3A_12, %dma_wait3A_101] : memref<10240x64xf32, #tpu.memory_space<vmem_shared>> -> memref<80x64xf32, #tpu.memory_space<vmem_shared>>
      tpu.wait_dma2 semaphore(%run_scoped3A : memref<!tpu.dma_semaphore, #tpu.memory_space<semaphore_mem>>) src(%arg10 : memref<80x64xf32, #tpu.memory_space<vmem>>) dst(%dma_wait3A_102 : memref<80x64xf32, #tpu.memory_space<vmem_shared>>)
      tpu.yield
    }) : () -> ()
    %mul3A_13 = arith.constant 640 : i32
    %mul3A_14 = arith.muli %arg1, %mul3A_13 : i32
    %add3A_15 = arith.constant 160 : i32
    %add3A_16 = arith.addi %mul3A_14, %add3A_15 : i32
    "tpu.region"() ({
      %run_scoped3A = tpu.sem_alloc : memref<!tpu.dma_semaphore, #tpu.memory_space<semaphore_mem>>
      %dma_start3A_95 = arith.constant 0 : i32
      %dma_start3A_96 = tpu.memref_slice %arg7[%add3A_16, %dma_start3A_95] : memref<10240x64xf32, #tpu.memory_space<vmem_shared>> -> memref<80x64xf32, #tpu.memory_space<vmem_shared>>
      %dma_start3A_97 = arith.constant 0 : i32
      %dma_start3A_98 = tpu.memref_slice %arg7[%add3A_16, %dma_start3A_97] : memref<10240x64xf32, #tpu.memory_space<vmem_shared>> -> memref<80x64xf32, #tpu.memory_space<vmem_shared>>
      tpu.enqueue_dma source(%arg10 : memref<80x64xf32, #tpu.memory_space<vmem>>) target(%dma_start3A_98 : memref<80x64xf32, #tpu.memory_space<vmem_shared>>) target_semaphore(%run_scoped3A : memref<!tpu.dma_semaphore, #tpu.memory_space<semaphore_mem>>)
      %dma_wait3A_99 = arith.constant 0 : i32
      %dma_wait3A_100 = tpu.memref_slice %arg7[%add3A_16, %dma_wait3A_99] : memref<10240x64xf32, #tpu.memory_space<vmem_shared>> -> memref<80x64xf32, #tpu.memory_space<vmem_shared>>
      %dma_wait3A_101 = arith.constant 0 : i32
      %dma_wait3A_102 = tpu.memref_slice %arg7[%add3A_16, %dma_wait3A_101] : memref<10240x64xf32, #tpu.memory_space<vmem_shared>> -> memref<80x64xf32, #tpu.memory_space<vmem_shared>>
      tpu.wait_dma2 semaphore(%run_scoped3A : memref<!tpu.dma_semaphore, #tpu.memory_space<semaphore_mem>>) src(%arg10 : memref<80x64xf32, #tpu.memory_space<vmem>>) dst(%dma_wait3A_102 : memref<80x64xf32, #tpu.memory_space<vmem_shared>>)
      tpu.yield
    }) : () -> ()
    %mul3A_17 = arith.constant 640 : i32
    %mul3A_18 = arith.muli %arg1, %mul3A_17 : i32
    %add3A_19 = arith.constant 240 : i32
    %add3A_20 = arith.addi %mul3A_18, %add3A_19 : i32
    "tpu.region"() ({
      %run_scoped3A = tpu.sem_alloc : memref<!tpu.dma_semaphore, #tpu.memory_space<semaphore_mem>>
      %dma_start3A_95 = arith.constant 0 : i32
      %dma_start3A_96 = tpu.memref_slice %arg7[%add3A_20, %dma_start3A_95] : memref<10240x64xf32, #tpu.memory_space<vmem_shared>> -> memref<80x64xf32, #tpu.memory_space<vmem_shared>>
      %dma_start3A_97 = arith.constant 0 : i32
      %dma_start3A_98 = tpu.memref_slice %arg7[%add3A_20, %dma_start3A_97] : memref<10240x64xf32, #tpu.memory_space<vmem_shared>> -> memref<80x64xf32, #tpu.memory_space<vmem_shared>>
      tpu.enqueue_dma source(%arg10 : memref<80x64xf32, #tpu.memory_space<vmem>>) target(%dma_start3A_98 : memref<80x64xf32, #tpu.memory_space<vmem_shared>>) target_semaphore(%run_scoped3A : memref<!tpu.dma_semaphore, #tpu.memory_space<semaphore_mem>>)
      %dma_wait3A_99 = arith.constant 0 : i32
      %dma_wait3A_100 = tpu.memref_slice %arg7[%add3A_20, %dma_wait3A_99] : memref<10240x64xf32, #tpu.memory_space<vmem_shared>> -> memref<80x64xf32, #tpu.memory_space<vmem_shared>>
      %dma_wait3A_101 = arith.constant 0 : i32
      %dma_wait3A_102 = tpu.memref_slice %arg7[%add3A_20, %dma_wait3A_101] : memref<10240x64xf32, #tpu.memory_space<vmem_shared>> -> memref<80x64xf32, #tpu.memory_space<vmem_shared>>
      tpu.wait_dma2 semaphore(%run_scoped3A : memref<!tpu.dma_semaphore, #tpu.memory_space<semaphore_mem>>) src(%arg10 : memref<80x64xf32, #tpu.memory_space<vmem>>) dst(%dma_wait3A_102 : memref<80x64xf32, #tpu.memory_space<vmem_shared>>)
      tpu.yield
    }) : () -> ()
    %mul3A_21 = arith.constant 640 : i32
    %mul3A_22 = arith.muli %arg1, %mul3A_21 : i32
    %add3A_23 = arith.constant 320 : i32
    %add3A_24 = arith.addi %mul3A_22, %add3A_23 : i32
    "tpu.region"() ({
      %run_scoped3A = tpu.sem_alloc : memref<!tpu.dma_semaphore, #tpu.memory_space<semaphore_mem>>
      %dma_start3A_95 = arith.constant 0 : i32
      %dma_start3A_96 = tpu.memref_slice %arg7[%add3A_24, %dma_start3A_95] : memref<10240x64xf32, #tpu.memory_space<vmem_shared>> -> memref<80x64xf32, #tpu.memory_space<vmem_shared>>
      %dma_start3A_97 = arith.constant 0 : i32
      %dma_start3A_98 = tpu.memref_slice %arg7[%add3A_24, %dma_start3A_97] : memref<10240x64xf32, #tpu.memory_space<vmem_shared>> -> memref<80x64xf32, #tpu.memory_space<vmem_shared>>
      tpu.enqueue_dma source(%arg10 : memref<80x64xf32, #tpu.memory_space<vmem>>) target(%dma_start3A_98 : memref<80x64xf32, #tpu.memory_space<vmem_shared>>) target_semaphore(%run_scoped3A : memref<!tpu.dma_semaphore, #tpu.memory_space<semaphore_mem>>)
      %dma_wait3A_99 = arith.constant 0 : i32
      %dma_wait3A_100 = tpu.memref_slice %arg7[%add3A_24, %dma_wait3A_99] : memref<10240x64xf32, #tpu.memory_space<vmem_shared>> -> memref<80x64xf32, #tpu.memory_space<vmem_shared>>
      %dma_wait3A_101 = arith.constant 0 : i32
      %dma_wait3A_102 = tpu.memref_slice %arg7[%add3A_24, %dma_wait3A_101] : memref<10240x64xf32, #tpu.memory_space<vmem_shared>> -> memref<80x64xf32, #tpu.memory_space<vmem_shared>>
      tpu.wait_dma2 semaphore(%run_scoped3A : memref<!tpu.dma_semaphore, #tpu.memory_space<semaphore_mem>>) src(%arg10 : memref<80x64xf32, #tpu.memory_space<vmem>>) dst(%dma_wait3A_102 : memref<80x64xf32, #tpu.memory_space<vmem_shared>>)
      tpu.yield
    }) : () -> ()
    %mul3A_25 = arith.constant 640 : i32
    %mul3A_26 = arith.muli %arg1, %mul3A_25 : i32
    %add3A_27 = arith.constant 400 : i32
    %add3A_28 = arith.addi %mul3A_26, %add3A_27 : i32
    "tpu.region"() ({
      %run_scoped3A = tpu.sem_alloc : memref<!tpu.dma_semaphore, #tpu.memory_space<semaphore_mem>>
      %dma_start3A_95 = arith.constant 0 : i32
      %dma_start3A_96 = tpu.memref_slice %arg7[%add3A_28, %dma_start3A_95] : memref<10240x64xf32, #tpu.memory_space<vmem_shared>> -> memref<80x64xf32, #tpu.memory_space<vmem_shared>>
      %dma_start3A_97 = arith.constant 0 : i32
      %dma_start3A_98 = tpu.memref_slice %arg7[%add3A_28, %dma_start3A_97] : memref<10240x64xf32, #tpu.memory_space<vmem_shared>> -> memref<80x64xf32, #tpu.memory_space<vmem_shared>>
      tpu.enqueue_dma source(%arg10 : memref<80x64xf32, #tpu.memory_space<vmem>>) target(%dma_start3A_98 : memref<80x64xf32, #tpu.memory_space<vmem_shared>>) target_semaphore(%run_scoped3A : memref<!tpu.dma_semaphore, #tpu.memory_space<semaphore_mem>>)
      %dma_wait3A_99 = arith.constant 0 : i32
      %dma_wait3A_100 = tpu.memref_slice %arg7[%add3A_28, %dma_wait3A_99] : memref<10240x64xf32, #tpu.memory_space<vmem_shared>> -> memref<80x64xf32, #tpu.memory_space<vmem_shared>>
      %dma_wait3A_101 = arith.constant 0 : i32
      %dma_wait3A_102 = tpu.memref_slice %arg7[%add3A_28, %dma_wait3A_101] : memref<10240x64xf32, #tpu.memory_space<vmem_shared>> -> memref<80x64xf32, #tpu.memory_space<vmem_shared>>
      tpu.wait_dma2 semaphore(%run_scoped3A : memref<!tpu.dma_semaphore, #tpu.memory_space<semaphore_mem>>) src(%arg10 : memref<80x64xf32, #tpu.memory_space<vmem>>) dst(%dma_wait3A_102 : memref<80x64xf32, #tpu.memory_space<vmem_shared>>)
      tpu.yield
    }) : () -> ()
    %mul3A_29 = arith.constant 640 : i32
    %mul3A_30 = arith.muli %arg1, %mul3A_29 : i32
    %add3A_31 = arith.constant 480 : i32
    %add3A_32 = arith.addi %mul3A_30, %add3A_31 : i32
    "tpu.region"() ({
      %run_scoped3A = tpu.sem_alloc : memref<!tpu.dma_semaphore, #tpu.memory_space<semaphore_mem>>
      %dma_start3A_95 = arith.constant 0 : i32
      %dma_start3A_96 = tpu.memref_slice %arg7[%add3A_32, %dma_start3A_95] : memref<10240x64xf32, #tpu.memory_space<vmem_shared>> -> memref<80x64xf32, #tpu.memory_space<vmem_shared>>
      %dma_start3A_97 = arith.constant 0 : i32
      %dma_start3A_98 = tpu.memref_slice %arg7[%add3A_32, %dma_start3A_97] : memref<10240x64xf32, #tpu.memory_space<vmem_shared>> -> memref<80x64xf32, #tpu.memory_space<vmem_shared>>
      tpu.enqueue_dma source(%arg10 : memref<80x64xf32, #tpu.memory_space<vmem>>) target(%dma_start3A_98 : memref<80x64xf32, #tpu.memory_space<vmem_shared>>) target_semaphore(%run_scoped3A : memref<!tpu.dma_semaphore, #tpu.memory_space<semaphore_mem>>)
      %dma_wait3A_99 = arith.constant 0 : i32
      %dma_wait3A_100 = tpu.memref_slice %arg7[%add3A_32, %dma_wait3A_99] : memref<10240x64xf32, #tpu.memory_space<vmem_shared>> -> memref<80x64xf32, #tpu.memory_space<vmem_shared>>
      %dma_wait3A_101 = arith.constant 0 : i32
      %dma_wait3A_102 = tpu.memref_slice %arg7[%add3A_32, %dma_wait3A_101] : memref<10240x64xf32, #tpu.memory_space<vmem_shared>> -> memref<80x64xf32, #tpu.memory_space<vmem_shared>>
      tpu.wait_dma2 semaphore(%run_scoped3A : memref<!tpu.dma_semaphore, #tpu.memory_space<semaphore_mem>>) src(%arg10 : memref<80x64xf32, #tpu.memory_space<vmem>>) dst(%dma_wait3A_102 : memref<80x64xf32, #tpu.memory_space<vmem_shared>>)
      tpu.yield
    }) : () -> ()
    %mul3A_33 = arith.constant 640 : i32
    %mul3A_34 = arith.muli %arg1, %mul3A_33 : i32
    %add3A_35 = arith.constant 560 : i32
    %add3A_36 = arith.addi %mul3A_34, %add3A_35 : i32
    "tpu.region"() ({
      %run_scoped3A = tpu.sem_alloc : memref<!tpu.dma_semaphore, #tpu.memory_space<semaphore_mem>>
      %dma_start3A_95 = arith.constant 0 : i32
      %dma_start3A_96 = tpu.memref_slice %arg7[%add3A_36, %dma_start3A_95] : memref<10240x64xf32, #tpu.memory_space<vmem_shared>> -> memref<80x64xf32, #tpu.memory_space<vmem_shared>>
      %dma_start3A_97 = arith.constant 0 : i32
      %dma_start3A_98 = tpu.memref_slice %arg7[%add3A_36, %dma_start3A_97] : memref<10240x64xf32, #tpu.memory_space<vmem_shared>> -> memref<80x64xf32, #tpu.memory_space<vmem_shared>>
      tpu.enqueue_dma source(%arg10 : memref<80x64xf32, #tpu.memory_space<vmem>>) target(%dma_start3A_98 : memref<80x64xf32, #tpu.memory_space<vmem_shared>>) target_semaphore(%run_scoped3A : memref<!tpu.dma_semaphore, #tpu.memory_space<semaphore_mem>>)
      %dma_wait3A_99 = arith.constant 0 : i32
      %dma_wait3A_100 = tpu.memref_slice %arg7[%add3A_36, %dma_wait3A_99] : memref<10240x64xf32, #tpu.memory_space<vmem_shared>> -> memref<80x64xf32, #tpu.memory_space<vmem_shared>>
      %dma_wait3A_101 = arith.constant 0 : i32
      %dma_wait3A_102 = tpu.memref_slice %arg7[%add3A_36, %dma_wait3A_101] : memref<10240x64xf32, #tpu.memory_space<vmem_shared>> -> memref<80x64xf32, #tpu.memory_space<vmem_shared>>
      tpu.wait_dma2 semaphore(%run_scoped3A : memref<!tpu.dma_semaphore, #tpu.memory_space<semaphore_mem>>) src(%arg10 : memref<80x64xf32, #tpu.memory_space<vmem>>) dst(%dma_wait3A_102 : memref<80x64xf32, #tpu.memory_space<vmem_shared>>)
      tpu.yield
    }) : () -> ()
    %barrier3A = arith.constant 0 : index
    tpu.barrier barrier_id(%barrier3A)
    %mul3A_37 = arith.constant 64 : i32
    %mul3A_38 = arith.muli %arg0, %mul3A_37 : i32
    %add3A_39 = arith.constant 0 : i32
    %add3A_40 = arith.addi %mul3A_2, %add3A_39 : i32
    %mul3A_41 = arith.constant 10000 : i32
    %mul3A_42 = arith.muli %arg1, %mul3A_41 : i32
    %add3A_43 = arith.constant 0 : i32
    %add3A_44 = arith.addi %mul3A_42, %add3A_43 : i32
    %dma_start3A = tpu.memref_slice %arg4[%add3A_40] : memref<320000xi32, #tpu.memory_space<hbm>> -> memref<80xi32, #tpu.memory_space<hbm>>
    %dma_start3A_45 = tpu.memref_slice %arg4[%add3A_40] : memref<320000xi32, #tpu.memory_space<hbm>> -> memref<80xi32, #tpu.memory_space<hbm>>
    tpu.enqueue_dma source(%dma_start3A_45 : memref<80xi32, #tpu.memory_space<hbm>>) target(%arg8 : memref<80xi32, #tpu.memory_space<vmem>>) target_semaphore(%arg16 : memref<!tpu.dma_semaphore, #tpu.memory_space<semaphore_mem>>)
    %dma_start3A_46 = tpu.memref_slice %arg5[%add3A_40] : memref<320000xi32, #tpu.memory_space<hbm>> -> memref<80xi32, #tpu.memory_space<hbm>>
    %dma_start3A_47 = tpu.memref_slice %arg5[%add3A_40] : memref<320000xi32, #tpu.memory_space<hbm>> -> memref<80xi32, #tpu.memory_space<hbm>>
    tpu.enqueue_dma source(%dma_start3A_47 : memref<80xi32, #tpu.memory_space<hbm>>) target(%arg9 : memref<80xi32, #tpu.memory_space<vmem>>) target_semaphore(%arg16 : memref<!tpu.dma_semaphore, #tpu.memory_space<semaphore_mem>>)
    %dma_start3A_48 = tpu.memref_slice %arg3[%add3A_44, %mul3A_38] : memref<160000x128xf32, #tpu.memory_space<hbm>> -> memref<80x64xf32, #tpu.memory_space<hbm>>
    %dma_start3A_49 = tpu.memref_slice %arg3[%add3A_44, %mul3A_38] : memref<160000x128xf32, #tpu.memory_space<hbm>> -> memref<80x64xf32, #tpu.memory_space<hbm>>
    tpu.enqueue_dma source(%dma_start3A_49 : memref<80x64xf32, #tpu.memory_space<hbm>>) target(%arg11 : memref<80x64xf32, #tpu.memory_space<vmem>>) target_semaphore(%arg17 : memref<!tpu.dma_semaphore, #tpu.memory_space<semaphore_mem>>)
    %add3A_50 = arith.constant 80 : i32
    %add3A_51 = arith.addi %mul3A_2, %add3A_50 : i32
    %mul3A_52 = arith.constant 10000 : i32
    %mul3A_53 = arith.muli %arg1, %mul3A_52 : i32
    %add3A_54 = arith.constant 80 : i32
    %add3A_55 = arith.addi %mul3A_53, %add3A_54 : i32
    %dma_start3A_56 = tpu.memref_slice %arg4[%add3A_51] : memref<320000xi32, #tpu.memory_space<hbm>> -> memref<80xi32, #tpu.memory_space<hbm>>
    %dma_start3A_57 = tpu.memref_slice %arg4[%add3A_51] : memref<320000xi32, #tpu.memory_space<hbm>> -> memref<80xi32, #tpu.memory_space<hbm>>
    tpu.enqueue_dma source(%dma_start3A_57 : memref<80xi32, #tpu.memory_space<hbm>>) target(%arg12 : memref<80xi32, #tpu.memory_space<vmem>>) target_semaphore(%arg19 : memref<!tpu.dma_semaphore, #tpu.memory_space<semaphore_mem>>)
    %dma_start3A_58 = tpu.memref_slice %arg5[%add3A_51] : memref<320000xi32, #tpu.memory_space<hbm>> -> memref<80xi32, #tpu.memory_space<hbm>>
    %dma_start3A_59 = tpu.memref_slice %arg5[%add3A_51] : memref<320000xi32, #tpu.memory_space<hbm>> -> memref<80xi32, #tpu.memory_space<hbm>>
    tpu.enqueue_dma source(%dma_start3A_59 : memref<80xi32, #tpu.memory_space<hbm>>) target(%arg13 : memref<80xi32, #tpu.memory_space<vmem>>) target_semaphore(%arg19 : memref<!tpu.dma_semaphore, #tpu.memory_space<semaphore_mem>>)
    %dma_start3A_60 = tpu.memref_slice %arg3[%add3A_55, %mul3A_38] : memref<160000x128xf32, #tpu.memory_space<hbm>> -> memref<80x64xf32, #tpu.memory_space<hbm>>
    %dma_start3A_61 = tpu.memref_slice %arg3[%add3A_55, %mul3A_38] : memref<160000x128xf32, #tpu.memory_space<hbm>> -> memref<80x64xf32, #tpu.memory_space<hbm>>
    tpu.enqueue_dma source(%dma_start3A_61 : memref<80x64xf32, #tpu.memory_space<hbm>>) target(%arg15 : memref<80x64xf32, #tpu.memory_space<vmem>>) target_semaphore(%arg20 : memref<!tpu.dma_semaphore, #tpu.memory_space<semaphore_mem>>)
    %dma_wait3A = arith.constant 0 : i32
    %dma_wait3A_62 = tpu.memref_slice %arg4[%dma_wait3A] : memref<320000xi32, #tpu.memory_space<hbm>> -> memref<80xi32, #tpu.memory_space<hbm>>
    %dma_wait3A_63 = arith.constant 0 : i32
    %dma_wait3A_64 = tpu.memref_slice %arg4[%dma_wait3A_63] : memref<320000xi32, #tpu.memory_space<hbm>> -> memref<80xi32, #tpu.memory_space<hbm>>
    tpu.wait_dma2 semaphore(%arg16 : memref<!tpu.dma_semaphore, #tpu.memory_space<semaphore_mem>>) src(%dma_wait3A_64 : memref<80xi32, #tpu.memory_space<hbm>>) dst(%arg8 : memref<80xi32, #tpu.memory_space<vmem>>)
    %dma_wait3A_65 = arith.constant 0 : i32
    %dma_wait3A_66 = tpu.memref_slice %arg5[%dma_wait3A_65] : memref<320000xi32, #tpu.memory_space<hbm>> -> memref<80xi32, #tpu.memory_space<hbm>>
    %dma_wait3A_67 = arith.constant 0 : i32
    %dma_wait3A_68 = tpu.memref_slice %arg5[%dma_wait3A_67] : memref<320000xi32, #tpu.memory_space<hbm>> -> memref<80xi32, #tpu.memory_space<hbm>>
    tpu.wait_dma2 semaphore(%arg16 : memref<!tpu.dma_semaphore, #tpu.memory_space<semaphore_mem>>) src(%dma_wait3A_68 : memref<80xi32, #tpu.memory_space<hbm>>) dst(%arg9 : memref<80xi32, #tpu.memory_space<vmem>>)
    %dma_start3A_69 = arith.constant 0 : i32
    %dma_start3A_70 = arith.constant 0 : i32
    %dma_start3A_71 = tpu.memref_slice %arg2[%dma_start3A_69, %dma_start3A_70] : memref<10000x64xf32, #tpu.memory_space<hbm>> -> memref<10000x64xf32, #tpu.memory_space<hbm>>
    tpu.enqueue_indirect_dma source(%dma_start3A_71 : memref<10000x64xf32, #tpu.memory_space<hbm>>) target(%arg10 : memref<80x64xf32, #tpu.memory_space<vmem>>) offsets(%arg8 : memref<80xi32, #tpu.memory_space<vmem>>) semaphore(%arg18 : memref<!tpu.dma_semaphore, #tpu.memory_space<semaphore_mem>>)
    %scan3A = arith.constant 0 : i32
    %scan3A_72 = arith.constant 0 : i32
    %scan3A_73 = arith.constant 62 : i32
    %scan3A_74 = arith.addi %scan3A_72, %scan3A_73 : i32
    %scan3A_75 = arith.constant 1 : i32
    %scan3A_76 = scf.for %scan3A_95 = %scan3A_72 to %scan3A_74 step %scan3A_75 iter_args(%scan3A_96 = %scan3A) -> (i32)  : i32 {
      %mul3A_97 = arith.constant 2 : i32
      %mul3A_98 = arith.muli %mul3A_97, %scan3A_95 : i32
      %dma_wait3A_99 = arith.constant 0 : i32
      %dma_wait3A_100 = tpu.memref_slice %arg4[%dma_wait3A_99] : memref<320000xi32, #tpu.memory_space<hbm>> -> memref<80xi32, #tpu.memory_space<hbm>>
      %dma_wait3A_101 = arith.constant 0 : i32
      %dma_wait3A_102 = tpu.memref_slice %arg4[%dma_wait3A_101] : memref<320000xi32, #tpu.memory_space<hbm>> -> memref<80xi32, #tpu.memory_space<hbm>>
      tpu.wait_dma2 semaphore(%arg19 : memref<!tpu.dma_semaphore, #tpu.memory_space<semaphore_mem>>) src(%dma_wait3A_102 : memref<80xi32, #tpu.memory_space<hbm>>) dst(%arg12 : memref<80xi32, #tpu.memory_space<vmem>>)
      %dma_wait3A_103 = arith.constant 0 : i32
      %dma_wait3A_104 = tpu.memref_slice %arg5[%dma_wait3A_103] : memref<320000xi32, #tpu.memory_space<hbm>> -> memref<80xi32, #tpu.memory_space<hbm>>
      %dma_wait3A_105 = arith.constant 0 : i32
      %dma_wait3A_106 = tpu.memref_slice %arg5[%dma_wait3A_105] : memref<320000xi32, #tpu.memory_space<hbm>> -> memref<80xi32, #tpu.memory_space<hbm>>
      tpu.wait_dma2 semaphore(%arg19 : memref<!tpu.dma_semaphore, #tpu.memory_space<semaphore_mem>>) src(%dma_wait3A_106 : memref<80xi32, #tpu.memory_space<hbm>>) dst(%arg13 : memref<80xi32, #tpu.memory_space<vmem>>)
      %dma_start3A_107 = arith.constant 0 : i32
      %dma_start3A_108 = arith.constant 0 : i32
      %dma_start3A_109 = tpu.memref_slice %arg2[%dma_start3A_107, %dma_start3A_108] : memref<10000x64xf32, #tpu.memory_space<hbm>> -> memref<10000x64xf32, #tpu.memory_space<hbm>>
      tpu.enqueue_indirect_dma source(%dma_start3A_109 : memref<10000x64xf32, #tpu.memory_space<hbm>>) target(%arg14 : memref<80x64xf32, #tpu.memory_space<vmem>>) offsets(%arg12 : memref<80xi32, #tpu.memory_space<vmem>>) semaphore(%arg21 : memref<!tpu.dma_semaphore, #tpu.memory_space<semaphore_mem>>)
      %dma_wait3A_110 = arith.constant 0 : i32
      %dma_wait3A_111 = arith.constant 0 : i32
      %dma_wait3A_112 = tpu.memref_slice %arg3[%dma_wait3A_110, %dma_wait3A_111] : memref<160000x128xf32, #tpu.memory_space<hbm>> -> memref<80x64xf32, #tpu.memory_space<hbm>>
      %dma_wait3A_113 = arith.constant 0 : i32
      %dma_wait3A_114 = arith.constant 0 : i32
      %dma_wait3A_115 = tpu.memref_slice %arg3[%dma_wait3A_113, %dma_wait3A_114] : memref<160000x128xf32, #tpu.memory_space<hbm>> -> memref<80x64xf32, #tpu.memory_space<hbm>>
      tpu.wait_dma2 semaphore(%arg17 : memref<!tpu.dma_semaphore, #tpu.memory_space<semaphore_mem>>) src(%dma_wait3A_115 : memref<80x64xf32, #tpu.memory_space<hbm>>) dst(%arg11 : memref<80x64xf32, #tpu.memory_space<vmem>>)
      %dma_wait3A_116 = arith.constant 0 : i32
      %dma_wait3A_117 = arith.constant 0 : i32
      %dma_wait3A_118 = tpu.memref_slice %arg2[%dma_wait3A_116, %dma_wait3A_117] : memref<10000x64xf32, #tpu.memory_space<hbm>> -> memref<10000x64xf32, #tpu.memory_space<hbm>>
      tpu.wait_indirect_dma semaphore(%arg18 : memref<!tpu.dma_semaphore, #tpu.memory_space<semaphore_mem>>) src(%dma_wait3A_118 : memref<10000x64xf32, #tpu.memory_space<hbm>>) dst(%arg10 : memref<80x64xf32, #tpu.memory_space<vmem>>)
      %parallel_loop3A_119 = arith.constant 0 : i32
      %parallel_loop3A_120 = arith.constant 80 : i32
      %parallel_loop3A_121 = arith.constant 1 : i32
      scf.for %parallel_loop3A_166 = %parallel_loop3A_119 to %parallel_loop3A_120 step %parallel_loop3A_121  : i32 {
        %parallel_loop3A_167 = arith.index_cast %parallel_loop3A_166 : i32 to index
        %parallel_loop3A_168 = arith.constant 0 : index
        %parallel_loop3A_169 = tpu.vector_load %arg10[%parallel_loop3A_167, %parallel_loop3A_168] {strides = array<i32>} : memref<80x64xf32, #tpu.memory_space<vmem>>, vector<1x16xf32>,
        %parallel_loop3A_170 = vector.shape_cast %parallel_loop3A_169 : vector<1x16xf32> to vector<16xf32>
        %parallel_loop3A_171 = arith.index_cast %parallel_loop3A_166 : i32 to index
        %parallel_loop3A_172 = arith.constant 0 : index
        %parallel_loop3A_173 = tpu.vector_load %arg11[%parallel_loop3A_171, %parallel_loop3A_172] {strides = array<i32>} : memref<80x64xf32, #tpu.memory_space<vmem>>, vector<1x16xf32>,
        %parallel_loop3A_174 = vector.shape_cast %parallel_loop3A_173 : vector<1x16xf32> to vector<16xf32>
        %parallel_loop3A_175 = arith.mulf %parallel_loop3A_170, %parallel_loop3A_174 : vector<16xf32>
        %parallel_loop3A_176 = arith.index_cast %parallel_loop3A_166 : i32 to index
        %parallel_loop3A_177 = arith.constant 0 : index
        %parallel_loop3A_178 = tpu.vector_load %arg10[%parallel_loop3A_176, %parallel_loop3A_177] {strides = array<i32>} : memref<80x64xf32, #tpu.memory_space<vmem>>, vector<1x16xf32>,
        %parallel_loop3A_179 = vector.shape_cast %parallel_loop3A_178 : vector<1x16xf32> to vector<16xf32>
        %parallel_loop3A_180 = vector.shape_cast %parallel_loop3A_175 : vector<16xf32> to vector<1x16xf32>
        tpu.vector_store %arg10[%parallel_loop3A_176, %parallel_loop3A_177], %parallel_loop3A_180 {strides = array<i32>} : memref<80x64xf32, #tpu.memory_space<vmem>>, vector<1x16xf32>,
        %parallel_loop3A_181 = arith.index_cast %parallel_loop3A_166 : i32 to index
        %parallel_loop3A_182 = arith.constant 16 : index
        %parallel_loop3A_183 = tpu.vector_load %arg10[%parallel_loop3A_181, %parallel_loop3A_182] {strides = array<i32>} : memref<80x64xf32, #tpu.memory_space<vmem>>, vector<1x16xf32>,
        %parallel_loop3A_184 = vector.shape_cast %parallel_loop3A_183 : vector<1x16xf32> to vector<16xf32>
        %parallel_loop3A_185 = arith.index_cast %parallel_loop3A_166 : i32 to index
        %parallel_loop3A_186 = arith.constant 16 : index
        %parallel_loop3A_187 = tpu.vector_load %arg11[%parallel_loop3A_185, %parallel_loop3A_186] {strides = array<i32>} : memref<80x64xf32, #tpu.memory_space<vmem>>, vector<1x16xf32>,
        %parallel_loop3A_188 = vector.shape_cast %parallel_loop3A_187 : vector<1x16xf32> to vector<16xf32>
        %parallel_loop3A_189 = arith.mulf %parallel_loop3A_184, %parallel_loop3A_188 : vector<16xf32>
        %parallel_loop3A_190 = arith.index_cast %parallel_loop3A_166 : i32 to index
        %parallel_loop3A_191 = arith.constant 16 : index
        %parallel_loop3A_192 = tpu.vector_load %arg10[%parallel_loop3A_190, %parallel_loop3A_191] {strides = array<i32>} : memref<80x64xf32, #tpu.memory_space<vmem>>, vector<1x16xf32>,
        %parallel_loop3A_193 = vector.shape_cast %parallel_loop3A_192 : vector<1x16xf32> to vector<16xf32>
        %parallel_loop3A_194 = vector.shape_cast %parallel_loop3A_189 : vector<16xf32> to vector<1x16xf32>
        tpu.vector_store %arg10[%parallel_loop3A_190, %parallel_loop3A_191], %parallel_loop3A_194 {strides = array<i32>} : memref<80x64xf32, #tpu.memory_space<vmem>>, vector<1x16xf32>,
        %parallel_loop3A_195 = arith.index_cast %parallel_loop3A_166 : i32 to index
        %parallel_loop3A_196 = arith.constant 32 : index
        %parallel_loop3A_197 = tpu.vector_load %arg10[%parallel_loop3A_195, %parallel_loop3A_196] {strides = array<i32>} : memref<80x64xf32, #tpu.memory_space<vmem>>, vector<1x16xf32>,
        %parallel_loop3A_198 = vector.shape_cast %parallel_loop3A_197 : vector<1x16xf32> to vector<16xf32>
        %parallel_loop3A_199 = arith.index_cast %parallel_loop3A_166 : i32 to index
        %parallel_loop3A_200 = arith.constant 32 : index
        %parallel_loop3A_201 = tpu.vector_load %arg11[%parallel_loop3A_199, %parallel_loop3A_200] {strides = array<i32>} : memref<80x64xf32, #tpu.memory_space<vmem>>, vector<1x16xf32>,
        %parallel_loop3A_202 = vector.shape_cast %parallel_loop3A_201 : vector<1x16xf32> to vector<16xf32>
        %parallel_loop3A_203 = arith.mulf %parallel_loop3A_198, %parallel_loop3A_202 : vector<16xf32>
        %parallel_loop3A_204 = arith.index_cast %parallel_loop3A_166 : i32 to index
        %parallel_loop3A_205 = arith.constant 32 : index
        %parallel_loop3A_206 = tpu.vector_load %arg10[%parallel_loop3A_204, %parallel_loop3A_205] {strides = array<i32>} : memref<80x64xf32, #tpu.memory_space<vmem>>, vector<1x16xf32>,
        %parallel_loop3A_207 = vector.shape_cast %parallel_loop3A_206 : vector<1x16xf32> to vector<16xf32>
        %parallel_loop3A_208 = vector.shape_cast %parallel_loop3A_203 : vector<16xf32> to vector<1x16xf32>
        tpu.vector_store %arg10[%parallel_loop3A_204, %parallel_loop3A_205], %parallel_loop3A_208 {strides = array<i32>} : memref<80x64xf32, #tpu.memory_space<vmem>>, vector<1x16xf32>,
        %parallel_loop3A_209 = arith.index_cast %parallel_loop3A_166 : i32 to index
        %parallel_loop3A_210 = arith.constant 48 : index
        %parallel_loop3A_211 = tpu.vector_load %arg10[%parallel_loop3A_209, %parallel_loop3A_210] {strides = array<i32>} : memref<80x64xf32, #tpu.memory_space<vmem>>, vector<1x16xf32>,
        %parallel_loop3A_212 = vector.shape_cast %parallel_loop3A_211 : vector<1x16xf32> to vector<16xf32>
        %parallel_loop3A_213 = arith.index_cast %parallel_loop3A_166 : i32 to index
        %parallel_loop3A_214 = arith.constant 48 : index
        %parallel_loop3A_215 = tpu.vector_load %arg11[%parallel_loop3A_213, %parallel_loop3A_214] {strides = array<i32>} : memref<80x64xf32, #tpu.memory_space<vmem>>, vector<1x16xf32>,
        %parallel_loop3A_216 = vector.shape_cast %parallel_loop3A_215 : vector<1x16xf32> to vector<16xf32>
        %parallel_loop3A_217 = arith.mulf %parallel_loop3A_212, %parallel_loop3A_216 : vector<16xf32>
        %parallel_loop3A_218 = arith.index_cast %parallel_loop3A_166 : i32 to index
        %parallel_loop3A_219 = arith.constant 48 : index
        %parallel_loop3A_220 = tpu.vector_load %arg10[%parallel_loop3A_218, %parallel_loop3A_219] {strides = array<i32>} : memref<80x64xf32, #tpu.memory_space<vmem>>, vector<1x16xf32>,
        %parallel_loop3A_221 = vector.shape_cast %parallel_loop3A_220 : vector<1x16xf32> to vector<16xf32>
        %parallel_loop3A_222 = vector.shape_cast %parallel_loop3A_217 : vector<16xf32> to vector<1x16xf32>
        tpu.vector_store %arg10[%parallel_loop3A_218, %parallel_loop3A_219], %parallel_loop3A_222 {strides = array<i32>} : memref<80x64xf32, #tpu.memory_space<vmem>>, vector<1x16xf32>,
      } {sc.loop_unroll_factor = 4 : i64, sc.parallel_access}
      "tpu.region"() ({
        %run_scoped3A = tpu.sem_alloc : memref<!tpu.dma_semaphore, #tpu.memory_space<semaphore_mem>>
        %dma_start3A_166 = arith.constant 0 : i32
        %dma_start3A_167 = arith.constant 0 : i32
        %dma_start3A_168 = tpu.memref_slice %arg7[%dma_start3A_166, %dma_start3A_167] : memref<10240x64xf32, #tpu.memory_space<vmem_shared>> -> memref<10240x64xf32, #tpu.memory_space<vmem_shared>>
        tpu.enqueue_indirect_dma source(%arg10 : memref<80x64xf32, #tpu.memory_space<vmem>>) target(%dma_start3A_168 : memref<10240x64xf32, #tpu.memory_space<vmem_shared>>) offsets(%arg9 : memref<80xi32, #tpu.memory_space<vmem>>) semaphore(%run_scoped3A : memref<!tpu.dma_semaphore, #tpu.memory_space<semaphore_mem>>) {add = true}
        %dma_wait3A_169 = arith.constant 0 : i32
        %dma_wait3A_170 = arith.constant 0 : i32
        %dma_wait3A_171 = tpu.memref_slice %arg7[%dma_wait3A_169, %dma_wait3A_170] : memref<10240x64xf32, #tpu.memory_space<vmem_shared>> -> memref<10240x64xf32, #tpu.memory_space<vmem_shared>>
        tpu.wait_indirect_dma semaphore(%run_scoped3A : memref<!tpu.dma_semaphore, #tpu.memory_space<semaphore_mem>>) src(%arg10 : memref<80x64xf32, #tpu.memory_space<vmem>>) dst(%dma_wait3A_171 : memref<10240x64xf32, #tpu.memory_space<vmem_shared>>)
        tpu.yield
      }) : () -> ()
      %add3A_122 = arith.constant 2 : i32
      %add3A_123 = arith.addi %mul3A_98, %add3A_122 : i32
      %mul3A_124 = arith.constant 80 : i32
      %mul3A_125 = arith.muli %add3A_123, %mul3A_124 : i32
      %add3A_126 = arith.addi %mul3A_2, %mul3A_125 : i32
      %mul3A_127 = arith.constant 10000 : i32
      %mul3A_128 = arith.muli %arg1, %mul3A_127 : i32
      %mul3A_129 = arith.constant 80 : i32
      %mul3A_130 = arith.muli %add3A_123, %mul3A_129 : i32
      %add3A_131 = arith.addi %mul3A_128, %mul3A_130 : i32
      %dma_start3A_132 = tpu.memref_slice %arg4[%add3A_126] : memref<320000xi32, #tpu.memory_space<hbm>> -> memref<80xi32, #tpu.memory_space<hbm>>
      %dma_start3A_133 = tpu.memref_slice %arg4[%add3A_126] : memref<320000xi32, #tpu.memory_space<hbm>> -> memref<80xi32, #tpu.memory_space<hbm>>
      tpu.enqueue_dma source(%dma_start3A_133 : memref<80xi32, #tpu.memory_space<hbm>>) target(%arg8 : memref<80xi32, #tpu.memory_space<vmem>>) target_semaphore(%arg16 : memref<!tpu.dma_semaphore, #tpu.memory_space<semaphore_mem>>)
      %dma_start3A_134 = tpu.memref_slice %arg5[%add3A_126] : memref<320000xi32, #tpu.memory_space<hbm>> -> memref<80xi32, #tpu.memory_space<hbm>>
      %dma_start3A_135 = tpu.memref_slice %arg5[%add3A_126] : memref<320000xi32, #tpu.memory_space<hbm>> -> memref<80xi32, #tpu.memory_space<hbm>>
      tpu.enqueue_dma source(%dma_start3A_135 : memref<80xi32, #tpu.memory_space<hbm>>) target(%arg9 : memref<80xi32, #tpu.memory_space<vmem>>) target_semaphore(%arg16 : memref<!tpu.dma_semaphore, #tpu.memory_space<semaphore_mem>>)
      %dma_start3A_136 = tpu.memref_slice %arg3[%add3A_131, %mul3A_38] : memref<160000x128xf32, #tpu.memory_space<hbm>> -> memref<80x64xf32, #tpu.memory_space<hbm>>
      %dma_start3A_137 = tpu.memref_slice %arg3[%add3A_131, %mul3A_38] : memref<160000x128xf32, #tpu.memory_space<hbm>> -> memref<80x64xf32, #tpu.memory_space<hbm>>
      tpu.enqueue_dma source(%dma_start3A_137 : memref<80x64xf32, #tpu.memory_space<hbm>>) target(%arg11 : memref<80x64xf32, #tpu.memory_space<vmem>>) target_semaphore(%arg17 : memref<!tpu.dma_semaphore, #tpu.memory_space<semaphore_mem>>)
      %dma_wait3A_138 = arith.constant 0 : i32
      %dma_wait3A_139 = tpu.memref_slice %arg4[%dma_wait3A_138] : memref<320000xi32, #tpu.memory_space<hbm>> -> memref<80xi32, #tpu.memory_space<hbm>>
      %dma_wait3A_140 = arith.constant 0 : i32
      %dma_wait3A_141 = tpu.memref_slice %arg4[%dma_wait3A_140] : memref<320000xi32, #tpu.memory_space<hbm>> -> memref<80xi32, #tpu.memory_space<hbm>>
      tpu.wait_dma2 semaphore(%arg16 : memref<!tpu.dma_semaphore, #tpu.memory_space<semaphore_mem>>) src(%dma_wait3A_141 : memref<80xi32, #tpu.memory_space<hbm>>) dst(%arg8 : memref<80xi32, #tpu.memory_space<vmem>>)
      %dma_wait3A_142 = arith.constant 0 : i32
      %dma_wait3A_143 = tpu.memref_slice %arg5[%dma_wait3A_142] : memref<320000xi32, #tpu.memory_space<hbm>> -> memref<80xi32, #tpu.memory_space<hbm>>
      %dma_wait3A_144 = arith.constant 0 : i32
      %dma_wait3A_145 = tpu.memref_slice %arg5[%dma_wait3A_144] : memref<320000xi32, #tpu.memory_space<hbm>> -> memref<80xi32, #tpu.memory_space<hbm>>
      tpu.wait_dma2 semaphore(%arg16 : memref<!tpu.dma_semaphore, #tpu.memory_space<semaphore_mem>>) src(%dma_wait3A_145 : memref<80xi32, #tpu.memory_space<hbm>>) dst(%arg9 : memref<80xi32, #tpu.memory_space<vmem>>)
      %dma_start3A_146 = arith.constant 0 : i32
      %dma_start3A_147 = arith.constant 0 : i32
      %dma_start3A_148 = tpu.memref_slice %arg2[%dma_start3A_146, %dma_start3A_147] : memref<10000x64xf32, #tpu.memory_space<hbm>> -> memref<10000x64xf32, #tpu.memory_space<hbm>>
      tpu.enqueue_indirect_dma source(%dma_start3A_148 : memref<10000x64xf32, #tpu.memory_space<hbm>>) target(%arg10 : memref<80x64xf32, #tpu.memory_space<vmem>>) offsets(%arg8 : memref<80xi32, #tpu.memory_space<vmem>>) semaphore(%arg18 : memref<!tpu.dma_semaphore, #tpu.memory_space<semaphore_mem>>)
      %dma_wait3A_149 = arith.constant 0 : i32
      %dma_wait3A_150 = arith.constant 0 : i32
      %dma_wait3A_151 = tpu.memref_slice %arg3[%dma_wait3A_149, %dma_wait3A_150] : memref<160000x128xf32, #tpu.memory_space<hbm>> -> memref<80x64xf32, #tpu.memory_space<hbm>>
      %dma_wait3A_152 = arith.constant 0 : i32
      %dma_wait3A_153 = arith.constant 0 : i32
      %dma_wait3A_154 = tpu.memref_slice %arg3[%dma_wait3A_152, %dma_wait3A_153] : memref<160000x128xf32, #tpu.memory_space<hbm>> -> memref<80x64xf32, #tpu.memory_space<hbm>>
      tpu.wait_dma2 semaphore(%arg20 : memref<!tpu.dma_semaphore, #tpu.memory_space<semaphore_mem>>) src(%dma_wait3A_154 : memref<80x64xf32, #tpu.memory_space<hbm>>) dst(%arg15 : memref<80x64xf32, #tpu.memory_space<vmem>>)
      %dma_wait3A_155 = arith.constant 0 : i32
      %dma_wait3A_156 = arith.constant 0 : i32
      %dma_wait3A_157 = tpu.memref_slice %arg2[%dma_wait3A_155, %dma_wait3A_156] : memref<10000x64xf32, #tpu.memory_space<hbm>> -> memref<10000x64xf32, #tpu.memory_space<hbm>>
      tpu.wait_indirect_dma semaphore(%arg21 : memref<!tpu.dma_semaphore, #tpu.memory_space<semaphore_mem>>) src(%dma_wait3A_157 : memref<10000x64xf32, #tpu.memory_space<hbm>>) dst(%arg14 : memref<80x64xf32, #tpu.memory_space<vmem>>)
      %parallel_loop3A_158 = arith.constant 0 : i32
      %parallel_loop3A_159 = arith.constant 80 : i32
      %parallel_loop3A_160 = arith.constant 1 : i32
      scf.for %parallel_loop3A_166 = %parallel_loop3A_158 to %parallel_loop3A_159 step %parallel_loop3A_160  : i32 {
        %parallel_loop3A_167 = arith.index_cast %parallel_loop3A_166 : i32 to index
        %parallel_loop3A_168 = arith.constant 0 : index
        %parallel_loop3A_169 = tpu.vector_load %arg14[%parallel_loop3A_167, %parallel_loop3A_168] {strides = array<i32>} : memref<80x64xf32, #tpu.memory_space<vmem>>, vector<1x16xf32>,
        %parallel_loop3A_170 = vector.shape_cast %parallel_loop3A_169 : vector<1x16xf32> to vector<16xf32>
        %parallel_loop3A_171 = arith.index_cast %parallel_loop3A_166 : i32 to index
        %parallel_loop3A_172 = arith.constant 0 : index
        %parallel_loop3A_173 = tpu.vector_load %arg15[%parallel_loop3A_171, %parallel_loop3A_172] {strides = array<i32>} : memref<80x64xf32, #tpu.memory_space<vmem>>, vector<1x16xf32>,
        %parallel_loop3A_174 = vector.shape_cast %parallel_loop3A_173 : vector<1x16xf32> to vector<16xf32>
        %parallel_loop3A_175 = arith.mulf %parallel_loop3A_170, %parallel_loop3A_174 : vector<16xf32>
        %parallel_loop3A_176 = arith.index_cast %parallel_loop3A_166 : i32 to index
        %parallel_loop3A_177 = arith.constant 0 : index
        %parallel_loop3A_178 = tpu.vector_load %arg14[%parallel_loop3A_176, %parallel_loop3A_177] {strides = array<i32>} : memref<80x64xf32, #tpu.memory_space<vmem>>, vector<1x16xf32>,
        %parallel_loop3A_179 = vector.shape_cast %parallel_loop3A_178 : vector<1x16xf32> to vector<16xf32>
        %parallel_loop3A_180 = vector.shape_cast %parallel_loop3A_175 : vector<16xf32> to vector<1x16xf32>
        tpu.vector_store %arg14[%parallel_loop3A_176, %parallel_loop3A_177], %parallel_loop3A_180 {strides = array<i32>} : memref<80x64xf32, #tpu.memory_space<vmem>>, vector<1x16xf32>,
        %parallel_loop3A_181 = arith.index_cast %parallel_loop3A_166 : i32 to index
        %parallel_loop3A_182 = arith.constant 16 : index
        %parallel_loop3A_183 = tpu.vector_load %arg14[%parallel_loop3A_181, %parallel_loop3A_182] {strides = array<i32>} : memref<80x64xf32, #tpu.memory_space<vmem>>, vector<1x16xf32>,
        %parallel_loop3A_184 = vector.shape_cast %parallel_loop3A_183 : vector<1x16xf32> to vector<16xf32>
        %parallel_loop3A_185 = arith.index_cast %parallel_loop3A_166 : i32 to index
        %parallel_loop3A_186 = arith.constant 16 : index
        %parallel_loop3A_187 = tpu.vector_load %arg15[%parallel_loop3A_185, %parallel_loop3A_186] {strides = array<i32>} : memref<80x64xf32, #tpu.memory_space<vmem>>, vector<1x16xf32>,
        %parallel_loop3A_188 = vector.shape_cast %parallel_loop3A_187 : vector<1x16xf32> to vector<16xf32>
        %parallel_loop3A_189 = arith.mulf %parallel_loop3A_184, %parallel_loop3A_188 : vector<16xf32>
        %parallel_loop3A_190 = arith.index_cast %parallel_loop3A_166 : i32 to index
        %parallel_loop3A_191 = arith.constant 16 : index
        %parallel_loop3A_192 = tpu.vector_load %arg14[%parallel_loop3A_190, %parallel_loop3A_191] {strides = array<i32>} : memref<80x64xf32, #tpu.memory_space<vmem>>, vector<1x16xf32>,
        %parallel_loop3A_193 = vector.shape_cast %parallel_loop3A_192 : vector<1x16xf32> to vector<16xf32>
        %parallel_loop3A_194 = vector.shape_cast %parallel_loop3A_189 : vector<16xf32> to vector<1x16xf32>
        tpu.vector_store %arg14[%parallel_loop3A_190, %parallel_loop3A_191], %parallel_loop3A_194 {strides = array<i32>} : memref<80x64xf32, #tpu.memory_space<vmem>>, vector<1x16xf32>,
        %parallel_loop3A_195 = arith.index_cast %parallel_loop3A_166 : i32 to index
        %parallel_loop3A_196 = arith.constant 32 : index
        %parallel_loop3A_197 = tpu.vector_load %arg14[%parallel_loop3A_195, %parallel_loop3A_196] {strides = array<i32>} : memref<80x64xf32, #tpu.memory_space<vmem>>, vector<1x16xf32>,
        %parallel_loop3A_198 = vector.shape_cast %parallel_loop3A_197 : vector<1x16xf32> to vector<16xf32>
        %parallel_loop3A_199 = arith.index_cast %parallel_loop3A_166 : i32 to index
        %parallel_loop3A_200 = arith.constant 32 : index
        %parallel_loop3A_201 = tpu.vector_load %arg15[%parallel_loop3A_199, %parallel_loop3A_200] {strides = array<i32>} : memref<80x64xf32, #tpu.memory_space<vmem>>, vector<1x16xf32>,
        %parallel_loop3A_202 = vector.shape_cast %parallel_loop3A_201 : vector<1x16xf32> to vector<16xf32>
        %parallel_loop3A_203 = arith.mulf %parallel_loop3A_198, %parallel_loop3A_202 : vector<16xf32>
        %parallel_loop3A_204 = arith.index_cast %parallel_loop3A_166 : i32 to index
        %parallel_loop3A_205 = arith.constant 32 : index
        %parallel_loop3A_206 = tpu.vector_load %arg14[%parallel_loop3A_204, %parallel_loop3A_205] {strides = array<i32>} : memref<80x64xf32, #tpu.memory_space<vmem>>, vector<1x16xf32>,
        %parallel_loop3A_207 = vector.shape_cast %parallel_loop3A_206 : vector<1x16xf32> to vector<16xf32>
        %parallel_loop3A_208 = vector.shape_cast %parallel_loop3A_203 : vector<16xf32> to vector<1x16xf32>
        tpu.vector_store %arg14[%parallel_loop3A_204, %parallel_loop3A_205], %parallel_loop3A_208 {strides = array<i32>} : memref<80x64xf32, #tpu.memory_space<vmem>>, vector<1x16xf32>,
        %parallel_loop3A_209 = arith.index_cast %parallel_loop3A_166 : i32 to index
        %parallel_loop3A_210 = arith.constant 48 : index
        %parallel_loop3A_211 = tpu.vector_load %arg14[%parallel_loop3A_209, %parallel_loop3A_210] {strides = array<i32>} : memref<80x64xf32, #tpu.memory_space<vmem>>, vector<1x16xf32>,
        %parallel_loop3A_212 = vector.shape_cast %parallel_loop3A_211 : vector<1x16xf32> to vector<16xf32>
        %parallel_loop3A_213 = arith.index_cast %parallel_loop3A_166 : i32 to index
        %parallel_loop3A_214 = arith.constant 48 : index
        %parallel_loop3A_215 = tpu.vector_load %arg15[%parallel_loop3A_213, %parallel_loop3A_214] {strides = array<i32>} : memref<80x64xf32, #tpu.memory_space<vmem>>, vector<1x16xf32>,
        %parallel_loop3A_216 = vector.shape_cast %parallel_loop3A_215 : vector<1x16xf32> to vector<16xf32>
        %parallel_loop3A_217 = arith.mulf %parallel_loop3A_212, %parallel_loop3A_216 : vector<16xf32>
        %parallel_loop3A_218 = arith.index_cast %parallel_loop3A_166 : i32 to index
        %parallel_loop3A_219 = arith.constant 48 : index
        %parallel_loop3A_220 = tpu.vector_load %arg14[%parallel_loop3A_218, %parallel_loop3A_219] {strides = array<i32>} : memref<80x64xf32, #tpu.memory_space<vmem>>, vector<1x16xf32>,
        %parallel_loop3A_221 = vector.shape_cast %parallel_loop3A_220 : vector<1x16xf32> to vector<16xf32>
        %parallel_loop3A_222 = vector.shape_cast %parallel_loop3A_217 : vector<16xf32> to vector<1x16xf32>
        tpu.vector_store %arg14[%parallel_loop3A_218, %parallel_loop3A_219], %parallel_loop3A_222 {strides = array<i32>} : memref<80x64xf32, #tpu.memory_space<vmem>>, vector<1x16xf32>,
      } {sc.loop_unroll_factor = 4 : i64, sc.parallel_access}
      "tpu.region"() ({
        %run_scoped3A = tpu.sem_alloc : memref<!tpu.dma_semaphore, #tpu.memory_space<semaphore_mem>>
        %dma_start3A_166 = arith.constant 0 : i32
        %dma_start3A_167 = arith.constant 0 : i32
        %dma_start3A_168 = tpu.memref_slice %arg7[%dma_start3A_166, %dma_start3A_167] : memref<10240x64xf32, #tpu.memory_space<vmem_shared>> -> memref<10240x64xf32, #tpu.memory_space<vmem_shared>>
        tpu.enqueue_indirect_dma source(%arg14 : memref<80x64xf32, #tpu.memory_space<vmem>>) target(%dma_start3A_168 : memref<10240x64xf32, #tpu.memory_space<vmem_shared>>) offsets(%arg13 : memref<80xi32, #tpu.memory_space<vmem>>) semaphore(%run_scoped3A : memref<!tpu.dma_semaphore, #tpu.memory_space<semaphore_mem>>) {add = true}
        %dma_wait3A_169 = arith.constant 0 : i32
        %dma_wait3A_170 = arith.constant 0 : i32
        %dma_wait3A_171 = tpu.memref_slice %arg7[%dma_wait3A_169, %dma_wait3A_170] : memref<10240x64xf32, #tpu.memory_space<vmem_shared>> -> memref<10240x64xf32, #tpu.memory_space<vmem_shared>>
        tpu.wait_indirect_dma semaphore(%run_scoped3A : memref<!tpu.dma_semaphore, #tpu.memory_space<semaphore_mem>>) src(%arg14 : memref<80x64xf32, #tpu.memory_space<vmem>>) dst(%dma_wait3A_171 : memref<10240x64xf32, #tpu.memory_space<vmem_shared>>)
        tpu.yield
      }) : () -> ()
      %add3A_161 = arith.constant 3 : i32
      %add3A_162 = arith.addi %mul3A_98, %add3A_161 : i32
      %lt3A = arith.constant 125 : i32
      %lt3A_163 = arith.cmpi slt, %add3A_162, %lt3A : i32
      %convert_element_type3A = arith.extui %lt3A_163 : i1 to i32
      %cond3A = arith.constant 0 : i32
      %cond3A_164 = arith.cmpi ne, %convert_element_type3A, %cond3A : i32
      scf.if %cond3A_164 {
        %add3A_166 = arith.constant 3 : i32
        %add3A_167 = arith.addi %mul3A_98, %add3A_166 : i32
        %mul3A_168 = arith.constant 80 : i32
        %mul3A_169 = arith.muli %add3A_167, %mul3A_168 : i32
        %add3A_170 = arith.addi %mul3A_2, %mul3A_169 : i32
        %mul3A_171 = arith.constant 10000 : i32
        %mul3A_172 = arith.muli %arg1, %mul3A_171 : i32
        %mul3A_173 = arith.constant 80 : i32
        %mul3A_174 = arith.muli %add3A_167, %mul3A_173 : i32
        %add3A_175 = arith.addi %mul3A_172, %mul3A_174 : i32
        %dma_start3A_176 = tpu.memref_slice %arg4[%add3A_170] : memref<320000xi32, #tpu.memory_space<hbm>> -> memref<80xi32, #tpu.memory_space<hbm>>
        %dma_start3A_177 = tpu.memref_slice %arg4[%add3A_170] : memref<320000xi32, #tpu.memory_space<hbm>> -> memref<80xi32, #tpu.memory_space<hbm>>
        tpu.enqueue_dma source(%dma_start3A_177 : memref<80xi32, #tpu.memory_space<hbm>>) target(%arg12 : memref<80xi32, #tpu.memory_space<vmem>>) target_semaphore(%arg19 : memref<!tpu.dma_semaphore, #tpu.memory_space<semaphore_mem>>)
        %dma_start3A_178 = tpu.memref_slice %arg5[%add3A_170] : memref<320000xi32, #tpu.memory_space<hbm>> -> memref<80xi32, #tpu.memory_space<hbm>>
        %dma_start3A_179 = tpu.memref_slice %arg5[%add3A_170] : memref<320000xi32, #tpu.memory_space<hbm>> -> memref<80xi32, #tpu.memory_space<hbm>>
        tpu.enqueue_dma source(%dma_start3A_179 : memref<80xi32, #tpu.memory_space<hbm>>) target(%arg13 : memref<80xi32, #tpu.memory_space<vmem>>) target_semaphore(%arg19 : memref<!tpu.dma_semaphore, #tpu.memory_space<semaphore_mem>>)
        %dma_start3A_180 = tpu.memref_slice %arg3[%add3A_175, %mul3A_38] : memref<160000x128xf32, #tpu.memory_space<hbm>> -> memref<80x64xf32, #tpu.memory_space<hbm>>
        %dma_start3A_181 = tpu.memref_slice %arg3[%add3A_175, %mul3A_38] : memref<160000x128xf32, #tpu.memory_space<hbm>> -> memref<80x64xf32, #tpu.memory_space<hbm>>
        tpu.enqueue_dma source(%dma_start3A_181 : memref<80x64xf32, #tpu.memory_space<hbm>>) target(%arg15 : memref<80x64xf32, #tpu.memory_space<vmem>>) target_semaphore(%arg20 : memref<!tpu.dma_semaphore, #tpu.memory_space<semaphore_mem>>)
      } else {
      }
      %scan3A_165 = arith.constant 0 : i32
      scf.yield %scan3A_165 : i32
    }
    %scan3A_77 = arith.constant 62 : i32
    %dma_wait3A_78 = arith.constant 0 : i32
    %dma_wait3A_79 = arith.constant 0 : i32
    %dma_wait3A_80 = tpu.memref_slice %arg3[%dma_wait3A_78, %dma_wait3A_79] : memref<160000x128xf32, #tpu.memory_space<hbm>> -> memref<80x64xf32, #tpu.memory_space<hbm>>
    %dma_wait3A_81 = arith.constant 0 : i32
    %dma_wait3A_82 = arith.constant 0 : i32
    %dma_wait3A_83 = tpu.memref_slice %arg3[%dma_wait3A_81, %dma_wait3A_82] : memref<160000x128xf32, #tpu.memory_space<hbm>> -> memref<80x64xf32, #tpu.memory_space<hbm>>
    tpu.wait_dma2 semaphore(%arg17 : memref<!tpu.dma_semaphore, #tpu.memory_space<semaphore_mem>>) src(%dma_wait3A_83 : memref<80x64xf32, #tpu.memory_space<hbm>>) dst(%arg11 : memref<80x64xf32, #tpu.memory_space<vmem>>)
    %dma_wait3A_84 = arith.constant 0 : i32
    %dma_wait3A_85 = arith.constant 0 : i32
    %dma_wait3A_86 = tpu.memref_slice %arg2[%dma_wait3A_84, %dma_wait3A_85] : memref<10000x64xf32, #tpu.memory_space<hbm>> -> memref<10000x64xf32, #tpu.memory_space<hbm>>
    tpu.wait_indirect_dma semaphore(%arg18 : memref<!tpu.dma_semaphore, #tpu.memory_space<semaphore_mem>>) src(%dma_wait3A_86 : memref<10000x64xf32, #tpu.memory_space<hbm>>) dst(%arg10 : memref<80x64xf32, #tpu.memory_space<vmem>>)
    %parallel_loop3A_87 = arith.constant 0 : i32
    %parallel_loop3A_88 = arith.constant 80 : i32
    %parallel_loop3A_89 = arith.constant 1 : i32
    scf.for %parallel_loop3A_95 = %parallel_loop3A_87 to %parallel_loop3A_88 step %parallel_loop3A_89  : i32 {
      %parallel_loop3A_96 = arith.index_cast %parallel_loop3A_95 : i32 to index
      %parallel_loop3A_97 = arith.constant 0 : index
      %parallel_loop3A_98 = tpu.vector_load %arg10[%parallel_loop3A_96, %parallel_loop3A_97] {strides = array<i32>} : memref<80x64xf32, #tpu.memory_space<vmem>>, vector<1x16xf32>,
      %parallel_loop3A_99 = vector.shape_cast %parallel_loop3A_98 : vector<1x16xf32> to vector<16xf32>
      %parallel_loop3A_100 = arith.index_cast %parallel_loop3A_95 : i32 to index
      %parallel_loop3A_101 = arith.constant 0 : index
      %parallel_loop3A_102 = tpu.vector_load %arg11[%parallel_loop3A_100, %parallel_loop3A_101] {strides = array<i32>} : memref<80x64xf32, #tpu.memory_space<vmem>>, vector<1x16xf32>,
      %parallel_loop3A_103 = vector.shape_cast %parallel_loop3A_102 : vector<1x16xf32> to vector<16xf32>
      %parallel_loop3A_104 = arith.mulf %parallel_loop3A_99, %parallel_loop3A_103 : vector<16xf32>
      %parallel_loop3A_105 = arith.index_cast %parallel_loop3A_95 : i32 to index
      %parallel_loop3A_106 = arith.constant 0 : index
      %parallel_loop3A_107 = tpu.vector_load %arg10[%parallel_loop3A_105, %parallel_loop3A_106] {strides = array<i32>} : memref<80x64xf32, #tpu.memory_space<vmem>>, vector<1x16xf32>,
      %parallel_loop3A_108 = vector.shape_cast %parallel_loop3A_107 : vector<1x16xf32> to vector<16xf32>
      %parallel_loop3A_109 = vector.shape_cast %parallel_loop3A_104 : vector<16xf32> to vector<1x16xf32>
      tpu.vector_store %arg10[%parallel_loop3A_105, %parallel_loop3A_106], %parallel_loop3A_109 {strides = array<i32>} : memref<80x64xf32, #tpu.memory_space<vmem>>, vector<1x16xf32>,
      %parallel_loop3A_110 = arith.index_cast %parallel_loop3A_95 : i32 to index
      %parallel_loop3A_111 = arith.constant 16 : index
      %parallel_loop3A_112 = tpu.vector_load %arg10[%parallel_loop3A_110, %parallel_loop3A_111] {strides = array<i32>} : memref<80x64xf32, #tpu.memory_space<vmem>>, vector<1x16xf32>,
      %parallel_loop3A_113 = vector.shape_cast %parallel_loop3A_112 : vector<1x16xf32> to vector<16xf32>
      %parallel_loop3A_114 = arith.index_cast %parallel_loop3A_95 : i32 to index
      %parallel_loop3A_115 = arith.constant 16 : index
      %parallel_loop3A_116 = tpu.vector_load %arg11[%parallel_loop3A_114, %parallel_loop3A_115] {strides = array<i32>} : memref<80x64xf32, #tpu.memory_space<vmem>>, vector<1x16xf32>,
      %parallel_loop3A_117 = vector.shape_cast %parallel_loop3A_116 : vector<1x16xf32> to vector<16xf32>
      %parallel_loop3A_118 = arith.mulf %parallel_loop3A_113, %parallel_loop3A_117 : vector<16xf32>
      %parallel_loop3A_119 = arith.index_cast %parallel_loop3A_95 : i32 to index
      %parallel_loop3A_120 = arith.constant 16 : index
      %parallel_loop3A_121 = tpu.vector_load %arg10[%parallel_loop3A_119, %parallel_loop3A_120] {strides = array<i32>} : memref<80x64xf32, #tpu.memory_space<vmem>>, vector<1x16xf32>,
      %parallel_loop3A_122 = vector.shape_cast %parallel_loop3A_121 : vector<1x16xf32> to vector<16xf32>
      %parallel_loop3A_123 = vector.shape_cast %parallel_loop3A_118 : vector<16xf32> to vector<1x16xf32>
      tpu.vector_store %arg10[%parallel_loop3A_119, %parallel_loop3A_120], %parallel_loop3A_123 {strides = array<i32>} : memref<80x64xf32, #tpu.memory_space<vmem>>, vector<1x16xf32>,
      %parallel_loop3A_124 = arith.index_cast %parallel_loop3A_95 : i32 to index
      %parallel_loop3A_125 = arith.constant 32 : index
      %parallel_loop3A_126 = tpu.vector_load %arg10[%parallel_loop3A_124, %parallel_loop3A_125] {strides = array<i32>} : memref<80x64xf32, #tpu.memory_space<vmem>>, vector<1x16xf32>,
      %parallel_loop3A_127 = vector.shape_cast %parallel_loop3A_126 : vector<1x16xf32> to vector<16xf32>
      %parallel_loop3A_128 = arith.index_cast %parallel_loop3A_95 : i32 to index
      %parallel_loop3A_129 = arith.constant 32 : index
      %parallel_loop3A_130 = tpu.vector_load %arg11[%parallel_loop3A_128, %parallel_loop3A_129] {strides = array<i32>} : memref<80x64xf32, #tpu.memory_space<vmem>>, vector<1x16xf32>,
      %parallel_loop3A_131 = vector.shape_cast %parallel_loop3A_130 : vector<1x16xf32> to vector<16xf32>
      %parallel_loop3A_132 = arith.mulf %parallel_loop3A_127, %parallel_loop3A_131 : vector<16xf32>
      %parallel_loop3A_133 = arith.index_cast %parallel_loop3A_95 : i32 to index
      %parallel_loop3A_134 = arith.constant 32 : index
      %parallel_loop3A_135 = tpu.vector_load %arg10[%parallel_loop3A_133, %parallel_loop3A_134] {strides = array<i32>} : memref<80x64xf32, #tpu.memory_space<vmem>>, vector<1x16xf32>,
      %parallel_loop3A_136 = vector.shape_cast %parallel_loop3A_135 : vector<1x16xf32> to vector<16xf32>
      %parallel_loop3A_137 = vector.shape_cast %parallel_loop3A_132 : vector<16xf32> to vector<1x16xf32>
      tpu.vector_store %arg10[%parallel_loop3A_133, %parallel_loop3A_134], %parallel_loop3A_137 {strides = array<i32>} : memref<80x64xf32, #tpu.memory_space<vmem>>, vector<1x16xf32>,
      %parallel_loop3A_138 = arith.index_cast %parallel_loop3A_95 : i32 to index
      %parallel_loop3A_139 = arith.constant 48 : index
      %parallel_loop3A_140 = tpu.vector_load %arg10[%parallel_loop3A_138, %parallel_loop3A_139] {strides = array<i32>} : memref<80x64xf32, #tpu.memory_space<vmem>>, vector<1x16xf32>,
      %parallel_loop3A_141 = vector.shape_cast %parallel_loop3A_140 : vector<1x16xf32> to vector<16xf32>
      %parallel_loop3A_142 = arith.index_cast %parallel_loop3A_95 : i32 to index
      %parallel_loop3A_143 = arith.constant 48 : index
      %parallel_loop3A_144 = tpu.vector_load %arg11[%parallel_loop3A_142, %parallel_loop3A_143] {strides = array<i32>} : memref<80x64xf32, #tpu.memory_space<vmem>>, vector<1x16xf32>,
      %parallel_loop3A_145 = vector.shape_cast %parallel_loop3A_144 : vector<1x16xf32> to vector<16xf32>
      %parallel_loop3A_146 = arith.mulf %parallel_loop3A_141, %parallel_loop3A_145 : vector<16xf32>
      %parallel_loop3A_147 = arith.index_cast %parallel_loop3A_95 : i32 to index
      %parallel_loop3A_148 = arith.constant 48 : index
      %parallel_loop3A_149 = tpu.vector_load %arg10[%parallel_loop3A_147, %parallel_loop3A_148] {strides = array<i32>} : memref<80x64xf32, #tpu.memory_space<vmem>>, vector<1x16xf32>,
      %parallel_loop3A_150 = vector.shape_cast %parallel_loop3A_149 : vector<1x16xf32> to vector<16xf32>
      %parallel_loop3A_151 = vector.shape_cast %parallel_loop3A_146 : vector<16xf32> to vector<1x16xf32>
      tpu.vector_store %arg10[%parallel_loop3A_147, %parallel_loop3A_148], %parallel_loop3A_151 {strides = array<i32>} : memref<80x64xf32, #tpu.memory_space<vmem>>, vector<1x16xf32>,
    } {sc.loop_unroll_factor = 4 : i64, sc.parallel_access}
    "tpu.region"() ({
      %run_scoped3A = tpu.sem_alloc : memref<!tpu.dma_semaphore, #tpu.memory_space<semaphore_mem>>
      %dma_start3A_95 = arith.constant 0 : i32
      %dma_start3A_96 = arith.constant 0 : i32
      %dma_start3A_97 = tpu.memref_slice %arg7[%dma_start3A_95, %dma_start3A_96] : memref<10240x64xf32, #tpu.memory_space<vmem_shared>> -> memref<10240x64xf32, #tpu.memory_space<vmem_shared>>
      tpu.enqueue_indirect_dma source(%arg10 : memref<80x64xf32, #tpu.memory_space<vmem>>) target(%dma_start3A_97 : memref<10240x64xf32, #tpu.memory_space<vmem_shared>>) offsets(%arg9 : memref<80xi32, #tpu.memory_space<vmem>>) semaphore(%run_scoped3A : memref<!tpu.dma_semaphore, #tpu.memory_space<semaphore_mem>>) {add = true}
      %dma_wait3A_98 = arith.constant 0 : i32
      %dma_wait3A_99 = arith.constant 0 : i32
      %dma_wait3A_100 = tpu.memref_slice %arg7[%dma_wait3A_98, %dma_wait3A_99] : memref<10240x64xf32, #tpu.memory_space<vmem_shared>> -> memref<10240x64xf32, #tpu.memory_space<vmem_shared>>
      tpu.wait_indirect_dma semaphore(%run_scoped3A : memref<!tpu.dma_semaphore, #tpu.memory_space<semaphore_mem>>) src(%arg10 : memref<80x64xf32, #tpu.memory_space<vmem>>) dst(%dma_wait3A_100 : memref<10240x64xf32, #tpu.memory_space<vmem_shared>>)
      tpu.yield
    }) : () -> ()
    %barrier3A_90 = arith.constant 0 : index
    tpu.barrier barrier_id(%barrier3A_90)
    %mul3A_91 = arith.constant 640 : i32
    %mul3A_92 = arith.muli %arg1, %mul3A_91 : i32
    %mul3A_93 = arith.constant 640 : i32
    %mul3A_94 = arith.muli %arg1, %mul3A_93 : i32
    "tpu.region"() ({
      %run_scoped3A = tpu.sem_alloc : memref<!tpu.dma_semaphore, #tpu.memory_space<semaphore_mem>>
      %dma_start3A_95 = arith.constant 0 : i32
      %dma_start3A_96 = tpu.memref_slice %arg6[%arg0, %mul3A_94, %dma_start3A_95] : memref<2x10240x64xf32, #tpu.memory_space<hbm>> -> memref<1x640x64xf32, #tpu.memory_space<hbm>>
      %dma_start3A_97 = tpu.memref_squeeze %dma_start3A_96 : memref<1x640x64xf32, #tpu.memory_space<hbm>> -> memref<640x64xf32, #tpu.memory_space<hbm>>
      %dma_start3A_98 = arith.constant 0 : i32
      %dma_start3A_99 = tpu.memref_slice %arg7[%mul3A_92, %dma_start3A_98] : memref<10240x64xf32, #tpu.memory_space<vmem_shared>> -> memref<640x64xf32, #tpu.memory_space<vmem_shared>>
      tpu.enqueue_dma source(%dma_start3A_99 : memref<640x64xf32, #tpu.memory_space<vmem_shared>>) target(%dma_start3A_97 : memref<640x64xf32, #tpu.memory_space<hbm>>) target_semaphore(%run_scoped3A : memref<!tpu.dma_semaphore, #tpu.memory_space<semaphore_mem>>)
      %dma_wait3A_100 = arith.constant 0 : i32
      %dma_wait3A_101 = tpu.memref_slice %arg6[%arg0, %mul3A_94, %dma_wait3A_100] : memref<2x10240x64xf32, #tpu.memory_space<hbm>> -> memref<1x640x64xf32, #tpu.memory_space<hbm>>
      %dma_wait3A_102 = tpu.memref_squeeze %dma_wait3A_101 : memref<1x640x64xf32, #tpu.memory_space<hbm>> -> memref<640x64xf32, #tpu.memory_space<hbm>>
      %dma_wait3A_103 = arith.constant 0 : i32
      %dma_wait3A_104 = tpu.memref_slice %arg7[%mul3A_92, %dma_wait3A_103] : memref<10240x64xf32, #tpu.memory_space<vmem_shared>> -> memref<640x64xf32, #tpu.memory_space<vmem_shared>>
      tpu.wait_dma2 semaphore(%run_scoped3A : memref<!tpu.dma_semaphore, #tpu.memory_space<semaphore_mem>>) src(%dma_wait3A_104 : memref<640x64xf32, #tpu.memory_space<vmem_shared>>) dst(%dma_wait3A_102 : memref<640x64xf32, #tpu.memory_space<hbm>>)
      tpu.yield
    }) : () -> ()
    return
  }
}

#map = affine_map<(d0, d1) -> (0, 0)>
#map1 = affine_map<(d0, d1) -> (0)>
#map2 = affine_map<(d0, d1) -> (0, 0, 0)>
module attributes {stable_mosaic.version = 14 : i64} {
  func.func @_sc_body(%arg0: i32, %arg1: i32, %arg2: memref<10000x64xf32, #tpu.memory_space<hbm>>, %arg3: memref<160000x128xf32, #tpu.memory_space<hbm>>, %arg4: memref<320000xi32, #tpu.memory_space<hbm>>, %arg5: memref<320000xi32, #tpu.memory_space<hbm>>, %arg6: memref<2x10240x64xf32, #tpu.memory_space<hbm>>, %arg7: memref<10240x64xf32, #tpu.memory_space<vmem_shared>>, %arg8: memref<80xi32, #tpu.memory_space<vmem>>, %arg9: memref<80xi32, #tpu.memory_space<vmem>>, %arg10: memref<80x64xf32, #tpu.memory_space<vmem>>, %arg11: memref<80x64xf32, #tpu.memory_space<vmem>>, %arg12: memref<80xi32, #tpu.memory_space<vmem>>, %arg13: memref<80xi32, #tpu.memory_space<vmem>>, %arg14: memref<80x64xf32, #tpu.memory_space<vmem>>, %arg15: memref<80x64xf32, #tpu.memory_space<vmem>>, %arg16: memref<!tpu.dma_semaphore, #tpu.memory_space<semaphore_mem>>, %arg17: memref<!tpu.dma_semaphore, #tpu.memory_space<semaphore_mem>>, %arg18: memref<!tpu.dma_semaphore, #tpu.memory_space<semaphore_mem>>, %arg19: memref<!tpu.dma_semaphore, #tpu.memory_space<semaphore_mem>>, %arg20: memref<!tpu.dma_semaphore, #tpu.memory_space<semaphore_mem>>, %arg21: memref<!tpu.dma_semaphore, #tpu.memory_space<semaphore_mem>>) attributes {dimension_semantics = [#tpu.dimension_semantics<core_parallel>, #tpu.dimension_semantics<subcore_parallel>], iteration_bounds = array<i64: 2, 16>, scalar_prefetch = 0 : i64, scratch_operands = 15 : i64, tpu.core_type = #tpu.core_type<sc_vector_subcore>, window_params = [{transform_indices = #map}, {transform_indices = #map}, {transform_indices = #map1}, {transform_indices = #map1}, {transform_indices = #map2}]} {
    %mul3A = arith.constant 16 : i32
    %mul3A_0 = arith.muli %arg0, %mul3A : i32
    %add3A = arith.addi %mul3A_0, %arg1 : i32
    %mul3A_1 = arith.constant 10000 : i32
    %mul3A_2 = arith.muli %add3A, %mul3A_1 : i32
    %parallel_loop3A = arith.constant 0 : i32
    %parallel_loop3A_3 = arith.constant 80 : i32
    %parallel_loop3A_4 = arith.constant 1 : i32
    scf.for %parallel_loop3A_95 = %parallel_loop3A to %parallel_loop3A_3 step %parallel_loop3A_4  : i32 {
      %parallel_loop3A_96 = arith.constant 0.000000e+00 : f32
      %parallel_loop3A_97 = vector.broadcast %parallel_loop3A_96 : f32 to vector<16xf32>
      %parallel_loop3A_98 = arith.index_cast %parallel_loop3A_95 : i32 to index
      %parallel_loop3A_99 = arith.constant 0 : index
      %parallel_loop3A_100 = tpu.vector_load %arg10[%parallel_loop3A_98, %parallel_loop3A_99] {strides = array<i32>} : memref<80x64xf32, #tpu.memory_space<vmem>>, vector<1x16xf32>,
      %parallel_loop3A_101 = vector.shape_cast %parallel_loop3A_100 : vector<1x16xf32> to vector<16xf32>
      %parallel_loop3A_102 = vector.shape_cast %parallel_loop3A_97 : vector<16xf32> to vector<1x16xf32>
      tpu.vector_store %arg10[%parallel_loop3A_98, %parallel_loop3A_99], %parallel_loop3A_102 {strides = array<i32>} : memref<80x64xf32, #tpu.memory_space<vmem>>, vector<1x16xf32>,
      %parallel_loop3A_103 = arith.constant 0.000000e+00 : f32
      %parallel_loop3A_104 = vector.broadcast %parallel_loop3A_103 : f32 to vector<16xf32>
      %parallel_loop3A_105 = arith.index_cast %parallel_loop3A_95 : i32 to index
      %parallel_loop3A_106 = arith.constant 16 : index
      %parallel_loop3A_107 = tpu.vector_load %arg10[%parallel_loop3A_105, %parallel_loop3A_106] {strides = array<i32>} : memref<80x64xf32, #tpu.memory_space<vmem>>, vector<1x16xf32>,
      %parallel_loop3A_108 = vector.shape_cast %parallel_loop3A_107 : vector<1x16xf32> to vector<16xf32>
      %parallel_loop3A_109 = vector.shape_cast %parallel_loop3A_104 : vector<16xf32> to vector<1x16xf32>
      tpu.vector_store %arg10[%parallel_loop3A_105, %parallel_loop3A_106], %parallel_loop3A_109 {strides = array<i32>} : memref<80x64xf32, #tpu.memory_space<vmem>>, vector<1x16xf32>,
      %parallel_loop3A_110 = arith.constant 0.000000e+00 : f32
      %parallel_loop3A_111 = vector.broadcast %parallel_loop3A_110 : f32 to vector<16xf32>
      %parallel_loop3A_112 = arith.index_cast %parallel_loop3A_95 : i32 to index
      %parallel_loop3A_113 = arith.constant 32 : index
      %parallel_loop3A_114 = tpu.vector_load %arg10[%parallel_loop3A_112, %parallel_loop3A_113] {strides = array<i32>} : memref<80x64xf32, #tpu.memory_space<vmem>>, vector<1x16xf32>,
      %parallel_loop3A_115 = vector.shape_cast %parallel_loop3A_114 : vector<1x16xf32> to vector<16xf32>
      %parallel_loop3A_116 = vector.shape_cast %parallel_loop3A_111 : vector<16xf32> to vector<1x16xf32>
      tpu.vector_store %arg10[%parallel_loop3A_112, %parallel_loop3A_113], %parallel_loop3A_116 {strides = array<i32>} : memref<80x64xf32, #tpu.memory_space<vmem>>, vector<1x16xf32>,
      %parallel_loop3A_117 = arith.constant 0.000000e+00 : f32
      %parallel_loop3A_118 = vector.broadcast %parallel_loop3A_117 : f32 to vector<16xf32>
      %parallel_loop3A_119 = arith.index_cast %parallel_loop3A_95 : i32 to index
      %parallel_loop3A_120 = arith.constant 48 : index
      %parallel_loop3A_121 = tpu.vector_load %arg10[%parallel_loop3A_119, %parallel_loop3A_120] {strides = array<i32>} : memref<80x64xf32, #tpu.memory_space<vmem>>, vector<1x16xf32>,
      %parallel_loop3A_122 = vector.shape_cast %parallel_loop3A_121 : vector<1x16xf32> to vector<16xf32>
      %parallel_loop3A_123 = vector.shape_cast %parallel_loop3A_118 : vector<16xf32> to vector<1x16xf32>
      tpu.vector_store %arg10[%parallel_loop3A_119, %parallel_loop3A_120], %parallel_loop3A_123 {strides = array<i32>} : memref<80x64xf32, #tpu.memory_space<vmem>>, vector<1x16xf32>,
    } {sc.loop_unroll_factor = 4 : i64, sc.parallel_access}
    %mul3A_5 = arith.constant 640 : i32
    %mul3A_6 = arith.muli %arg1, %mul3A_5 : i32
    %add3A_7 = arith.constant 0 : i32
    %add3A_8 = arith.addi %mul3A_6, %add3A_7 : i32
    "tpu.region"() ({
      %run_scoped3A = tpu.sem_alloc : memref<!tpu.dma_semaphore, #tpu.memory_space<semaphore_mem>>
      %dma_start3A_95 = arith.constant 0 : i32
      %dma_start3A_96 = tpu.memref_slice %arg7[%add3A_8, %dma_start3A_95] : memref<10240x64xf32, #tpu.memory_space<vmem_shared>> -> memref<80x64xf32, #tpu.memory_space<vmem_shared>>
      %dma_start3A_97 = arith.constant 0 : i32
      %dma_start3A_98 = tpu.memref_slice %arg7[%add3A_8, %dma_start3A_97] : memref<10240x64xf32, #tpu.memory_space<vmem_shared>> -> memref<80x64xf32, #tpu.memory_space<vmem_shared>>
      tpu.enqueue_dma source(%arg10 : memref<80x64xf32, #tpu.memory_space<vmem>>) target(%dma_start3A_98 : memref<80x64xf32, #tpu.memory_space<vmem_shared>>) target_semaphore(%run_scoped3A : memref<!tpu.dma_semaphore, #tpu.memory_space<semaphore_mem>>)
      %dma_wait3A_99 = arith.constant 0 : i32
      %dma_wait3A_100 = tpu.memref_slice %arg7[%add3A_8, %dma_wait3A_99] : memref<10240x64xf32, #tpu.memory_space<vmem_shared>> -> memref<80x64xf32, #tpu.memory_space<vmem_shared>>
      %dma_wait3A_101 = arith.constant 0 : i32
      %dma_wait3A_102 = tpu.memref_slice %arg7[%add3A_8, %dma_wait3A_101] : memref<10240x64xf32, #tpu.memory_space<vmem_shared>> -> memref<80x64xf32, #tpu.memory_space<vmem_shared>>
      tpu.wait_dma2 semaphore(%run_scoped3A : memref<!tpu.dma_semaphore, #tpu.memory_space<semaphore_mem>>) src(%arg10 : memref<80x64xf32, #tpu.memory_space<vmem>>) dst(%dma_wait3A_102 : memref<80x64xf32, #tpu.memory_space<vmem_shared>>)
      tpu.yield
    }) : () -> ()
    %mul3A_9 = arith.constant 640 : i32
    %mul3A_10 = arith.muli %arg1, %mul3A_9 : i32
    %add3A_11 = arith.constant 80 : i32
    %add3A_12 = arith.addi %mul3A_10, %add3A_11 : i32
    "tpu.region"() ({
      %run_scoped3A = tpu.sem_alloc : memref<!tpu.dma_semaphore, #tpu.memory_space<semaphore_mem>>
      %dma_start3A_95 = arith.constant 0 : i32
      %dma_start3A_96 = tpu.memref_slice %arg7[%add3A_12, %dma_start3A_95] : memref<10240x64xf32, #tpu.memory_space<vmem_shared>> -> memref<80x64xf32, #tpu.memory_space<vmem_shared>>
      %dma_start3A_97 = arith.constant 0 : i32
      %dma_start3A_98 = tpu.memref_slice %arg7[%add3A_12, %dma_start3A_97] : memref<10240x64xf32, #tpu.memory_space<vmem_shared>> -> memref<80x64xf32, #tpu.memory_space<vmem_shared>>
      tpu.enqueue_dma source(%arg10 : memref<80x64xf32, #tpu.memory_space<vmem>>) target(%dma_start3A_98 : memref<80x64xf32, #tpu.memory_space<vmem_shared>>) target_semaphore(%run_scoped3A : memref<!tpu.dma_semaphore, #tpu.memory_space<semaphore_mem>>)
      %dma_wait3A_99 = arith.constant 0 : i32
      %dma_wait3A_100 = tpu.memref_slice %arg7[%add3A_12, %dma_wait3A_99] : memref<10240x64xf32, #tpu.memory_space<vmem_shared>> -> memref<80x64xf32, #tpu.memory_space<vmem_shared>>
      %dma_wait3A_101 = arith.constant 0 : i32
      %dma_wait3A_102 = tpu.memref_slice %arg7[%add3A_12, %dma_wait3A_101] : memref<10240x64xf32, #tpu.memory_space<vmem_shared>> -> memref<80x64xf32, #tpu.memory_space<vmem_shared>>
      tpu.wait_dma2 semaphore(%run_scoped3A : memref<!tpu.dma_semaphore, #tpu.memory_space<semaphore_mem>>) src(%arg10 : memref<80x64xf32, #tpu.memory_space<vmem>>) dst(%dma_wait3A_102 : memref<80x64xf32, #tpu.memory_space<vmem_shared>>)
      tpu.yield
    }) : () -> ()
    %mul3A_13 = arith.constant 640 : i32
    %mul3A_14 = arith.muli %arg1, %mul3A_13 : i32
    %add3A_15 = arith.constant 160 : i32
    %add3A_16 = arith.addi %mul3A_14, %add3A_15 : i32
    "tpu.region"() ({
      %run_scoped3A = tpu.sem_alloc : memref<!tpu.dma_semaphore, #tpu.memory_space<semaphore_mem>>
      %dma_start3A_95 = arith.constant 0 : i32
      %dma_start3A_96 = tpu.memref_slice %arg7[%add3A_16, %dma_start3A_95] : memref<10240x64xf32, #tpu.memory_space<vmem_shared>> -> memref<80x64xf32, #tpu.memory_space<vmem_shared>>
      %dma_start3A_97 = arith.constant 0 : i32
      %dma_start3A_98 = tpu.memref_slice %arg7[%add3A_16, %dma_start3A_97] : memref<10240x64xf32, #tpu.memory_space<vmem_shared>> -> memref<80x64xf32, #tpu.memory_space<vmem_shared>>
      tpu.enqueue_dma source(%arg10 : memref<80x64xf32, #tpu.memory_space<vmem>>) target(%dma_start3A_98 : memref<80x64xf32, #tpu.memory_space<vmem_shared>>) target_semaphore(%run_scoped3A : memref<!tpu.dma_semaphore, #tpu.memory_space<semaphore_mem>>)
      %dma_wait3A_99 = arith.constant 0 : i32
      %dma_wait3A_100 = tpu.memref_slice %arg7[%add3A_16, %dma_wait3A_99] : memref<10240x64xf32, #tpu.memory_space<vmem_shared>> -> memref<80x64xf32, #tpu.memory_space<vmem_shared>>
      %dma_wait3A_101 = arith.constant 0 : i32
      %dma_wait3A_102 = tpu.memref_slice %arg7[%add3A_16, %dma_wait3A_101] : memref<10240x64xf32, #tpu.memory_space<vmem_shared>> -> memref<80x64xf32, #tpu.memory_space<vmem_shared>>
      tpu.wait_dma2 semaphore(%run_scoped3A : memref<!tpu.dma_semaphore, #tpu.memory_space<semaphore_mem>>) src(%arg10 : memref<80x64xf32, #tpu.memory_space<vmem>>) dst(%dma_wait3A_102 : memref<80x64xf32, #tpu.memory_space<vmem_shared>>)
      tpu.yield
    }) : () -> ()
    %mul3A_17 = arith.constant 640 : i32
    %mul3A_18 = arith.muli %arg1, %mul3A_17 : i32
    %add3A_19 = arith.constant 240 : i32
    %add3A_20 = arith.addi %mul3A_18, %add3A_19 : i32
    "tpu.region"() ({
      %run_scoped3A = tpu.sem_alloc : memref<!tpu.dma_semaphore, #tpu.memory_space<semaphore_mem>>
      %dma_start3A_95 = arith.constant 0 : i32
      %dma_start3A_96 = tpu.memref_slice %arg7[%add3A_20, %dma_start3A_95] : memref<10240x64xf32, #tpu.memory_space<vmem_shared>> -> memref<80x64xf32, #tpu.memory_space<vmem_shared>>
      %dma_start3A_97 = arith.constant 0 : i32
      %dma_start3A_98 = tpu.memref_slice %arg7[%add3A_20, %dma_start3A_97] : memref<10240x64xf32, #tpu.memory_space<vmem_shared>> -> memref<80x64xf32, #tpu.memory_space<vmem_shared>>
      tpu.enqueue_dma source(%arg10 : memref<80x64xf32, #tpu.memory_space<vmem>>) target(%dma_start3A_98 : memref<80x64xf32, #tpu.memory_space<vmem_shared>>) target_semaphore(%run_scoped3A : memref<!tpu.dma_semaphore, #tpu.memory_space<semaphore_mem>>)
      %dma_wait3A_99 = arith.constant 0 : i32
      %dma_wait3A_100 = tpu.memref_slice %arg7[%add3A_20, %dma_wait3A_99] : memref<10240x64xf32, #tpu.memory_space<vmem_shared>> -> memref<80x64xf32, #tpu.memory_space<vmem_shared>>
      %dma_wait3A_101 = arith.constant 0 : i32
      %dma_wait3A_102 = tpu.memref_slice %arg7[%add3A_20, %dma_wait3A_101] : memref<10240x64xf32, #tpu.memory_space<vmem_shared>> -> memref<80x64xf32, #tpu.memory_space<vmem_shared>>
      tpu.wait_dma2 semaphore(%run_scoped3A : memref<!tpu.dma_semaphore, #tpu.memory_space<semaphore_mem>>) src(%arg10 : memref<80x64xf32, #tpu.memory_space<vmem>>) dst(%dma_wait3A_102 : memref<80x64xf32, #tpu.memory_space<vmem_shared>>)
      tpu.yield
    }) : () -> ()
    %mul3A_21 = arith.constant 640 : i32
    %mul3A_22 = arith.muli %arg1, %mul3A_21 : i32
    %add3A_23 = arith.constant 320 : i32
    %add3A_24 = arith.addi %mul3A_22, %add3A_23 : i32
    "tpu.region"() ({
      %run_scoped3A = tpu.sem_alloc : memref<!tpu.dma_semaphore, #tpu.memory_space<semaphore_mem>>
      %dma_start3A_95 = arith.constant 0 : i32
      %dma_start3A_96 = tpu.memref_slice %arg7[%add3A_24, %dma_start3A_95] : memref<10240x64xf32, #tpu.memory_space<vmem_shared>> -> memref<80x64xf32, #tpu.memory_space<vmem_shared>>
      %dma_start3A_97 = arith.constant 0 : i32
      %dma_start3A_98 = tpu.memref_slice %arg7[%add3A_24, %dma_start3A_97] : memref<10240x64xf32, #tpu.memory_space<vmem_shared>> -> memref<80x64xf32, #tpu.memory_space<vmem_shared>>
      tpu.enqueue_dma source(%arg10 : memref<80x64xf32, #tpu.memory_space<vmem>>) target(%dma_start3A_98 : memref<80x64xf32, #tpu.memory_space<vmem_shared>>) target_semaphore(%run_scoped3A : memref<!tpu.dma_semaphore, #tpu.memory_space<semaphore_mem>>)
      %dma_wait3A_99 = arith.constant 0 : i32
      %dma_wait3A_100 = tpu.memref_slice %arg7[%add3A_24, %dma_wait3A_99] : memref<10240x64xf32, #tpu.memory_space<vmem_shared>> -> memref<80x64xf32, #tpu.memory_space<vmem_shared>>
      %dma_wait3A_101 = arith.constant 0 : i32
      %dma_wait3A_102 = tpu.memref_slice %arg7[%add3A_24, %dma_wait3A_101] : memref<10240x64xf32, #tpu.memory_space<vmem_shared>> -> memref<80x64xf32, #tpu.memory_space<vmem_shared>>
      tpu.wait_dma2 semaphore(%run_scoped3A : memref<!tpu.dma_semaphore, #tpu.memory_space<semaphore_mem>>) src(%arg10 : memref<80x64xf32, #tpu.memory_space<vmem>>) dst(%dma_wait3A_102 : memref<80x64xf32, #tpu.memory_space<vmem_shared>>)
      tpu.yield
    }) : () -> ()
    %mul3A_25 = arith.constant 640 : i32
    %mul3A_26 = arith.muli %arg1, %mul3A_25 : i32
    %add3A_27 = arith.constant 400 : i32
    %add3A_28 = arith.addi %mul3A_26, %add3A_27 : i32
    "tpu.region"() ({
      %run_scoped3A = tpu.sem_alloc : memref<!tpu.dma_semaphore, #tpu.memory_space<semaphore_mem>>
      %dma_start3A_95 = arith.constant 0 : i32
      %dma_start3A_96 = tpu.memref_slice %arg7[%add3A_28, %dma_start3A_95] : memref<10240x64xf32, #tpu.memory_space<vmem_shared>> -> memref<80x64xf32, #tpu.memory_space<vmem_shared>>
      %dma_start3A_97 = arith.constant 0 : i32
      %dma_start3A_98 = tpu.memref_slice %arg7[%add3A_28, %dma_start3A_97] : memref<10240x64xf32, #tpu.memory_space<vmem_shared>> -> memref<80x64xf32, #tpu.memory_space<vmem_shared>>
      tpu.enqueue_dma source(%arg10 : memref<80x64xf32, #tpu.memory_space<vmem>>) target(%dma_start3A_98 : memref<80x64xf32, #tpu.memory_space<vmem_shared>>) target_semaphore(%run_scoped3A : memref<!tpu.dma_semaphore, #tpu.memory_space<semaphore_mem>>)
      %dma_wait3A_99 = arith.constant 0 : i32
      %dma_wait3A_100 = tpu.memref_slice %arg7[%add3A_28, %dma_wait3A_99] : memref<10240x64xf32, #tpu.memory_space<vmem_shared>> -> memref<80x64xf32, #tpu.memory_space<vmem_shared>>
      %dma_wait3A_101 = arith.constant 0 : i32
      %dma_wait3A_102 = tpu.memref_slice %arg7[%add3A_28, %dma_wait3A_101] : memref<10240x64xf32, #tpu.memory_space<vmem_shared>> -> memref<80x64xf32, #tpu.memory_space<vmem_shared>>
      tpu.wait_dma2 semaphore(%run_scoped3A : memref<!tpu.dma_semaphore, #tpu.memory_space<semaphore_mem>>) src(%arg10 : memref<80x64xf32, #tpu.memory_space<vmem>>) dst(%dma_wait3A_102 : memref<80x64xf32, #tpu.memory_space<vmem_shared>>)
      tpu.yield
    }) : () -> ()
    %mul3A_29 = arith.constant 640 : i32
    %mul3A_30 = arith.muli %arg1, %mul3A_29 : i32
    %add3A_31 = arith.constant 480 : i32
    %add3A_32 = arith.addi %mul3A_30, %add3A_31 : i32
    "tpu.region"() ({
      %run_scoped3A = tpu.sem_alloc : memref<!tpu.dma_semaphore, #tpu.memory_space<semaphore_mem>>
      %dma_start3A_95 = arith.constant 0 : i32
      %dma_start3A_96 = tpu.memref_slice %arg7[%add3A_32, %dma_start3A_95] : memref<10240x64xf32, #tpu.memory_space<vmem_shared>> -> memref<80x64xf32, #tpu.memory_space<vmem_shared>>
      %dma_start3A_97 = arith.constant 0 : i32
      %dma_start3A_98 = tpu.memref_slice %arg7[%add3A_32, %dma_start3A_97] : memref<10240x64xf32, #tpu.memory_space<vmem_shared>> -> memref<80x64xf32, #tpu.memory_space<vmem_shared>>
      tpu.enqueue_dma source(%arg10 : memref<80x64xf32, #tpu.memory_space<vmem>>) target(%dma_start3A_98 : memref<80x64xf32, #tpu.memory_space<vmem_shared>>) target_semaphore(%run_scoped3A : memref<!tpu.dma_semaphore, #tpu.memory_space<semaphore_mem>>)
      %dma_wait3A_99 = arith.constant 0 : i32
      %dma_wait3A_100 = tpu.memref_slice %arg7[%add3A_32, %dma_wait3A_99] : memref<10240x64xf32, #tpu.memory_space<vmem_shared>> -> memref<80x64xf32, #tpu.memory_space<vmem_shared>>
      %dma_wait3A_101 = arith.constant 0 : i32
      %dma_wait3A_102 = tpu.memref_slice %arg7[%add3A_32, %dma_wait3A_101] : memref<10240x64xf32, #tpu.memory_space<vmem_shared>> -> memref<80x64xf32, #tpu.memory_space<vmem_shared>>
      tpu.wait_dma2 semaphore(%run_scoped3A : memref<!tpu.dma_semaphore, #tpu.memory_space<semaphore_mem>>) src(%arg10 : memref<80x64xf32, #tpu.memory_space<vmem>>) dst(%dma_wait3A_102 : memref<80x64xf32, #tpu.memory_space<vmem_shared>>)
      tpu.yield
    }) : () -> ()
    %mul3A_33 = arith.constant 640 : i32
    %mul3A_34 = arith.muli %arg1, %mul3A_33 : i32
    %add3A_35 = arith.constant 560 : i32
    %add3A_36 = arith.addi %mul3A_34, %add3A_35 : i32
    "tpu.region"() ({
      %run_scoped3A = tpu.sem_alloc : memref<!tpu.dma_semaphore, #tpu.memory_space<semaphore_mem>>
      %dma_start3A_95 = arith.constant 0 : i32
      %dma_start3A_96 = tpu.memref_slice %arg7[%add3A_36, %dma_start3A_95] : memref<10240x64xf32, #tpu.memory_space<vmem_shared>> -> memref<80x64xf32, #tpu.memory_space<vmem_shared>>
      %dma_start3A_97 = arith.constant 0 : i32
      %dma_start3A_98 = tpu.memref_slice %arg7[%add3A_36, %dma_start3A_97] : memref<10240x64xf32, #tpu.memory_space<vmem_shared>> -> memref<80x64xf32, #tpu.memory_space<vmem_shared>>
      tpu.enqueue_dma source(%arg10 : memref<80x64xf32, #tpu.memory_space<vmem>>) target(%dma_start3A_98 : memref<80x64xf32, #tpu.memory_space<vmem_shared>>) target_semaphore(%run_scoped3A : memref<!tpu.dma_semaphore, #tpu.memory_space<semaphore_mem>>)
      %dma_wait3A_99 = arith.constant 0 : i32
      %dma_wait3A_100 = tpu.memref_slice %arg7[%add3A_36, %dma_wait3A_99] : memref<10240x64xf32, #tpu.memory_space<vmem_shared>> -> memref<80x64xf32, #tpu.memory_space<vmem_shared>>
      %dma_wait3A_101 = arith.constant 0 : i32
      %dma_wait3A_102 = tpu.memref_slice %arg7[%add3A_36, %dma_wait3A_101] : memref<10240x64xf32, #tpu.memory_space<vmem_shared>> -> memref<80x64xf32, #tpu.memory_space<vmem_shared>>
      tpu.wait_dma2 semaphore(%run_scoped3A : memref<!tpu.dma_semaphore, #tpu.memory_space<semaphore_mem>>) src(%arg10 : memref<80x64xf32, #tpu.memory_space<vmem>>) dst(%dma_wait3A_102 : memref<80x64xf32, #tpu.memory_space<vmem_shared>>)
      tpu.yield
    }) : () -> ()
    %barrier3A = arith.constant 0 : index
    tpu.barrier barrier_id(%barrier3A)
    %mul3A_37 = arith.constant 64 : i32
    %mul3A_38 = arith.muli %arg0, %mul3A_37 : i32
    %add3A_39 = arith.constant 0 : i32
    %add3A_40 = arith.addi %mul3A_2, %add3A_39 : i32
    %mul3A_41 = arith.constant 10000 : i32
    %mul3A_42 = arith.muli %arg1, %mul3A_41 : i32
    %add3A_43 = arith.constant 0 : i32
    %add3A_44 = arith.addi %mul3A_42, %add3A_43 : i32
    %dma_start3A = tpu.memref_slice %arg4[%add3A_40] : memref<320000xi32, #tpu.memory_space<hbm>> -> memref<80xi32, #tpu.memory_space<hbm>>
    %dma_start3A_45 = tpu.memref_slice %arg4[%add3A_40] : memref<320000xi32, #tpu.memory_space<hbm>> -> memref<80xi32, #tpu.memory_space<hbm>>
    tpu.enqueue_dma source(%dma_start3A_45 : memref<80xi32, #tpu.memory_space<hbm>>) target(%arg8 : memref<80xi32, #tpu.memory_space<vmem>>) target_semaphore(%arg16 : memref<!tpu.dma_semaphore, #tpu.memory_space<semaphore_mem>>)
    %dma_start3A_46 = tpu.memref_slice %arg5[%add3A_40] : memref<320000xi32, #tpu.memory_space<hbm>> -> memref<80xi32, #tpu.memory_space<hbm>>
    %dma_start3A_47 = tpu.memref_slice %arg5[%add3A_40] : memref<320000xi32, #tpu.memory_space<hbm>> -> memref<80xi32, #tpu.memory_space<hbm>>
    tpu.enqueue_dma source(%dma_start3A_47 : memref<80xi32, #tpu.memory_space<hbm>>) target(%arg9 : memref<80xi32, #tpu.memory_space<vmem>>) target_semaphore(%arg16 : memref<!tpu.dma_semaphore, #tpu.memory_space<semaphore_mem>>)
    %dma_start3A_48 = tpu.memref_slice %arg3[%add3A_44, %mul3A_38] : memref<160000x128xf32, #tpu.memory_space<hbm>> -> memref<80x64xf32, #tpu.memory_space<hbm>>
    %dma_start3A_49 = tpu.memref_slice %arg3[%add3A_44, %mul3A_38] : memref<160000x128xf32, #tpu.memory_space<hbm>> -> memref<80x64xf32, #tpu.memory_space<hbm>>
    tpu.enqueue_dma source(%dma_start3A_49 : memref<80x64xf32, #tpu.memory_space<hbm>>) target(%arg11 : memref<80x64xf32, #tpu.memory_space<vmem>>) target_semaphore(%arg17 : memref<!tpu.dma_semaphore, #tpu.memory_space<semaphore_mem>>)
    %add3A_50 = arith.constant 80 : i32
    %add3A_51 = arith.addi %mul3A_2, %add3A_50 : i32
    %mul3A_52 = arith.constant 10000 : i32
    %mul3A_53 = arith.muli %arg1, %mul3A_52 : i32
    %add3A_54 = arith.constant 80 : i32
    %add3A_55 = arith.addi %mul3A_53, %add3A_54 : i32
    %dma_start3A_56 = tpu.memref_slice %arg4[%add3A_51] : memref<320000xi32, #tpu.memory_space<hbm>> -> memref<80xi32, #tpu.memory_space<hbm>>
    %dma_start3A_57 = tpu.memref_slice %arg4[%add3A_51] : memref<320000xi32, #tpu.memory_space<hbm>> -> memref<80xi32, #tpu.memory_space<hbm>>
    tpu.enqueue_dma source(%dma_start3A_57 : memref<80xi32, #tpu.memory_space<hbm>>) target(%arg12 : memref<80xi32, #tpu.memory_space<vmem>>) target_semaphore(%arg19 : memref<!tpu.dma_semaphore, #tpu.memory_space<semaphore_mem>>)
    %dma_start3A_58 = tpu.memref_slice %arg5[%add3A_51] : memref<320000xi32, #tpu.memory_space<hbm>> -> memref<80xi32, #tpu.memory_space<hbm>>
    %dma_start3A_59 = tpu.memref_slice %arg5[%add3A_51] : memref<320000xi32, #tpu.memory_space<hbm>> -> memref<80xi32, #tpu.memory_space<hbm>>
    tpu.enqueue_dma source(%dma_start3A_59 : memref<80xi32, #tpu.memory_space<hbm>>) target(%arg13 : memref<80xi32, #tpu.memory_space<vmem>>) target_semaphore(%arg19 : memref<!tpu.dma_semaphore, #tpu.memory_space<semaphore_mem>>)
    %dma_start3A_60 = tpu.memref_slice %arg3[%add3A_55, %mul3A_38] : memref<160000x128xf32, #tpu.memory_space<hbm>> -> memref<80x64xf32, #tpu.memory_space<hbm>>
    %dma_start3A_61 = tpu.memref_slice %arg3[%add3A_55, %mul3A_38] : memref<160000x128xf32, #tpu.memory_space<hbm>> -> memref<80x64xf32, #tpu.memory_space<hbm>>
    tpu.enqueue_dma source(%dma_start3A_61 : memref<80x64xf32, #tpu.memory_space<hbm>>) target(%arg15 : memref<80x64xf32, #tpu.memory_space<vmem>>) target_semaphore(%arg20 : memref<!tpu.dma_semaphore, #tpu.memory_space<semaphore_mem>>)
    %dma_wait3A = arith.constant 0 : i32
    %dma_wait3A_62 = tpu.memref_slice %arg4[%dma_wait3A] : memref<320000xi32, #tpu.memory_space<hbm>> -> memref<80xi32, #tpu.memory_space<hbm>>
    %dma_wait3A_63 = arith.constant 0 : i32
    %dma_wait3A_64 = tpu.memref_slice %arg4[%dma_wait3A_63] : memref<320000xi32, #tpu.memory_space<hbm>> -> memref<80xi32, #tpu.memory_space<hbm>>
    tpu.wait_dma2 semaphore(%arg16 : memref<!tpu.dma_semaphore, #tpu.memory_space<semaphore_mem>>) src(%dma_wait3A_64 : memref<80xi32, #tpu.memory_space<hbm>>) dst(%arg8 : memref<80xi32, #tpu.memory_space<vmem>>)
    %dma_wait3A_65 = arith.constant 0 : i32
    %dma_wait3A_66 = tpu.memref_slice %arg5[%dma_wait3A_65] : memref<320000xi32, #tpu.memory_space<hbm>> -> memref<80xi32, #tpu.memory_space<hbm>>
    %dma_wait3A_67 = arith.constant 0 : i32
    %dma_wait3A_68 = tpu.memref_slice %arg5[%dma_wait3A_67] : memref<320000xi32, #tpu.memory_space<hbm>> -> memref<80xi32, #tpu.memory_space<hbm>>
    tpu.wait_dma2 semaphore(%arg16 : memref<!tpu.dma_semaphore, #tpu.memory_space<semaphore_mem>>) src(%dma_wait3A_68 : memref<80xi32, #tpu.memory_space<hbm>>) dst(%arg9 : memref<80xi32, #tpu.memory_space<vmem>>)
    %dma_start3A_69 = arith.constant 0 : i32
    %dma_start3A_70 = arith.constant 0 : i32
    %dma_start3A_71 = tpu.memref_slice %arg2[%dma_start3A_69, %dma_start3A_70] : memref<10000x64xf32, #tpu.memory_space<hbm>> -> memref<10000x64xf32, #tpu.memory_space<hbm>>
    tpu.enqueue_indirect_dma source(%dma_start3A_71 : memref<10000x64xf32, #tpu.memory_space<hbm>>) target(%arg10 : memref<80x64xf32, #tpu.memory_space<vmem>>) offsets(%arg8 : memref<80xi32, #tpu.memory_space<vmem>>) semaphore(%arg18 : memref<!tpu.dma_semaphore, #tpu.memory_space<semaphore_mem>>)
    %scan3A = arith.constant 0 : i32
    %scan3A_72 = arith.constant 0 : i32
    %scan3A_73 = arith.constant 62 : i32
    %scan3A_74 = arith.addi %scan3A_72, %scan3A_73 : i32
    %scan3A_75 = arith.constant 1 : i32
    %scan3A_76 = scf.for %scan3A_95 = %scan3A_72 to %scan3A_74 step %scan3A_75 iter_args(%scan3A_96 = %scan3A) -> (i32)  : i32 {
      %mul3A_97 = arith.constant 2 : i32
      %mul3A_98 = arith.muli %mul3A_97, %scan3A_95 : i32
      %dma_wait3A_99 = arith.constant 0 : i32
      %dma_wait3A_100 = tpu.memref_slice %arg4[%dma_wait3A_99] : memref<320000xi32, #tpu.memory_space<hbm>> -> memref<80xi32, #tpu.memory_space<hbm>>
      %dma_wait3A_101 = arith.constant 0 : i32
      %dma_wait3A_102 = tpu.memref_slice %arg4[%dma_wait3A_101] : memref<320000xi32, #tpu.memory_space<hbm>> -> memref<80xi32, #tpu.memory_space<hbm>>
      tpu.wait_dma2 semaphore(%arg19 : memref<!tpu.dma_semaphore, #tpu.memory_space<semaphore_mem>>) src(%dma_wait3A_102 : memref<80xi32, #tpu.memory_space<hbm>>) dst(%arg12 : memref<80xi32, #tpu.memory_space<vmem>>)
      %dma_wait3A_103 = arith.constant 0 : i32
      %dma_wait3A_104 = tpu.memref_slice %arg5[%dma_wait3A_103] : memref<320000xi32, #tpu.memory_space<hbm>> -> memref<80xi32, #tpu.memory_space<hbm>>
      %dma_wait3A_105 = arith.constant 0 : i32
      %dma_wait3A_106 = tpu.memref_slice %arg5[%dma_wait3A_105] : memref<320000xi32, #tpu.memory_space<hbm>> -> memref<80xi32, #tpu.memory_space<hbm>>
      tpu.wait_dma2 semaphore(%arg19 : memref<!tpu.dma_semaphore, #tpu.memory_space<semaphore_mem>>) src(%dma_wait3A_106 : memref<80xi32, #tpu.memory_space<hbm>>) dst(%arg13 : memref<80xi32, #tpu.memory_space<vmem>>)
      %dma_start3A_107 = arith.constant 0 : i32
      %dma_start3A_108 = arith.constant 0 : i32
      %dma_start3A_109 = tpu.memref_slice %arg2[%dma_start3A_107, %dma_start3A_108] : memref<10000x64xf32, #tpu.memory_space<hbm>> -> memref<10000x64xf32, #tpu.memory_space<hbm>>
      tpu.enqueue_indirect_dma source(%dma_start3A_109 : memref<10000x64xf32, #tpu.memory_space<hbm>>) target(%arg14 : memref<80x64xf32, #tpu.memory_space<vmem>>) offsets(%arg12 : memref<80xi32, #tpu.memory_space<vmem>>) semaphore(%arg21 : memref<!tpu.dma_semaphore, #tpu.memory_space<semaphore_mem>>)
      %dma_wait3A_110 = arith.constant 0 : i32
      %dma_wait3A_111 = arith.constant 0 : i32
      %dma_wait3A_112 = tpu.memref_slice %arg3[%dma_wait3A_110, %dma_wait3A_111] : memref<160000x128xf32, #tpu.memory_space<hbm>> -> memref<80x64xf32, #tpu.memory_space<hbm>>
      %dma_wait3A_113 = arith.constant 0 : i32
      %dma_wait3A_114 = arith.constant 0 : i32
      %dma_wait3A_115 = tpu.memref_slice %arg3[%dma_wait3A_113, %dma_wait3A_114] : memref<160000x128xf32, #tpu.memory_space<hbm>> -> memref<80x64xf32, #tpu.memory_space<hbm>>
      tpu.wait_dma2 semaphore(%arg17 : memref<!tpu.dma_semaphore, #tpu.memory_space<semaphore_mem>>) src(%dma_wait3A_115 : memref<80x64xf32, #tpu.memory_space<hbm>>) dst(%arg11 : memref<80x64xf32, #tpu.memory_space<vmem>>)
      %dma_wait3A_116 = arith.constant 0 : i32
      %dma_wait3A_117 = arith.constant 0 : i32
      %dma_wait3A_118 = tpu.memref_slice %arg2[%dma_wait3A_116, %dma_wait3A_117] : memref<10000x64xf32, #tpu.memory_space<hbm>> -> memref<10000x64xf32, #tpu.memory_space<hbm>>
      tpu.wait_indirect_dma semaphore(%arg18 : memref<!tpu.dma_semaphore, #tpu.memory_space<semaphore_mem>>) src(%dma_wait3A_118 : memref<10000x64xf32, #tpu.memory_space<hbm>>) dst(%arg10 : memref<80x64xf32, #tpu.memory_space<vmem>>)
      %parallel_loop3A_119 = arith.constant 0 : i32
      %parallel_loop3A_120 = arith.constant 80 : i32
      %parallel_loop3A_121 = arith.constant 1 : i32
      scf.for %parallel_loop3A_166 = %parallel_loop3A_119 to %parallel_loop3A_120 step %parallel_loop3A_121  : i32 {
        %parallel_loop3A_167 = arith.index_cast %parallel_loop3A_166 : i32 to index
        %parallel_loop3A_168 = arith.constant 0 : index
        %parallel_loop3A_169 = tpu.vector_load %arg10[%parallel_loop3A_167, %parallel_loop3A_168] {strides = array<i32>} : memref<80x64xf32, #tpu.memory_space<vmem>>, vector<1x16xf32>,
        %parallel_loop3A_170 = vector.shape_cast %parallel_loop3A_169 : vector<1x16xf32> to vector<16xf32>
        %parallel_loop3A_171 = arith.index_cast %parallel_loop3A_166 : i32 to index
        %parallel_loop3A_172 = arith.constant 0 : index
        %parallel_loop3A_173 = tpu.vector_load %arg11[%parallel_loop3A_171, %parallel_loop3A_172] {strides = array<i32>} : memref<80x64xf32, #tpu.memory_space<vmem>>, vector<1x16xf32>,
        %parallel_loop3A_174 = vector.shape_cast %parallel_loop3A_173 : vector<1x16xf32> to vector<16xf32>
        %parallel_loop3A_175 = arith.mulf %parallel_loop3A_170, %parallel_loop3A_174 : vector<16xf32>
        %parallel_loop3A_176 = arith.index_cast %parallel_loop3A_166 : i32 to index
        %parallel_loop3A_177 = arith.constant 0 : index
        %parallel_loop3A_178 = tpu.vector_load %arg10[%parallel_loop3A_176, %parallel_loop3A_177] {strides = array<i32>} : memref<80x64xf32, #tpu.memory_space<vmem>>, vector<1x16xf32>,
        %parallel_loop3A_179 = vector.shape_cast %parallel_loop3A_178 : vector<1x16xf32> to vector<16xf32>
        %parallel_loop3A_180 = vector.shape_cast %parallel_loop3A_175 : vector<16xf32> to vector<1x16xf32>
        tpu.vector_store %arg10[%parallel_loop3A_176, %parallel_loop3A_177], %parallel_loop3A_180 {strides = array<i32>} : memref<80x64xf32, #tpu.memory_space<vmem>>, vector<1x16xf32>,
        %parallel_loop3A_181 = arith.index_cast %parallel_loop3A_166 : i32 to index
        %parallel_loop3A_182 = arith.constant 16 : index
        %parallel_loop3A_183 = tpu.vector_load %arg10[%parallel_loop3A_181, %parallel_loop3A_182] {strides = array<i32>} : memref<80x64xf32, #tpu.memory_space<vmem>>, vector<1x16xf32>,
        %parallel_loop3A_184 = vector.shape_cast %parallel_loop3A_183 : vector<1x16xf32> to vector<16xf32>
        %parallel_loop3A_185 = arith.index_cast %parallel_loop3A_166 : i32 to index
        %parallel_loop3A_186 = arith.constant 16 : index
        %parallel_loop3A_187 = tpu.vector_load %arg11[%parallel_loop3A_185, %parallel_loop3A_186] {strides = array<i32>} : memref<80x64xf32, #tpu.memory_space<vmem>>, vector<1x16xf32>,
        %parallel_loop3A_188 = vector.shape_cast %parallel_loop3A_187 : vector<1x16xf32> to vector<16xf32>
        %parallel_loop3A_189 = arith.mulf %parallel_loop3A_184, %parallel_loop3A_188 : vector<16xf32>
        %parallel_loop3A_190 = arith.index_cast %parallel_loop3A_166 : i32 to index
        %parallel_loop3A_191 = arith.constant 16 : index
        %parallel_loop3A_192 = tpu.vector_load %arg10[%parallel_loop3A_190, %parallel_loop3A_191] {strides = array<i32>} : memref<80x64xf32, #tpu.memory_space<vmem>>, vector<1x16xf32>,
        %parallel_loop3A_193 = vector.shape_cast %parallel_loop3A_192 : vector<1x16xf32> to vector<16xf32>
        %parallel_loop3A_194 = vector.shape_cast %parallel_loop3A_189 : vector<16xf32> to vector<1x16xf32>
        tpu.vector_store %arg10[%parallel_loop3A_190, %parallel_loop3A_191], %parallel_loop3A_194 {strides = array<i32>} : memref<80x64xf32, #tpu.memory_space<vmem>>, vector<1x16xf32>,
        %parallel_loop3A_195 = arith.index_cast %parallel_loop3A_166 : i32 to index
        %parallel_loop3A_196 = arith.constant 32 : index
        %parallel_loop3A_197 = tpu.vector_load %arg10[%parallel_loop3A_195, %parallel_loop3A_196] {strides = array<i32>} : memref<80x64xf32, #tpu.memory_space<vmem>>, vector<1x16xf32>,
        %parallel_loop3A_198 = vector.shape_cast %parallel_loop3A_197 : vector<1x16xf32> to vector<16xf32>
        %parallel_loop3A_199 = arith.index_cast %parallel_loop3A_166 : i32 to index
        %parallel_loop3A_200 = arith.constant 32 : index
        %parallel_loop3A_201 = tpu.vector_load %arg11[%parallel_loop3A_199, %parallel_loop3A_200] {strides = array<i32>} : memref<80x64xf32, #tpu.memory_space<vmem>>, vector<1x16xf32>,
        %parallel_loop3A_202 = vector.shape_cast %parallel_loop3A_201 : vector<1x16xf32> to vector<16xf32>
        %parallel_loop3A_203 = arith.mulf %parallel_loop3A_198, %parallel_loop3A_202 : vector<16xf32>
        %parallel_loop3A_204 = arith.index_cast %parallel_loop3A_166 : i32 to index
        %parallel_loop3A_205 = arith.constant 32 : index
        %parallel_loop3A_206 = tpu.vector_load %arg10[%parallel_loop3A_204, %parallel_loop3A_205] {strides = array<i32>} : memref<80x64xf32, #tpu.memory_space<vmem>>, vector<1x16xf32>,
        %parallel_loop3A_207 = vector.shape_cast %parallel_loop3A_206 : vector<1x16xf32> to vector<16xf32>
        %parallel_loop3A_208 = vector.shape_cast %parallel_loop3A_203 : vector<16xf32> to vector<1x16xf32>
        tpu.vector_store %arg10[%parallel_loop3A_204, %parallel_loop3A_205], %parallel_loop3A_208 {strides = array<i32>} : memref<80x64xf32, #tpu.memory_space<vmem>>, vector<1x16xf32>,
        %parallel_loop3A_209 = arith.index_cast %parallel_loop3A_166 : i32 to index
        %parallel_loop3A_210 = arith.constant 48 : index
        %parallel_loop3A_211 = tpu.vector_load %arg10[%parallel_loop3A_209, %parallel_loop3A_210] {strides = array<i32>} : memref<80x64xf32, #tpu.memory_space<vmem>>, vector<1x16xf32>,
        %parallel_loop3A_212 = vector.shape_cast %parallel_loop3A_211 : vector<1x16xf32> to vector<16xf32>
        %parallel_loop3A_213 = arith.index_cast %parallel_loop3A_166 : i32 to index
        %parallel_loop3A_214 = arith.constant 48 : index
        %parallel_loop3A_215 = tpu.vector_load %arg11[%parallel_loop3A_213, %parallel_loop3A_214] {strides = array<i32>} : memref<80x64xf32, #tpu.memory_space<vmem>>, vector<1x16xf32>,
        %parallel_loop3A_216 = vector.shape_cast %parallel_loop3A_215 : vector<1x16xf32> to vector<16xf32>
        %parallel_loop3A_217 = arith.mulf %parallel_loop3A_212, %parallel_loop3A_216 : vector<16xf32>
        %parallel_loop3A_218 = arith.index_cast %parallel_loop3A_166 : i32 to index
        %parallel_loop3A_219 = arith.constant 48 : index
        %parallel_loop3A_220 = tpu.vector_load %arg10[%parallel_loop3A_218, %parallel_loop3A_219] {strides = array<i32>} : memref<80x64xf32, #tpu.memory_space<vmem>>, vector<1x16xf32>,
        %parallel_loop3A_221 = vector.shape_cast %parallel_loop3A_220 : vector<1x16xf32> to vector<16xf32>
        %parallel_loop3A_222 = vector.shape_cast %parallel_loop3A_217 : vector<16xf32> to vector<1x16xf32>
        tpu.vector_store %arg10[%parallel_loop3A_218, %parallel_loop3A_219], %parallel_loop3A_222 {strides = array<i32>} : memref<80x64xf32, #tpu.memory_space<vmem>>, vector<1x16xf32>,
      } {sc.loop_unroll_factor = 4 : i64, sc.parallel_access}
      "tpu.region"() ({
        %run_scoped3A = tpu.sem_alloc : memref<!tpu.dma_semaphore, #tpu.memory_space<semaphore_mem>>
        %dma_start3A_166 = arith.constant 0 : i32
        %dma_start3A_167 = arith.constant 0 : i32
        %dma_start3A_168 = tpu.memref_slice %arg7[%dma_start3A_166, %dma_start3A_167] : memref<10240x64xf32, #tpu.memory_space<vmem_shared>> -> memref<10240x64xf32, #tpu.memory_space<vmem_shared>>
        tpu.enqueue_indirect_dma source(%arg10 : memref<80x64xf32, #tpu.memory_space<vmem>>) target(%dma_start3A_168 : memref<10240x64xf32, #tpu.memory_space<vmem_shared>>) offsets(%arg9 : memref<80xi32, #tpu.memory_space<vmem>>) semaphore(%run_scoped3A : memref<!tpu.dma_semaphore, #tpu.memory_space<semaphore_mem>>) {add = true}
        %dma_wait3A_169 = arith.constant 0 : i32
        %dma_wait3A_170 = arith.constant 0 : i32
        %dma_wait3A_171 = tpu.memref_slice %arg7[%dma_wait3A_169, %dma_wait3A_170] : memref<10240x64xf32, #tpu.memory_space<vmem_shared>> -> memref<10240x64xf32, #tpu.memory_space<vmem_shared>>
        tpu.wait_indirect_dma semaphore(%run_scoped3A : memref<!tpu.dma_semaphore, #tpu.memory_space<semaphore_mem>>) src(%arg10 : memref<80x64xf32, #tpu.memory_space<vmem>>) dst(%dma_wait3A_171 : memref<10240x64xf32, #tpu.memory_space<vmem_shared>>)
        tpu.yield
      }) : () -> ()
      %add3A_122 = arith.constant 2 : i32
      %add3A_123 = arith.addi %mul3A_98, %add3A_122 : i32
      %mul3A_124 = arith.constant 80 : i32
      %mul3A_125 = arith.muli %add3A_123, %mul3A_124 : i32
      %add3A_126 = arith.addi %mul3A_2, %mul3A_125 : i32
      %mul3A_127 = arith.constant 10000 : i32
      %mul3A_128 = arith.muli %arg1, %mul3A_127 : i32
      %mul3A_129 = arith.constant 80 : i32
      %mul3A_130 = arith.muli %add3A_123, %mul3A_129 : i32
      %add3A_131 = arith.addi %mul3A_128, %mul3A_130 : i32
      %dma_start3A_132 = tpu.memref_slice %arg4[%add3A_126] : memref<320000xi32, #tpu.memory_space<hbm>> -> memref<80xi32, #tpu.memory_space<hbm>>
      %dma_start3A_133 = tpu.memref_slice %arg4[%add3A_126] : memref<320000xi32, #tpu.memory_space<hbm>> -> memref<80xi32, #tpu.memory_space<hbm>>
      tpu.enqueue_dma source(%dma_start3A_133 : memref<80xi32, #tpu.memory_space<hbm>>) target(%arg8 : memref<80xi32, #tpu.memory_space<vmem>>) target_semaphore(%arg16 : memref<!tpu.dma_semaphore, #tpu.memory_space<semaphore_mem>>)
      %dma_start3A_134 = tpu.memref_slice %arg5[%add3A_126] : memref<320000xi32, #tpu.memory_space<hbm>> -> memref<80xi32, #tpu.memory_space<hbm>>
      %dma_start3A_135 = tpu.memref_slice %arg5[%add3A_126] : memref<320000xi32, #tpu.memory_space<hbm>> -> memref<80xi32, #tpu.memory_space<hbm>>
      tpu.enqueue_dma source(%dma_start3A_135 : memref<80xi32, #tpu.memory_space<hbm>>) target(%arg9 : memref<80xi32, #tpu.memory_space<vmem>>) target_semaphore(%arg16 : memref<!tpu.dma_semaphore, #tpu.memory_space<semaphore_mem>>)
      %dma_start3A_136 = tpu.memref_slice %arg3[%add3A_131, %mul3A_38] : memref<160000x128xf32, #tpu.memory_space<hbm>> -> memref<80x64xf32, #tpu.memory_space<hbm>>
      %dma_start3A_137 = tpu.memref_slice %arg3[%add3A_131, %mul3A_38] : memref<160000x128xf32, #tpu.memory_space<hbm>> -> memref<80x64xf32, #tpu.memory_space<hbm>>
      tpu.enqueue_dma source(%dma_start3A_137 : memref<80x64xf32, #tpu.memory_space<hbm>>) target(%arg11 : memref<80x64xf32, #tpu.memory_space<vmem>>) target_semaphore(%arg17 : memref<!tpu.dma_semaphore, #tpu.memory_space<semaphore_mem>>)
      %dma_wait3A_138 = arith.constant 0 : i32
      %dma_wait3A_139 = tpu.memref_slice %arg4[%dma_wait3A_138] : memref<320000xi32, #tpu.memory_space<hbm>> -> memref<80xi32, #tpu.memory_space<hbm>>
      %dma_wait3A_140 = arith.constant 0 : i32
      %dma_wait3A_141 = tpu.memref_slice %arg4[%dma_wait3A_140] : memref<320000xi32, #tpu.memory_space<hbm>> -> memref<80xi32, #tpu.memory_space<hbm>>
      tpu.wait_dma2 semaphore(%arg16 : memref<!tpu.dma_semaphore, #tpu.memory_space<semaphore_mem>>) src(%dma_wait3A_141 : memref<80xi32, #tpu.memory_space<hbm>>) dst(%arg8 : memref<80xi32, #tpu.memory_space<vmem>>)
      %dma_wait3A_142 = arith.constant 0 : i32
      %dma_wait3A_143 = tpu.memref_slice %arg5[%dma_wait3A_142] : memref<320000xi32, #tpu.memory_space<hbm>> -> memref<80xi32, #tpu.memory_space<hbm>>
      %dma_wait3A_144 = arith.constant 0 : i32
      %dma_wait3A_145 = tpu.memref_slice %arg5[%dma_wait3A_144] : memref<320000xi32, #tpu.memory_space<hbm>> -> memref<80xi32, #tpu.memory_space<hbm>>
      tpu.wait_dma2 semaphore(%arg16 : memref<!tpu.dma_semaphore, #tpu.memory_space<semaphore_mem>>) src(%dma_wait3A_145 : memref<80xi32, #tpu.memory_space<hbm>>) dst(%arg9 : memref<80xi32, #tpu.memory_space<vmem>>)
      %dma_start3A_146 = arith.constant 0 : i32
      %dma_start3A_147 = arith.constant 0 : i32
      %dma_start3A_148 = tpu.memref_slice %arg2[%dma_start3A_146, %dma_start3A_147] : memref<10000x64xf32, #tpu.memory_space<hbm>> -> memref<10000x64xf32, #tpu.memory_space<hbm>>
      tpu.enqueue_indirect_dma source(%dma_start3A_148 : memref<10000x64xf32, #tpu.memory_space<hbm>>) target(%arg10 : memref<80x64xf32, #tpu.memory_space<vmem>>) offsets(%arg8 : memref<80xi32, #tpu.memory_space<vmem>>) semaphore(%arg18 : memref<!tpu.dma_semaphore, #tpu.memory_space<semaphore_mem>>)
      %dma_wait3A_149 = arith.constant 0 : i32
      %dma_wait3A_150 = arith.constant 0 : i32
      %dma_wait3A_151 = tpu.memref_slice %arg3[%dma_wait3A_149, %dma_wait3A_150] : memref<160000x128xf32, #tpu.memory_space<hbm>> -> memref<80x64xf32, #tpu.memory_space<hbm>>
      %dma_wait3A_152 = arith.constant 0 : i32
      %dma_wait3A_153 = arith.constant 0 : i32
      %dma_wait3A_154 = tpu.memref_slice %arg3[%dma_wait3A_152, %dma_wait3A_153] : memref<160000x128xf32, #tpu.memory_space<hbm>> -> memref<80x64xf32, #tpu.memory_space<hbm>>
      tpu.wait_dma2 semaphore(%arg20 : memref<!tpu.dma_semaphore, #tpu.memory_space<semaphore_mem>>) src(%dma_wait3A_154 : memref<80x64xf32, #tpu.memory_space<hbm>>) dst(%arg15 : memref<80x64xf32, #tpu.memory_space<vmem>>)
      %dma_wait3A_155 = arith.constant 0 : i32
      %dma_wait3A_156 = arith.constant 0 : i32
      %dma_wait3A_157 = tpu.memref_slice %arg2[%dma_wait3A_155, %dma_wait3A_156] : memref<10000x64xf32, #tpu.memory_space<hbm>> -> memref<10000x64xf32, #tpu.memory_space<hbm>>
      tpu.wait_indirect_dma semaphore(%arg21 : memref<!tpu.dma_semaphore, #tpu.memory_space<semaphore_mem>>) src(%dma_wait3A_157 : memref<10000x64xf32, #tpu.memory_space<hbm>>) dst(%arg14 : memref<80x64xf32, #tpu.memory_space<vmem>>)
      %parallel_loop3A_158 = arith.constant 0 : i32
      %parallel_loop3A_159 = arith.constant 80 : i32
      %parallel_loop3A_160 = arith.constant 1 : i32
      scf.for %parallel_loop3A_166 = %parallel_loop3A_158 to %parallel_loop3A_159 step %parallel_loop3A_160  : i32 {
        %parallel_loop3A_167 = arith.index_cast %parallel_loop3A_166 : i32 to index
        %parallel_loop3A_168 = arith.constant 0 : index
        %parallel_loop3A_169 = tpu.vector_load %arg14[%parallel_loop3A_167, %parallel_loop3A_168] {strides = array<i32>} : memref<80x64xf32, #tpu.memory_space<vmem>>, vector<1x16xf32>,
        %parallel_loop3A_170 = vector.shape_cast %parallel_loop3A_169 : vector<1x16xf32> to vector<16xf32>
        %parallel_loop3A_171 = arith.index_cast %parallel_loop3A_166 : i32 to index
        %parallel_loop3A_172 = arith.constant 0 : index
        %parallel_loop3A_173 = tpu.vector_load %arg15[%parallel_loop3A_171, %parallel_loop3A_172] {strides = array<i32>} : memref<80x64xf32, #tpu.memory_space<vmem>>, vector<1x16xf32>,
        %parallel_loop3A_174 = vector.shape_cast %parallel_loop3A_173 : vector<1x16xf32> to vector<16xf32>
        %parallel_loop3A_175 = arith.mulf %parallel_loop3A_170, %parallel_loop3A_174 : vector<16xf32>
        %parallel_loop3A_176 = arith.index_cast %parallel_loop3A_166 : i32 to index
        %parallel_loop3A_177 = arith.constant 0 : index
        %parallel_loop3A_178 = tpu.vector_load %arg14[%parallel_loop3A_176, %parallel_loop3A_177] {strides = array<i32>} : memref<80x64xf32, #tpu.memory_space<vmem>>, vector<1x16xf32>,
        %parallel_loop3A_179 = vector.shape_cast %parallel_loop3A_178 : vector<1x16xf32> to vector<16xf32>
        %parallel_loop3A_180 = vector.shape_cast %parallel_loop3A_175 : vector<16xf32> to vector<1x16xf32>
        tpu.vector_store %arg14[%parallel_loop3A_176, %parallel_loop3A_177], %parallel_loop3A_180 {strides = array<i32>} : memref<80x64xf32, #tpu.memory_space<vmem>>, vector<1x16xf32>,
        %parallel_loop3A_181 = arith.index_cast %parallel_loop3A_166 : i32 to index
        %parallel_loop3A_182 = arith.constant 16 : index
        %parallel_loop3A_183 = tpu.vector_load %arg14[%parallel_loop3A_181, %parallel_loop3A_182] {strides = array<i32>} : memref<80x64xf32, #tpu.memory_space<vmem>>, vector<1x16xf32>,
        %parallel_loop3A_184 = vector.shape_cast %parallel_loop3A_183 : vector<1x16xf32> to vector<16xf32>
        %parallel_loop3A_185 = arith.index_cast %parallel_loop3A_166 : i32 to index
        %parallel_loop3A_186 = arith.constant 16 : index
        %parallel_loop3A_187 = tpu.vector_load %arg15[%parallel_loop3A_185, %parallel_loop3A_186] {strides = array<i32>} : memref<80x64xf32, #tpu.memory_space<vmem>>, vector<1x16xf32>,
        %parallel_loop3A_188 = vector.shape_cast %parallel_loop3A_187 : vector<1x16xf32> to vector<16xf32>
        %parallel_loop3A_189 = arith.mulf %parallel_loop3A_184, %parallel_loop3A_188 : vector<16xf32>
        %parallel_loop3A_190 = arith.index_cast %parallel_loop3A_166 : i32 to index
        %parallel_loop3A_191 = arith.constant 16 : index
        %parallel_loop3A_192 = tpu.vector_load %arg14[%parallel_loop3A_190, %parallel_loop3A_191] {strides = array<i32>} : memref<80x64xf32, #tpu.memory_space<vmem>>, vector<1x16xf32>,
        %parallel_loop3A_193 = vector.shape_cast %parallel_loop3A_192 : vector<1x16xf32> to vector<16xf32>
        %parallel_loop3A_194 = vector.shape_cast %parallel_loop3A_189 : vector<16xf32> to vector<1x16xf32>
        tpu.vector_store %arg14[%parallel_loop3A_190, %parallel_loop3A_191], %parallel_loop3A_194 {strides = array<i32>} : memref<80x64xf32, #tpu.memory_space<vmem>>, vector<1x16xf32>,
        %parallel_loop3A_195 = arith.index_cast %parallel_loop3A_166 : i32 to index
        %parallel_loop3A_196 = arith.constant 32 : index
        %parallel_loop3A_197 = tpu.vector_load %arg14[%parallel_loop3A_195, %parallel_loop3A_196] {strides = array<i32>} : memref<80x64xf32, #tpu.memory_space<vmem>>, vector<1x16xf32>,
        %parallel_loop3A_198 = vector.shape_cast %parallel_loop3A_197 : vector<1x16xf32> to vector<16xf32>
        %parallel_loop3A_199 = arith.index_cast %parallel_loop3A_166 : i32 to index
        %parallel_loop3A_200 = arith.constant 32 : index
        %parallel_loop3A_201 = tpu.vector_load %arg15[%parallel_loop3A_199, %parallel_loop3A_200] {strides = array<i32>} : memref<80x64xf32, #tpu.memory_space<vmem>>, vector<1x16xf32>,
        %parallel_loop3A_202 = vector.shape_cast %parallel_loop3A_201 : vector<1x16xf32> to vector<16xf32>
        %parallel_loop3A_203 = arith.mulf %parallel_loop3A_198, %parallel_loop3A_202 : vector<16xf32>
        %parallel_loop3A_204 = arith.index_cast %parallel_loop3A_166 : i32 to index
        %parallel_loop3A_205 = arith.constant 32 : index
        %parallel_loop3A_206 = tpu.vector_load %arg14[%parallel_loop3A_204, %parallel_loop3A_205] {strides = array<i32>} : memref<80x64xf32, #tpu.memory_space<vmem>>, vector<1x16xf32>,
        %parallel_loop3A_207 = vector.shape_cast %parallel_loop3A_206 : vector<1x16xf32> to vector<16xf32>
        %parallel_loop3A_208 = vector.shape_cast %parallel_loop3A_203 : vector<16xf32> to vector<1x16xf32>
        tpu.vector_store %arg14[%parallel_loop3A_204, %parallel_loop3A_205], %parallel_loop3A_208 {strides = array<i32>} : memref<80x64xf32, #tpu.memory_space<vmem>>, vector<1x16xf32>,
        %parallel_loop3A_209 = arith.index_cast %parallel_loop3A_166 : i32 to index
        %parallel_loop3A_210 = arith.constant 48 : index
        %parallel_loop3A_211 = tpu.vector_load %arg14[%parallel_loop3A_209, %parallel_loop3A_210] {strides = array<i32>} : memref<80x64xf32, #tpu.memory_space<vmem>>, vector<1x16xf32>,
        %parallel_loop3A_212 = vector.shape_cast %parallel_loop3A_211 : vector<1x16xf32> to vector<16xf32>
        %parallel_loop3A_213 = arith.index_cast %parallel_loop3A_166 : i32 to index
        %parallel_loop3A_214 = arith.constant 48 : index
        %parallel_loop3A_215 = tpu.vector_load %arg15[%parallel_loop3A_213, %parallel_loop3A_214] {strides = array<i32>} : memref<80x64xf32, #tpu.memory_space<vmem>>, vector<1x16xf32>,
        %parallel_loop3A_216 = vector.shape_cast %parallel_loop3A_215 : vector<1x16xf32> to vector<16xf32>
        %parallel_loop3A_217 = arith.mulf %parallel_loop3A_212, %parallel_loop3A_216 : vector<16xf32>
        %parallel_loop3A_218 = arith.index_cast %parallel_loop3A_166 : i32 to index
        %parallel_loop3A_219 = arith.constant 48 : index
        %parallel_loop3A_220 = tpu.vector_load %arg14[%parallel_loop3A_218, %parallel_loop3A_219] {strides = array<i32>} : memref<80x64xf32, #tpu.memory_space<vmem>>, vector<1x16xf32>,
        %parallel_loop3A_221 = vector.shape_cast %parallel_loop3A_220 : vector<1x16xf32> to vector<16xf32>
        %parallel_loop3A_222 = vector.shape_cast %parallel_loop3A_217 : vector<16xf32> to vector<1x16xf32>
        tpu.vector_store %arg14[%parallel_loop3A_218, %parallel_loop3A_219], %parallel_loop3A_222 {strides = array<i32>} : memref<80x64xf32, #tpu.memory_space<vmem>>, vector<1x16xf32>,
      } {sc.loop_unroll_factor = 4 : i64, sc.parallel_access}
      "tpu.region"() ({
        %run_scoped3A = tpu.sem_alloc : memref<!tpu.dma_semaphore, #tpu.memory_space<semaphore_mem>>
        %dma_start3A_166 = arith.constant 0 : i32
        %dma_start3A_167 = arith.constant 0 : i32
        %dma_start3A_168 = tpu.memref_slice %arg7[%dma_start3A_166, %dma_start3A_167] : memref<10240x64xf32, #tpu.memory_space<vmem_shared>> -> memref<10240x64xf32, #tpu.memory_space<vmem_shared>>
        tpu.enqueue_indirect_dma source(%arg14 : memref<80x64xf32, #tpu.memory_space<vmem>>) target(%dma_start3A_168 : memref<10240x64xf32, #tpu.memory_space<vmem_shared>>) offsets(%arg13 : memref<80xi32, #tpu.memory_space<vmem>>) semaphore(%run_scoped3A : memref<!tpu.dma_semaphore, #tpu.memory_space<semaphore_mem>>) {add = true}
        %dma_wait3A_169 = arith.constant 0 : i32
        %dma_wait3A_170 = arith.constant 0 : i32
        %dma_wait3A_171 = tpu.memref_slice %arg7[%dma_wait3A_169, %dma_wait3A_170] : memref<10240x64xf32, #tpu.memory_space<vmem_shared>> -> memref<10240x64xf32, #tpu.memory_space<vmem_shared>>
        tpu.wait_indirect_dma semaphore(%run_scoped3A : memref<!tpu.dma_semaphore, #tpu.memory_space<semaphore_mem>>) src(%arg14 : memref<80x64xf32, #tpu.memory_space<vmem>>) dst(%dma_wait3A_171 : memref<10240x64xf32, #tpu.memory_space<vmem_shared>>)
        tpu.yield
      }) : () -> ()
      %add3A_161 = arith.constant 3 : i32
      %add3A_162 = arith.addi %mul3A_98, %add3A_161 : i32
      %lt3A = arith.constant 125 : i32
      %lt3A_163 = arith.cmpi slt, %add3A_162, %lt3A : i32
      %convert_element_type3A = arith.extui %lt3A_163 : i1 to i32
      %cond3A = arith.constant 0 : i32
      %cond3A_164 = arith.cmpi ne, %convert_element_type3A, %cond3A : i32
      scf.if %cond3A_164 {
        %add3A_166 = arith.constant 3 : i32
        %add3A_167 = arith.addi %mul3A_98, %add3A_166 : i32
        %mul3A_168 = arith.constant 80 : i32
        %mul3A_169 = arith.muli %add3A_167, %mul3A_168 : i32
        %add3A_170 = arith.addi %mul3A_2, %mul3A_169 : i32
        %mul3A_171 = arith.constant 10000 : i32
        %mul3A_172 = arith.muli %arg1, %mul3A_171 : i32
        %mul3A_173 = arith.constant 80 : i32
        %mul3A_174 = arith.muli %add3A_167, %mul3A_173 : i32
        %add3A_175 = arith.addi %mul3A_172, %mul3A_174 : i32
        %dma_start3A_176 = tpu.memref_slice %arg4[%add3A_170] : memref<320000xi32, #tpu.memory_space<hbm>> -> memref<80xi32, #tpu.memory_space<hbm>>
        %dma_start3A_177 = tpu.memref_slice %arg4[%add3A_170] : memref<320000xi32, #tpu.memory_space<hbm>> -> memref<80xi32, #tpu.memory_space<hbm>>
        tpu.enqueue_dma source(%dma_start3A_177 : memref<80xi32, #tpu.memory_space<hbm>>) target(%arg12 : memref<80xi32, #tpu.memory_space<vmem>>) target_semaphore(%arg19 : memref<!tpu.dma_semaphore, #tpu.memory_space<semaphore_mem>>)
        %dma_start3A_178 = tpu.memref_slice %arg5[%add3A_170] : memref<320000xi32, #tpu.memory_space<hbm>> -> memref<80xi32, #tpu.memory_space<hbm>>
        %dma_start3A_179 = tpu.memref_slice %arg5[%add3A_170] : memref<320000xi32, #tpu.memory_space<hbm>> -> memref<80xi32, #tpu.memory_space<hbm>>
        tpu.enqueue_dma source(%dma_start3A_179 : memref<80xi32, #tpu.memory_space<hbm>>) target(%arg13 : memref<80xi32, #tpu.memory_space<vmem>>) target_semaphore(%arg19 : memref<!tpu.dma_semaphore, #tpu.memory_space<semaphore_mem>>)
        %dma_start3A_180 = tpu.memref_slice %arg3[%add3A_175, %mul3A_38] : memref<160000x128xf32, #tpu.memory_space<hbm>> -> memref<80x64xf32, #tpu.memory_space<hbm>>
        %dma_start3A_181 = tpu.memref_slice %arg3[%add3A_175, %mul3A_38] : memref<160000x128xf32, #tpu.memory_space<hbm>> -> memref<80x64xf32, #tpu.memory_space<hbm>>
        tpu.enqueue_dma source(%dma_start3A_181 : memref<80x64xf32, #tpu.memory_space<hbm>>) target(%arg15 : memref<80x64xf32, #tpu.memory_space<vmem>>) target_semaphore(%arg20 : memref<!tpu.dma_semaphore, #tpu.memory_space<semaphore_mem>>)
      } else {
      }
      %scan3A_165 = arith.constant 0 : i32
      scf.yield %scan3A_165 : i32
    }
    %scan3A_77 = arith.constant 62 : i32
    %dma_wait3A_78 = arith.constant 0 : i32
    %dma_wait3A_79 = arith.constant 0 : i32
    %dma_wait3A_80 = tpu.memref_slice %arg3[%dma_wait3A_78, %dma_wait3A_79] : memref<160000x128xf32, #tpu.memory_space<hbm>> -> memref<80x64xf32, #tpu.memory_space<hbm>>
    %dma_wait3A_81 = arith.constant 0 : i32
    %dma_wait3A_82 = arith.constant 0 : i32
    %dma_wait3A_83 = tpu.memref_slice %arg3[%dma_wait3A_81, %dma_wait3A_82] : memref<160000x128xf32, #tpu.memory_space<hbm>> -> memref<80x64xf32, #tpu.memory_space<hbm>>
    tpu.wait_dma2 semaphore(%arg17 : memref<!tpu.dma_semaphore, #tpu.memory_space<semaphore_mem>>) src(%dma_wait3A_83 : memref<80x64xf32, #tpu.memory_space<hbm>>) dst(%arg11 : memref<80x64xf32, #tpu.memory_space<vmem>>)
    %dma_wait3A_84 = arith.constant 0 : i32
    %dma_wait3A_85 = arith.constant 0 : i32
    %dma_wait3A_86 = tpu.memref_slice %arg2[%dma_wait3A_84, %dma_wait3A_85] : memref<10000x64xf32, #tpu.memory_space<hbm>> -> memref<10000x64xf32, #tpu.memory_space<hbm>>
    tpu.wait_indirect_dma semaphore(%arg18 : memref<!tpu.dma_semaphore, #tpu.memory_space<semaphore_mem>>) src(%dma_wait3A_86 : memref<10000x64xf32, #tpu.memory_space<hbm>>) dst(%arg10 : memref<80x64xf32, #tpu.memory_space<vmem>>)
    %parallel_loop3A_87 = arith.constant 0 : i32
    %parallel_loop3A_88 = arith.constant 80 : i32
    %parallel_loop3A_89 = arith.constant 1 : i32
    scf.for %parallel_loop3A_95 = %parallel_loop3A_87 to %parallel_loop3A_88 step %parallel_loop3A_89  : i32 {
      %parallel_loop3A_96 = arith.index_cast %parallel_loop3A_95 : i32 to index
      %parallel_loop3A_97 = arith.constant 0 : index
      %parallel_loop3A_98 = tpu.vector_load %arg10[%parallel_loop3A_96, %parallel_loop3A_97] {strides = array<i32>} : memref<80x64xf32, #tpu.memory_space<vmem>>, vector<1x16xf32>,
      %parallel_loop3A_99 = vector.shape_cast %parallel_loop3A_98 : vector<1x16xf32> to vector<16xf32>
      %parallel_loop3A_100 = arith.index_cast %parallel_loop3A_95 : i32 to index
      %parallel_loop3A_101 = arith.constant 0 : index
      %parallel_loop3A_102 = tpu.vector_load %arg11[%parallel_loop3A_100, %parallel_loop3A_101] {strides = array<i32>} : memref<80x64xf32, #tpu.memory_space<vmem>>, vector<1x16xf32>,
      %parallel_loop3A_103 = vector.shape_cast %parallel_loop3A_102 : vector<1x16xf32> to vector<16xf32>
      %parallel_loop3A_104 = arith.mulf %parallel_loop3A_99, %parallel_loop3A_103 : vector<16xf32>
      %parallel_loop3A_105 = arith.index_cast %parallel_loop3A_95 : i32 to index
      %parallel_loop3A_106 = arith.constant 0 : index
      %parallel_loop3A_107 = tpu.vector_load %arg10[%parallel_loop3A_105, %parallel_loop3A_106] {strides = array<i32>} : memref<80x64xf32, #tpu.memory_space<vmem>>, vector<1x16xf32>,
      %parallel_loop3A_108 = vector.shape_cast %parallel_loop3A_107 : vector<1x16xf32> to vector<16xf32>
      %parallel_loop3A_109 = vector.shape_cast %parallel_loop3A_104 : vector<16xf32> to vector<1x16xf32>
      tpu.vector_store %arg10[%parallel_loop3A_105, %parallel_loop3A_106], %parallel_loop3A_109 {strides = array<i32>} : memref<80x64xf32, #tpu.memory_space<vmem>>, vector<1x16xf32>,
      %parallel_loop3A_110 = arith.index_cast %parallel_loop3A_95 : i32 to index
      %parallel_loop3A_111 = arith.constant 16 : index
      %parallel_loop3A_112 = tpu.vector_load %arg10[%parallel_loop3A_110, %parallel_loop3A_111] {strides = array<i32>} : memref<80x64xf32, #tpu.memory_space<vmem>>, vector<1x16xf32>,
      %parallel_loop3A_113 = vector.shape_cast %parallel_loop3A_112 : vector<1x16xf32> to vector<16xf32>
      %parallel_loop3A_114 = arith.index_cast %parallel_loop3A_95 : i32 to index
      %parallel_loop3A_115 = arith.constant 16 : index
      %parallel_loop3A_116 = tpu.vector_load %arg11[%parallel_loop3A_114, %parallel_loop3A_115] {strides = array<i32>} : memref<80x64xf32, #tpu.memory_space<vmem>>, vector<1x16xf32>,
      %parallel_loop3A_117 = vector.shape_cast %parallel_loop3A_116 : vector<1x16xf32> to vector<16xf32>
      %parallel_loop3A_118 = arith.mulf %parallel_loop3A_113, %parallel_loop3A_117 : vector<16xf32>
      %parallel_loop3A_119 = arith.index_cast %parallel_loop3A_95 : i32 to index
      %parallel_loop3A_120 = arith.constant 16 : index
      %parallel_loop3A_121 = tpu.vector_load %arg10[%parallel_loop3A_119, %parallel_loop3A_120] {strides = array<i32>} : memref<80x64xf32, #tpu.memory_space<vmem>>, vector<1x16xf32>,
      %parallel_loop3A_122 = vector.shape_cast %parallel_loop3A_121 : vector<1x16xf32> to vector<16xf32>
      %parallel_loop3A_123 = vector.shape_cast %parallel_loop3A_118 : vector<16xf32> to vector<1x16xf32>
      tpu.vector_store %arg10[%parallel_loop3A_119, %parallel_loop3A_120], %parallel_loop3A_123 {strides = array<i32>} : memref<80x64xf32, #tpu.memory_space<vmem>>, vector<1x16xf32>,
      %parallel_loop3A_124 = arith.index_cast %parallel_loop3A_95 : i32 to index
      %parallel_loop3A_125 = arith.constant 32 : index
      %parallel_loop3A_126 = tpu.vector_load %arg10[%parallel_loop3A_124, %parallel_loop3A_125] {strides = array<i32>} : memref<80x64xf32, #tpu.memory_space<vmem>>, vector<1x16xf32>,
      %parallel_loop3A_127 = vector.shape_cast %parallel_loop3A_126 : vector<1x16xf32> to vector<16xf32>
      %parallel_loop3A_128 = arith.index_cast %parallel_loop3A_95 : i32 to index
      %parallel_loop3A_129 = arith.constant 32 : index
      %parallel_loop3A_130 = tpu.vector_load %arg11[%parallel_loop3A_128, %parallel_loop3A_129] {strides = array<i32>} : memref<80x64xf32, #tpu.memory_space<vmem>>, vector<1x16xf32>,
      %parallel_loop3A_131 = vector.shape_cast %parallel_loop3A_130 : vector<1x16xf32> to vector<16xf32>
      %parallel_loop3A_132 = arith.mulf %parallel_loop3A_127, %parallel_loop3A_131 : vector<16xf32>
      %parallel_loop3A_133 = arith.index_cast %parallel_loop3A_95 : i32 to index
      %parallel_loop3A_134 = arith.constant 32 : index
      %parallel_loop3A_135 = tpu.vector_load %arg10[%parallel_loop3A_133, %parallel_loop3A_134] {strides = array<i32>} : memref<80x64xf32, #tpu.memory_space<vmem>>, vector<1x16xf32>,
      %parallel_loop3A_136 = vector.shape_cast %parallel_loop3A_135 : vector<1x16xf32> to vector<16xf32>
      %parallel_loop3A_137 = vector.shape_cast %parallel_loop3A_132 : vector<16xf32> to vector<1x16xf32>
      tpu.vector_store %arg10[%parallel_loop3A_133, %parallel_loop3A_134], %parallel_loop3A_137 {strides = array<i32>} : memref<80x64xf32, #tpu.memory_space<vmem>>, vector<1x16xf32>,
      %parallel_loop3A_138 = arith.index_cast %parallel_loop3A_95 : i32 to index
      %parallel_loop3A_139 = arith.constant 48 : index
      %parallel_loop3A_140 = tpu.vector_load %arg10[%parallel_loop3A_138, %parallel_loop3A_139] {strides = array<i32>} : memref<80x64xf32, #tpu.memory_space<vmem>>, vector<1x16xf32>,
      %parallel_loop3A_141 = vector.shape_cast %parallel_loop3A_140 : vector<1x16xf32> to vector<16xf32>
      %parallel_loop3A_142 = arith.index_cast %parallel_loop3A_95 : i32 to index
      %parallel_loop3A_143 = arith.constant 48 : index
      %parallel_loop3A_144 = tpu.vector_load %arg11[%parallel_loop3A_142, %parallel_loop3A_143] {strides = array<i32>} : memref<80x64xf32, #tpu.memory_space<vmem>>, vector<1x16xf32>,
      %parallel_loop3A_145 = vector.shape_cast %parallel_loop3A_144 : vector<1x16xf32> to vector<16xf32>
      %parallel_loop3A_146 = arith.mulf %parallel_loop3A_141, %parallel_loop3A_145 : vector<16xf32>
      %parallel_loop3A_147 = arith.index_cast %parallel_loop3A_95 : i32 to index
      %parallel_loop3A_148 = arith.constant 48 : index
      %parallel_loop3A_149 = tpu.vector_load %arg10[%parallel_loop3A_147, %parallel_loop3A_148] {strides = array<i32>} : memref<80x64xf32, #tpu.memory_space<vmem>>, vector<1x16xf32>,
      %parallel_loop3A_150 = vector.shape_cast %parallel_loop3A_149 : vector<1x16xf32> to vector<16xf32>
      %parallel_loop3A_151 = vector.shape_cast %parallel_loop3A_146 : vector<16xf32> to vector<1x16xf32>
      tpu.vector_store %arg10[%parallel_loop3A_147, %parallel_loop3A_148], %parallel_loop3A_151 {strides = array<i32>} : memref<80x64xf32, #tpu.memory_space<vmem>>, vector<1x16xf32>,
    } {sc.loop_unroll_factor = 4 : i64, sc.parallel_access}
    "tpu.region"() ({
      %run_scoped3A = tpu.sem_alloc : memref<!tpu.dma_semaphore, #tpu.memory_space<semaphore_mem>>
      %dma_start3A_95 = arith.constant 0 : i32
      %dma_start3A_96 = arith.constant 0 : i32
      %dma_start3A_97 = tpu.memref_slice %arg7[%dma_start3A_95, %dma_start3A_96] : memref<10240x64xf32, #tpu.memory_space<vmem_shared>> -> memref<10240x64xf32, #tpu.memory_space<vmem_shared>>
      tpu.enqueue_indirect_dma source(%arg10 : memref<80x64xf32, #tpu.memory_space<vmem>>) target(%dma_start3A_97 : memref<10240x64xf32, #tpu.memory_space<vmem_shared>>) offsets(%arg9 : memref<80xi32, #tpu.memory_space<vmem>>) semaphore(%run_scoped3A : memref<!tpu.dma_semaphore, #tpu.memory_space<semaphore_mem>>) {add = true}
      %dma_wait3A_98 = arith.constant 0 : i32
      %dma_wait3A_99 = arith.constant 0 : i32
      %dma_wait3A_100 = tpu.memref_slice %arg7[%dma_wait3A_98, %dma_wait3A_99] : memref<10240x64xf32, #tpu.memory_space<vmem_shared>> -> memref<10240x64xf32, #tpu.memory_space<vmem_shared>>
      tpu.wait_indirect_dma semaphore(%run_scoped3A : memref<!tpu.dma_semaphore, #tpu.memory_space<semaphore_mem>>) src(%arg10 : memref<80x64xf32, #tpu.memory_space<vmem>>) dst(%dma_wait3A_100 : memref<10240x64xf32, #tpu.memory_space<vmem_shared>>)
      tpu.yield
    }) : () -> ()
    %barrier3A_90 = arith.constant 0 : index
    tpu.barrier barrier_id(%barrier3A_90)
    %mul3A_91 = arith.constant 640 : i32
    %mul3A_92 = arith.muli %arg1, %mul3A_91 : i32
    %mul3A_93 = arith.constant 640 : i32
    %mul3A_94 = arith.muli %arg1, %mul3A_93 : i32
    "tpu.region"() ({
      %run_scoped3A = tpu.sem_alloc : memref<!tpu.dma_semaphore, #tpu.memory_space<semaphore_mem>>
      %dma_start3A_95 = arith.constant 0 : i32
      %dma_start3A_96 = tpu.memref_slice %arg6[%arg0, %mul3A_94, %dma_start3A_95] : memref<2x10240x64xf32, #tpu.memory_space<hbm>> -> memref<1x640x64xf32, #tpu.memory_space<hbm>>
      %dma_start3A_97 = tpu.memref_squeeze %dma_start3A_96 : memref<1x640x64xf32, #tpu.memory_space<hbm>> -> memref<640x64xf32, #tpu.memory_space<hbm>>
      %dma_start3A_98 = arith.constant 0 : i32
      %dma_start3A_99 = tpu.memref_slice %arg7[%mul3A_92, %dma_start3A_98] : memref<10240x64xf32, #tpu.memory_space<vmem_shared>> -> memref<640x64xf32, #tpu.memory_space<vmem_shared>>
      tpu.enqueue_dma source(%dma_start3A_99 : memref<640x64xf32, #tpu.memory_space<vmem_shared>>) target(%dma_start3A_97 : memref<640x64xf32, #tpu.memory_space<hbm>>) target_semaphore(%run_scoped3A : memref<!tpu.dma_semaphore, #tpu.memory_space<semaphore_mem>>)
      %dma_wait3A_100 = arith.constant 0 : i32
      %dma_wait3A_101 = tpu.memref_slice %arg6[%arg0, %mul3A_94, %dma_wait3A_100] : memref<2x10240x64xf32, #tpu.memory_space<hbm>> -> memref<1x640x64xf32, #tpu.memory_space<hbm>>
      %dma_wait3A_102 = tpu.memref_squeeze %dma_wait3A_101 : memref<1x640x64xf32, #tpu.memory_space<hbm>> -> memref<640x64xf32, #tpu.memory_space<hbm>>
      %dma_wait3A_103 = arith.constant 0 : i32
      %dma_wait3A_104 = tpu.memref_slice %arg7[%mul3A_92, %dma_wait3A_103] : memref<10240x64xf32, #tpu.memory_space<vmem_shared>> -> memref<640x64xf32, #tpu.memory_space<vmem_shared>>
      tpu.wait_dma2 semaphore(%run_scoped3A : memref<!tpu.dma_semaphore, #tpu.memory_space<semaphore_mem>>) src(%dma_wait3A_104 : memref<640x64xf32, #tpu.memory_space<vmem_shared>>) dst(%dma_wait3A_102 : memref<640x64xf32, #tpu.memory_space<hbm>>)
      tpu.yield
    }) : () -> ()
    return
  }
}

#map = affine_map<(d0, d1) -> (0, 0)>
#map1 = affine_map<(d0, d1) -> (0)>
#map2 = affine_map<(d0, d1) -> (0, 0, 0)>
module attributes {stable_mosaic.version = 14 : i64} {
  func.func @_sc_body(%arg0: i32, %arg1: i32, %arg2: memref<10000x64xf32, #tpu.memory_space<hbm>>, %arg3: memref<160000x128xf32, #tpu.memory_space<hbm>>, %arg4: memref<320000xi32, #tpu.memory_space<hbm>>, %arg5: memref<320000xi32, #tpu.memory_space<hbm>>, %arg6: memref<2x10240x64xf32, #tpu.memory_space<hbm>>, %arg7: memref<10240x64xf32, #tpu.memory_space<vmem_shared>>, %arg8: memref<80xi32, #tpu.memory_space<vmem>>, %arg9: memref<80xi32, #tpu.memory_space<vmem>>, %arg10: memref<80x64xf32, #tpu.memory_space<vmem>>, %arg11: memref<80x64xf32, #tpu.memory_space<vmem>>, %arg12: memref<80xi32, #tpu.memory_space<vmem>>, %arg13: memref<80xi32, #tpu.memory_space<vmem>>, %arg14: memref<80x64xf32, #tpu.memory_space<vmem>>, %arg15: memref<80x64xf32, #tpu.memory_space<vmem>>, %arg16: memref<!tpu.dma_semaphore, #tpu.memory_space<semaphore_mem>>, %arg17: memref<!tpu.dma_semaphore, #tpu.memory_space<semaphore_mem>>, %arg18: memref<!tpu.dma_semaphore, #tpu.memory_space<semaphore_mem>>, %arg19: memref<!tpu.dma_semaphore, #tpu.memory_space<semaphore_mem>>, %arg20: memref<!tpu.dma_semaphore, #tpu.memory_space<semaphore_mem>>, %arg21: memref<!tpu.dma_semaphore, #tpu.memory_space<semaphore_mem>>) attributes {dimension_semantics = [#tpu.dimension_semantics<core_parallel>, #tpu.dimension_semantics<subcore_parallel>], iteration_bounds = array<i64: 2, 16>, scalar_prefetch = 0 : i64, scratch_operands = 15 : i64, tpu.core_type = #tpu.core_type<sc_vector_subcore>, window_params = [{transform_indices = #map}, {transform_indices = #map}, {transform_indices = #map1}, {transform_indices = #map1}, {transform_indices = #map2}]} {
    %mul3A = arith.constant 16 : i32
    %mul3A_0 = arith.muli %arg0, %mul3A : i32
    %add3A = arith.addi %mul3A_0, %arg1 : i32
    %mul3A_1 = arith.constant 10000 : i32
    %mul3A_2 = arith.muli %add3A, %mul3A_1 : i32
    %parallel_loop3A = arith.constant 0 : i32
    %parallel_loop3A_3 = arith.constant 80 : i32
    %parallel_loop3A_4 = arith.constant 1 : i32
    scf.for %parallel_loop3A_95 = %parallel_loop3A to %parallel_loop3A_3 step %parallel_loop3A_4  : i32 {
      %parallel_loop3A_96 = arith.constant 0.000000e+00 : f32
      %parallel_loop3A_97 = vector.broadcast %parallel_loop3A_96 : f32 to vector<16xf32>
      %parallel_loop3A_98 = arith.index_cast %parallel_loop3A_95 : i32 to index
      %parallel_loop3A_99 = arith.constant 0 : index
      %parallel_loop3A_100 = tpu.vector_load %arg10[%parallel_loop3A_98, %parallel_loop3A_99] {strides = array<i32>} : memref<80x64xf32, #tpu.memory_space<vmem>>, vector<1x16xf32>,
      %parallel_loop3A_101 = vector.shape_cast %parallel_loop3A_100 : vector<1x16xf32> to vector<16xf32>
      %parallel_loop3A_102 = vector.shape_cast %parallel_loop3A_97 : vector<16xf32> to vector<1x16xf32>
      tpu.vector_store %arg10[%parallel_loop3A_98, %parallel_loop3A_99], %parallel_loop3A_102 {strides = array<i32>} : memref<80x64xf32, #tpu.memory_space<vmem>>, vector<1x16xf32>,
      %parallel_loop3A_103 = arith.constant 0.000000e+00 : f32
      %parallel_loop3A_104 = vector.broadcast %parallel_loop3A_103 : f32 to vector<16xf32>
      %parallel_loop3A_105 = arith.index_cast %parallel_loop3A_95 : i32 to index
      %parallel_loop3A_106 = arith.constant 16 : index
      %parallel_loop3A_107 = tpu.vector_load %arg10[%parallel_loop3A_105, %parallel_loop3A_106] {strides = array<i32>} : memref<80x64xf32, #tpu.memory_space<vmem>>, vector<1x16xf32>,
      %parallel_loop3A_108 = vector.shape_cast %parallel_loop3A_107 : vector<1x16xf32> to vector<16xf32>
      %parallel_loop3A_109 = vector.shape_cast %parallel_loop3A_104 : vector<16xf32> to vector<1x16xf32>
      tpu.vector_store %arg10[%parallel_loop3A_105, %parallel_loop3A_106], %parallel_loop3A_109 {strides = array<i32>} : memref<80x64xf32, #tpu.memory_space<vmem>>, vector<1x16xf32>,
      %parallel_loop3A_110 = arith.constant 0.000000e+00 : f32
      %parallel_loop3A_111 = vector.broadcast %parallel_loop3A_110 : f32 to vector<16xf32>
      %parallel_loop3A_112 = arith.index_cast %parallel_loop3A_95 : i32 to index
      %parallel_loop3A_113 = arith.constant 32 : index
      %parallel_loop3A_114 = tpu.vector_load %arg10[%parallel_loop3A_112, %parallel_loop3A_113] {strides = array<i32>} : memref<80x64xf32, #tpu.memory_space<vmem>>, vector<1x16xf32>,
      %parallel_loop3A_115 = vector.shape_cast %parallel_loop3A_114 : vector<1x16xf32> to vector<16xf32>
      %parallel_loop3A_116 = vector.shape_cast %parallel_loop3A_111 : vector<16xf32> to vector<1x16xf32>
      tpu.vector_store %arg10[%parallel_loop3A_112, %parallel_loop3A_113], %parallel_loop3A_116 {strides = array<i32>} : memref<80x64xf32, #tpu.memory_space<vmem>>, vector<1x16xf32>,
      %parallel_loop3A_117 = arith.constant 0.000000e+00 : f32
      %parallel_loop3A_118 = vector.broadcast %parallel_loop3A_117 : f32 to vector<16xf32>
      %parallel_loop3A_119 = arith.index_cast %parallel_loop3A_95 : i32 to index
      %parallel_loop3A_120 = arith.constant 48 : index
      %parallel_loop3A_121 = tpu.vector_load %arg10[%parallel_loop3A_119, %parallel_loop3A_120] {strides = array<i32>} : memref<80x64xf32, #tpu.memory_space<vmem>>, vector<1x16xf32>,
      %parallel_loop3A_122 = vector.shape_cast %parallel_loop3A_121 : vector<1x16xf32> to vector<16xf32>
      %parallel_loop3A_123 = vector.shape_cast %parallel_loop3A_118 : vector<16xf32> to vector<1x16xf32>
      tpu.vector_store %arg10[%parallel_loop3A_119, %parallel_loop3A_120], %parallel_loop3A_123 {strides = array<i32>} : memref<80x64xf32, #tpu.memory_space<vmem>>, vector<1x16xf32>,
    } {sc.loop_unroll_factor = 4 : i64, sc.parallel_access}
    %mul3A_5 = arith.constant 640 : i32
    %mul3A_6 = arith.muli %arg1, %mul3A_5 : i32
    %add3A_7 = arith.constant 0 : i32
    %add3A_8 = arith.addi %mul3A_6, %add3A_7 : i32
    "tpu.region"() ({
      %run_scoped3A = tpu.sem_alloc : memref<!tpu.dma_semaphore, #tpu.memory_space<semaphore_mem>>
      %dma_start3A_95 = arith.constant 0 : i32
      %dma_start3A_96 = tpu.memref_slice %arg7[%add3A_8, %dma_start3A_95] : memref<10240x64xf32, #tpu.memory_space<vmem_shared>> -> memref<80x64xf32, #tpu.memory_space<vmem_shared>>
      %dma_start3A_97 = arith.constant 0 : i32
      %dma_start3A_98 = tpu.memref_slice %arg7[%add3A_8, %dma_start3A_97] : memref<10240x64xf32, #tpu.memory_space<vmem_shared>> -> memref<80x64xf32, #tpu.memory_space<vmem_shared>>
      tpu.enqueue_dma source(%arg10 : memref<80x64xf32, #tpu.memory_space<vmem>>) target(%dma_start3A_98 : memref<80x64xf32, #tpu.memory_space<vmem_shared>>) target_semaphore(%run_scoped3A : memref<!tpu.dma_semaphore, #tpu.memory_space<semaphore_mem>>)
      %dma_wait3A_99 = arith.constant 0 : i32
      %dma_wait3A_100 = tpu.memref_slice %arg7[%add3A_8, %dma_wait3A_99] : memref<10240x64xf32, #tpu.memory_space<vmem_shared>> -> memref<80x64xf32, #tpu.memory_space<vmem_shared>>
      %dma_wait3A_101 = arith.constant 0 : i32
      %dma_wait3A_102 = tpu.memref_slice %arg7[%add3A_8, %dma_wait3A_101] : memref<10240x64xf32, #tpu.memory_space<vmem_shared>> -> memref<80x64xf32, #tpu.memory_space<vmem_shared>>
      tpu.wait_dma2 semaphore(%run_scoped3A : memref<!tpu.dma_semaphore, #tpu.memory_space<semaphore_mem>>) src(%arg10 : memref<80x64xf32, #tpu.memory_space<vmem>>) dst(%dma_wait3A_102 : memref<80x64xf32, #tpu.memory_space<vmem_shared>>)
      tpu.yield
    }) : () -> ()
    %mul3A_9 = arith.constant 640 : i32
    %mul3A_10 = arith.muli %arg1, %mul3A_9 : i32
    %add3A_11 = arith.constant 80 : i32
    %add3A_12 = arith.addi %mul3A_10, %add3A_11 : i32
    "tpu.region"() ({
      %run_scoped3A = tpu.sem_alloc : memref<!tpu.dma_semaphore, #tpu.memory_space<semaphore_mem>>
      %dma_start3A_95 = arith.constant 0 : i32
      %dma_start3A_96 = tpu.memref_slice %arg7[%add3A_12, %dma_start3A_95] : memref<10240x64xf32, #tpu.memory_space<vmem_shared>> -> memref<80x64xf32, #tpu.memory_space<vmem_shared>>
      %dma_start3A_97 = arith.constant 0 : i32
      %dma_start3A_98 = tpu.memref_slice %arg7[%add3A_12, %dma_start3A_97] : memref<10240x64xf32, #tpu.memory_space<vmem_shared>> -> memref<80x64xf32, #tpu.memory_space<vmem_shared>>
      tpu.enqueue_dma source(%arg10 : memref<80x64xf32, #tpu.memory_space<vmem>>) target(%dma_start3A_98 : memref<80x64xf32, #tpu.memory_space<vmem_shared>>) target_semaphore(%run_scoped3A : memref<!tpu.dma_semaphore, #tpu.memory_space<semaphore_mem>>)
      %dma_wait3A_99 = arith.constant 0 : i32
      %dma_wait3A_100 = tpu.memref_slice %arg7[%add3A_12, %dma_wait3A_99] : memref<10240x64xf32, #tpu.memory_space<vmem_shared>> -> memref<80x64xf32, #tpu.memory_space<vmem_shared>>
      %dma_wait3A_101 = arith.constant 0 : i32
      %dma_wait3A_102 = tpu.memref_slice %arg7[%add3A_12, %dma_wait3A_101] : memref<10240x64xf32, #tpu.memory_space<vmem_shared>> -> memref<80x64xf32, #tpu.memory_space<vmem_shared>>
      tpu.wait_dma2 semaphore(%run_scoped3A : memref<!tpu.dma_semaphore, #tpu.memory_space<semaphore_mem>>) src(%arg10 : memref<80x64xf32, #tpu.memory_space<vmem>>) dst(%dma_wait3A_102 : memref<80x64xf32, #tpu.memory_space<vmem_shared>>)
      tpu.yield
    }) : () -> ()
    %mul3A_13 = arith.constant 640 : i32
    %mul3A_14 = arith.muli %arg1, %mul3A_13 : i32
    %add3A_15 = arith.constant 160 : i32
    %add3A_16 = arith.addi %mul3A_14, %add3A_15 : i32
    "tpu.region"() ({
      %run_scoped3A = tpu.sem_alloc : memref<!tpu.dma_semaphore, #tpu.memory_space<semaphore_mem>>
      %dma_start3A_95 = arith.constant 0 : i32
      %dma_start3A_96 = tpu.memref_slice %arg7[%add3A_16, %dma_start3A_95] : memref<10240x64xf32, #tpu.memory_space<vmem_shared>> -> memref<80x64xf32, #tpu.memory_space<vmem_shared>>
      %dma_start3A_97 = arith.constant 0 : i32
      %dma_start3A_98 = tpu.memref_slice %arg7[%add3A_16, %dma_start3A_97] : memref<10240x64xf32, #tpu.memory_space<vmem_shared>> -> memref<80x64xf32, #tpu.memory_space<vmem_shared>>
      tpu.enqueue_dma source(%arg10 : memref<80x64xf32, #tpu.memory_space<vmem>>) target(%dma_start3A_98 : memref<80x64xf32, #tpu.memory_space<vmem_shared>>) target_semaphore(%run_scoped3A : memref<!tpu.dma_semaphore, #tpu.memory_space<semaphore_mem>>)
      %dma_wait3A_99 = arith.constant 0 : i32
      %dma_wait3A_100 = tpu.memref_slice %arg7[%add3A_16, %dma_wait3A_99] : memref<10240x64xf32, #tpu.memory_space<vmem_shared>> -> memref<80x64xf32, #tpu.memory_space<vmem_shared>>
      %dma_wait3A_101 = arith.constant 0 : i32
      %dma_wait3A_102 = tpu.memref_slice %arg7[%add3A_16, %dma_wait3A_101] : memref<10240x64xf32, #tpu.memory_space<vmem_shared>> -> memref<80x64xf32, #tpu.memory_space<vmem_shared>>
      tpu.wait_dma2 semaphore(%run_scoped3A : memref<!tpu.dma_semaphore, #tpu.memory_space<semaphore_mem>>) src(%arg10 : memref<80x64xf32, #tpu.memory_space<vmem>>) dst(%dma_wait3A_102 : memref<80x64xf32, #tpu.memory_space<vmem_shared>>)
      tpu.yield
    }) : () -> ()
    %mul3A_17 = arith.constant 640 : i32
    %mul3A_18 = arith.muli %arg1, %mul3A_17 : i32
    %add3A_19 = arith.constant 240 : i32
    %add3A_20 = arith.addi %mul3A_18, %add3A_19 : i32
    "tpu.region"() ({
      %run_scoped3A = tpu.sem_alloc : memref<!tpu.dma_semaphore, #tpu.memory_space<semaphore_mem>>
      %dma_start3A_95 = arith.constant 0 : i32
      %dma_start3A_96 = tpu.memref_slice %arg7[%add3A_20, %dma_start3A_95] : memref<10240x64xf32, #tpu.memory_space<vmem_shared>> -> memref<80x64xf32, #tpu.memory_space<vmem_shared>>
      %dma_start3A_97 = arith.constant 0 : i32
      %dma_start3A_98 = tpu.memref_slice %arg7[%add3A_20, %dma_start3A_97] : memref<10240x64xf32, #tpu.memory_space<vmem_shared>> -> memref<80x64xf32, #tpu.memory_space<vmem_shared>>
      tpu.enqueue_dma source(%arg10 : memref<80x64xf32, #tpu.memory_space<vmem>>) target(%dma_start3A_98 : memref<80x64xf32, #tpu.memory_space<vmem_shared>>) target_semaphore(%run_scoped3A : memref<!tpu.dma_semaphore, #tpu.memory_space<semaphore_mem>>)
      %dma_wait3A_99 = arith.constant 0 : i32
      %dma_wait3A_100 = tpu.memref_slice %arg7[%add3A_20, %dma_wait3A_99] : memref<10240x64xf32, #tpu.memory_space<vmem_shared>> -> memref<80x64xf32, #tpu.memory_space<vmem_shared>>
      %dma_wait3A_101 = arith.constant 0 : i32
      %dma_wait3A_102 = tpu.memref_slice %arg7[%add3A_20, %dma_wait3A_101] : memref<10240x64xf32, #tpu.memory_space<vmem_shared>> -> memref<80x64xf32, #tpu.memory_space<vmem_shared>>
      tpu.wait_dma2 semaphore(%run_scoped3A : memref<!tpu.dma_semaphore, #tpu.memory_space<semaphore_mem>>) src(%arg10 : memref<80x64xf32, #tpu.memory_space<vmem>>) dst(%dma_wait3A_102 : memref<80x64xf32, #tpu.memory_space<vmem_shared>>)
      tpu.yield
    }) : () -> ()
    %mul3A_21 = arith.constant 640 : i32
    %mul3A_22 = arith.muli %arg1, %mul3A_21 : i32
    %add3A_23 = arith.constant 320 : i32
    %add3A_24 = arith.addi %mul3A_22, %add3A_23 : i32
    "tpu.region"() ({
      %run_scoped3A = tpu.sem_alloc : memref<!tpu.dma_semaphore, #tpu.memory_space<semaphore_mem>>
      %dma_start3A_95 = arith.constant 0 : i32
      %dma_start3A_96 = tpu.memref_slice %arg7[%add3A_24, %dma_start3A_95] : memref<10240x64xf32, #tpu.memory_space<vmem_shared>> -> memref<80x64xf32, #tpu.memory_space<vmem_shared>>
      %dma_start3A_97 = arith.constant 0 : i32
      %dma_start3A_98 = tpu.memref_slice %arg7[%add3A_24, %dma_start3A_97] : memref<10240x64xf32, #tpu.memory_space<vmem_shared>> -> memref<80x64xf32, #tpu.memory_space<vmem_shared>>
      tpu.enqueue_dma source(%arg10 : memref<80x64xf32, #tpu.memory_space<vmem>>) target(%dma_start3A_98 : memref<80x64xf32, #tpu.memory_space<vmem_shared>>) target_semaphore(%run_scoped3A : memref<!tpu.dma_semaphore, #tpu.memory_space<semaphore_mem>>)
      %dma_wait3A_99 = arith.constant 0 : i32
      %dma_wait3A_100 = tpu.memref_slice %arg7[%add3A_24, %dma_wait3A_99] : memref<10240x64xf32, #tpu.memory_space<vmem_shared>> -> memref<80x64xf32, #tpu.memory_space<vmem_shared>>
      %dma_wait3A_101 = arith.constant 0 : i32
      %dma_wait3A_102 = tpu.memref_slice %arg7[%add3A_24, %dma_wait3A_101] : memref<10240x64xf32, #tpu.memory_space<vmem_shared>> -> memref<80x64xf32, #tpu.memory_space<vmem_shared>>
      tpu.wait_dma2 semaphore(%run_scoped3A : memref<!tpu.dma_semaphore, #tpu.memory_space<semaphore_mem>>) src(%arg10 : memref<80x64xf32, #tpu.memory_space<vmem>>) dst(%dma_wait3A_102 : memref<80x64xf32, #tpu.memory_space<vmem_shared>>)
      tpu.yield
    }) : () -> ()
    %mul3A_25 = arith.constant 640 : i32
    %mul3A_26 = arith.muli %arg1, %mul3A_25 : i32
    %add3A_27 = arith.constant 400 : i32
    %add3A_28 = arith.addi %mul3A_26, %add3A_27 : i32
    "tpu.region"() ({
      %run_scoped3A = tpu.sem_alloc : memref<!tpu.dma_semaphore, #tpu.memory_space<semaphore_mem>>
      %dma_start3A_95 = arith.constant 0 : i32
      %dma_start3A_96 = tpu.memref_slice %arg7[%add3A_28, %dma_start3A_95] : memref<10240x64xf32, #tpu.memory_space<vmem_shared>> -> memref<80x64xf32, #tpu.memory_space<vmem_shared>>
      %dma_start3A_97 = arith.constant 0 : i32
      %dma_start3A_98 = tpu.memref_slice %arg7[%add3A_28, %dma_start3A_97] : memref<10240x64xf32, #tpu.memory_space<vmem_shared>> -> memref<80x64xf32, #tpu.memory_space<vmem_shared>>
      tpu.enqueue_dma source(%arg10 : memref<80x64xf32, #tpu.memory_space<vmem>>) target(%dma_start3A_98 : memref<80x64xf32, #tpu.memory_space<vmem_shared>>) target_semaphore(%run_scoped3A : memref<!tpu.dma_semaphore, #tpu.memory_space<semaphore_mem>>)
      %dma_wait3A_99 = arith.constant 0 : i32
      %dma_wait3A_100 = tpu.memref_slice %arg7[%add3A_28, %dma_wait3A_99] : memref<10240x64xf32, #tpu.memory_space<vmem_shared>> -> memref<80x64xf32, #tpu.memory_space<vmem_shared>>
      %dma_wait3A_101 = arith.constant 0 : i32
      %dma_wait3A_102 = tpu.memref_slice %arg7[%add3A_28, %dma_wait3A_101] : memref<10240x64xf32, #tpu.memory_space<vmem_shared>> -> memref<80x64xf32, #tpu.memory_space<vmem_shared>>
      tpu.wait_dma2 semaphore(%run_scoped3A : memref<!tpu.dma_semaphore, #tpu.memory_space<semaphore_mem>>) src(%arg10 : memref<80x64xf32, #tpu.memory_space<vmem>>) dst(%dma_wait3A_102 : memref<80x64xf32, #tpu.memory_space<vmem_shared>>)
      tpu.yield
    }) : () -> ()
    %mul3A_29 = arith.constant 640 : i32
    %mul3A_30 = arith.muli %arg1, %mul3A_29 : i32
    %add3A_31 = arith.constant 480 : i32
    %add3A_32 = arith.addi %mul3A_30, %add3A_31 : i32
    "tpu.region"() ({
      %run_scoped3A = tpu.sem_alloc : memref<!tpu.dma_semaphore, #tpu.memory_space<semaphore_mem>>
      %dma_start3A_95 = arith.constant 0 : i32
      %dma_start3A_96 = tpu.memref_slice %arg7[%add3A_32, %dma_start3A_95] : memref<10240x64xf32, #tpu.memory_space<vmem_shared>> -> memref<80x64xf32, #tpu.memory_space<vmem_shared>>
      %dma_start3A_97 = arith.constant 0 : i32
      %dma_start3A_98 = tpu.memref_slice %arg7[%add3A_32, %dma_start3A_97] : memref<10240x64xf32, #tpu.memory_space<vmem_shared>> -> memref<80x64xf32, #tpu.memory_space<vmem_shared>>
      tpu.enqueue_dma source(%arg10 : memref<80x64xf32, #tpu.memory_space<vmem>>) target(%dma_start3A_98 : memref<80x64xf32, #tpu.memory_space<vmem_shared>>) target_semaphore(%run_scoped3A : memref<!tpu.dma_semaphore, #tpu.memory_space<semaphore_mem>>)
      %dma_wait3A_99 = arith.constant 0 : i32
      %dma_wait3A_100 = tpu.memref_slice %arg7[%add3A_32, %dma_wait3A_99] : memref<10240x64xf32, #tpu.memory_space<vmem_shared>> -> memref<80x64xf32, #tpu.memory_space<vmem_shared>>
      %dma_wait3A_101 = arith.constant 0 : i32
      %dma_wait3A_102 = tpu.memref_slice %arg7[%add3A_32, %dma_wait3A_101] : memref<10240x64xf32, #tpu.memory_space<vmem_shared>> -> memref<80x64xf32, #tpu.memory_space<vmem_shared>>
      tpu.wait_dma2 semaphore(%run_scoped3A : memref<!tpu.dma_semaphore, #tpu.memory_space<semaphore_mem>>) src(%arg10 : memref<80x64xf32, #tpu.memory_space<vmem>>) dst(%dma_wait3A_102 : memref<80x64xf32, #tpu.memory_space<vmem_shared>>)
      tpu.yield
    }) : () -> ()
    %mul3A_33 = arith.constant 640 : i32
    %mul3A_34 = arith.muli %arg1, %mul3A_33 : i32
    %add3A_35 = arith.constant 560 : i32
    %add3A_36 = arith.addi %mul3A_34, %add3A_35 : i32
    "tpu.region"() ({
      %run_scoped3A = tpu.sem_alloc : memref<!tpu.dma_semaphore, #tpu.memory_space<semaphore_mem>>
      %dma_start3A_95 = arith.constant 0 : i32
      %dma_start3A_96 = tpu.memref_slice %arg7[%add3A_36, %dma_start3A_95] : memref<10240x64xf32, #tpu.memory_space<vmem_shared>> -> memref<80x64xf32, #tpu.memory_space<vmem_shared>>
      %dma_start3A_97 = arith.constant 0 : i32
      %dma_start3A_98 = tpu.memref_slice %arg7[%add3A_36, %dma_start3A_97] : memref<10240x64xf32, #tpu.memory_space<vmem_shared>> -> memref<80x64xf32, #tpu.memory_space<vmem_shared>>
      tpu.enqueue_dma source(%arg10 : memref<80x64xf32, #tpu.memory_space<vmem>>) target(%dma_start3A_98 : memref<80x64xf32, #tpu.memory_space<vmem_shared>>) target_semaphore(%run_scoped3A : memref<!tpu.dma_semaphore, #tpu.memory_space<semaphore_mem>>)
      %dma_wait3A_99 = arith.constant 0 : i32
      %dma_wait3A_100 = tpu.memref_slice %arg7[%add3A_36, %dma_wait3A_99] : memref<10240x64xf32, #tpu.memory_space<vmem_shared>> -> memref<80x64xf32, #tpu.memory_space<vmem_shared>>
      %dma_wait3A_101 = arith.constant 0 : i32
      %dma_wait3A_102 = tpu.memref_slice %arg7[%add3A_36, %dma_wait3A_101] : memref<10240x64xf32, #tpu.memory_space<vmem_shared>> -> memref<80x64xf32, #tpu.memory_space<vmem_shared>>
      tpu.wait_dma2 semaphore(%run_scoped3A : memref<!tpu.dma_semaphore, #tpu.memory_space<semaphore_mem>>) src(%arg10 : memref<80x64xf32, #tpu.memory_space<vmem>>) dst(%dma_wait3A_102 : memref<80x64xf32, #tpu.memory_space<vmem_shared>>)
      tpu.yield
    }) : () -> ()
    %barrier3A = arith.constant 0 : index
    tpu.barrier barrier_id(%barrier3A)
    %mul3A_37 = arith.constant 64 : i32
    %mul3A_38 = arith.muli %arg0, %mul3A_37 : i32
    %add3A_39 = arith.constant 0 : i32
    %add3A_40 = arith.addi %mul3A_2, %add3A_39 : i32
    %mul3A_41 = arith.constant 10000 : i32
    %mul3A_42 = arith.muli %arg1, %mul3A_41 : i32
    %add3A_43 = arith.constant 0 : i32
    %add3A_44 = arith.addi %mul3A_42, %add3A_43 : i32
    %dma_start3A = tpu.memref_slice %arg4[%add3A_40] : memref<320000xi32, #tpu.memory_space<hbm>> -> memref<80xi32, #tpu.memory_space<hbm>>
    %dma_start3A_45 = tpu.memref_slice %arg4[%add3A_40] : memref<320000xi32, #tpu.memory_space<hbm>> -> memref<80xi32, #tpu.memory_space<hbm>>
    tpu.enqueue_dma source(%dma_start3A_45 : memref<80xi32, #tpu.memory_space<hbm>>) target(%arg8 : memref<80xi32, #tpu.memory_space<vmem>>) target_semaphore(%arg16 : memref<!tpu.dma_semaphore, #tpu.memory_space<semaphore_mem>>)
    %dma_start3A_46 = tpu.memref_slice %arg5[%add3A_40] : memref<320000xi32, #tpu.memory_space<hbm>> -> memref<80xi32, #tpu.memory_space<hbm>>
    %dma_start3A_47 = tpu.memref_slice %arg5[%add3A_40] : memref<320000xi32, #tpu.memory_space<hbm>> -> memref<80xi32, #tpu.memory_space<hbm>>
    tpu.enqueue_dma source(%dma_start3A_47 : memref<80xi32, #tpu.memory_space<hbm>>) target(%arg9 : memref<80xi32, #tpu.memory_space<vmem>>) target_semaphore(%arg16 : memref<!tpu.dma_semaphore, #tpu.memory_space<semaphore_mem>>)
    %dma_start3A_48 = tpu.memref_slice %arg3[%add3A_44, %mul3A_38] : memref<160000x128xf32, #tpu.memory_space<hbm>> -> memref<80x64xf32, #tpu.memory_space<hbm>>
    %dma_start3A_49 = tpu.memref_slice %arg3[%add3A_44, %mul3A_38] : memref<160000x128xf32, #tpu.memory_space<hbm>> -> memref<80x64xf32, #tpu.memory_space<hbm>>
    tpu.enqueue_dma source(%dma_start3A_49 : memref<80x64xf32, #tpu.memory_space<hbm>>) target(%arg11 : memref<80x64xf32, #tpu.memory_space<vmem>>) target_semaphore(%arg17 : memref<!tpu.dma_semaphore, #tpu.memory_space<semaphore_mem>>)
    %add3A_50 = arith.constant 80 : i32
    %add3A_51 = arith.addi %mul3A_2, %add3A_50 : i32
    %mul3A_52 = arith.constant 10000 : i32
    %mul3A_53 = arith.muli %arg1, %mul3A_52 : i32
    %add3A_54 = arith.constant 80 : i32
    %add3A_55 = arith.addi %mul3A_53, %add3A_54 : i32
    %dma_start3A_56 = tpu.memref_slice %arg4[%add3A_51] : memref<320000xi32, #tpu.memory_space<hbm>> -> memref<80xi32, #tpu.memory_space<hbm>>
    %dma_start3A_57 = tpu.memref_slice %arg4[%add3A_51] : memref<320000xi32, #tpu.memory_space<hbm>> -> memref<80xi32, #tpu.memory_space<hbm>>
    tpu.enqueue_dma source(%dma_start3A_57 : memref<80xi32, #tpu.memory_space<hbm>>) target(%arg12 : memref<80xi32, #tpu.memory_space<vmem>>) target_semaphore(%arg19 : memref<!tpu.dma_semaphore, #tpu.memory_space<semaphore_mem>>)
    %dma_start3A_58 = tpu.memref_slice %arg5[%add3A_51] : memref<320000xi32, #tpu.memory_space<hbm>> -> memref<80xi32, #tpu.memory_space<hbm>>
    %dma_start3A_59 = tpu.memref_slice %arg5[%add3A_51] : memref<320000xi32, #tpu.memory_space<hbm>> -> memref<80xi32, #tpu.memory_space<hbm>>
    tpu.enqueue_dma source(%dma_start3A_59 : memref<80xi32, #tpu.memory_space<hbm>>) target(%arg13 : memref<80xi32, #tpu.memory_space<vmem>>) target_semaphore(%arg19 : memref<!tpu.dma_semaphore, #tpu.memory_space<semaphore_mem>>)
    %dma_start3A_60 = tpu.memref_slice %arg3[%add3A_55, %mul3A_38] : memref<160000x128xf32, #tpu.memory_space<hbm>> -> memref<80x64xf32, #tpu.memory_space<hbm>>
    %dma_start3A_61 = tpu.memref_slice %arg3[%add3A_55, %mul3A_38] : memref<160000x128xf32, #tpu.memory_space<hbm>> -> memref<80x64xf32, #tpu.memory_space<hbm>>
    tpu.enqueue_dma source(%dma_start3A_61 : memref<80x64xf32, #tpu.memory_space<hbm>>) target(%arg15 : memref<80x64xf32, #tpu.memory_space<vmem>>) target_semaphore(%arg20 : memref<!tpu.dma_semaphore, #tpu.memory_space<semaphore_mem>>)
    %dma_wait3A = arith.constant 0 : i32
    %dma_wait3A_62 = tpu.memref_slice %arg4[%dma_wait3A] : memref<320000xi32, #tpu.memory_space<hbm>> -> memref<80xi32, #tpu.memory_space<hbm>>
    %dma_wait3A_63 = arith.constant 0 : i32
    %dma_wait3A_64 = tpu.memref_slice %arg4[%dma_wait3A_63] : memref<320000xi32, #tpu.memory_space<hbm>> -> memref<80xi32, #tpu.memory_space<hbm>>
    tpu.wait_dma2 semaphore(%arg16 : memref<!tpu.dma_semaphore, #tpu.memory_space<semaphore_mem>>) src(%dma_wait3A_64 : memref<80xi32, #tpu.memory_space<hbm>>) dst(%arg8 : memref<80xi32, #tpu.memory_space<vmem>>)
    %dma_wait3A_65 = arith.constant 0 : i32
    %dma_wait3A_66 = tpu.memref_slice %arg5[%dma_wait3A_65] : memref<320000xi32, #tpu.memory_space<hbm>> -> memref<80xi32, #tpu.memory_space<hbm>>
    %dma_wait3A_67 = arith.constant 0 : i32
    %dma_wait3A_68 = tpu.memref_slice %arg5[%dma_wait3A_67] : memref<320000xi32, #tpu.memory_space<hbm>> -> memref<80xi32, #tpu.memory_space<hbm>>
    tpu.wait_dma2 semaphore(%arg16 : memref<!tpu.dma_semaphore, #tpu.memory_space<semaphore_mem>>) src(%dma_wait3A_68 : memref<80xi32, #tpu.memory_space<hbm>>) dst(%arg9 : memref<80xi32, #tpu.memory_space<vmem>>)
    %dma_start3A_69 = arith.constant 0 : i32
    %dma_start3A_70 = arith.constant 0 : i32
    %dma_start3A_71 = tpu.memref_slice %arg2[%dma_start3A_69, %dma_start3A_70] : memref<10000x64xf32, #tpu.memory_space<hbm>> -> memref<10000x64xf32, #tpu.memory_space<hbm>>
    tpu.enqueue_indirect_dma source(%dma_start3A_71 : memref<10000x64xf32, #tpu.memory_space<hbm>>) target(%arg10 : memref<80x64xf32, #tpu.memory_space<vmem>>) offsets(%arg8 : memref<80xi32, #tpu.memory_space<vmem>>) semaphore(%arg18 : memref<!tpu.dma_semaphore, #tpu.memory_space<semaphore_mem>>)
    %scan3A = arith.constant 0 : i32
    %scan3A_72 = arith.constant 0 : i32
    %scan3A_73 = arith.constant 62 : i32
    %scan3A_74 = arith.addi %scan3A_72, %scan3A_73 : i32
    %scan3A_75 = arith.constant 1 : i32
    %scan3A_76 = scf.for %scan3A_95 = %scan3A_72 to %scan3A_74 step %scan3A_75 iter_args(%scan3A_96 = %scan3A) -> (i32)  : i32 {
      %mul3A_97 = arith.constant 2 : i32
      %mul3A_98 = arith.muli %mul3A_97, %scan3A_95 : i32
      %dma_wait3A_99 = arith.constant 0 : i32
      %dma_wait3A_100 = tpu.memref_slice %arg4[%dma_wait3A_99] : memref<320000xi32, #tpu.memory_space<hbm>> -> memref<80xi32, #tpu.memory_space<hbm>>
      %dma_wait3A_101 = arith.constant 0 : i32
      %dma_wait3A_102 = tpu.memref_slice %arg4[%dma_wait3A_101] : memref<320000xi32, #tpu.memory_space<hbm>> -> memref<80xi32, #tpu.memory_space<hbm>>
      tpu.wait_dma2 semaphore(%arg19 : memref<!tpu.dma_semaphore, #tpu.memory_space<semaphore_mem>>) src(%dma_wait3A_102 : memref<80xi32, #tpu.memory_space<hbm>>) dst(%arg12 : memref<80xi32, #tpu.memory_space<vmem>>)
      %dma_wait3A_103 = arith.constant 0 : i32
      %dma_wait3A_104 = tpu.memref_slice %arg5[%dma_wait3A_103] : memref<320000xi32, #tpu.memory_space<hbm>> -> memref<80xi32, #tpu.memory_space<hbm>>
      %dma_wait3A_105 = arith.constant 0 : i32
      %dma_wait3A_106 = tpu.memref_slice %arg5[%dma_wait3A_105] : memref<320000xi32, #tpu.memory_space<hbm>> -> memref<80xi32, #tpu.memory_space<hbm>>
      tpu.wait_dma2 semaphore(%arg19 : memref<!tpu.dma_semaphore, #tpu.memory_space<semaphore_mem>>) src(%dma_wait3A_106 : memref<80xi32, #tpu.memory_space<hbm>>) dst(%arg13 : memref<80xi32, #tpu.memory_space<vmem>>)
      %dma_start3A_107 = arith.constant 0 : i32
      %dma_start3A_108 = arith.constant 0 : i32
      %dma_start3A_109 = tpu.memref_slice %arg2[%dma_start3A_107, %dma_start3A_108] : memref<10000x64xf32, #tpu.memory_space<hbm>> -> memref<10000x64xf32, #tpu.memory_space<hbm>>
      tpu.enqueue_indirect_dma source(%dma_start3A_109 : memref<10000x64xf32, #tpu.memory_space<hbm>>) target(%arg14 : memref<80x64xf32, #tpu.memory_space<vmem>>) offsets(%arg12 : memref<80xi32, #tpu.memory_space<vmem>>) semaphore(%arg21 : memref<!tpu.dma_semaphore, #tpu.memory_space<semaphore_mem>>)
      %dma_wait3A_110 = arith.constant 0 : i32
      %dma_wait3A_111 = arith.constant 0 : i32
      %dma_wait3A_112 = tpu.memref_slice %arg3[%dma_wait3A_110, %dma_wait3A_111] : memref<160000x128xf32, #tpu.memory_space<hbm>> -> memref<80x64xf32, #tpu.memory_space<hbm>>
      %dma_wait3A_113 = arith.constant 0 : i32
      %dma_wait3A_114 = arith.constant 0 : i32
      %dma_wait3A_115 = tpu.memref_slice %arg3[%dma_wait3A_113, %dma_wait3A_114] : memref<160000x128xf32, #tpu.memory_space<hbm>> -> memref<80x64xf32, #tpu.memory_space<hbm>>
      tpu.wait_dma2 semaphore(%arg17 : memref<!tpu.dma_semaphore, #tpu.memory_space<semaphore_mem>>) src(%dma_wait3A_115 : memref<80x64xf32, #tpu.memory_space<hbm>>) dst(%arg11 : memref<80x64xf32, #tpu.memory_space<vmem>>)
      %dma_wait3A_116 = arith.constant 0 : i32
      %dma_wait3A_117 = arith.constant 0 : i32
      %dma_wait3A_118 = tpu.memref_slice %arg2[%dma_wait3A_116, %dma_wait3A_117] : memref<10000x64xf32, #tpu.memory_space<hbm>> -> memref<10000x64xf32, #tpu.memory_space<hbm>>
      tpu.wait_indirect_dma semaphore(%arg18 : memref<!tpu.dma_semaphore, #tpu.memory_space<semaphore_mem>>) src(%dma_wait3A_118 : memref<10000x64xf32, #tpu.memory_space<hbm>>) dst(%arg10 : memref<80x64xf32, #tpu.memory_space<vmem>>)
      %parallel_loop3A_119 = arith.constant 0 : i32
      %parallel_loop3A_120 = arith.constant 80 : i32
      %parallel_loop3A_121 = arith.constant 1 : i32
      scf.for %parallel_loop3A_166 = %parallel_loop3A_119 to %parallel_loop3A_120 step %parallel_loop3A_121  : i32 {
        %parallel_loop3A_167 = arith.index_cast %parallel_loop3A_166 : i32 to index
        %parallel_loop3A_168 = arith.constant 0 : index
        %parallel_loop3A_169 = tpu.vector_load %arg10[%parallel_loop3A_167, %parallel_loop3A_168] {strides = array<i32>} : memref<80x64xf32, #tpu.memory_space<vmem>>, vector<1x16xf32>,
        %parallel_loop3A_170 = vector.shape_cast %parallel_loop3A_169 : vector<1x16xf32> to vector<16xf32>
        %parallel_loop3A_171 = arith.index_cast %parallel_loop3A_166 : i32 to index
        %parallel_loop3A_172 = arith.constant 0 : index
        %parallel_loop3A_173 = tpu.vector_load %arg11[%parallel_loop3A_171, %parallel_loop3A_172] {strides = array<i32>} : memref<80x64xf32, #tpu.memory_space<vmem>>, vector<1x16xf32>,
        %parallel_loop3A_174 = vector.shape_cast %parallel_loop3A_173 : vector<1x16xf32> to vector<16xf32>
        %parallel_loop3A_175 = arith.mulf %parallel_loop3A_170, %parallel_loop3A_174 : vector<16xf32>
        %parallel_loop3A_176 = arith.index_cast %parallel_loop3A_166 : i32 to index
        %parallel_loop3A_177 = arith.constant 0 : index
        %parallel_loop3A_178 = tpu.vector_load %arg10[%parallel_loop3A_176, %parallel_loop3A_177] {strides = array<i32>} : memref<80x64xf32, #tpu.memory_space<vmem>>, vector<1x16xf32>,
        %parallel_loop3A_179 = vector.shape_cast %parallel_loop3A_178 : vector<1x16xf32> to vector<16xf32>
        %parallel_loop3A_180 = vector.shape_cast %parallel_loop3A_175 : vector<16xf32> to vector<1x16xf32>
        tpu.vector_store %arg10[%parallel_loop3A_176, %parallel_loop3A_177], %parallel_loop3A_180 {strides = array<i32>} : memref<80x64xf32, #tpu.memory_space<vmem>>, vector<1x16xf32>,
        %parallel_loop3A_181 = arith.index_cast %parallel_loop3A_166 : i32 to index
        %parallel_loop3A_182 = arith.constant 16 : index
        %parallel_loop3A_183 = tpu.vector_load %arg10[%parallel_loop3A_181, %parallel_loop3A_182] {strides = array<i32>} : memref<80x64xf32, #tpu.memory_space<vmem>>, vector<1x16xf32>,
        %parallel_loop3A_184 = vector.shape_cast %parallel_loop3A_183 : vector<1x16xf32> to vector<16xf32>
        %parallel_loop3A_185 = arith.index_cast %parallel_loop3A_166 : i32 to index
        %parallel_loop3A_186 = arith.constant 16 : index
        %parallel_loop3A_187 = tpu.vector_load %arg11[%parallel_loop3A_185, %parallel_loop3A_186] {strides = array<i32>} : memref<80x64xf32, #tpu.memory_space<vmem>>, vector<1x16xf32>,
        %parallel_loop3A_188 = vector.shape_cast %parallel_loop3A_187 : vector<1x16xf32> to vector<16xf32>
        %parallel_loop3A_189 = arith.mulf %parallel_loop3A_184, %parallel_loop3A_188 : vector<16xf32>
        %parallel_loop3A_190 = arith.index_cast %parallel_loop3A_166 : i32 to index
        %parallel_loop3A_191 = arith.constant 16 : index
        %parallel_loop3A_192 = tpu.vector_load %arg10[%parallel_loop3A_190, %parallel_loop3A_191] {strides = array<i32>} : memref<80x64xf32, #tpu.memory_space<vmem>>, vector<1x16xf32>,
        %parallel_loop3A_193 = vector.shape_cast %parallel_loop3A_192 : vector<1x16xf32> to vector<16xf32>
        %parallel_loop3A_194 = vector.shape_cast %parallel_loop3A_189 : vector<16xf32> to vector<1x16xf32>
        tpu.vector_store %arg10[%parallel_loop3A_190, %parallel_loop3A_191], %parallel_loop3A_194 {strides = array<i32>} : memref<80x64xf32, #tpu.memory_space<vmem>>, vector<1x16xf32>,
        %parallel_loop3A_195 = arith.index_cast %parallel_loop3A_166 : i32 to index
        %parallel_loop3A_196 = arith.constant 32 : index
        %parallel_loop3A_197 = tpu.vector_load %arg10[%parallel_loop3A_195, %parallel_loop3A_196] {strides = array<i32>} : memref<80x64xf32, #tpu.memory_space<vmem>>, vector<1x16xf32>,
        %parallel_loop3A_198 = vector.shape_cast %parallel_loop3A_197 : vector<1x16xf32> to vector<16xf32>
        %parallel_loop3A_199 = arith.index_cast %parallel_loop3A_166 : i32 to index
        %parallel_loop3A_200 = arith.constant 32 : index
        %parallel_loop3A_201 = tpu.vector_load %arg11[%parallel_loop3A_199, %parallel_loop3A_200] {strides = array<i32>} : memref<80x64xf32, #tpu.memory_space<vmem>>, vector<1x16xf32>,
        %parallel_loop3A_202 = vector.shape_cast %parallel_loop3A_201 : vector<1x16xf32> to vector<16xf32>
        %parallel_loop3A_203 = arith.mulf %parallel_loop3A_198, %parallel_loop3A_202 : vector<16xf32>
        %parallel_loop3A_204 = arith.index_cast %parallel_loop3A_166 : i32 to index
        %parallel_loop3A_205 = arith.constant 32 : index
        %parallel_loop3A_206 = tpu.vector_load %arg10[%parallel_loop3A_204, %parallel_loop3A_205] {strides = array<i32>} : memref<80x64xf32, #tpu.memory_space<vmem>>, vector<1x16xf32>,
        %parallel_loop3A_207 = vector.shape_cast %parallel_loop3A_206 : vector<1x16xf32> to vector<16xf32>
        %parallel_loop3A_208 = vector.shape_cast %parallel_loop3A_203 : vector<16xf32> to vector<1x16xf32>
        tpu.vector_store %arg10[%parallel_loop3A_204, %parallel_loop3A_205], %parallel_loop3A_208 {strides = array<i32>} : memref<80x64xf32, #tpu.memory_space<vmem>>, vector<1x16xf32>,
        %parallel_loop3A_209 = arith.index_cast %parallel_loop3A_166 : i32 to index
        %parallel_loop3A_210 = arith.constant 48 : index
        %parallel_loop3A_211 = tpu.vector_load %arg10[%parallel_loop3A_209, %parallel_loop3A_210] {strides = array<i32>} : memref<80x64xf32, #tpu.memory_space<vmem>>, vector<1x16xf32>,
        %parallel_loop3A_212 = vector.shape_cast %parallel_loop3A_211 : vector<1x16xf32> to vector<16xf32>
        %parallel_loop3A_213 = arith.index_cast %parallel_loop3A_166 : i32 to index
        %parallel_loop3A_214 = arith.constant 48 : index
        %parallel_loop3A_215 = tpu.vector_load %arg11[%parallel_loop3A_213, %parallel_loop3A_214] {strides = array<i32>} : memref<80x64xf32, #tpu.memory_space<vmem>>, vector<1x16xf32>,
        %parallel_loop3A_216 = vector.shape_cast %parallel_loop3A_215 : vector<1x16xf32> to vector<16xf32>
        %parallel_loop3A_217 = arith.mulf %parallel_loop3A_212, %parallel_loop3A_216 : vector<16xf32>
        %parallel_loop3A_218 = arith.index_cast %parallel_loop3A_166 : i32 to index
        %parallel_loop3A_219 = arith.constant 48 : index
        %parallel_loop3A_220 = tpu.vector_load %arg10[%parallel_loop3A_218, %parallel_loop3A_219] {strides = array<i32>} : memref<80x64xf32, #tpu.memory_space<vmem>>, vector<1x16xf32>,
        %parallel_loop3A_221 = vector.shape_cast %parallel_loop3A_220 : vector<1x16xf32> to vector<16xf32>
        %parallel_loop3A_222 = vector.shape_cast %parallel_loop3A_217 : vector<16xf32> to vector<1x16xf32>
        tpu.vector_store %arg10[%parallel_loop3A_218, %parallel_loop3A_219], %parallel_loop3A_222 {strides = array<i32>} : memref<80x64xf32, #tpu.memory_space<vmem>>, vector<1x16xf32>,
      } {sc.loop_unroll_factor = 4 : i64, sc.parallel_access}
      "tpu.region"() ({
        %run_scoped3A = tpu.sem_alloc : memref<!tpu.dma_semaphore, #tpu.memory_space<semaphore_mem>>
        %dma_start3A_166 = arith.constant 0 : i32
        %dma_start3A_167 = arith.constant 0 : i32
        %dma_start3A_168 = tpu.memref_slice %arg7[%dma_start3A_166, %dma_start3A_167] : memref<10240x64xf32, #tpu.memory_space<vmem_shared>> -> memref<10240x64xf32, #tpu.memory_space<vmem_shared>>
        tpu.enqueue_indirect_dma source(%arg10 : memref<80x64xf32, #tpu.memory_space<vmem>>) target(%dma_start3A_168 : memref<10240x64xf32, #tpu.memory_space<vmem_shared>>) offsets(%arg9 : memref<80xi32, #tpu.memory_space<vmem>>) semaphore(%run_scoped3A : memref<!tpu.dma_semaphore, #tpu.memory_space<semaphore_mem>>) {add = true}
        %dma_wait3A_169 = arith.constant 0 : i32
        %dma_wait3A_170 = arith.constant 0 : i32
        %dma_wait3A_171 = tpu.memref_slice %arg7[%dma_wait3A_169, %dma_wait3A_170] : memref<10240x64xf32, #tpu.memory_space<vmem_shared>> -> memref<10240x64xf32, #tpu.memory_space<vmem_shared>>
        tpu.wait_indirect_dma semaphore(%run_scoped3A : memref<!tpu.dma_semaphore, #tpu.memory_space<semaphore_mem>>) src(%arg10 : memref<80x64xf32, #tpu.memory_space<vmem>>) dst(%dma_wait3A_171 : memref<10240x64xf32, #tpu.memory_space<vmem_shared>>)
        tpu.yield
      }) : () -> ()
      %add3A_122 = arith.constant 2 : i32
      %add3A_123 = arith.addi %mul3A_98, %add3A_122 : i32
      %mul3A_124 = arith.constant 80 : i32
      %mul3A_125 = arith.muli %add3A_123, %mul3A_124 : i32
      %add3A_126 = arith.addi %mul3A_2, %mul3A_125 : i32
      %mul3A_127 = arith.constant 10000 : i32
      %mul3A_128 = arith.muli %arg1, %mul3A_127 : i32
      %mul3A_129 = arith.constant 80 : i32
      %mul3A_130 = arith.muli %add3A_123, %mul3A_129 : i32
      %add3A_131 = arith.addi %mul3A_128, %mul3A_130 : i32
      %dma_start3A_132 = tpu.memref_slice %arg4[%add3A_126] : memref<320000xi32, #tpu.memory_space<hbm>> -> memref<80xi32, #tpu.memory_space<hbm>>
      %dma_start3A_133 = tpu.memref_slice %arg4[%add3A_126] : memref<320000xi32, #tpu.memory_space<hbm>> -> memref<80xi32, #tpu.memory_space<hbm>>
      tpu.enqueue_dma source(%dma_start3A_133 : memref<80xi32, #tpu.memory_space<hbm>>) target(%arg8 : memref<80xi32, #tpu.memory_space<vmem>>) target_semaphore(%arg16 : memref<!tpu.dma_semaphore, #tpu.memory_space<semaphore_mem>>)
      %dma_start3A_134 = tpu.memref_slice %arg5[%add3A_126] : memref<320000xi32, #tpu.memory_space<hbm>> -> memref<80xi32, #tpu.memory_space<hbm>>
      %dma_start3A_135 = tpu.memref_slice %arg5[%add3A_126] : memref<320000xi32, #tpu.memory_space<hbm>> -> memref<80xi32, #tpu.memory_space<hbm>>
      tpu.enqueue_dma source(%dma_start3A_135 : memref<80xi32, #tpu.memory_space<hbm>>) target(%arg9 : memref<80xi32, #tpu.memory_space<vmem>>) target_semaphore(%arg16 : memref<!tpu.dma_semaphore, #tpu.memory_space<semaphore_mem>>)
      %dma_start3A_136 = tpu.memref_slice %arg3[%add3A_131, %mul3A_38] : memref<160000x128xf32, #tpu.memory_space<hbm>> -> memref<80x64xf32, #tpu.memory_space<hbm>>
      %dma_start3A_137 = tpu.memref_slice %arg3[%add3A_131, %mul3A_38] : memref<160000x128xf32, #tpu.memory_space<hbm>> -> memref<80x64xf32, #tpu.memory_space<hbm>>
      tpu.enqueue_dma source(%dma_start3A_137 : memref<80x64xf32, #tpu.memory_space<hbm>>) target(%arg11 : memref<80x64xf32, #tpu.memory_space<vmem>>) target_semaphore(%arg17 : memref<!tpu.dma_semaphore, #tpu.memory_space<semaphore_mem>>)
      %dma_wait3A_138 = arith.constant 0 : i32
      %dma_wait3A_139 = tpu.memref_slice %arg4[%dma_wait3A_138] : memref<320000xi32, #tpu.memory_space<hbm>> -> memref<80xi32, #tpu.memory_space<hbm>>
      %dma_wait3A_140 = arith.constant 0 : i32
      %dma_wait3A_141 = tpu.memref_slice %arg4[%dma_wait3A_140] : memref<320000xi32, #tpu.memory_space<hbm>> -> memref<80xi32, #tpu.memory_space<hbm>>
      tpu.wait_dma2 semaphore(%arg16 : memref<!tpu.dma_semaphore, #tpu.memory_space<semaphore_mem>>) src(%dma_wait3A_141 : memref<80xi32, #tpu.memory_space<hbm>>) dst(%arg8 : memref<80xi32, #tpu.memory_space<vmem>>)
      %dma_wait3A_142 = arith.constant 0 : i32
      %dma_wait3A_143 = tpu.memref_slice %arg5[%dma_wait3A_142] : memref<320000xi32, #tpu.memory_space<hbm>> -> memref<80xi32, #tpu.memory_space<hbm>>
      %dma_wait3A_144 = arith.constant 0 : i32
      %dma_wait3A_145 = tpu.memref_slice %arg5[%dma_wait3A_144] : memref<320000xi32, #tpu.memory_space<hbm>> -> memref<80xi32, #tpu.memory_space<hbm>>
      tpu.wait_dma2 semaphore(%arg16 : memref<!tpu.dma_semaphore, #tpu.memory_space<semaphore_mem>>) src(%dma_wait3A_145 : memref<80xi32, #tpu.memory_space<hbm>>) dst(%arg9 : memref<80xi32, #tpu.memory_space<vmem>>)
      %dma_start3A_146 = arith.constant 0 : i32
      %dma_start3A_147 = arith.constant 0 : i32
      %dma_start3A_148 = tpu.memref_slice %arg2[%dma_start3A_146, %dma_start3A_147] : memref<10000x64xf32, #tpu.memory_space<hbm>> -> memref<10000x64xf32, #tpu.memory_space<hbm>>
      tpu.enqueue_indirect_dma source(%dma_start3A_148 : memref<10000x64xf32, #tpu.memory_space<hbm>>) target(%arg10 : memref<80x64xf32, #tpu.memory_space<vmem>>) offsets(%arg8 : memref<80xi32, #tpu.memory_space<vmem>>) semaphore(%arg18 : memref<!tpu.dma_semaphore, #tpu.memory_space<semaphore_mem>>)
      %dma_wait3A_149 = arith.constant 0 : i32
      %dma_wait3A_150 = arith.constant 0 : i32
      %dma_wait3A_151 = tpu.memref_slice %arg3[%dma_wait3A_149, %dma_wait3A_150] : memref<160000x128xf32, #tpu.memory_space<hbm>> -> memref<80x64xf32, #tpu.memory_space<hbm>>
      %dma_wait3A_152 = arith.constant 0 : i32
      %dma_wait3A_153 = arith.constant 0 : i32
      %dma_wait3A_154 = tpu.memref_slice %arg3[%dma_wait3A_152, %dma_wait3A_153] : memref<160000x128xf32, #tpu.memory_space<hbm>> -> memref<80x64xf32, #tpu.memory_space<hbm>>
      tpu.wait_dma2 semaphore(%arg20 : memref<!tpu.dma_semaphore, #tpu.memory_space<semaphore_mem>>) src(%dma_wait3A_154 : memref<80x64xf32, #tpu.memory_space<hbm>>) dst(%arg15 : memref<80x64xf32, #tpu.memory_space<vmem>>)
      %dma_wait3A_155 = arith.constant 0 : i32
      %dma_wait3A_156 = arith.constant 0 : i32
      %dma_wait3A_157 = tpu.memref_slice %arg2[%dma_wait3A_155, %dma_wait3A_156] : memref<10000x64xf32, #tpu.memory_space<hbm>> -> memref<10000x64xf32, #tpu.memory_space<hbm>>
      tpu.wait_indirect_dma semaphore(%arg21 : memref<!tpu.dma_semaphore, #tpu.memory_space<semaphore_mem>>) src(%dma_wait3A_157 : memref<10000x64xf32, #tpu.memory_space<hbm>>) dst(%arg14 : memref<80x64xf32, #tpu.memory_space<vmem>>)
      %parallel_loop3A_158 = arith.constant 0 : i32
      %parallel_loop3A_159 = arith.constant 80 : i32
      %parallel_loop3A_160 = arith.constant 1 : i32
      scf.for %parallel_loop3A_166 = %parallel_loop3A_158 to %parallel_loop3A_159 step %parallel_loop3A_160  : i32 {
        %parallel_loop3A_167 = arith.index_cast %parallel_loop3A_166 : i32 to index
        %parallel_loop3A_168 = arith.constant 0 : index
        %parallel_loop3A_169 = tpu.vector_load %arg14[%parallel_loop3A_167, %parallel_loop3A_168] {strides = array<i32>} : memref<80x64xf32, #tpu.memory_space<vmem>>, vector<1x16xf32>,
        %parallel_loop3A_170 = vector.shape_cast %parallel_loop3A_169 : vector<1x16xf32> to vector<16xf32>
        %parallel_loop3A_171 = arith.index_cast %parallel_loop3A_166 : i32 to index
        %parallel_loop3A_172 = arith.constant 0 : index
        %parallel_loop3A_173 = tpu.vector_load %arg15[%parallel_loop3A_171, %parallel_loop3A_172] {strides = array<i32>} : memref<80x64xf32, #tpu.memory_space<vmem>>, vector<1x16xf32>,
        %parallel_loop3A_174 = vector.shape_cast %parallel_loop3A_173 : vector<1x16xf32> to vector<16xf32>
        %parallel_loop3A_175 = arith.mulf %parallel_loop3A_170, %parallel_loop3A_174 : vector<16xf32>
        %parallel_loop3A_176 = arith.index_cast %parallel_loop3A_166 : i32 to index
        %parallel_loop3A_177 = arith.constant 0 : index
        %parallel_loop3A_178 = tpu.vector_load %arg14[%parallel_loop3A_176, %parallel_loop3A_177] {strides = array<i32>} : memref<80x64xf32, #tpu.memory_space<vmem>>, vector<1x16xf32>,
        %parallel_loop3A_179 = vector.shape_cast %parallel_loop3A_178 : vector<1x16xf32> to vector<16xf32>
        %parallel_loop3A_180 = vector.shape_cast %parallel_loop3A_175 : vector<16xf32> to vector<1x16xf32>
        tpu.vector_store %arg14[%parallel_loop3A_176, %parallel_loop3A_177], %parallel_loop3A_180 {strides = array<i32>} : memref<80x64xf32, #tpu.memory_space<vmem>>, vector<1x16xf32>,
        %parallel_loop3A_181 = arith.index_cast %parallel_loop3A_166 : i32 to index
        %parallel_loop3A_182 = arith.constant 16 : index
        %parallel_loop3A_183 = tpu.vector_load %arg14[%parallel_loop3A_181, %parallel_loop3A_182] {strides = array<i32>} : memref<80x64xf32, #tpu.memory_space<vmem>>, vector<1x16xf32>,
        %parallel_loop3A_184 = vector.shape_cast %parallel_loop3A_183 : vector<1x16xf32> to vector<16xf32>
        %parallel_loop3A_185 = arith.index_cast %parallel_loop3A_166 : i32 to index
        %parallel_loop3A_186 = arith.constant 16 : index
        %parallel_loop3A_187 = tpu.vector_load %arg15[%parallel_loop3A_185, %parallel_loop3A_186] {strides = array<i32>} : memref<80x64xf32, #tpu.memory_space<vmem>>, vector<1x16xf32>,
        %parallel_loop3A_188 = vector.shape_cast %parallel_loop3A_187 : vector<1x16xf32> to vector<16xf32>
        %parallel_loop3A_189 = arith.mulf %parallel_loop3A_184, %parallel_loop3A_188 : vector<16xf32>
        %parallel_loop3A_190 = arith.index_cast %parallel_loop3A_166 : i32 to index
        %parallel_loop3A_191 = arith.constant 16 : index
        %parallel_loop3A_192 = tpu.vector_load %arg14[%parallel_loop3A_190, %parallel_loop3A_191] {strides = array<i32>} : memref<80x64xf32, #tpu.memory_space<vmem>>, vector<1x16xf32>,
        %parallel_loop3A_193 = vector.shape_cast %parallel_loop3A_192 : vector<1x16xf32> to vector<16xf32>
        %parallel_loop3A_194 = vector.shape_cast %parallel_loop3A_189 : vector<16xf32> to vector<1x16xf32>
        tpu.vector_store %arg14[%parallel_loop3A_190, %parallel_loop3A_191], %parallel_loop3A_194 {strides = array<i32>} : memref<80x64xf32, #tpu.memory_space<vmem>>, vector<1x16xf32>,
        %parallel_loop3A_195 = arith.index_cast %parallel_loop3A_166 : i32 to index
        %parallel_loop3A_196 = arith.constant 32 : index
        %parallel_loop3A_197 = tpu.vector_load %arg14[%parallel_loop3A_195, %parallel_loop3A_196] {strides = array<i32>} : memref<80x64xf32, #tpu.memory_space<vmem>>, vector<1x16xf32>,
        %parallel_loop3A_198 = vector.shape_cast %parallel_loop3A_197 : vector<1x16xf32> to vector<16xf32>
        %parallel_loop3A_199 = arith.index_cast %parallel_loop3A_166 : i32 to index
        %parallel_loop3A_200 = arith.constant 32 : index
        %parallel_loop3A_201 = tpu.vector_load %arg15[%parallel_loop3A_199, %parallel_loop3A_200] {strides = array<i32>} : memref<80x64xf32, #tpu.memory_space<vmem>>, vector<1x16xf32>,
        %parallel_loop3A_202 = vector.shape_cast %parallel_loop3A_201 : vector<1x16xf32> to vector<16xf32>
        %parallel_loop3A_203 = arith.mulf %parallel_loop3A_198, %parallel_loop3A_202 : vector<16xf32>
        %parallel_loop3A_204 = arith.index_cast %parallel_loop3A_166 : i32 to index
        %parallel_loop3A_205 = arith.constant 32 : index
        %parallel_loop3A_206 = tpu.vector_load %arg14[%parallel_loop3A_204, %parallel_loop3A_205] {strides = array<i32>} : memref<80x64xf32, #tpu.memory_space<vmem>>, vector<1x16xf32>,
        %parallel_loop3A_207 = vector.shape_cast %parallel_loop3A_206 : vector<1x16xf32> to vector<16xf32>
        %parallel_loop3A_208 = vector.shape_cast %parallel_loop3A_203 : vector<16xf32> to vector<1x16xf32>
        tpu.vector_store %arg14[%parallel_loop3A_204, %parallel_loop3A_205], %parallel_loop3A_208 {strides = array<i32>} : memref<80x64xf32, #tpu.memory_space<vmem>>, vector<1x16xf32>,
        %parallel_loop3A_209 = arith.index_cast %parallel_loop3A_166 : i32 to index
        %parallel_loop3A_210 = arith.constant 48 : index
        %parallel_loop3A_211 = tpu.vector_load %arg14[%parallel_loop3A_209, %parallel_loop3A_210] {strides = array<i32>} : memref<80x64xf32, #tpu.memory_space<vmem>>, vector<1x16xf32>,
        %parallel_loop3A_212 = vector.shape_cast %parallel_loop3A_211 : vector<1x16xf32> to vector<16xf32>
        %parallel_loop3A_213 = arith.index_cast %parallel_loop3A_166 : i32 to index
        %parallel_loop3A_214 = arith.constant 48 : index
        %parallel_loop3A_215 = tpu.vector_load %arg15[%parallel_loop3A_213, %parallel_loop3A_214] {strides = array<i32>} : memref<80x64xf32, #tpu.memory_space<vmem>>, vector<1x16xf32>,
        %parallel_loop3A_216 = vector.shape_cast %parallel_loop3A_215 : vector<1x16xf32> to vector<16xf32>
        %parallel_loop3A_217 = arith.mulf %parallel_loop3A_212, %parallel_loop3A_216 : vector<16xf32>
        %parallel_loop3A_218 = arith.index_cast %parallel_loop3A_166 : i32 to index
        %parallel_loop3A_219 = arith.constant 48 : index
        %parallel_loop3A_220 = tpu.vector_load %arg14[%parallel_loop3A_218, %parallel_loop3A_219] {strides = array<i32>} : memref<80x64xf32, #tpu.memory_space<vmem>>, vector<1x16xf32>,
        %parallel_loop3A_221 = vector.shape_cast %parallel_loop3A_220 : vector<1x16xf32> to vector<16xf32>
        %parallel_loop3A_222 = vector.shape_cast %parallel_loop3A_217 : vector<16xf32> to vector<1x16xf32>
        tpu.vector_store %arg14[%parallel_loop3A_218, %parallel_loop3A_219], %parallel_loop3A_222 {strides = array<i32>} : memref<80x64xf32, #tpu.memory_space<vmem>>, vector<1x16xf32>,
      } {sc.loop_unroll_factor = 4 : i64, sc.parallel_access}
      "tpu.region"() ({
        %run_scoped3A = tpu.sem_alloc : memref<!tpu.dma_semaphore, #tpu.memory_space<semaphore_mem>>
        %dma_start3A_166 = arith.constant 0 : i32
        %dma_start3A_167 = arith.constant 0 : i32
        %dma_start3A_168 = tpu.memref_slice %arg7[%dma_start3A_166, %dma_start3A_167] : memref<10240x64xf32, #tpu.memory_space<vmem_shared>> -> memref<10240x64xf32, #tpu.memory_space<vmem_shared>>
        tpu.enqueue_indirect_dma source(%arg14 : memref<80x64xf32, #tpu.memory_space<vmem>>) target(%dma_start3A_168 : memref<10240x64xf32, #tpu.memory_space<vmem_shared>>) offsets(%arg13 : memref<80xi32, #tpu.memory_space<vmem>>) semaphore(%run_scoped3A : memref<!tpu.dma_semaphore, #tpu.memory_space<semaphore_mem>>) {add = true}
        %dma_wait3A_169 = arith.constant 0 : i32
        %dma_wait3A_170 = arith.constant 0 : i32
        %dma_wait3A_171 = tpu.memref_slice %arg7[%dma_wait3A_169, %dma_wait3A_170] : memref<10240x64xf32, #tpu.memory_space<vmem_shared>> -> memref<10240x64xf32, #tpu.memory_space<vmem_shared>>
        tpu.wait_indirect_dma semaphore(%run_scoped3A : memref<!tpu.dma_semaphore, #tpu.memory_space<semaphore_mem>>) src(%arg14 : memref<80x64xf32, #tpu.memory_space<vmem>>) dst(%dma_wait3A_171 : memref<10240x64xf32, #tpu.memory_space<vmem_shared>>)
        tpu.yield
      }) : () -> ()
      %add3A_161 = arith.constant 3 : i32
      %add3A_162 = arith.addi %mul3A_98, %add3A_161 : i32
      %lt3A = arith.constant 125 : i32
      %lt3A_163 = arith.cmpi slt, %add3A_162, %lt3A : i32
      %convert_element_type3A = arith.extui %lt3A_163 : i1 to i32
      %cond3A = arith.constant 0 : i32
      %cond3A_164 = arith.cmpi ne, %convert_element_type3A, %cond3A : i32
      scf.if %cond3A_164 {
        %add3A_166 = arith.constant 3 : i32
        %add3A_167 = arith.addi %mul3A_98, %add3A_166 : i32
        %mul3A_168 = arith.constant 80 : i32
        %mul3A_169 = arith.muli %add3A_167, %mul3A_168 : i32
        %add3A_170 = arith.addi %mul3A_2, %mul3A_169 : i32
        %mul3A_171 = arith.constant 10000 : i32
        %mul3A_172 = arith.muli %arg1, %mul3A_171 : i32
        %mul3A_173 = arith.constant 80 : i32
        %mul3A_174 = arith.muli %add3A_167, %mul3A_173 : i32
        %add3A_175 = arith.addi %mul3A_172, %mul3A_174 : i32
        %dma_start3A_176 = tpu.memref_slice %arg4[%add3A_170] : memref<320000xi32, #tpu.memory_space<hbm>> -> memref<80xi32, #tpu.memory_space<hbm>>
        %dma_start3A_177 = tpu.memref_slice %arg4[%add3A_170] : memref<320000xi32, #tpu.memory_space<hbm>> -> memref<80xi32, #tpu.memory_space<hbm>>
        tpu.enqueue_dma source(%dma_start3A_177 : memref<80xi32, #tpu.memory_space<hbm>>) target(%arg12 : memref<80xi32, #tpu.memory_space<vmem>>) target_semaphore(%arg19 : memref<!tpu.dma_semaphore, #tpu.memory_space<semaphore_mem>>)
        %dma_start3A_178 = tpu.memref_slice %arg5[%add3A_170] : memref<320000xi32, #tpu.memory_space<hbm>> -> memref<80xi32, #tpu.memory_space<hbm>>
        %dma_start3A_179 = tpu.memref_slice %arg5[%add3A_170] : memref<320000xi32, #tpu.memory_space<hbm>> -> memref<80xi32, #tpu.memory_space<hbm>>
        tpu.enqueue_dma source(%dma_start3A_179 : memref<80xi32, #tpu.memory_space<hbm>>) target(%arg13 : memref<80xi32, #tpu.memory_space<vmem>>) target_semaphore(%arg19 : memref<!tpu.dma_semaphore, #tpu.memory_space<semaphore_mem>>)
        %dma_start3A_180 = tpu.memref_slice %arg3[%add3A_175, %mul3A_38] : memref<160000x128xf32, #tpu.memory_space<hbm>> -> memref<80x64xf32, #tpu.memory_space<hbm>>
        %dma_start3A_181 = tpu.memref_slice %arg3[%add3A_175, %mul3A_38] : memref<160000x128xf32, #tpu.memory_space<hbm>> -> memref<80x64xf32, #tpu.memory_space<hbm>>
        tpu.enqueue_dma source(%dma_start3A_181 : memref<80x64xf32, #tpu.memory_space<hbm>>) target(%arg15 : memref<80x64xf32, #tpu.memory_space<vmem>>) target_semaphore(%arg20 : memref<!tpu.dma_semaphore, #tpu.memory_space<semaphore_mem>>)
      } else {
      }
      %scan3A_165 = arith.constant 0 : i32
      scf.yield %scan3A_165 : i32
    }
    %scan3A_77 = arith.constant 62 : i32
    %dma_wait3A_78 = arith.constant 0 : i32
    %dma_wait3A_79 = arith.constant 0 : i32
    %dma_wait3A_80 = tpu.memref_slice %arg3[%dma_wait3A_78, %dma_wait3A_79] : memref<160000x128xf32, #tpu.memory_space<hbm>> -> memref<80x64xf32, #tpu.memory_space<hbm>>
    %dma_wait3A_81 = arith.constant 0 : i32
    %dma_wait3A_82 = arith.constant 0 : i32
    %dma_wait3A_83 = tpu.memref_slice %arg3[%dma_wait3A_81, %dma_wait3A_82] : memref<160000x128xf32, #tpu.memory_space<hbm>> -> memref<80x64xf32, #tpu.memory_space<hbm>>
    tpu.wait_dma2 semaphore(%arg17 : memref<!tpu.dma_semaphore, #tpu.memory_space<semaphore_mem>>) src(%dma_wait3A_83 : memref<80x64xf32, #tpu.memory_space<hbm>>) dst(%arg11 : memref<80x64xf32, #tpu.memory_space<vmem>>)
    %dma_wait3A_84 = arith.constant 0 : i32
    %dma_wait3A_85 = arith.constant 0 : i32
    %dma_wait3A_86 = tpu.memref_slice %arg2[%dma_wait3A_84, %dma_wait3A_85] : memref<10000x64xf32, #tpu.memory_space<hbm>> -> memref<10000x64xf32, #tpu.memory_space<hbm>>
    tpu.wait_indirect_dma semaphore(%arg18 : memref<!tpu.dma_semaphore, #tpu.memory_space<semaphore_mem>>) src(%dma_wait3A_86 : memref<10000x64xf32, #tpu.memory_space<hbm>>) dst(%arg10 : memref<80x64xf32, #tpu.memory_space<vmem>>)
    %parallel_loop3A_87 = arith.constant 0 : i32
    %parallel_loop3A_88 = arith.constant 80 : i32
    %parallel_loop3A_89 = arith.constant 1 : i32
    scf.for %parallel_loop3A_95 = %parallel_loop3A_87 to %parallel_loop3A_88 step %parallel_loop3A_89  : i32 {
      %parallel_loop3A_96 = arith.index_cast %parallel_loop3A_95 : i32 to index
      %parallel_loop3A_97 = arith.constant 0 : index
      %parallel_loop3A_98 = tpu.vector_load %arg10[%parallel_loop3A_96, %parallel_loop3A_97] {strides = array<i32>} : memref<80x64xf32, #tpu.memory_space<vmem>>, vector<1x16xf32>,
      %parallel_loop3A_99 = vector.shape_cast %parallel_loop3A_98 : vector<1x16xf32> to vector<16xf32>
      %parallel_loop3A_100 = arith.index_cast %parallel_loop3A_95 : i32 to index
      %parallel_loop3A_101 = arith.constant 0 : index
      %parallel_loop3A_102 = tpu.vector_load %arg11[%parallel_loop3A_100, %parallel_loop3A_101] {strides = array<i32>} : memref<80x64xf32, #tpu.memory_space<vmem>>, vector<1x16xf32>,
      %parallel_loop3A_103 = vector.shape_cast %parallel_loop3A_102 : vector<1x16xf32> to vector<16xf32>
      %parallel_loop3A_104 = arith.mulf %parallel_loop3A_99, %parallel_loop3A_103 : vector<16xf32>
      %parallel_loop3A_105 = arith.index_cast %parallel_loop3A_95 : i32 to index
      %parallel_loop3A_106 = arith.constant 0 : index
      %parallel_loop3A_107 = tpu.vector_load %arg10[%parallel_loop3A_105, %parallel_loop3A_106] {strides = array<i32>} : memref<80x64xf32, #tpu.memory_space<vmem>>, vector<1x16xf32>,
      %parallel_loop3A_108 = vector.shape_cast %parallel_loop3A_107 : vector<1x16xf32> to vector<16xf32>
      %parallel_loop3A_109 = vector.shape_cast %parallel_loop3A_104 : vector<16xf32> to vector<1x16xf32>
      tpu.vector_store %arg10[%parallel_loop3A_105, %parallel_loop3A_106], %parallel_loop3A_109 {strides = array<i32>} : memref<80x64xf32, #tpu.memory_space<vmem>>, vector<1x16xf32>,
      %parallel_loop3A_110 = arith.index_cast %parallel_loop3A_95 : i32 to index
      %parallel_loop3A_111 = arith.constant 16 : index
      %parallel_loop3A_112 = tpu.vector_load %arg10[%parallel_loop3A_110, %parallel_loop3A_111] {strides = array<i32>} : memref<80x64xf32, #tpu.memory_space<vmem>>, vector<1x16xf32>,
      %parallel_loop3A_113 = vector.shape_cast %parallel_loop3A_112 : vector<1x16xf32> to vector<16xf32>
      %parallel_loop3A_114 = arith.index_cast %parallel_loop3A_95 : i32 to index
      %parallel_loop3A_115 = arith.constant 16 : index
      %parallel_loop3A_116 = tpu.vector_load %arg11[%parallel_loop3A_114, %parallel_loop3A_115] {strides = array<i32>} : memref<80x64xf32, #tpu.memory_space<vmem>>, vector<1x16xf32>,
      %parallel_loop3A_117 = vector.shape_cast %parallel_loop3A_116 : vector<1x16xf32> to vector<16xf32>
      %parallel_loop3A_118 = arith.mulf %parallel_loop3A_113, %parallel_loop3A_117 : vector<16xf32>
      %parallel_loop3A_119 = arith.index_cast %parallel_loop3A_95 : i32 to index
      %parallel_loop3A_120 = arith.constant 16 : index
      %parallel_loop3A_121 = tpu.vector_load %arg10[%parallel_loop3A_119, %parallel_loop3A_120] {strides = array<i32>} : memref<80x64xf32, #tpu.memory_space<vmem>>, vector<1x16xf32>,
      %parallel_loop3A_122 = vector.shape_cast %parallel_loop3A_121 : vector<1x16xf32> to vector<16xf32>
      %parallel_loop3A_123 = vector.shape_cast %parallel_loop3A_118 : vector<16xf32> to vector<1x16xf32>
      tpu.vector_store %arg10[%parallel_loop3A_119, %parallel_loop3A_120], %parallel_loop3A_123 {strides = array<i32>} : memref<80x64xf32, #tpu.memory_space<vmem>>, vector<1x16xf32>,
      %parallel_loop3A_124 = arith.index_cast %parallel_loop3A_95 : i32 to index
      %parallel_loop3A_125 = arith.constant 32 : index
      %parallel_loop3A_126 = tpu.vector_load %arg10[%parallel_loop3A_124, %parallel_loop3A_125] {strides = array<i32>} : memref<80x64xf32, #tpu.memory_space<vmem>>, vector<1x16xf32>,
      %parallel_loop3A_127 = vector.shape_cast %parallel_loop3A_126 : vector<1x16xf32> to vector<16xf32>
      %parallel_loop3A_128 = arith.index_cast %parallel_loop3A_95 : i32 to index
      %parallel_loop3A_129 = arith.constant 32 : index
      %parallel_loop3A_130 = tpu.vector_load %arg11[%parallel_loop3A_128, %parallel_loop3A_129] {strides = array<i32>} : memref<80x64xf32, #tpu.memory_space<vmem>>, vector<1x16xf32>,
      %parallel_loop3A_131 = vector.shape_cast %parallel_loop3A_130 : vector<1x16xf32> to vector<16xf32>
      %parallel_loop3A_132 = arith.mulf %parallel_loop3A_127, %parallel_loop3A_131 : vector<16xf32>
      %parallel_loop3A_133 = arith.index_cast %parallel_loop3A_95 : i32 to index
      %parallel_loop3A_134 = arith.constant 32 : index
      %parallel_loop3A_135 = tpu.vector_load %arg10[%parallel_loop3A_133, %parallel_loop3A_134] {strides = array<i32>} : memref<80x64xf32, #tpu.memory_space<vmem>>, vector<1x16xf32>,
      %parallel_loop3A_136 = vector.shape_cast %parallel_loop3A_135 : vector<1x16xf32> to vector<16xf32>
      %parallel_loop3A_137 = vector.shape_cast %parallel_loop3A_132 : vector<16xf32> to vector<1x16xf32>
      tpu.vector_store %arg10[%parallel_loop3A_133, %parallel_loop3A_134], %parallel_loop3A_137 {strides = array<i32>} : memref<80x64xf32, #tpu.memory_space<vmem>>, vector<1x16xf32>,
      %parallel_loop3A_138 = arith.index_cast %parallel_loop3A_95 : i32 to index
      %parallel_loop3A_139 = arith.constant 48 : index
      %parallel_loop3A_140 = tpu.vector_load %arg10[%parallel_loop3A_138, %parallel_loop3A_139] {strides = array<i32>} : memref<80x64xf32, #tpu.memory_space<vmem>>, vector<1x16xf32>,
      %parallel_loop3A_141 = vector.shape_cast %parallel_loop3A_140 : vector<1x16xf32> to vector<16xf32>
      %parallel_loop3A_142 = arith.index_cast %parallel_loop3A_95 : i32 to index
      %parallel_loop3A_143 = arith.constant 48 : index
      %parallel_loop3A_144 = tpu.vector_load %arg11[%parallel_loop3A_142, %parallel_loop3A_143] {strides = array<i32>} : memref<80x64xf32, #tpu.memory_space<vmem>>, vector<1x16xf32>,
      %parallel_loop3A_145 = vector.shape_cast %parallel_loop3A_144 : vector<1x16xf32> to vector<16xf32>
      %parallel_loop3A_146 = arith.mulf %parallel_loop3A_141, %parallel_loop3A_145 : vector<16xf32>
      %parallel_loop3A_147 = arith.index_cast %parallel_loop3A_95 : i32 to index
      %parallel_loop3A_148 = arith.constant 48 : index
      %parallel_loop3A_149 = tpu.vector_load %arg10[%parallel_loop3A_147, %parallel_loop3A_148] {strides = array<i32>} : memref<80x64xf32, #tpu.memory_space<vmem>>, vector<1x16xf32>,
      %parallel_loop3A_150 = vector.shape_cast %parallel_loop3A_149 : vector<1x16xf32> to vector<16xf32>
      %parallel_loop3A_151 = vector.shape_cast %parallel_loop3A_146 : vector<16xf32> to vector<1x16xf32>
      tpu.vector_store %arg10[%parallel_loop3A_147, %parallel_loop3A_148], %parallel_loop3A_151 {strides = array<i32>} : memref<80x64xf32, #tpu.memory_space<vmem>>, vector<1x16xf32>,
    } {sc.loop_unroll_factor = 4 : i64, sc.parallel_access}
    "tpu.region"() ({
      %run_scoped3A = tpu.sem_alloc : memref<!tpu.dma_semaphore, #tpu.memory_space<semaphore_mem>>
      %dma_start3A_95 = arith.constant 0 : i32
      %dma_start3A_96 = arith.constant 0 : i32
      %dma_start3A_97 = tpu.memref_slice %arg7[%dma_start3A_95, %dma_start3A_96] : memref<10240x64xf32, #tpu.memory_space<vmem_shared>> -> memref<10240x64xf32, #tpu.memory_space<vmem_shared>>
      tpu.enqueue_indirect_dma source(%arg10 : memref<80x64xf32, #tpu.memory_space<vmem>>) target(%dma_start3A_97 : memref<10240x64xf32, #tpu.memory_space<vmem_shared>>) offsets(%arg9 : memref<80xi32, #tpu.memory_space<vmem>>) semaphore(%run_scoped3A : memref<!tpu.dma_semaphore, #tpu.memory_space<semaphore_mem>>) {add = true}
      %dma_wait3A_98 = arith.constant 0 : i32
      %dma_wait3A_99 = arith.constant 0 : i32
      %dma_wait3A_100 = tpu.memref_slice %arg7[%dma_wait3A_98, %dma_wait3A_99] : memref<10240x64xf32, #tpu.memory_space<vmem_shared>> -> memref<10240x64xf32, #tpu.memory_space<vmem_shared>>
      tpu.wait_indirect_dma semaphore(%run_scoped3A : memref<!tpu.dma_semaphore, #tpu.memory_space<semaphore_mem>>) src(%arg10 : memref<80x64xf32, #tpu.memory_space<vmem>>) dst(%dma_wait3A_100 : memref<10240x64xf32, #tpu.memory_space<vmem_shared>>)
      tpu.yield
    }) : () -> ()
    %barrier3A_90 = arith.constant 0 : index
    tpu.barrier barrier_id(%barrier3A_90)
    %mul3A_91 = arith.constant 640 : i32
    %mul3A_92 = arith.muli %arg1, %mul3A_91 : i32
    %mul3A_93 = arith.constant 640 : i32
    %mul3A_94 = arith.muli %arg1, %mul3A_93 : i32
    "tpu.region"() ({
      %run_scoped3A = tpu.sem_alloc : memref<!tpu.dma_semaphore, #tpu.memory_space<semaphore_mem>>
      %dma_start3A_95 = arith.constant 0 : i32
      %dma_start3A_96 = tpu.memref_slice %arg6[%arg0, %mul3A_94, %dma_start3A_95] : memref<2x10240x64xf32, #tpu.memory_space<hbm>> -> memref<1x640x64xf32, #tpu.memory_space<hbm>>
      %dma_start3A_97 = tpu.memref_squeeze %dma_start3A_96 : memref<1x640x64xf32, #tpu.memory_space<hbm>> -> memref<640x64xf32, #tpu.memory_space<hbm>>
      %dma_start3A_98 = arith.constant 0 : i32
      %dma_start3A_99 = tpu.memref_slice %arg7[%mul3A_92, %dma_start3A_98] : memref<10240x64xf32, #tpu.memory_space<vmem_shared>> -> memref<640x64xf32, #tpu.memory_space<vmem_shared>>
      tpu.enqueue_dma source(%dma_start3A_99 : memref<640x64xf32, #tpu.memory_space<vmem_shared>>) target(%dma_start3A_97 : memref<640x64xf32, #tpu.memory_space<hbm>>) target_semaphore(%run_scoped3A : memref<!tpu.dma_semaphore, #tpu.memory_space<semaphore_mem>>)
      %dma_wait3A_100 = arith.constant 0 : i32
      %dma_wait3A_101 = tpu.memref_slice %arg6[%arg0, %mul3A_94, %dma_wait3A_100] : memref<2x10240x64xf32, #tpu.memory_space<hbm>> -> memref<1x640x64xf32, #tpu.memory_space<hbm>>
      %dma_wait3A_102 = tpu.memref_squeeze %dma_wait3A_101 : memref<1x640x64xf32, #tpu.memory_space<hbm>> -> memref<640x64xf32, #tpu.memory_space<hbm>>
      %dma_wait3A_103 = arith.constant 0 : i32
      %dma_wait3A_104 = tpu.memref_slice %arg7[%mul3A_92, %dma_wait3A_103] : memref<10240x64xf32, #tpu.memory_space<vmem_shared>> -> memref<640x64xf32, #tpu.memory_space<vmem_shared>>
      tpu.wait_dma2 semaphore(%run_scoped3A : memref<!tpu.dma_semaphore, #tpu.memory_space<semaphore_mem>>) src(%dma_wait3A_104 : memref<640x64xf32, #tpu.memory_space<vmem_shared>>) dst(%dma_wait3A_102 : memref<640x64xf32, #tpu.memory_space<hbm>>)
      tpu.yield
    }) : () -> ()
    return
  }
}

module attributes {stable_mosaic.version = 14 : i64} {
  func.func @_pre_body(%arg0: i32, %arg1: memref<1000x128xf32, #tpu.memory_space<vmem>>, %arg2: memref<128x64xf32, #tpu.memory_space<vmem>>, %arg3: memref<1x64xf32, #tpu.memory_space<vmem>>, %arg4: memref<64x64xf32, #tpu.memory_space<vmem>>, %arg5: memref<1000x64xf32, #tpu.memory_space<vmem>>, %arg6: memref<1000x64xf32, #tpu.memory_space<vmem>>) attributes {dimension_semantics = [#tpu.dimension_semantics<arbitrary>], iteration_bounds = array<i64: 10>, scalar_prefetch = 0 : i64, scratch_operands = 0 : i64, tpu.core_type = #tpu.core_type<tc>, window_params = [{transform_indices = @transform_0, window_bounds = array<i64: 1000, 128>}, {pipeline_mode = #tpu.pipeline_mode<synchronous>, transform_indices = @transform_1, window_bounds = array<i64: 128, 64>}, {pipeline_mode = #tpu.pipeline_mode<synchronous>, transform_indices = @transform_2, window_bounds = array<i64: 1, 64>}, {pipeline_mode = #tpu.pipeline_mode<synchronous>, transform_indices = @transform_3, window_bounds = array<i64: 64, 64>}, {transform_indices = @transform_4, window_bounds = array<i64: 1000, 64>}, {transform_indices = @transform_5, window_bounds = array<i64: 1000, 64>}]} {
    %get3A = arith.constant 0 : index
    %get3A_0 = arith.constant 0 : index
    %get3A_1 = vector.load %arg1[%get3A, %get3A_0] : memref<1000x128xf32, #tpu.memory_space<vmem>>, vector<1000x128xf32>
    %get3A_2 = arith.constant 0 : index
    %get3A_3 = arith.constant 0 : index
    %get3A_4 = vector.load %arg2[%get3A_2, %get3A_3] : memref<128x64xf32, #tpu.memory_space<vmem>>, vector<128x64xf32>
    %dot_general3A = arith.constant dense<0.000000e+00> : vector<1000x64xf32>
    %dot_general3A_5 = tpu.matmul %get3A_1, %get3A_4, %dot_general3A {dimension_numbers = #tpu.dot_dimension_numbers<[1], [0], [0], [1], [0, 0, 1, 1], [], []>, transpose_lhs_hint = false} : vector<1000x128xf32>, vector<128x64xf32>, vector<1000x64xf32> -> vector<1000x64xf32>
    %get3A_6 = arith.constant 0 : index
    %get3A_7 = arith.constant 0 : index
    %get3A_8 = vector.load %arg3[%get3A_6, %get3A_7] : memref<1x64xf32, #tpu.memory_space<vmem>>, vector<1x64xf32>
    %add3A = vector.broadcast %get3A_8 : vector<1x64xf32> to vector<1000x64xf32>
    %add3A_9 = arith.addf %dot_general3A_5, %add3A : vector<1000x64xf32>
    %max3A = arith.constant 0.000000e+00 : f32
    %max3A_10 = vector.broadcast %max3A : f32 to vector<1000x64xf32>
    %max3A_11 = arith.maximumf %add3A_9, %max3A_10 : vector<1000x64xf32>
    %swap3A = arith.constant 0 : index
    %swap3A_12 = arith.constant 0 : index
    %swap3A_13 = vector.load %arg5[%swap3A, %swap3A_12] : memref<1000x64xf32, #tpu.memory_space<vmem>>, vector<1000x64xf32>
    tpu.vector_store %arg5[%swap3A, %swap3A_12], %max3A_11 {strides = array<i32>} : memref<1000x64xf32, #tpu.memory_space<vmem>>, vector<1000x64xf32>,
    %get3A_14 = arith.constant 0 : index
    %get3A_15 = arith.constant 0 : index
    %get3A_16 = vector.load %arg4[%get3A_14, %get3A_15] : memref<64x64xf32, #tpu.memory_space<vmem>>, vector<64x64xf32>
    %dot_general3A_17 = arith.constant dense<0.000000e+00> : vector<1000x64xf32>
    %dot_general3A_18 = tpu.matmul %max3A_11, %get3A_16, %dot_general3A_17 {dimension_numbers = #tpu.dot_dimension_numbers<[1], [0], [0], [1], [0, 0, 1, 1], [], []>, transpose_lhs_hint = false} : vector<1000x64xf32>, vector<64x64xf32>, vector<1000x64xf32> -> vector<1000x64xf32>
    %swap3A_19 = arith.constant 0 : index
    %swap3A_20 = arith.constant 0 : index
    %swap3A_21 = vector.load %arg6[%swap3A_19, %swap3A_20] : memref<1000x64xf32, #tpu.memory_space<vmem>>, vector<1000x64xf32>
    tpu.vector_store %arg6[%swap3A_19, %swap3A_20], %dot_general3A_18 {strides = array<i32>} : memref<1000x64xf32, #tpu.memory_space<vmem>>, vector<1000x64xf32>,
    return
  }
  func.func @transform_0(%arg0: i32) -> (i32, i32) {
    %c0_i32 = arith.constant 0 : i32
    %c0_i32_0 = arith.constant 0 : i32
    return %arg0, %c0_i32 : i32, i32
  }
  func.func @transform_1(%arg0: i32) -> (i32, i32) {
    %c0_i32 = arith.constant 0 : i32
    %c0_i32_0 = arith.constant 0 : i32
    %c0_i32_1 = arith.constant 0 : i32
    return %c0_i32, %c0_i32_0 : i32, i32
  }
  func.func @transform_2(%arg0: i32) -> (i32, i32) {
    %c0_i32 = arith.constant 0 : i32
    %c0_i32_0 = arith.constant 0 : i32
    %c0_i32_1 = arith.constant 0 : i32
    return %c0_i32, %c0_i32_0 : i32, i32
  }
  func.func @transform_3(%arg0: i32) -> (i32, i32) {
    %c0_i32 = arith.constant 0 : i32
    %c0_i32_0 = arith.constant 0 : i32
    %c0_i32_1 = arith.constant 0 : i32
    return %c0_i32, %c0_i32_0 : i32, i32
  }
  func.func @transform_4(%arg0: i32) -> (i32, i32) {
    %c0_i32 = arith.constant 0 : i32
    %c0_i32_0 = arith.constant 0 : i32
    return %arg0, %c0_i32 : i32, i32
  }
  func.func @transform_5(%arg0: i32) -> (i32, i32) {
    %c0_i32 = arith.constant 0 : i32
    %c0_i32_0 = arith.constant 0 : i32
    return %arg0, %c0_i32 : i32, i32
  }
}

module attributes {stable_mosaic.version = 14 : i64} {
  func.func @_we_body(%arg0: i32, %arg1: memref<2000x16xf32, #tpu.memory_space<vmem>>, %arg2: memref<2000x16xf32, #tpu.memory_space<vmem>>, %arg3: memref<2000x1xf32, #tpu.memory_space<vmem>>, %arg4: memref<2000x1xf32, #tpu.memory_space<vmem>>, %arg5: memref<3x16x64xf32, #tpu.memory_space<vmem>>, %arg6: memref<3x1x64xf32, #tpu.memory_space<vmem>>, %arg7: memref<3x64x64xf32, #tpu.memory_space<vmem>>, %arg8: memref<3x1x64xf32, #tpu.memory_space<vmem>>, %arg9: memref<2000x128xf32, #tpu.memory_space<vmem>>, %arg10: memref<2000x128xf32, #tpu.memory_space<vmem>>, %arg11: memref<2000x128xf32, #tpu.memory_space<vmem>>) attributes {dimension_semantics = [#tpu.dimension_semantics<arbitrary>], iteration_bounds = array<i64: 80>, scalar_prefetch = 0 : i64, scratch_operands = 0 : i64, tpu.core_type = #tpu.core_type<tc>, window_params = [{transform_indices = @transform_0, window_bounds = array<i64: 2000, 16>}, {transform_indices = @transform_1, window_bounds = array<i64: 2000, 16>}, {transform_indices = @transform_2, window_bounds = array<i64: 2000, 1>}, {transform_indices = @transform_3, window_bounds = array<i64: 2000, 1>}, {pipeline_mode = #tpu.pipeline_mode<synchronous>, transform_indices = @transform_4, window_bounds = array<i64: 3, 16, 64>}, {pipeline_mode = #tpu.pipeline_mode<synchronous>, transform_indices = @transform_5, window_bounds = array<i64: 3, 1, 64>}, {pipeline_mode = #tpu.pipeline_mode<synchronous>, transform_indices = @transform_6, window_bounds = array<i64: 3, 64, 64>}, {pipeline_mode = #tpu.pipeline_mode<synchronous>, transform_indices = @transform_7, window_bounds = array<i64: 3, 1, 64>}, {transform_indices = @transform_8, window_bounds = array<i64: 2000, 128>}, {transform_indices = @transform_9, window_bounds = array<i64: 2000, 128>}, {transform_indices = @transform_10, window_bounds = array<i64: 2000, 128>}]} {
    %get3A = arith.constant 0 : index
    %get3A_0 = arith.constant 0 : index
    %get3A_1 = vector.load %arg1[%get3A, %get3A_0] : memref<2000x16xf32, #tpu.memory_space<vmem>>, vector<2000x16xf32>
    %get3A_2 = arith.constant 0 : index
    %get3A_3 = arith.constant 0 : index
    %get3A_4 = vector.load %arg3[%get3A_2, %get3A_3] : memref<2000x1xf32, #tpu.memory_space<vmem>>, vector<2000x1xf32>
    %mul3A = arith.constant 0.392699093 : f32
    %mul3A_5 = vector.broadcast %mul3A : f32 to vector<2000x1xf32>
    %mul3A_6 = arith.mulf %get3A_4, %mul3A_5 : vector<2000x1xf32>
    %cos3A = math.cos %mul3A_6 : vector<2000x1xf32>
    %add3A = arith.constant 1.000000e+00 : f32
    %add3A_7 = vector.broadcast %add3A : f32 to vector<2000x1xf32>
    %add3A_8 = arith.addf %cos3A, %add3A_7 : vector<2000x1xf32>
    %mul3A_9 = arith.constant 5.000000e-01 : f32
    %mul3A_10 = vector.broadcast %mul3A_9 : f32 to vector<2000x1xf32>
    %mul3A_11 = arith.mulf %mul3A_10, %add3A_8 : vector<2000x1xf32>
    %get3A_12 = arith.constant 0 : index
    %get3A_13 = arith.constant 0 : index
    %get3A_14 = arith.constant 0 : index
    %get3A_15 = vector.load %arg5[%get3A_12, %get3A_13, %get3A_14] : memref<3x16x64xf32, #tpu.memory_space<vmem>>, vector<1x16x64xf32>
    %get3A_16 = vector.shape_cast %get3A_15 : vector<1x16x64xf32> to vector<16x64xf32>
    %dot_general3A = arith.constant dense<0.000000e+00> : vector<2000x64xf32>
    %dot_general3A_17 = tpu.matmul %get3A_1, %get3A_16, %dot_general3A {dimension_numbers = #tpu.dot_dimension_numbers<[1], [0], [0], [1], [0, 0, 1, 1], [], []>, transpose_lhs_hint = false} : vector<2000x16xf32>, vector<16x64xf32>, vector<2000x64xf32> -> vector<2000x64xf32>
    %get3A_18 = arith.constant 0 : index
    %get3A_19 = arith.constant 0 : index
    %get3A_20 = arith.constant 0 : index
    %get3A_21 = vector.load %arg6[%get3A_18, %get3A_19, %get3A_20] : memref<3x1x64xf32, #tpu.memory_space<vmem>>, vector<1x1x64xf32>
    %get3A_22 = vector.shape_cast %get3A_21 : vector<1x1x64xf32> to vector<1x64xf32>
    %add3A_23 = vector.broadcast %get3A_22 : vector<1x64xf32> to vector<2000x64xf32>
    %add3A_24 = arith.addf %dot_general3A_17, %add3A_23 : vector<2000x64xf32>
    %abs3A = math.absf %add3A_24 : vector<2000x64xf32>
    %mul3A_25 = arith.constant -1.44269502 : f32
    %mul3A_26 = vector.broadcast %mul3A_25 : f32 to vector<2000x64xf32>
    %mul3A_27 = arith.mulf %abs3A, %mul3A_26 : vector<2000x64xf32>
    %exp23A = math.exp2 %mul3A_27 : vector<2000x64xf32>
    %max3A = arith.constant 0.000000e+00 : f32
    %max3A_28 = vector.broadcast %max3A : f32 to vector<2000x64xf32>
    %max3A_29 = arith.maximumf %add3A_24, %max3A_28 : vector<2000x64xf32>
    %add3A_30 = arith.constant 1.000000e+00 : f32
    %add3A_31 = vector.broadcast %add3A_30 : f32 to vector<2000x64xf32>
    %add3A_32 = arith.addf %add3A_31, %exp23A : vector<2000x64xf32>
    %log3A = math.log %add3A_32 : vector<2000x64xf32>
    %log3A_33 = arith.constant 2.000000e+00 : f32
    %log3A_34 = math.log %log3A_33 : f32
    %div3A = vector.broadcast %log3A_34 : f32 to vector<2000x64xf32>
    %div3A_35 = arith.divf %log3A, %div3A : vector<2000x64xf32>
    %mul3A_36 = arith.constant 0.693147182 : f32
    %mul3A_37 = vector.broadcast %mul3A_36 : f32 to vector<2000x64xf32>
    %mul3A_38 = arith.mulf %div3A_35, %mul3A_37 : vector<2000x64xf32>
    %add3A_39 = arith.addf %max3A_29, %mul3A_38 : vector<2000x64xf32>
    %sub3A = arith.constant 0.693147182 : f32
    %sub3A_40 = vector.broadcast %sub3A : f32 to vector<2000x64xf32>
    %sub3A_41 = arith.subf %add3A_39, %sub3A_40 : vector<2000x64xf32>
    %get3A_42 = arith.constant 0 : index
    %get3A_43 = arith.constant 0 : index
    %get3A_44 = arith.constant 0 : index
    %get3A_45 = vector.load %arg7[%get3A_42, %get3A_43, %get3A_44] : memref<3x64x64xf32, #tpu.memory_space<vmem>>, vector<1x64x64xf32>
    %get3A_46 = vector.shape_cast %get3A_45 : vector<1x64x64xf32> to vector<64x64xf32>
    %dot_general3A_47 = arith.constant dense<0.000000e+00> : vector<2000x64xf32>
    %dot_general3A_48 = tpu.matmul %sub3A_41, %get3A_46, %dot_general3A_47 {dimension_numbers = #tpu.dot_dimension_numbers<[1], [0], [0], [1], [0, 0, 1, 1], [], []>, transpose_lhs_hint = false} : vector<2000x64xf32>, vector<64x64xf32>, vector<2000x64xf32> -> vector<2000x64xf32>
    %get3A_49 = arith.constant 0 : index
    %get3A_50 = arith.constant 0 : index
    %get3A_51 = arith.constant 0 : index
    %get3A_52 = vector.load %arg8[%get3A_49, %get3A_50, %get3A_51] : memref<3x1x64xf32, #tpu.memory_space<vmem>>, vector<1x1x64xf32>
    %get3A_53 = vector.shape_cast %get3A_52 : vector<1x1x64xf32> to vector<1x64xf32>
    %add3A_54 = vector.broadcast %get3A_53 : vector<1x64xf32> to vector<2000x64xf32>
    %add3A_55 = arith.addf %dot_general3A_48, %add3A_54 : vector<2000x64xf32>
    %mul3A_56 = vector.broadcast %mul3A_11 : vector<2000x1xf32> to vector<2000x64xf32>
    %mul3A_57 = arith.mulf %add3A_55, %mul3A_56 : vector<2000x64xf32>
    %swap3A = arith.constant 0 : index
    %swap3A_58 = arith.constant 0 : index
    %swap3A_59 = vector.load %arg9[%swap3A, %swap3A_58] : memref<2000x128xf32, #tpu.memory_space<vmem>>, vector<2000x64xf32>
    tpu.vector_store %arg9[%swap3A, %swap3A_58], %mul3A_57 {strides = array<i32>} : memref<2000x128xf32, #tpu.memory_space<vmem>>, vector<2000x64xf32>,
    %get3A_60 = arith.constant 1 : index
    %get3A_61 = arith.constant 0 : index
    %get3A_62 = arith.constant 0 : index
    %get3A_63 = vector.load %arg5[%get3A_60, %get3A_61, %get3A_62] : memref<3x16x64xf32, #tpu.memory_space<vmem>>, vector<1x16x64xf32>
    %get3A_64 = vector.shape_cast %get3A_63 : vector<1x16x64xf32> to vector<16x64xf32>
    %dot_general3A_65 = arith.constant dense<0.000000e+00> : vector<2000x64xf32>
    %dot_general3A_66 = tpu.matmul %get3A_1, %get3A_64, %dot_general3A_65 {dimension_numbers = #tpu.dot_dimension_numbers<[1], [0], [0], [1], [0, 0, 1, 1], [], []>, transpose_lhs_hint = false} : vector<2000x16xf32>, vector<16x64xf32>, vector<2000x64xf32> -> vector<2000x64xf32>
    %get3A_67 = arith.constant 1 : index
    %get3A_68 = arith.constant 0 : index
    %get3A_69 = arith.constant 0 : index
    %get3A_70 = vector.load %arg6[%get3A_67, %get3A_68, %get3A_69] : memref<3x1x64xf32, #tpu.memory_space<vmem>>, vector<1x1x64xf32>
    %get3A_71 = vector.shape_cast %get3A_70 : vector<1x1x64xf32> to vector<1x64xf32>
    %add3A_72 = vector.broadcast %get3A_71 : vector<1x64xf32> to vector<2000x64xf32>
    %add3A_73 = arith.addf %dot_general3A_66, %add3A_72 : vector<2000x64xf32>
    %abs3A_74 = math.absf %add3A_73 : vector<2000x64xf32>
    %mul3A_75 = arith.constant -1.44269502 : f32
    %mul3A_76 = vector.broadcast %mul3A_75 : f32 to vector<2000x64xf32>
    %mul3A_77 = arith.mulf %abs3A_74, %mul3A_76 : vector<2000x64xf32>
    %exp23A_78 = math.exp2 %mul3A_77 : vector<2000x64xf32>
    %max3A_79 = arith.constant 0.000000e+00 : f32
    %max3A_80 = vector.broadcast %max3A_79 : f32 to vector<2000x64xf32>
    %max3A_81 = arith.maximumf %add3A_73, %max3A_80 : vector<2000x64xf32>
    %add3A_82 = arith.constant 1.000000e+00 : f32
    %add3A_83 = vector.broadcast %add3A_82 : f32 to vector<2000x64xf32>
    %add3A_84 = arith.addf %add3A_83, %exp23A_78 : vector<2000x64xf32>
    %log3A_85 = math.log %add3A_84 : vector<2000x64xf32>
    %log3A_86 = arith.constant 2.000000e+00 : f32
    %log3A_87 = math.log %log3A_86 : f32
    %div3A_88 = vector.broadcast %log3A_87 : f32 to vector<2000x64xf32>
    %div3A_89 = arith.divf %log3A_85, %div3A_88 : vector<2000x64xf32>
    %mul3A_90 = arith.constant 0.693147182 : f32
    %mul3A_91 = vector.broadcast %mul3A_90 : f32 to vector<2000x64xf32>
    %mul3A_92 = arith.mulf %div3A_89, %mul3A_91 : vector<2000x64xf32>
    %add3A_93 = arith.addf %max3A_81, %mul3A_92 : vector<2000x64xf32>
    %sub3A_94 = arith.constant 0.693147182 : f32
    %sub3A_95 = vector.broadcast %sub3A_94 : f32 to vector<2000x64xf32>
    %sub3A_96 = arith.subf %add3A_93, %sub3A_95 : vector<2000x64xf32>
    %get3A_97 = arith.constant 1 : index
    %get3A_98 = arith.constant 0 : index
    %get3A_99 = arith.constant 0 : index
    %get3A_100 = vector.load %arg7[%get3A_97, %get3A_98, %get3A_99] : memref<3x64x64xf32, #tpu.memory_space<vmem>>, vector<1x64x64xf32>
    %get3A_101 = vector.shape_cast %get3A_100 : vector<1x64x64xf32> to vector<64x64xf32>
    %dot_general3A_102 = arith.constant dense<0.000000e+00> : vector<2000x64xf32>
    %dot_general3A_103 = tpu.matmul %sub3A_96, %get3A_101, %dot_general3A_102 {dimension_numbers = #tpu.dot_dimension_numbers<[1], [0], [0], [1], [0, 0, 1, 1], [], []>, transpose_lhs_hint = false} : vector<2000x64xf32>, vector<64x64xf32>, vector<2000x64xf32> -> vector<2000x64xf32>
    %get3A_104 = arith.constant 1 : index
    %get3A_105 = arith.constant 0 : index
    %get3A_106 = arith.constant 0 : index
    %get3A_107 = vector.load %arg8[%get3A_104, %get3A_105, %get3A_106] : memref<3x1x64xf32, #tpu.memory_space<vmem>>, vector<1x1x64xf32>
    %get3A_108 = vector.shape_cast %get3A_107 : vector<1x1x64xf32> to vector<1x64xf32>
    %add3A_109 = vector.broadcast %get3A_108 : vector<1x64xf32> to vector<2000x64xf32>
    %add3A_110 = arith.addf %dot_general3A_103, %add3A_109 : vector<2000x64xf32>
    %mul3A_111 = vector.broadcast %mul3A_11 : vector<2000x1xf32> to vector<2000x64xf32>
    %mul3A_112 = arith.mulf %add3A_110, %mul3A_111 : vector<2000x64xf32>
    %swap3A_113 = arith.constant 0 : index
    %swap3A_114 = arith.constant 0 : index
    %swap3A_115 = vector.load %arg10[%swap3A_113, %swap3A_114] : memref<2000x128xf32, #tpu.memory_space<vmem>>, vector<2000x64xf32>
    tpu.vector_store %arg10[%swap3A_113, %swap3A_114], %mul3A_112 {strides = array<i32>} : memref<2000x128xf32, #tpu.memory_space<vmem>>, vector<2000x64xf32>,
    %get3A_116 = arith.constant 2 : index
    %get3A_117 = arith.constant 0 : index
    %get3A_118 = arith.constant 0 : index
    %get3A_119 = vector.load %arg5[%get3A_116, %get3A_117, %get3A_118] : memref<3x16x64xf32, #tpu.memory_space<vmem>>, vector<1x16x64xf32>
    %get3A_120 = vector.shape_cast %get3A_119 : vector<1x16x64xf32> to vector<16x64xf32>
    %dot_general3A_121 = arith.constant dense<0.000000e+00> : vector<2000x64xf32>
    %dot_general3A_122 = tpu.matmul %get3A_1, %get3A_120, %dot_general3A_121 {dimension_numbers = #tpu.dot_dimension_numbers<[1], [0], [0], [1], [0, 0, 1, 1], [], []>, transpose_lhs_hint = false} : vector<2000x16xf32>, vector<16x64xf32>, vector<2000x64xf32> -> vector<2000x64xf32>
    %get3A_123 = arith.constant 2 : index
    %get3A_124 = arith.constant 0 : index
    %get3A_125 = arith.constant 0 : index
    %get3A_126 = vector.load %arg6[%get3A_123, %get3A_124, %get3A_125] : memref<3x1x64xf32, #tpu.memory_space<vmem>>, vector<1x1x64xf32>
    %get3A_127 = vector.shape_cast %get3A_126 : vector<1x1x64xf32> to vector<1x64xf32>
    %add3A_128 = vector.broadcast %get3A_127 : vector<1x64xf32> to vector<2000x64xf32>
    %add3A_129 = arith.addf %dot_general3A_122, %add3A_128 : vector<2000x64xf32>
    %abs3A_130 = math.absf %add3A_129 : vector<2000x64xf32>
    %mul3A_131 = arith.constant -1.44269502 : f32
    %mul3A_132 = vector.broadcast %mul3A_131 : f32 to vector<2000x64xf32>
    %mul3A_133 = arith.mulf %abs3A_130, %mul3A_132 : vector<2000x64xf32>
    %exp23A_134 = math.exp2 %mul3A_133 : vector<2000x64xf32>
    %max3A_135 = arith.constant 0.000000e+00 : f32
    %max3A_136 = vector.broadcast %max3A_135 : f32 to vector<2000x64xf32>
    %max3A_137 = arith.maximumf %add3A_129, %max3A_136 : vector<2000x64xf32>
    %add3A_138 = arith.constant 1.000000e+00 : f32
    %add3A_139 = vector.broadcast %add3A_138 : f32 to vector<2000x64xf32>
    %add3A_140 = arith.addf %add3A_139, %exp23A_134 : vector<2000x64xf32>
    %log3A_141 = math.log %add3A_140 : vector<2000x64xf32>
    %log3A_142 = arith.constant 2.000000e+00 : f32
    %log3A_143 = math.log %log3A_142 : f32
    %div3A_144 = vector.broadcast %log3A_143 : f32 to vector<2000x64xf32>
    %div3A_145 = arith.divf %log3A_141, %div3A_144 : vector<2000x64xf32>
    %mul3A_146 = arith.constant 0.693147182 : f32
    %mul3A_147 = vector.broadcast %mul3A_146 : f32 to vector<2000x64xf32>
    %mul3A_148 = arith.mulf %div3A_145, %mul3A_147 : vector<2000x64xf32>
    %add3A_149 = arith.addf %max3A_137, %mul3A_148 : vector<2000x64xf32>
    %sub3A_150 = arith.constant 0.693147182 : f32
    %sub3A_151 = vector.broadcast %sub3A_150 : f32 to vector<2000x64xf32>
    %sub3A_152 = arith.subf %add3A_149, %sub3A_151 : vector<2000x64xf32>
    %get3A_153 = arith.constant 2 : index
    %get3A_154 = arith.constant 0 : index
    %get3A_155 = arith.constant 0 : index
    %get3A_156 = vector.load %arg7[%get3A_153, %get3A_154, %get3A_155] : memref<3x64x64xf32, #tpu.memory_space<vmem>>, vector<1x64x64xf32>
    %get3A_157 = vector.shape_cast %get3A_156 : vector<1x64x64xf32> to vector<64x64xf32>
    %dot_general3A_158 = arith.constant dense<0.000000e+00> : vector<2000x64xf32>
    %dot_general3A_159 = tpu.matmul %sub3A_152, %get3A_157, %dot_general3A_158 {dimension_numbers = #tpu.dot_dimension_numbers<[1], [0], [0], [1], [0, 0, 1, 1], [], []>, transpose_lhs_hint = false} : vector<2000x64xf32>, vector<64x64xf32>, vector<2000x64xf32> -> vector<2000x64xf32>
    %get3A_160 = arith.constant 2 : index
    %get3A_161 = arith.constant 0 : index
    %get3A_162 = arith.constant 0 : index
    %get3A_163 = vector.load %arg8[%get3A_160, %get3A_161, %get3A_162] : memref<3x1x64xf32, #tpu.memory_space<vmem>>, vector<1x1x64xf32>
    %get3A_164 = vector.shape_cast %get3A_163 : vector<1x1x64xf32> to vector<1x64xf32>
    %add3A_165 = vector.broadcast %get3A_164 : vector<1x64xf32> to vector<2000x64xf32>
    %add3A_166 = arith.addf %dot_general3A_159, %add3A_165 : vector<2000x64xf32>
    %mul3A_167 = vector.broadcast %mul3A_11 : vector<2000x1xf32> to vector<2000x64xf32>
    %mul3A_168 = arith.mulf %add3A_166, %mul3A_167 : vector<2000x64xf32>
    %swap3A_169 = arith.constant 0 : index
    %swap3A_170 = arith.constant 0 : index
    %swap3A_171 = vector.load %arg11[%swap3A_169, %swap3A_170] : memref<2000x128xf32, #tpu.memory_space<vmem>>, vector<2000x64xf32>
    tpu.vector_store %arg11[%swap3A_169, %swap3A_170], %mul3A_168 {strides = array<i32>} : memref<2000x128xf32, #tpu.memory_space<vmem>>, vector<2000x64xf32>,
    %get3A_172 = arith.constant 0 : index
    %get3A_173 = arith.constant 0 : index
    %get3A_174 = vector.load %arg2[%get3A_172, %get3A_173] : memref<2000x16xf32, #tpu.memory_space<vmem>>, vector<2000x16xf32>
    %get3A_175 = arith.constant 0 : index
    %get3A_176 = arith.constant 0 : index
    %get3A_177 = vector.load %arg4[%get3A_175, %get3A_176] : memref<2000x1xf32, #tpu.memory_space<vmem>>, vector<2000x1xf32>
    %mul3A_178 = arith.constant 0.392699093 : f32
    %mul3A_179 = vector.broadcast %mul3A_178 : f32 to vector<2000x1xf32>
    %mul3A_180 = arith.mulf %get3A_177, %mul3A_179 : vector<2000x1xf32>
    %cos3A_181 = math.cos %mul3A_180 : vector<2000x1xf32>
    %add3A_182 = arith.constant 1.000000e+00 : f32
    %add3A_183 = vector.broadcast %add3A_182 : f32 to vector<2000x1xf32>
    %add3A_184 = arith.addf %cos3A_181, %add3A_183 : vector<2000x1xf32>
    %mul3A_185 = arith.constant 5.000000e-01 : f32
    %mul3A_186 = vector.broadcast %mul3A_185 : f32 to vector<2000x1xf32>
    %mul3A_187 = arith.mulf %mul3A_186, %add3A_184 : vector<2000x1xf32>
    %get3A_188 = arith.constant 0 : index
    %get3A_189 = arith.constant 0 : index
    %get3A_190 = arith.constant 0 : index
    %get3A_191 = vector.load %arg5[%get3A_188, %get3A_189, %get3A_190] : memref<3x16x64xf32, #tpu.memory_space<vmem>>, vector<1x16x64xf32>
    %get3A_192 = vector.shape_cast %get3A_191 : vector<1x16x64xf32> to vector<16x64xf32>
    %dot_general3A_193 = arith.constant dense<0.000000e+00> : vector<2000x64xf32>
    %dot_general3A_194 = tpu.matmul %get3A_174, %get3A_192, %dot_general3A_193 {dimension_numbers = #tpu.dot_dimension_numbers<[1], [0], [0], [1], [0, 0, 1, 1], [], []>, transpose_lhs_hint = false} : vector<2000x16xf32>, vector<16x64xf32>, vector<2000x64xf32> -> vector<2000x64xf32>
    %get3A_195 = arith.constant 0 : index
    %get3A_196 = arith.constant 0 : index
    %get3A_197 = arith.constant 0 : index
    %get3A_198 = vector.load %arg6[%get3A_195, %get3A_196, %get3A_197] : memref<3x1x64xf32, #tpu.memory_space<vmem>>, vector<1x1x64xf32>
    %get3A_199 = vector.shape_cast %get3A_198 : vector<1x1x64xf32> to vector<1x64xf32>
    %add3A_200 = vector.broadcast %get3A_199 : vector<1x64xf32> to vector<2000x64xf32>
    %add3A_201 = arith.addf %dot_general3A_194, %add3A_200 : vector<2000x64xf32>
    %abs3A_202 = math.absf %add3A_201 : vector<2000x64xf32>
    %mul3A_203 = arith.constant -1.44269502 : f32
    %mul3A_204 = vector.broadcast %mul3A_203 : f32 to vector<2000x64xf32>
    %mul3A_205 = arith.mulf %abs3A_202, %mul3A_204 : vector<2000x64xf32>
    %exp23A_206 = math.exp2 %mul3A_205 : vector<2000x64xf32>
    %max3A_207 = arith.constant 0.000000e+00 : f32
    %max3A_208 = vector.broadcast %max3A_207 : f32 to vector<2000x64xf32>
    %max3A_209 = arith.maximumf %add3A_201, %max3A_208 : vector<2000x64xf32>
    %add3A_210 = arith.constant 1.000000e+00 : f32
    %add3A_211 = vector.broadcast %add3A_210 : f32 to vector<2000x64xf32>
    %add3A_212 = arith.addf %add3A_211, %exp23A_206 : vector<2000x64xf32>
    %log3A_213 = math.log %add3A_212 : vector<2000x64xf32>
    %log3A_214 = arith.constant 2.000000e+00 : f32
    %log3A_215 = math.log %log3A_214 : f32
    %div3A_216 = vector.broadcast %log3A_215 : f32 to vector<2000x64xf32>
    %div3A_217 = arith.divf %log3A_213, %div3A_216 : vector<2000x64xf32>
    %mul3A_218 = arith.constant 0.693147182 : f32
    %mul3A_219 = vector.broadcast %mul3A_218 : f32 to vector<2000x64xf32>
    %mul3A_220 = arith.mulf %div3A_217, %mul3A_219 : vector<2000x64xf32>
    %add3A_221 = arith.addf %max3A_209, %mul3A_220 : vector<2000x64xf32>
    %sub3A_222 = arith.constant 0.693147182 : f32
    %sub3A_223 = vector.broadcast %sub3A_222 : f32 to vector<2000x64xf32>
    %sub3A_224 = arith.subf %add3A_221, %sub3A_223 : vector<2000x64xf32>
    %get3A_225 = arith.constant 0 : index
    %get3A_226 = arith.constant 0 : index
    %get3A_227 = arith.constant 0 : index
    %get3A_228 = vector.load %arg7[%get3A_225, %get3A_226, %get3A_227] : memref<3x64x64xf32, #tpu.memory_space<vmem>>, vector<1x64x64xf32>
    %get3A_229 = vector.shape_cast %get3A_228 : vector<1x64x64xf32> to vector<64x64xf32>
    %dot_general3A_230 = arith.constant dense<0.000000e+00> : vector<2000x64xf32>
    %dot_general3A_231 = tpu.matmul %sub3A_224, %get3A_229, %dot_general3A_230 {dimension_numbers = #tpu.dot_dimension_numbers<[1], [0], [0], [1], [0, 0, 1, 1], [], []>, transpose_lhs_hint = false} : vector<2000x64xf32>, vector<64x64xf32>, vector<2000x64xf32> -> vector<2000x64xf32>
    %get3A_232 = arith.constant 0 : index
    %get3A_233 = arith.constant 0 : index
    %get3A_234 = arith.constant 0 : index
    %get3A_235 = vector.load %arg8[%get3A_232, %get3A_233, %get3A_234] : memref<3x1x64xf32, #tpu.memory_space<vmem>>, vector<1x1x64xf32>
    %get3A_236 = vector.shape_cast %get3A_235 : vector<1x1x64xf32> to vector<1x64xf32>
    %add3A_237 = vector.broadcast %get3A_236 : vector<1x64xf32> to vector<2000x64xf32>
    %add3A_238 = arith.addf %dot_general3A_231, %add3A_237 : vector<2000x64xf32>
    %mul3A_239 = vector.broadcast %mul3A_187 : vector<2000x1xf32> to vector<2000x64xf32>
    %mul3A_240 = arith.mulf %add3A_238, %mul3A_239 : vector<2000x64xf32>
    %swap3A_241 = arith.constant 0 : index
    %swap3A_242 = arith.constant 64 : index
    %swap3A_243 = vector.load %arg9[%swap3A_241, %swap3A_242] : memref<2000x128xf32, #tpu.memory_space<vmem>>, vector<2000x64xf32>
    tpu.vector_store %arg9[%swap3A_241, %swap3A_242], %mul3A_240 {strides = array<i32>} : memref<2000x128xf32, #tpu.memory_space<vmem>>, vector<2000x64xf32>,
    %get3A_244 = arith.constant 1 : index
    %get3A_245 = arith.constant 0 : index
    %get3A_246 = arith.constant 0 : index
    %get3A_247 = vector.load %arg5[%get3A_244, %get3A_245, %get3A_246] : memref<3x16x64xf32, #tpu.memory_space<vmem>>, vector<1x16x64xf32>
    %get3A_248 = vector.shape_cast %get3A_247 : vector<1x16x64xf32> to vector<16x64xf32>
    %dot_general3A_249 = arith.constant dense<0.000000e+00> : vector<2000x64xf32>
    %dot_general3A_250 = tpu.matmul %get3A_174, %get3A_248, %dot_general3A_249 {dimension_numbers = #tpu.dot_dimension_numbers<[1], [0], [0], [1], [0, 0, 1, 1], [], []>, transpose_lhs_hint = false} : vector<2000x16xf32>, vector<16x64xf32>, vector<2000x64xf32> -> vector<2000x64xf32>
    %get3A_251 = arith.constant 1 : index
    %get3A_252 = arith.constant 0 : index
    %get3A_253 = arith.constant 0 : index
    %get3A_254 = vector.load %arg6[%get3A_251, %get3A_252, %get3A_253] : memref<3x1x64xf32, #tpu.memory_space<vmem>>, vector<1x1x64xf32>
    %get3A_255 = vector.shape_cast %get3A_254 : vector<1x1x64xf32> to vector<1x64xf32>
    %add3A_256 = vector.broadcast %get3A_255 : vector<1x64xf32> to vector<2000x64xf32>
    %add3A_257 = arith.addf %dot_general3A_250, %add3A_256 : vector<2000x64xf32>
    %abs3A_258 = math.absf %add3A_257 : vector<2000x64xf32>
    %mul3A_259 = arith.constant -1.44269502 : f32
    %mul3A_260 = vector.broadcast %mul3A_259 : f32 to vector<2000x64xf32>
    %mul3A_261 = arith.mulf %abs3A_258, %mul3A_260 : vector<2000x64xf32>
    %exp23A_262 = math.exp2 %mul3A_261 : vector<2000x64xf32>
    %max3A_263 = arith.constant 0.000000e+00 : f32
    %max3A_264 = vector.broadcast %max3A_263 : f32 to vector<2000x64xf32>
    %max3A_265 = arith.maximumf %add3A_257, %max3A_264 : vector<2000x64xf32>
    %add3A_266 = arith.constant 1.000000e+00 : f32
    %add3A_267 = vector.broadcast %add3A_266 : f32 to vector<2000x64xf32>
    %add3A_268 = arith.addf %add3A_267, %exp23A_262 : vector<2000x64xf32>
    %log3A_269 = math.log %add3A_268 : vector<2000x64xf32>
    %log3A_270 = arith.constant 2.000000e+00 : f32
    %log3A_271 = math.log %log3A_270 : f32
    %div3A_272 = vector.broadcast %log3A_271 : f32 to vector<2000x64xf32>
    %div3A_273 = arith.divf %log3A_269, %div3A_272 : vector<2000x64xf32>
    %mul3A_274 = arith.constant 0.693147182 : f32
    %mul3A_275 = vector.broadcast %mul3A_274 : f32 to vector<2000x64xf32>
    %mul3A_276 = arith.mulf %div3A_273, %mul3A_275 : vector<2000x64xf32>
    %add3A_277 = arith.addf %max3A_265, %mul3A_276 : vector<2000x64xf32>
    %sub3A_278 = arith.constant 0.693147182 : f32
    %sub3A_279 = vector.broadcast %sub3A_278 : f32 to vector<2000x64xf32>
    %sub3A_280 = arith.subf %add3A_277, %sub3A_279 : vector<2000x64xf32>
    %get3A_281 = arith.constant 1 : index
    %get3A_282 = arith.constant 0 : index
    %get3A_283 = arith.constant 0 : index
    %get3A_284 = vector.load %arg7[%get3A_281, %get3A_282, %get3A_283] : memref<3x64x64xf32, #tpu.memory_space<vmem>>, vector<1x64x64xf32>
    %get3A_285 = vector.shape_cast %get3A_284 : vector<1x64x64xf32> to vector<64x64xf32>
    %dot_general3A_286 = arith.constant dense<0.000000e+00> : vector<2000x64xf32>
    %dot_general3A_287 = tpu.matmul %sub3A_280, %get3A_285, %dot_general3A_286 {dimension_numbers = #tpu.dot_dimension_numbers<[1], [0], [0], [1], [0, 0, 1, 1], [], []>, transpose_lhs_hint = false} : vector<2000x64xf32>, vector<64x64xf32>, vector<2000x64xf32> -> vector<2000x64xf32>
    %get3A_288 = arith.constant 1 : index
    %get3A_289 = arith.constant 0 : index
    %get3A_290 = arith.constant 0 : index
    %get3A_291 = vector.load %arg8[%get3A_288, %get3A_289, %get3A_290] : memref<3x1x64xf32, #tpu.memory_space<vmem>>, vector<1x1x64xf32>
    %get3A_292 = vector.shape_cast %get3A_291 : vector<1x1x64xf32> to vector<1x64xf32>
    %add3A_293 = vector.broadcast %get3A_292 : vector<1x64xf32> to vector<2000x64xf32>
    %add3A_294 = arith.addf %dot_general3A_287, %add3A_293 : vector<2000x64xf32>
    %mul3A_295 = vector.broadcast %mul3A_187 : vector<2000x1xf32> to vector<2000x64xf32>
    %mul3A_296 = arith.mulf %add3A_294, %mul3A_295 : vector<2000x64xf32>
    %swap3A_297 = arith.constant 0 : index
    %swap3A_298 = arith.constant 64 : index
    %swap3A_299 = vector.load %arg10[%swap3A_297, %swap3A_298] : memref<2000x128xf32, #tpu.memory_space<vmem>>, vector<2000x64xf32>
    tpu.vector_store %arg10[%swap3A_297, %swap3A_298], %mul3A_296 {strides = array<i32>} : memref<2000x128xf32, #tpu.memory_space<vmem>>, vector<2000x64xf32>,
    %get3A_300 = arith.constant 2 : index
    %get3A_301 = arith.constant 0 : index
    %get3A_302 = arith.constant 0 : index
    %get3A_303 = vector.load %arg5[%get3A_300, %get3A_301, %get3A_302] : memref<3x16x64xf32, #tpu.memory_space<vmem>>, vector<1x16x64xf32>
    %get3A_304 = vector.shape_cast %get3A_303 : vector<1x16x64xf32> to vector<16x64xf32>
    %dot_general3A_305 = arith.constant dense<0.000000e+00> : vector<2000x64xf32>
    %dot_general3A_306 = tpu.matmul %get3A_174, %get3A_304, %dot_general3A_305 {dimension_numbers = #tpu.dot_dimension_numbers<[1], [0], [0], [1], [0, 0, 1, 1], [], []>, transpose_lhs_hint = false} : vector<2000x16xf32>, vector<16x64xf32>, vector<2000x64xf32> -> vector<2000x64xf32>
    %get3A_307 = arith.constant 2 : index
    %get3A_308 = arith.constant 0 : index
    %get3A_309 = arith.constant 0 : index
    %get3A_310 = vector.load %arg6[%get3A_307, %get3A_308, %get3A_309] : memref<3x1x64xf32, #tpu.memory_space<vmem>>, vector<1x1x64xf32>
    %get3A_311 = vector.shape_cast %get3A_310 : vector<1x1x64xf32> to vector<1x64xf32>
    %add3A_312 = vector.broadcast %get3A_311 : vector<1x64xf32> to vector<2000x64xf32>
    %add3A_313 = arith.addf %dot_general3A_306, %add3A_312 : vector<2000x64xf32>
    %abs3A_314 = math.absf %add3A_313 : vector<2000x64xf32>
    %mul3A_315 = arith.constant -1.44269502 : f32
    %mul3A_316 = vector.broadcast %mul3A_315 : f32 to vector<2000x64xf32>
    %mul3A_317 = arith.mulf %abs3A_314, %mul3A_316 : vector<2000x64xf32>
    %exp23A_318 = math.exp2 %mul3A_317 : vector<2000x64xf32>
    %max3A_319 = arith.constant 0.000000e+00 : f32
    %max3A_320 = vector.broadcast %max3A_319 : f32 to vector<2000x64xf32>
    %max3A_321 = arith.maximumf %add3A_313, %max3A_320 : vector<2000x64xf32>
    %add3A_322 = arith.constant 1.000000e+00 : f32
    %add3A_323 = vector.broadcast %add3A_322 : f32 to vector<2000x64xf32>
    %add3A_324 = arith.addf %add3A_323, %exp23A_318 : vector<2000x64xf32>
    %log3A_325 = math.log %add3A_324 : vector<2000x64xf32>
    %log3A_326 = arith.constant 2.000000e+00 : f32
    %log3A_327 = math.log %log3A_326 : f32
    %div3A_328 = vector.broadcast %log3A_327 : f32 to vector<2000x64xf32>
    %div3A_329 = arith.divf %log3A_325, %div3A_328 : vector<2000x64xf32>
    %mul3A_330 = arith.constant 0.693147182 : f32
    %mul3A_331 = vector.broadcast %mul3A_330 : f32 to vector<2000x64xf32>
    %mul3A_332 = arith.mulf %div3A_329, %mul3A_331 : vector<2000x64xf32>
    %add3A_333 = arith.addf %max3A_321, %mul3A_332 : vector<2000x64xf32>
    %sub3A_334 = arith.constant 0.693147182 : f32
    %sub3A_335 = vector.broadcast %sub3A_334 : f32 to vector<2000x64xf32>
    %sub3A_336 = arith.subf %add3A_333, %sub3A_335 : vector<2000x64xf32>
    %get3A_337 = arith.constant 2 : index
    %get3A_338 = arith.constant 0 : index
    %get3A_339 = arith.constant 0 : index
    %get3A_340 = vector.load %arg7[%get3A_337, %get3A_338, %get3A_339] : memref<3x64x64xf32, #tpu.memory_space<vmem>>, vector<1x64x64xf32>
    %get3A_341 = vector.shape_cast %get3A_340 : vector<1x64x64xf32> to vector<64x64xf32>
    %dot_general3A_342 = arith.constant dense<0.000000e+00> : vector<2000x64xf32>
    %dot_general3A_343 = tpu.matmul %sub3A_336, %get3A_341, %dot_general3A_342 {dimension_numbers = #tpu.dot_dimension_numbers<[1], [0], [0], [1], [0, 0, 1, 1], [], []>, transpose_lhs_hint = false} : vector<2000x64xf32>, vector<64x64xf32>, vector<2000x64xf32> -> vector<2000x64xf32>
    %get3A_344 = arith.constant 2 : index
    %get3A_345 = arith.constant 0 : index
    %get3A_346 = arith.constant 0 : index
    %get3A_347 = vector.load %arg8[%get3A_344, %get3A_345, %get3A_346] : memref<3x1x64xf32, #tpu.memory_space<vmem>>, vector<1x1x64xf32>
    %get3A_348 = vector.shape_cast %get3A_347 : vector<1x1x64xf32> to vector<1x64xf32>
    %add3A_349 = vector.broadcast %get3A_348 : vector<1x64xf32> to vector<2000x64xf32>
    %add3A_350 = arith.addf %dot_general3A_343, %add3A_349 : vector<2000x64xf32>
    %mul3A_351 = vector.broadcast %mul3A_187 : vector<2000x1xf32> to vector<2000x64xf32>
    %mul3A_352 = arith.mulf %add3A_350, %mul3A_351 : vector<2000x64xf32>
    %swap3A_353 = arith.constant 0 : index
    %swap3A_354 = arith.constant 64 : index
    %swap3A_355 = vector.load %arg11[%swap3A_353, %swap3A_354] : memref<2000x128xf32, #tpu.memory_space<vmem>>, vector<2000x64xf32>
    tpu.vector_store %arg11[%swap3A_353, %swap3A_354], %mul3A_352 {strides = array<i32>} : memref<2000x128xf32, #tpu.memory_space<vmem>>, vector<2000x64xf32>,
    return
  }
  func.func @transform_0(%arg0: i32) -> (i32, i32) {
    %c0_i32 = arith.constant 0 : i32
    %c0_i32_0 = arith.constant 0 : i32
    return %arg0, %c0_i32 : i32, i32
  }
  func.func @transform_1(%arg0: i32) -> (i32, i32) {
    %add3A = arith.constant 80 : i32
    %add3A_0 = arith.addi %arg0, %add3A : i32
    %c0_i32 = arith.constant 0 : i32
    %c0_i32_1 = arith.constant 0 : i32
    return %add3A_0, %c0_i32 : i32, i32
  }
  func.func @transform_2(%arg0: i32) -> (i32, i32) {
    %c0_i32 = arith.constant 0 : i32
    %c0_i32_0 = arith.constant 0 : i32
    return %arg0, %c0_i32 : i32, i32
  }
  func.func @transform_3(%arg0: i32) -> (i32, i32) {
    %add3A = arith.constant 80 : i32
    %add3A_0 = arith.addi %arg0, %add3A : i32
    %c0_i32 = arith.constant 0 : i32
    %c0_i32_1 = arith.constant 0 : i32
    return %add3A_0, %c0_i32 : i32, i32
  }
  func.func @transform_4(%arg0: i32) -> (i32, i32, i32) {
    %c0_i32 = arith.constant 0 : i32
    %c0_i32_0 = arith.constant 0 : i32
    %c0_i32_1 = arith.constant 0 : i32
    %c0_i32_2 = arith.constant 0 : i32
    return %c0_i32, %c0_i32_0, %c0_i32_1 : i32, i32, i32
  }
  func.func @transform_5(%arg0: i32) -> (i32, i32, i32) {
    %c0_i32 = arith.constant 0 : i32
    %c0_i32_0 = arith.constant 0 : i32
    %c0_i32_1 = arith.constant 0 : i32
    %c0_i32_2 = arith.constant 0 : i32
    return %c0_i32, %c0_i32_0, %c0_i32_1 : i32, i32, i32
  }
  func.func @transform_6(%arg0: i32) -> (i32, i32, i32) {
    %c0_i32 = arith.constant 0 : i32
    %c0_i32_0 = arith.constant 0 : i32
    %c0_i32_1 = arith.constant 0 : i32
    %c0_i32_2 = arith.constant 0 : i32
    return %c0_i32, %c0_i32_0, %c0_i32_1 : i32, i32, i32
  }
  func.func @transform_7(%arg0: i32) -> (i32, i32, i32) {
    %c0_i32 = arith.constant 0 : i32
    %c0_i32_0 = arith.constant 0 : i32
    %c0_i32_1 = arith.constant 0 : i32
    %c0_i32_2 = arith.constant 0 : i32
    return %c0_i32, %c0_i32_0, %c0_i32_1 : i32, i32, i32
  }
  func.func @transform_8(%arg0: i32) -> (i32, i32) {
    %c0_i32 = arith.constant 0 : i32
    %c0_i32_0 = arith.constant 0 : i32
    return %arg0, %c0_i32 : i32, i32
  }
  func.func @transform_9(%arg0: i32) -> (i32, i32) {
    %c0_i32 = arith.constant 0 : i32
    %c0_i32_0 = arith.constant 0 : i32
    return %arg0, %c0_i32 : i32, i32
  }
  func.func @transform_10(%arg0: i32) -> (i32, i32) {
    %c0_i32 = arith.constant 0 : i32
    %c0_i32_0 = arith.constant 0 : i32
    return %arg0, %c0_i32 : i32, i32
  }
}

module attributes {stable_mosaic.version = 14 : i64} {
  func.func @_upd_body(%arg0: i32, %arg1: memref<2x1000x64xf32, #tpu.memory_space<vmem>>, %arg2: memref<1000x64xf32, #tpu.memory_space<vmem>>, %arg3: memref<64x64xf32, #tpu.memory_space<vmem>>, %arg4: memref<1x64xf32, #tpu.memory_space<vmem>>, %arg5: memref<64x64xf32, #tpu.memory_space<vmem>>, %arg6: memref<1x64xf32, #tpu.memory_space<vmem>>, %arg7: memref<1000x64xf32, #tpu.memory_space<vmem>>, %arg8: memref<8x64xf32, #tpu.memory_space<vmem>>, %arg9: memref<8x64xf32, #tpu.memory_space<vmem>>) attributes {dimension_semantics = [#tpu.dimension_semantics<arbitrary>], iteration_bounds = array<i64: 10>, scalar_prefetch = 0 : i64, scratch_operands = 1 : i64, tpu.core_type = #tpu.core_type<tc>, window_params = [{transform_indices = @transform_0, window_bounds = array<i64: 2, 1000, 64>}, {transform_indices = @transform_1, window_bounds = array<i64: 1000, 64>}, {pipeline_mode = #tpu.pipeline_mode<synchronous>, transform_indices = @transform_2, window_bounds = array<i64: 64, 64>}, {pipeline_mode = #tpu.pipeline_mode<synchronous>, transform_indices = @transform_3, window_bounds = array<i64: 1, 64>}, {pipeline_mode = #tpu.pipeline_mode<synchronous>, transform_indices = @transform_4, window_bounds = array<i64: 64, 64>}, {pipeline_mode = #tpu.pipeline_mode<synchronous>, transform_indices = @transform_5, window_bounds = array<i64: 1, 64>}, {transform_indices = @transform_6, window_bounds = array<i64: 1000, 64>}, {pipeline_mode = #tpu.pipeline_mode<synchronous>, transform_indices = @transform_7, window_bounds = array<i64: 8, 64>}]} {
    %eq3A = arith.constant 0 : i32
    %eq3A_0 = arith.cmpi eq, %arg0, %eq3A : i32
    %convert_element_type3A = arith.extui %eq3A_0 : i1 to i32
    %cond3A = arith.constant 0 : i32
    %cond3A_1 = arith.cmpi ne, %convert_element_type3A, %cond3A : i32
    scf.if %cond3A_1 {
      %broadcast_in_dim3A_76 = arith.constant 0.000000e+00 : f32
      %broadcast_in_dim3A_77 = vector.broadcast %broadcast_in_dim3A_76 : f32 to vector<8x64xf32>
      %swap3A_78 = arith.constant 0 : index
      %swap3A_79 = arith.constant 0 : index
      %swap3A_80 = vector.load %arg9[%swap3A_78, %swap3A_79] : memref<8x64xf32, #tpu.memory_space<vmem>>, vector<8x64xf32>
      tpu.vector_store %arg9[%swap3A_78, %swap3A_79], %broadcast_in_dim3A_77 {strides = array<i32>} : memref<8x64xf32, #tpu.memory_space<vmem>>, vector<8x64xf32>,
    } else {
    }
    %get3A = arith.constant 0 : index
    %get3A_2 = arith.constant 0 : index
    %get3A_3 = arith.constant 0 : index
    %get3A_4 = vector.load %arg1[%get3A, %get3A_2, %get3A_3] : memref<2x1000x64xf32, #tpu.memory_space<vmem>>, vector<1x1000x64xf32>
    %get3A_5 = vector.shape_cast %get3A_4 : vector<1x1000x64xf32> to vector<1000x64xf32>
    %get3A_6 = arith.constant 1 : index
    %get3A_7 = arith.constant 0 : index
    %get3A_8 = arith.constant 0 : index
    %get3A_9 = vector.load %arg1[%get3A_6, %get3A_7, %get3A_8] : memref<2x1000x64xf32, #tpu.memory_space<vmem>>, vector<1x1000x64xf32>
    %get3A_10 = vector.shape_cast %get3A_9 : vector<1x1000x64xf32> to vector<1000x64xf32>
    %add3A = arith.addf %get3A_5, %get3A_10 : vector<1000x64xf32>
    %get3A_11 = arith.constant 0 : index
    %get3A_12 = arith.constant 0 : index
    %get3A_13 = vector.load %arg3[%get3A_11, %get3A_12] : memref<64x64xf32, #tpu.memory_space<vmem>>, vector<64x64xf32>
    %dot_general3A = arith.constant dense<0.000000e+00> : vector<1000x64xf32>
    %dot_general3A_14 = tpu.matmul %add3A, %get3A_13, %dot_general3A {dimension_numbers = #tpu.dot_dimension_numbers<[1], [0], [0], [1], [0, 0, 1, 1], [], []>, transpose_lhs_hint = false} : vector<1000x64xf32>, vector<64x64xf32>, vector<1000x64xf32> -> vector<1000x64xf32>
    %get3A_15 = arith.constant 0 : index
    %get3A_16 = arith.constant 0 : index
    %get3A_17 = vector.load %arg4[%get3A_15, %get3A_16] : memref<1x64xf32, #tpu.memory_space<vmem>>, vector<1x64xf32>
    %add3A_18 = vector.broadcast %get3A_17 : vector<1x64xf32> to vector<1000x64xf32>
    %add3A_19 = arith.addf %dot_general3A_14, %add3A_18 : vector<1000x64xf32>
    %abs3A = math.absf %add3A_19 : vector<1000x64xf32>
    %mul3A = arith.constant -1.44269502 : f32
    %mul3A_20 = vector.broadcast %mul3A : f32 to vector<1000x64xf32>
    %mul3A_21 = arith.mulf %abs3A, %mul3A_20 : vector<1000x64xf32>
    %exp23A = math.exp2 %mul3A_21 : vector<1000x64xf32>
    %max3A = arith.constant 0.000000e+00 : f32
    %max3A_22 = vector.broadcast %max3A : f32 to vector<1000x64xf32>
    %max3A_23 = arith.maximumf %add3A_19, %max3A_22 : vector<1000x64xf32>
    %add3A_24 = arith.constant 1.000000e+00 : f32
    %add3A_25 = vector.broadcast %add3A_24 : f32 to vector<1000x64xf32>
    %add3A_26 = arith.addf %add3A_25, %exp23A : vector<1000x64xf32>
    %log3A = math.log %add3A_26 : vector<1000x64xf32>
    %log3A_27 = arith.constant 2.000000e+00 : f32
    %log3A_28 = math.log %log3A_27 : f32
    %div3A = vector.broadcast %log3A_28 : f32 to vector<1000x64xf32>
    %div3A_29 = arith.divf %log3A, %div3A : vector<1000x64xf32>
    %mul3A_30 = arith.constant 0.693147182 : f32
    %mul3A_31 = vector.broadcast %mul3A_30 : f32 to vector<1000x64xf32>
    %mul3A_32 = arith.mulf %div3A_29, %mul3A_31 : vector<1000x64xf32>
    %add3A_33 = arith.addf %max3A_23, %mul3A_32 : vector<1000x64xf32>
    %sub3A = arith.constant 0.693147182 : f32
    %sub3A_34 = vector.broadcast %sub3A : f32 to vector<1000x64xf32>
    %sub3A_35 = arith.subf %add3A_33, %sub3A_34 : vector<1000x64xf32>
    %get3A_36 = arith.constant 0 : index
    %get3A_37 = arith.constant 0 : index
    %get3A_38 = vector.load %arg5[%get3A_36, %get3A_37] : memref<64x64xf32, #tpu.memory_space<vmem>>, vector<64x64xf32>
    %dot_general3A_39 = arith.constant dense<0.000000e+00> : vector<1000x64xf32>
    %dot_general3A_40 = tpu.matmul %sub3A_35, %get3A_38, %dot_general3A_39 {dimension_numbers = #tpu.dot_dimension_numbers<[1], [0], [0], [1], [0, 0, 1, 1], [], []>, transpose_lhs_hint = false} : vector<1000x64xf32>, vector<64x64xf32>, vector<1000x64xf32> -> vector<1000x64xf32>
    %get3A_41 = arith.constant 0 : index
    %get3A_42 = arith.constant 0 : index
    %get3A_43 = vector.load %arg6[%get3A_41, %get3A_42] : memref<1x64xf32, #tpu.memory_space<vmem>>, vector<1x64xf32>
    %add3A_44 = vector.broadcast %get3A_43 : vector<1x64xf32> to vector<1000x64xf32>
    %add3A_45 = arith.addf %dot_general3A_40, %add3A_44 : vector<1000x64xf32>
    %get3A_46 = arith.constant 0 : index
    %get3A_47 = arith.constant 0 : index
    %get3A_48 = vector.load %arg2[%get3A_46, %get3A_47] : memref<1000x64xf32, #tpu.memory_space<vmem>>, vector<1000x64xf32>
    %add3A_49 = arith.addf %get3A_48, %add3A_45 : vector<1000x64xf32>
    %swap3A = arith.constant 0 : index
    %swap3A_50 = arith.constant 0 : index
    %swap3A_51 = vector.load %arg7[%swap3A, %swap3A_50] : memref<1000x64xf32, #tpu.memory_space<vmem>>, vector<1000x64xf32>
    tpu.vector_store %arg7[%swap3A, %swap3A_50], %add3A_49 {strides = array<i32>} : memref<1000x64xf32, #tpu.memory_space<vmem>>, vector<1000x64xf32>,
    %get3A_52 = arith.constant 0 : index
    %get3A_53 = arith.constant 0 : index
    %get3A_54 = vector.load %arg9[%get3A_52, %get3A_53] : memref<8x64xf32, #tpu.memory_space<vmem>>, vector<1x64xf32>
    %reduce_sum3A = arith.constant dense<0.000000e+00> : vector<64xf32>
    %reduce_sum3A_55 = vector.multi_reduction <add>, %add3A_49, %reduce_sum3A [0] : vector<1000x64xf32> to vector<64xf32>
    %broadcast_in_dim3A = vector.shape_cast %reduce_sum3A_55 : vector<64xf32> to vector<1x64xf32>
    %add3A_56 = arith.addf %get3A_54, %broadcast_in_dim3A : vector<1x64xf32>
    %swap3A_57 = arith.constant 0 : index
    %swap3A_58 = arith.constant 0 : index
    %swap3A_59 = vector.load %arg9[%swap3A_57, %swap3A_58] : memref<8x64xf32, #tpu.memory_space<vmem>>, vector<1x64xf32>
    tpu.vector_store %arg9[%swap3A_57, %swap3A_58], %add3A_56 {strides = array<i32>} : memref<8x64xf32, #tpu.memory_space<vmem>>, vector<1x64xf32>,
    %get3A_60 = arith.constant 1 : index
    %get3A_61 = arith.constant 0 : index
    %get3A_62 = vector.load %arg9[%get3A_60, %get3A_61] : memref<8x64xf32, #tpu.memory_space<vmem>>, vector<1x64xf32>
    %mul3A_63 = arith.mulf %add3A_49, %add3A_49 : vector<1000x64xf32>
    %reduce_sum3A_64 = arith.constant dense<0.000000e+00> : vector<64xf32>
    %reduce_sum3A_65 = vector.multi_reduction <add>, %mul3A_63, %reduce_sum3A_64 [0] : vector<1000x64xf32> to vector<64xf32>
    %broadcast_in_dim3A_66 = vector.shape_cast %reduce_sum3A_65 : vector<64xf32> to vector<1x64xf32>
    %add3A_67 = arith.addf %get3A_62, %broadcast_in_dim3A_66 : vector<1x64xf32>
    %swap3A_68 = arith.constant 1 : index
    %swap3A_69 = arith.constant 0 : index
    %swap3A_70 = vector.load %arg9[%swap3A_68, %swap3A_69] : memref<8x64xf32, #tpu.memory_space<vmem>>, vector<1x64xf32>
    tpu.vector_store %arg9[%swap3A_68, %swap3A_69], %add3A_67 {strides = array<i32>} : memref<8x64xf32, #tpu.memory_space<vmem>>, vector<1x64xf32>,
    %eq3A_71 = arith.constant 9 : i32
    %eq3A_72 = arith.cmpi eq, %arg0, %eq3A_71 : i32
    %convert_element_type3A_73 = arith.extui %eq3A_72 : i1 to i32
    %cond3A_74 = arith.constant 0 : i32
    %cond3A_75 = arith.cmpi ne, %convert_element_type3A_73, %cond3A_74 : i32
    scf.if %cond3A_75 {
      %get3A_76 = arith.constant 0 : index
      %get3A_77 = arith.constant 0 : index
      %get3A_78 = vector.load %arg9[%get3A_76, %get3A_77] : memref<8x64xf32, #tpu.memory_space<vmem>>, vector<8x64xf32>
      %swap3A_79 = arith.constant 0 : index
      %swap3A_80 = arith.constant 0 : index
      %swap3A_81 = vector.load %arg8[%swap3A_79, %swap3A_80] : memref<8x64xf32, #tpu.memory_space<vmem>>, vector<8x64xf32>
      tpu.vector_store %arg8[%swap3A_79, %swap3A_80], %get3A_78 {strides = array<i32>} : memref<8x64xf32, #tpu.memory_space<vmem>>, vector<8x64xf32>,
    } else {
    }
    return
  }
  func.func @transform_0(%arg0: i32) -> (i32, i32, i32) {
    %c0_i32 = arith.constant 0 : i32
    %c0_i32_0 = arith.constant 0 : i32
    %c0_i32_1 = arith.constant 0 : i32
    return %c0_i32, %arg0, %c0_i32_0 : i32, i32, i32
  }
  func.func @transform_1(%arg0: i32) -> (i32, i32) {
    %c0_i32 = arith.constant 0 : i32
    %c0_i32_0 = arith.constant 0 : i32
    return %arg0, %c0_i32 : i32, i32
  }
  func.func @transform_2(%arg0: i32) -> (i32, i32) {
    %c0_i32 = arith.constant 0 : i32
    %c0_i32_0 = arith.constant 0 : i32
    %c0_i32_1 = arith.constant 0 : i32
    return %c0_i32, %c0_i32_0 : i32, i32
  }
  func.func @transform_3(%arg0: i32) -> (i32, i32) {
    %c0_i32 = arith.constant 0 : i32
    %c0_i32_0 = arith.constant 0 : i32
    %c0_i32_1 = arith.constant 0 : i32
    return %c0_i32, %c0_i32_0 : i32, i32
  }
  func.func @transform_4(%arg0: i32) -> (i32, i32) {
    %c0_i32 = arith.constant 0 : i32
    %c0_i32_0 = arith.constant 0 : i32
    %c0_i32_1 = arith.constant 0 : i32
    return %c0_i32, %c0_i32_0 : i32, i32
  }
  func.func @transform_5(%arg0: i32) -> (i32, i32) {
    %c0_i32 = arith.constant 0 : i32
    %c0_i32_0 = arith.constant 0 : i32
    %c0_i32_1 = arith.constant 0 : i32
    return %c0_i32, %c0_i32_0 : i32, i32
  }
  func.func @transform_6(%arg0: i32) -> (i32, i32) {
    %c0_i32 = arith.constant 0 : i32
    %c0_i32_0 = arith.constant 0 : i32
    return %arg0, %c0_i32 : i32, i32
  }
  func.func @transform_7(%arg0: i32) -> (i32, i32) {
    %c0_i32 = arith.constant 0 : i32
    %c0_i32_0 = arith.constant 0 : i32
    %c0_i32_1 = arith.constant 0 : i32
    return %c0_i32, %c0_i32_0 : i32, i32
  }
}

module attributes {stable_mosaic.version = 14 : i64} {
  func.func @_norm_body(%arg0: i32, %arg1: memref<1000x64xf32, #tpu.memory_space<vmem>>, %arg2: memref<8x64xf32, #tpu.memory_space<vmem>>, %arg3: memref<1x64xf32, #tpu.memory_space<vmem>>, %arg4: memref<1x64xf32, #tpu.memory_space<vmem>>, %arg5: memref<64x64xf32, #tpu.memory_space<vmem>>, %arg6: memref<1000x64xf32, #tpu.memory_space<vmem>>, %arg7: memref<1000x64xf32, #tpu.memory_space<vmem>>) attributes {dimension_semantics = [#tpu.dimension_semantics<arbitrary>], iteration_bounds = array<i64: 10>, scalar_prefetch = 0 : i64, scratch_operands = 0 : i64, tpu.core_type = #tpu.core_type<tc>, window_params = [{transform_indices = @transform_0, window_bounds = array<i64: 1000, 64>}, {pipeline_mode = #tpu.pipeline_mode<synchronous>, transform_indices = @transform_1, window_bounds = array<i64: 8, 64>}, {pipeline_mode = #tpu.pipeline_mode<synchronous>, transform_indices = @transform_2, window_bounds = array<i64: 1, 64>}, {pipeline_mode = #tpu.pipeline_mode<synchronous>, transform_indices = @transform_3, window_bounds = array<i64: 1, 64>}, {pipeline_mode = #tpu.pipeline_mode<synchronous>, transform_indices = @transform_4, window_bounds = array<i64: 64, 64>}, {transform_indices = @transform_5, window_bounds = array<i64: 1000, 64>}, {transform_indices = @transform_6, window_bounds = array<i64: 1000, 64>}]} {
    %get3A = arith.constant 0 : index
    %get3A_0 = arith.constant 0 : index
    %get3A_1 = vector.load %arg2[%get3A, %get3A_0] : memref<8x64xf32, #tpu.memory_space<vmem>>, vector<1x64xf32>
    %mul3A = arith.constant 9.99999974E-5 : f32
    %mul3A_2 = vector.broadcast %mul3A : f32 to vector<1x64xf32>
    %mul3A_3 = arith.mulf %get3A_1, %mul3A_2 : vector<1x64xf32>
    %get3A_4 = arith.constant 1 : index
    %get3A_5 = arith.constant 0 : index
    %get3A_6 = vector.load %arg2[%get3A_4, %get3A_5] : memref<8x64xf32, #tpu.memory_space<vmem>>, vector<1x64xf32>
    %mul3A_7 = arith.constant 9.99999974E-5 : f32
    %mul3A_8 = vector.broadcast %mul3A_7 : f32 to vector<1x64xf32>
    %mul3A_9 = arith.mulf %get3A_6, %mul3A_8 : vector<1x64xf32>
    %mul3A_10 = arith.mulf %mul3A_3, %mul3A_3 : vector<1x64xf32>
    %sub3A = arith.subf %mul3A_9, %mul3A_10 : vector<1x64xf32>
    %add3A = arith.constant 9.99999974E-6 : f32
    %add3A_11 = vector.broadcast %add3A : f32 to vector<1x64xf32>
    %add3A_12 = arith.addf %sub3A, %add3A_11 : vector<1x64xf32>
    %rsqrt3A = math.rsqrt %add3A_12 : vector<1x64xf32>
    %get3A_13 = arith.constant 0 : index
    %get3A_14 = arith.constant 0 : index
    %get3A_15 = vector.load %arg3[%get3A_13, %get3A_14] : memref<1x64xf32, #tpu.memory_space<vmem>>, vector<1x64xf32>
    %mul3A_16 = arith.mulf %rsqrt3A, %get3A_15 : vector<1x64xf32>
    %get3A_17 = arith.constant 0 : index
    %get3A_18 = arith.constant 0 : index
    %get3A_19 = vector.load %arg1[%get3A_17, %get3A_18] : memref<1000x64xf32, #tpu.memory_space<vmem>>, vector<1000x64xf32>
    %sub3A_20 = vector.broadcast %mul3A_3 : vector<1x64xf32> to vector<1000x64xf32>
    %sub3A_21 = arith.subf %get3A_19, %sub3A_20 : vector<1000x64xf32>
    %mul3A_22 = vector.broadcast %mul3A_16 : vector<1x64xf32> to vector<1000x64xf32>
    %mul3A_23 = arith.mulf %sub3A_21, %mul3A_22 : vector<1000x64xf32>
    %get3A_24 = arith.constant 0 : index
    %get3A_25 = arith.constant 0 : index
    %get3A_26 = vector.load %arg4[%get3A_24, %get3A_25] : memref<1x64xf32, #tpu.memory_space<vmem>>, vector<1x64xf32>
    %add3A_27 = vector.broadcast %get3A_26 : vector<1x64xf32> to vector<1000x64xf32>
    %add3A_28 = arith.addf %mul3A_23, %add3A_27 : vector<1000x64xf32>
    %swap3A = arith.constant 0 : index
    %swap3A_29 = arith.constant 0 : index
    %swap3A_30 = vector.load %arg6[%swap3A, %swap3A_29] : memref<1000x64xf32, #tpu.memory_space<vmem>>, vector<1000x64xf32>
    tpu.vector_store %arg6[%swap3A, %swap3A_29], %add3A_28 {strides = array<i32>} : memref<1000x64xf32, #tpu.memory_space<vmem>>, vector<1000x64xf32>,
    %get3A_31 = arith.constant 0 : index
    %get3A_32 = arith.constant 0 : index
    %get3A_33 = vector.load %arg5[%get3A_31, %get3A_32] : memref<64x64xf32, #tpu.memory_space<vmem>>, vector<64x64xf32>
    %dot_general3A = arith.constant dense<0.000000e+00> : vector<1000x64xf32>
    %dot_general3A_34 = tpu.matmul %add3A_28, %get3A_33, %dot_general3A {dimension_numbers = #tpu.dot_dimension_numbers<[1], [0], [0], [1], [0, 0, 1, 1], [], []>, transpose_lhs_hint = false} : vector<1000x64xf32>, vector<64x64xf32>, vector<1000x64xf32> -> vector<1000x64xf32>
    %swap3A_35 = arith.constant 0 : index
    %swap3A_36 = arith.constant 0 : index
    %swap3A_37 = vector.load %arg7[%swap3A_35, %swap3A_36] : memref<1000x64xf32, #tpu.memory_space<vmem>>, vector<1000x64xf32>
    tpu.vector_store %arg7[%swap3A_35, %swap3A_36], %dot_general3A_34 {strides = array<i32>} : memref<1000x64xf32, #tpu.memory_space<vmem>>, vector<1000x64xf32>,
    return
  }
  func.func @transform_0(%arg0: i32) -> (i32, i32) {
    %c0_i32 = arith.constant 0 : i32
    %c0_i32_0 = arith.constant 0 : i32
    return %arg0, %c0_i32 : i32, i32
  }
  func.func @transform_1(%arg0: i32) -> (i32, i32) {
    %c0_i32 = arith.constant 0 : i32
    %c0_i32_0 = arith.constant 0 : i32
    %c0_i32_1 = arith.constant 0 : i32
    return %c0_i32, %c0_i32_0 : i32, i32
  }
  func.func @transform_2(%arg0: i32) -> (i32, i32) {
    %c0_i32 = arith.constant 0 : i32
    %c0_i32_0 = arith.constant 0 : i32
    %c0_i32_1 = arith.constant 0 : i32
    return %c0_i32, %c0_i32_0 : i32, i32
  }
  func.func @transform_3(%arg0: i32) -> (i32, i32) {
    %c0_i32 = arith.constant 0 : i32
    %c0_i32_0 = arith.constant 0 : i32
    %c0_i32_1 = arith.constant 0 : i32
    return %c0_i32, %c0_i32_0 : i32, i32
  }
  func.func @transform_4(%arg0: i32) -> (i32, i32) {
    %c0_i32 = arith.constant 0 : i32
    %c0_i32_0 = arith.constant 0 : i32
    %c0_i32_1 = arith.constant 0 : i32
    return %c0_i32, %c0_i32_0 : i32, i32
  }
  func.func @transform_5(%arg0: i32) -> (i32, i32) {
    %c0_i32 = arith.constant 0 : i32
    %c0_i32_0 = arith.constant 0 : i32
    return %arg0, %c0_i32 : i32, i32
  }
  func.func @transform_6(%arg0: i32) -> (i32, i32) {
    %c0_i32 = arith.constant 0 : i32
    %c0_i32_0 = arith.constant 0 : i32
    return %arg0, %c0_i32 : i32, i32
  }
}

module attributes {stable_mosaic.version = 14 : i64} {
  func.func @_head_body(%arg0: i32, %arg1: memref<1000x64xf32, #tpu.memory_space<vmem>>, %arg2: memref<8x64xf32, #tpu.memory_space<vmem>>, %arg3: memref<1x64xf32, #tpu.memory_space<vmem>>, %arg4: memref<1x64xf32, #tpu.memory_space<vmem>>, %arg5: memref<1000x1xi32, #tpu.memory_space<vmem>>, %arg6: memref<64x64xf32, #tpu.memory_space<vmem>>, %arg7: memref<1x64xf32, #tpu.memory_space<vmem>>, %arg8: memref<64x1xf32, #tpu.memory_space<vmem>>, %arg9: memref<1x1xf32, #tpu.memory_space<vmem>>, %arg10: memref<100x1xf32, #tpu.memory_space<vmem>>, %arg11: memref<104x64xf32, #tpu.memory_space<vmem>>, %arg12: memref<104x64xf32, #tpu.memory_space<vmem>>) attributes {dimension_semantics = [#tpu.dimension_semantics<arbitrary>], iteration_bounds = array<i64: 10>, scalar_prefetch = 0 : i64, scratch_operands = 2 : i64, tpu.core_type = #tpu.core_type<tc>, window_params = [{transform_indices = @transform_0, window_bounds = array<i64: 1000, 64>}, {pipeline_mode = #tpu.pipeline_mode<synchronous>, transform_indices = @transform_1, window_bounds = array<i64: 8, 64>}, {pipeline_mode = #tpu.pipeline_mode<synchronous>, transform_indices = @transform_2, window_bounds = array<i64: 1, 64>}, {pipeline_mode = #tpu.pipeline_mode<synchronous>, transform_indices = @transform_3, window_bounds = array<i64: 1, 64>}, {transform_indices = @transform_4, window_bounds = array<i64: 1000, 1>}, {pipeline_mode = #tpu.pipeline_mode<synchronous>, transform_indices = @transform_5, window_bounds = array<i64: 64, 64>}, {pipeline_mode = #tpu.pipeline_mode<synchronous>, transform_indices = @transform_6, window_bounds = array<i64: 1, 64>}, {pipeline_mode = #tpu.pipeline_mode<synchronous>, transform_indices = @transform_7, window_bounds = array<i64: 64, 1>}, {pipeline_mode = #tpu.pipeline_mode<synchronous>, transform_indices = @transform_8, window_bounds = array<i64: 1, 1>}, {pipeline_mode = #tpu.pipeline_mode<synchronous>, transform_indices = @transform_9, window_bounds = array<i64: 100, 1>}]} {
    %eq3A = arith.constant 0 : i32
    %eq3A_0 = arith.cmpi eq, %arg0, %eq3A : i32
    %convert_element_type3A = arith.extui %eq3A_0 : i1 to i32
    %cond3A = arith.constant 0 : i32
    %cond3A_1 = arith.cmpi ne, %convert_element_type3A, %cond3A : i32
    scf.if %cond3A_1 {
      %broadcast_in_dim3A_61 = arith.constant 0.000000e+00 : f32
      %broadcast_in_dim3A_62 = vector.broadcast %broadcast_in_dim3A_61 : f32 to vector<104x64xf32>
      %swap3A_63 = arith.constant 0 : index
      %swap3A_64 = arith.constant 0 : index
      %swap3A_65 = vector.load %arg11[%swap3A_63, %swap3A_64] : memref<104x64xf32, #tpu.memory_space<vmem>>, vector<104x64xf32>
      tpu.vector_store %arg11[%swap3A_63, %swap3A_64], %broadcast_in_dim3A_62 {strides = array<i32>} : memref<104x64xf32, #tpu.memory_space<vmem>>, vector<104x64xf32>,
      %broadcast_in_dim3A_66 = arith.constant 0.000000e+00 : f32
      %broadcast_in_dim3A_67 = vector.broadcast %broadcast_in_dim3A_66 : f32 to vector<104x64xf32>
      %swap3A_68 = arith.constant 0 : index
      %swap3A_69 = arith.constant 0 : index
      %swap3A_70 = vector.load %arg12[%swap3A_68, %swap3A_69] : memref<104x64xf32, #tpu.memory_space<vmem>>, vector<104x64xf32>
      tpu.vector_store %arg12[%swap3A_68, %swap3A_69], %broadcast_in_dim3A_67 {strides = array<i32>} : memref<104x64xf32, #tpu.memory_space<vmem>>, vector<104x64xf32>,
    } else {
    }
    %get3A = arith.constant 0 : index
    %get3A_2 = arith.constant 0 : index
    %get3A_3 = vector.load %arg2[%get3A, %get3A_2] : memref<8x64xf32, #tpu.memory_space<vmem>>, vector<1x64xf32>
    %mul3A = arith.constant 9.99999974E-5 : f32
    %mul3A_4 = vector.broadcast %mul3A : f32 to vector<1x64xf32>
    %mul3A_5 = arith.mulf %get3A_3, %mul3A_4 : vector<1x64xf32>
    %get3A_6 = arith.constant 1 : index
    %get3A_7 = arith.constant 0 : index
    %get3A_8 = vector.load %arg2[%get3A_6, %get3A_7] : memref<8x64xf32, #tpu.memory_space<vmem>>, vector<1x64xf32>
    %mul3A_9 = arith.constant 9.99999974E-5 : f32
    %mul3A_10 = vector.broadcast %mul3A_9 : f32 to vector<1x64xf32>
    %mul3A_11 = arith.mulf %get3A_8, %mul3A_10 : vector<1x64xf32>
    %mul3A_12 = arith.mulf %mul3A_5, %mul3A_5 : vector<1x64xf32>
    %sub3A = arith.subf %mul3A_11, %mul3A_12 : vector<1x64xf32>
    %add3A = arith.constant 9.99999974E-6 : f32
    %add3A_13 = vector.broadcast %add3A : f32 to vector<1x64xf32>
    %add3A_14 = arith.addf %sub3A, %add3A_13 : vector<1x64xf32>
    %rsqrt3A = math.rsqrt %add3A_14 : vector<1x64xf32>
    %get3A_15 = arith.constant 0 : index
    %get3A_16 = arith.constant 0 : index
    %get3A_17 = vector.load %arg3[%get3A_15, %get3A_16] : memref<1x64xf32, #tpu.memory_space<vmem>>, vector<1x64xf32>
    %mul3A_18 = arith.mulf %rsqrt3A, %get3A_17 : vector<1x64xf32>
    %get3A_19 = arith.constant 0 : index
    %get3A_20 = arith.constant 0 : index
    %get3A_21 = vector.load %arg1[%get3A_19, %get3A_20] : memref<1000x64xf32, #tpu.memory_space<vmem>>, vector<1000x64xf32>
    %sub3A_22 = vector.broadcast %mul3A_5 : vector<1x64xf32> to vector<1000x64xf32>
    %sub3A_23 = arith.subf %get3A_21, %sub3A_22 : vector<1000x64xf32>
    %mul3A_24 = vector.broadcast %mul3A_18 : vector<1x64xf32> to vector<1000x64xf32>
    %mul3A_25 = arith.mulf %sub3A_23, %mul3A_24 : vector<1000x64xf32>
    %get3A_26 = arith.constant 0 : index
    %get3A_27 = arith.constant 0 : index
    %get3A_28 = vector.load %arg4[%get3A_26, %get3A_27] : memref<1x64xf32, #tpu.memory_space<vmem>>, vector<1x64xf32>
    %add3A_29 = vector.broadcast %get3A_28 : vector<1x64xf32> to vector<1000x64xf32>
    %add3A_30 = arith.addf %mul3A_25, %add3A_29 : vector<1000x64xf32>
    %iota3A = tpu.iota {dimensions = array<i32: 1>} : vector<1000x100xi32>
    %get3A_31 = arith.constant 0 : index
    %get3A_32 = arith.constant 0 : index
    %get3A_33 = vector.load %arg5[%get3A_31, %get3A_32] : memref<1000x1xi32, #tpu.memory_space<vmem>>, vector<1000x1xi32>
    %eq3A_34 = vector.broadcast %get3A_33 : vector<1000x1xi32> to vector<1000x100xi32>
    %eq3A_35 = arith.cmpi eq, %eq3A_34, %iota3A : vector<1000x100xi32>
    %jit3A = arith.constant 1.000000e+00 : f32
    %jit3A_36 = arith.constant 0.000000e+00 : f32
    %broadcast_in_dim3A = vector.broadcast %jit3A : f32 to vector<1000x100xf32>
    %broadcast_in_dim3A_37 = vector.broadcast %jit3A_36 : f32 to vector<1000x100xf32>
    %select_n3A = arith.select %eq3A_35, %broadcast_in_dim3A, %broadcast_in_dim3A_37 : vector<1000x100xi1>, vector<1000x100xf32>
    %get3A_38 = arith.constant 0 : index
    %get3A_39 = arith.constant 0 : index
    %get3A_40 = vector.load %arg11[%get3A_38, %get3A_39] : memref<104x64xf32, #tpu.memory_space<vmem>>, vector<100x64xf32>
    %dot_general3A = arith.constant dense<0.000000e+00> : vector<100x64xf32>
    %dot_general3A_41 = tpu.matmul %select_n3A, %add3A_30, %dot_general3A {dimension_numbers = #tpu.dot_dimension_numbers<[0], [0], [1], [1], [0, 1, 1, 1], [], []>, transpose_lhs_hint = false} : vector<1000x100xf32>, vector<1000x64xf32>, vector<100x64xf32> -> vector<100x64xf32>
    %add3A_42 = arith.addf %get3A_40, %dot_general3A_41 : vector<100x64xf32>
    %swap3A = arith.constant 0 : index
    %swap3A_43 = arith.constant 0 : index
    %swap3A_44 = vector.load %arg11[%swap3A, %swap3A_43] : memref<104x64xf32, #tpu.memory_space<vmem>>, vector<100x64xf32>
    tpu.vector_store %arg11[%swap3A, %swap3A_43], %add3A_42 {strides = array<i32>} : memref<104x64xf32, #tpu.memory_space<vmem>>, vector<100x64xf32>,
    %get3A_45 = arith.constant 0 : index
    %get3A_46 = arith.constant 0 : index
    %get3A_47 = vector.load %arg12[%get3A_45, %get3A_46] : memref<104x64xf32, #tpu.memory_space<vmem>>, vector<100x64xf32>
    %broadcast_in_dim3A_48 = arith.constant 1.000000e+00 : f32
    %broadcast_in_dim3A_49 = vector.broadcast %broadcast_in_dim3A_48 : f32 to vector<1000x64xf32>
    %dot_general3A_50 = arith.constant dense<0.000000e+00> : vector<100x64xf32>
    %dot_general3A_51 = tpu.matmul %select_n3A, %broadcast_in_dim3A_49, %dot_general3A_50 {dimension_numbers = #tpu.dot_dimension_numbers<[0], [0], [1], [1], [0, 1, 1, 1], [], []>, transpose_lhs_hint = false} : vector<1000x100xf32>, vector<1000x64xf32>, vector<100x64xf32> -> vector<100x64xf32>
    %add3A_52 = arith.addf %get3A_47, %dot_general3A_51 : vector<100x64xf32>
    %swap3A_53 = arith.constant 0 : index
    %swap3A_54 = arith.constant 0 : index
    %swap3A_55 = vector.load %arg12[%swap3A_53, %swap3A_54] : memref<104x64xf32, #tpu.memory_space<vmem>>, vector<100x64xf32>
    tpu.vector_store %arg12[%swap3A_53, %swap3A_54], %add3A_52 {strides = array<i32>} : memref<104x64xf32, #tpu.memory_space<vmem>>, vector<100x64xf32>,
    %eq3A_56 = arith.constant 9 : i32
    %eq3A_57 = arith.cmpi eq, %arg0, %eq3A_56 : i32
    %convert_element_type3A_58 = arith.extui %eq3A_57 : i1 to i32
    %cond3A_59 = arith.constant 0 : i32
    %cond3A_60 = arith.cmpi ne, %convert_element_type3A_58, %cond3A_59 : i32
    scf.if %cond3A_60 {
      %get3A_61 = arith.constant 0 : index
      %get3A_62 = arith.constant 0 : index
      %get3A_63 = vector.load %arg11[%get3A_61, %get3A_62] : memref<104x64xf32, #tpu.memory_space<vmem>>, vector<100x64xf32>
      %get3A_64 = arith.constant 0 : index
      %get3A_65 = arith.constant 0 : index
      %get3A_66 = vector.load %arg12[%get3A_64, %get3A_65] : memref<104x64xf32, #tpu.memory_space<vmem>>, vector<100x64xf32>
      %max3A = arith.constant 1.000000e+00 : f32
      %max3A_67 = vector.broadcast %max3A : f32 to vector<100x64xf32>
      %max3A_68 = arith.maximumf %get3A_66, %max3A_67 : vector<100x64xf32>
      %div3A = arith.divf %get3A_63, %max3A_68 : vector<100x64xf32>
      %get3A_69 = arith.constant 0 : index
      %get3A_70 = arith.constant 0 : index
      %get3A_71 = vector.load %arg6[%get3A_69, %get3A_70] : memref<64x64xf32, #tpu.memory_space<vmem>>, vector<64x64xf32>
      %dot_general3A_72 = arith.constant dense<0.000000e+00> : vector<100x64xf32>
      %dot_general3A_73 = tpu.matmul %div3A, %get3A_71, %dot_general3A_72 {dimension_numbers = #tpu.dot_dimension_numbers<[1], [0], [0], [1], [0, 0, 1, 1], [], []>, transpose_lhs_hint = false} : vector<100x64xf32>, vector<64x64xf32>, vector<100x64xf32> -> vector<100x64xf32>
      %get3A_74 = arith.constant 0 : index
      %get3A_75 = arith.constant 0 : index
      %get3A_76 = vector.load %arg7[%get3A_74, %get3A_75] : memref<1x64xf32, #tpu.memory_space<vmem>>, vector<1x64xf32>
      %add3A_77 = vector.broadcast %get3A_76 : vector<1x64xf32> to vector<100x64xf32>
      %add3A_78 = arith.addf %dot_general3A_73, %add3A_77 : vector<100x64xf32>
      %max3A_79 = arith.constant 0.000000e+00 : f32
      %max3A_80 = vector.broadcast %max3A_79 : f32 to vector<100x64xf32>
      %max3A_81 = arith.maximumf %add3A_78, %max3A_80 : vector<100x64xf32>
      %get3A_82 = arith.constant 0 : index
      %get3A_83 = arith.constant 0 : index
      %get3A_84 = vector.load %arg8[%get3A_82, %get3A_83] : memref<64x1xf32, #tpu.memory_space<vmem>>, vector<64x1xf32>
      %dot_general3A_85 = arith.constant dense<0.000000e+00> : vector<100x1xf32>
      %dot_general3A_86 = tpu.matmul %max3A_81, %get3A_84, %dot_general3A_85 {dimension_numbers = #tpu.dot_dimension_numbers<[1], [0], [0], [1], [0, 0, 1, 1], [], []>, transpose_lhs_hint = false} : vector<100x64xf32>, vector<64x1xf32>, vector<100x1xf32> -> vector<100x1xf32>
      %get3A_87 = arith.constant 0 : index
      %get3A_88 = arith.constant 0 : index
      %get3A_89 = vector.load %arg9[%get3A_87, %get3A_88] : memref<1x1xf32, #tpu.memory_space<vmem>>, vector<1x1xf32>
      %add3A_90 = vector.broadcast %get3A_89 : vector<1x1xf32> to vector<100x1xf32>
      %add3A_91 = arith.addf %dot_general3A_86, %add3A_90 : vector<100x1xf32>
      %swap3A_92 = arith.constant 0 : index
      %swap3A_93 = arith.constant 0 : index
      %swap3A_94 = vector.load %arg10[%swap3A_92, %swap3A_93] : memref<100x1xf32, #tpu.memory_space<vmem>>, vector<100x1xf32>
      tpu.vector_store %arg10[%swap3A_92, %swap3A_93], %add3A_91 {strides = array<i32>} : memref<100x1xf32, #tpu.memory_space<vmem>>, vector<100x1xf32>,
    } else {
    }
    return
  }
  func.func @transform_0(%arg0: i32) -> (i32, i32) {
    %c0_i32 = arith.constant 0 : i32
    %c0_i32_0 = arith.constant 0 : i32
    return %arg0, %c0_i32 : i32, i32
  }
  func.func @transform_1(%arg0: i32) -> (i32, i32) {
    %c0_i32 = arith.constant 0 : i32
    %c0_i32_0 = arith.constant 0 : i32
    %c0_i32_1 = arith.constant 0 : i32
    return %c0_i32, %c0_i32_0 : i32, i32
  }
  func.func @transform_2(%arg0: i32) -> (i32, i32) {
    %c0_i32 = arith.constant 0 : i32
    %c0_i32_0 = arith.constant 0 : i32
    %c0_i32_1 = arith.constant 0 : i32
    return %c0_i32, %c0_i32_0 : i32, i32
  }
  func.func @transform_3(%arg0: i32) -> (i32, i32) {
    %c0_i32 = arith.constant 0 : i32
    %c0_i32_0 = arith.constant 0 : i32
    %c0_i32_1 = arith.constant 0 : i32
    return %c0_i32, %c0_i32_0 : i32, i32
  }
  func.func @transform_4(%arg0: i32) -> (i32, i32) {
    %c0_i32 = arith.constant 0 : i32
    %c0_i32_0 = arith.constant 0 : i32
    return %arg0, %c0_i32 : i32, i32
  }
  func.func @transform_5(%arg0: i32) -> (i32, i32) {
    %c0_i32 = arith.constant 0 : i32
    %c0_i32_0 = arith.constant 0 : i32
    %c0_i32_1 = arith.constant 0 : i32
    return %c0_i32, %c0_i32_0 : i32, i32
  }
  func.func @transform_6(%arg0: i32) -> (i32, i32) {
    %c0_i32 = arith.constant 0 : i32
    %c0_i32_0 = arith.constant 0 : i32
    %c0_i32_1 = arith.constant 0 : i32
    return %c0_i32, %c0_i32_0 : i32, i32
  }
  func.func @transform_7(%arg0: i32) -> (i32, i32) {
    %c0_i32 = arith.constant 0 : i32
    %c0_i32_0 = arith.constant 0 : i32
    %c0_i32_1 = arith.constant 0 : i32
    return %c0_i32, %c0_i32_0 : i32, i32
  }
  func.func @transform_8(%arg0: i32) -> (i32, i32) {
    %c0_i32 = arith.constant 0 : i32
    %c0_i32_0 = arith.constant 0 : i32
    %c0_i32_1 = arith.constant 0 : i32
    return %c0_i32, %c0_i32_0 : i32, i32
  }
  func.func @transform_9(%arg0: i32) -> (i32, i32) {
    %c0_i32 = arith.constant 0 : i32
    %c0_i32_0 = arith.constant 0 : i32
    %c0_i32_1 = arith.constant 0 : i32
    return %c0_i32, %c0_i32_0 : i32, i32
  }
}

</mosaic_0001>

<sc_bundles>
// kernel: kernel.13.cloned.1.call-start
scs
__scs_entry_jumppad:
0x0: {  	(pc) =	sbr.rel $0x88, $3  }
0x1: {  	(tag) =	ssettag $0x0;
	lr =	simm.s32 $0x1  }
0x2: {  	[smem:$0x3F8B] =	sst lr;
	_ =	strace $0xD0000000  }
0x3: {  	_ = 	snop  }
0x4: {  	_ = 	snop  }
0x5: {  	_ = 	snop  }
0x6: {  	_ = 	snop  }
0x7: {  	_ = 	snop  }
__scs_overlays_trampoline_lowered:
0x8: {  	[smem:$0x3F9A] =	sst s0  }
0x9: {  	[smem:$0x3F9B] =	sst s1  }
0xa: {  	[smem:$0x3F9C] =	sst s2  }
0xb: {  	[smem:$0x3F9D] =	sst s3  }
0xc: {  	[smem:$0x3F9E] =	sst s4  }
0xd: {  	[smem:$0x3F9F] =	sst s5  }
0xe: {  	[smem:$0x3FA0] =	sst s6  }
0xf: {  	[smem:$0x3FA1] =	sst s7  }
0x10: {  	[smem:$0x3FA2] =	sst s8  }
0x11: {  	[smem:$0x3FA3] =	sst s9;
	s0 =	simm.s32 @!p0 $0x0  }
0x12: {  	s1 =	sld [smem:$0x3F89];
	s0 =	simm.s32 @p0 $0x1  }
0x13: {  	[smem:$0x3FA4] =	sst s0;
	s0 =	simm.s32 @!p1 $0x0  }
0x14: {  	s2 =	sld [smem:$0x3F88];
	s0 =	simm.s32 @p1 $0x1  }
0x15: {  	[smem:$0x3FA5] =	sst s0;
	s0 =	simm.s32 @!p2 $0x0  }
0x16: {  	s3 =	sld [smem:$0x3FDB];
	s0 =	simm.s32 @p2 $0x1  }
0x17: {  	s4 =	simm.s32 $0x1BF5;
	[smem:$0x3FA7] =	sst s0  }
0x18: {  	s0 =	sld [smem:$0x3F8A];
	_ =	swait.ge [sflag:s4], $0x0  }
0x19: {  	s7 =	sld [smem:$0x3F8B]  }
0x1a: {  	s8 =	sadd.s32 $0xFFFFE003, lr  }
0x1b: {  	s9 =	sadd.s32 $0xFFFFFEF7, lr;
	s5 =	simm.s32 $0xFFFFFFFF;
	p2 =	slt.u32 s8, $0xFFFFF086  }
0x1c: {  	p1 =	slt.u32 s9, $0xF7A;
	s5 =	simm.s32 @!p2 $0x0  }
0x1d: {  	s5 =	simm.s32 @p1 $0x1;
	p0 =	seq.s32 s7, s2  }
0x1e: {  	s7 =	smul.u32 @!p0 $0xF7A, s2;
	p2 =	seq.s32 @!p0 s5, $0x0  }
0x1f: {  	s9 =	smul.u32 $0xF7A, s1;
	s8 =	simm.s32 @!p0 $0x1BF5;
	p2 =	por !p2, p0  }
0x20: {  	[sflag:s8] =	ssyncset.s32 @!p0 $0xFFFFF086;
	s6 =	sadd.s32 @!p0 s3, s7;
	s7 =	simm.s32 @!p0 $0x108  }
0x21: {  	s3 =	sadd.s32 s3, s9;
	s6 =	sadd.s32 @!p0 $0x88, s6;
	s7 =	simm.s32 @p2 $0x1082  }
0x22: {  	[simem:s7], [sflag:s8] =	dma.local @!p0 [hbm:s6], $0xF7A  }
0x23: {  	s9 =	sor.u32 $0xD0000000, s2;
	s6 =	simm.s32 $0x108;
	_ =	swait.ge @!p0 [sflag:s8], $0x0  }
0x24: {  	s3 =	sadd.s32 $0x88, s3;
	s6 =	simm.s32 @!p1 $0x1082;
	[sflag:s4] =	ssyncset.s32 $0xFFFFF086  }
0x25: {  	[simem:s6], [sflag:s4] =	dma.local [hbm:s3], $0xF7A  }
0x26: {  	[smem:$0x3F8B] =	sst s1;
	(tag) =	ssettag s2;
	_ =	strace s9  }
0x27: {  	s1 =	sld [smem:$0x3F9B]  }
0x28: {  	s2 =	sld [smem:$0x3F9C]  }
0x29: {  	s4 =	sld [smem:$0x3F9E]  }
0x2a: {  	p0 =	seq.s32 s5, $0x0;
	s5 =	sld [smem:$0x3F9F]  }
0x2b: {  	s6 =	sld [smem:$0x3FA0]  }
0x2c: {  	s7 =	sld [smem:$0x3FA1]  }
0x2d: {  	s3 =	simm.s32 $0x108;
	s8 =	sld [smem:$0x3FA2]  }
0x2e: {  	s3 =	simm.s32 @!p0 $0x1082;
	s9 =	sld [smem:$0x3FA3]  }
0x2f: {  	lr =	sadd.s32 s0, s3;
	s0 =	sld [smem:$0x3F9A]  }
0x30: {  	s3 =	sld [smem:$0x3F9D]  }
0x31: {  	[smem:$0x3FA6] =	sst s10  }
0x32: {  	s10 =	sld [smem:$0x3FA4];
	_ =	sdelay $0x3  }
0x33: {  	p0 =	seq.s32 s10, $0x1;
	s10 =	sld [smem:$0x3FA6];
	_ =	sdelay $0x3  }
0x34: {  	[smem:$0x3FA6] =	sst s10  }
0x35: {  	s10 =	sld [smem:$0x3FA5];
	_ =	sdelay $0x3  }
0x36: {  	p1 =	seq.s32 s10, $0x1;
	s10 =	sld [smem:$0x3FA6];
	_ =	sdelay $0x3  }
0x37: {  	[smem:$0x3FA6] =	sst s10  }
0x38: {  	s10 =	sld [smem:$0x3FA7]  }
0x39: {  	_ = 	snop;
	(pc) =	sbr.ind lr, $3  }
0x3a: {  	_ = 	snop  }
0x3b: {  	_ = 	snop  }
0x3c: {  	p2 =	seq.s32 s10, $0x1;
	s10 =	sld [smem:$0x3FA6]  }
0x3d: {  	_ =	shalt  }
0x3e: {  	_ =	shalt  }
0x3f: {  	_ =	shalt  }
0x40: {  	_ =	shalt  }
0x41: {  	_ =	shalt  }
0x42: {  	_ =	shalt  }
0x43: {  	_ =	shalt  }
0x44: {  	_ =	shalt  }
0x45: {  	_ =	shalt  }
0x46: {  	_ =	shalt  }
0x47: {  	_ =	shalt  }
0x48: {  	_ =	shalt  }
0x49: {  	_ =	shalt  }
0x4a: {  	_ =	shalt  }
0x4b: {  	_ =	shalt  }
0x4c: {  	_ =	shalt  }
0x4d: {  	_ =	shalt  }
0x4e: {  	_ =	shalt  }
0x4f: {  	_ =	shalt  }
0x50: {  	_ =	shalt  }
0x51: {  	_ =	shalt  }
0x52: {  	_ =	shalt  }
0x53: {  	_ =	shalt  }
0x54: {  	_ =	shalt  }
0x55: {  	_ =	shalt  }
0x56: {  	_ =	shalt  }
0x57: {  	_ =	shalt  }
0x58: {  	_ =	shalt  }
0x59: {  	_ =	shalt  }
0x5a: {  	_ =	shalt  }
0x5b: {  	_ =	shalt  }
0x5c: {  	_ =	shalt  }
0x5d: {  	_ =	shalt  }
0x5e: {  	_ =	shalt  }
0x5f: {  	_ =	shalt  }
0x60: {  	_ =	shalt  }
0x61: {  	_ =	shalt  }
0x62: {  	_ =	shalt  }
0x63: {  	_ =	shalt  }
0x64: {  	_ =	shalt  }
0x65: {  	_ =	shalt  }
0x66: {  	_ =	shalt  }
0x67: {  	_ =	shalt  }
0x68: {  	_ =	shalt  }
0x69: {  	_ =	shalt  }
0x6a: {  	_ =	shalt  }
0x6b: {  	_ =	shalt  }
0x6c: {  	_ =	shalt  }
0x6d: {  	_ =	shalt  }
0x6e: {  	_ =	shalt  }
0x6f: {  	_ =	shalt  }
0x70: {  	_ =	shalt  }
0x71: {  	_ =	shalt  }
0x72: {  	_ =	shalt  }
0x73: {  	_ =	shalt  }
0x74: {  	_ =	shalt  }
0x75: {  	_ =	shalt  }
0x76: {  	_ =	shalt  }
0x77: {  	_ =	shalt  }
0x78: {  	_ =	shalt  }
0x79: {  	_ =	shalt  }
0x7a: {  	_ =	shalt  }
0x7b: {  	_ =	shalt  }
0x7c: {  	_ =	shalt  }
0x7d: {  	_ =	shalt  }
0x7e: {  	_ =	shalt  }
0x7f: {  	_ =	shalt  }
0x80: {  	_ =	shalt  }
0x81: {  	_ =	shalt  }
0x82: {  	_ =	shalt  }
0x83: {  	_ =	shalt  }
0x84: {  	_ =	shalt  }
0x85: {  	_ =	shalt  }
0x86: {  	_ =	shalt  }
0x87: {  	_ =	shalt  }
.Lfunc_end0:
.L_simem_size_0:
called_computation_lowered:
.L_overlay_start_0:
0x88: {  	s2 =	sld [smem:$0x3FD9]  }
0x89: {  	s3 =	sld [smem:$0x3FFE];
	_ =	sdelay $0x1  }
0x8a: {  	s1 =	srdreg.scid  }
0x8b: {  	s0 =	sand.u32 $0x1, s1  }
0x8c: {  	s16 =	sshll.u32 s0, $0xA;
	s2 =	sadd.s32 s3, s2  }
0x8d: {  	s2 =	sadd.s32 s2, s16  }
0x8e: {  	[smem:$0x3FB2] =	sst s2  }
0x8f: {  	_ = 	snop  }
0x90: {  	(tm) =	ssettm $0x1  }
0x91: {  	s17 =	sld [smem:$0x3FFB];
	_ =	sdelay $0x3  }
0x92: {  	_ =	strace s17  }
0x93: {  	s2 =	sld [smem:$0x3FFC];
	_ =	sdelay $0x3  }
0x94: {  	_ =	strace s2  }
0x95: {  	s2 =	sld [smem:$0x3FFD];
	_ =	sdelay $0x3  }
0x96: {  	_ =	strace s2  }
0x97: {  	_ =	strace $0x8FFFFFFF  }
0x98: {  	s18 =	sld [smem:$0x3FDB];
	_ =	sdelay $0x1  }
0x99: {  	s19 =	simm.s32 $_scs_section_size  }
0x9a: {  	s4 =	simm.s32 $_size__tile_overlayer_lowered;
	s5 =	simm.s32 $_tile_overlayer_lowered  }
0x9b: {  	s22 =	simm.s32 $0x1BFF;
	s21 =	sshll.u32 s5, $0x1;
	s2 =	sadd.s32 s19, s18  }
0x9c: {  	s6 =	simm.s32 $0x0;
	s20 =	sshll.u32 s4, $0x1;
	s4 =	sadd.s32 s21, s2  }
0x9d: {  	[timem:s6], [sflag:s22] =	dma.local [hbm:s4], s20  }
0x9e: {  	_ =	swait.ge [sflag:s22], s20  }
0x9f: {  	s3 =	ssub.s32 $0x0, s20;
	[sflag:s22] =	ssyncset.done $0x0  }
0xa0: {  	[sflag:s22] =	ssyncadd.s32 s3;
	_ =	sdelay $0x1  }
0xa1: {  	s23 =	simm.s32 $0x1B8B  }
0xa2: {  	_ =	swait.ge [sflag:s23], $0x1  }
0xa3: {  	[sflag:s23] =	ssyncset.done $0x0  }
0xa4: {  	s25 =	simm.s32 $0x1B8E;
	s24 =	sld [smem:$0x3FFE];
	[sflag:s23] =	ssyncadd.s32 $0xFFFFFFFF  }
0xa5: {  	s26 =	simm.s32 $execute0_lowered;
	[smem:$0x3FD2] =	sst s25  }
0xa6: {  	s4 =	sshll.u32 s26, $0x1;
	_ =	strace $0x80000046;
	[dreg:$0x1] =	wrdreg $0xFFFFFFFF  }
0xa7: {  	s28 =	simm.s32 $_size_execute0_lowered;
	s2 =	sadd.s32 s2, s4;
	[dreg:$0x0] =	wrdreg $0x0  }
0xa8: {  	s4 =	sshll.u32 s28, $0x1;
	[dreg:$0x2] =	wrdreg s2  }
0xa9: {  	[dreg:$0x3] =	wrdreg s4  }
0xaa: {  	[dreg:$0x4] =	wrdreg $0xC0  }
0xab: {  	_ =	task [dreg:s6], $0x5FFFF  }
0xac: {  	[dreg:$0x1] =	wrdreg $0xFFFFFFFF  }
0xad: {  	[dreg:$0x0] =	wrdreg $0x60  }
0xae: {  	[dreg:$0x2] =	wrdreg s24  }
0xaf: {  	[dreg:$0x3] =	wrdreg $0x0  }
0xb0: {  	[dreg:$0x4] =	wrdreg $0x9  }
0xb1: {  	_ =	task.clear_ibuf [dreg:s6], $0x5FFFF;
	_ =	strace $0x90000046  }
0xb2: {  	s29 =	simm.s32 $0x9;
	_ =	strace $0x80000048  }
0xb3: {  	_ =	swait.ge [sflag:s29], $0x1  }
0xb4: {  	[sflag:s29] =	ssyncadd.s32 $0xFFFFFFFF  }
0xb5: {  	_ =	strace $0x90000048  }
0xb6: {  	_ =	sfence  }
0xb7: {  	s30 =	sld [smem:$0x0];
	_ =	sdelay $0x2  }
0xb8: {  	s31 =	sshll.u32 s1, $0xD;
	s1 =	sshrl.u32 s1, $0x2  }
0xb9: {  	s3 =	sand.u32 $0x4000, s31;
	s1 =	sadd.s32 s1, s30  }
0xba: {  	s0 =	sor.u32 s3, s0;
	s1 =	sshll.u32 s1, $0x11  }
0xbb: {  	s0 =	sor.u32 s1, s0  }
0xbc: {  	s0 =	sadd.s32 $0x8F2B, s0  }
0xbd: {  	[sflag:s0] =	ssyncadd.remote.s32 $0x1  }
0xbe: {  	_ =	sfence.sel $0xFFFF  }
0xbf: {  	[dreg:$0x0] =	wrdreg $0xFFFFFFFF;
	(pc) =	sbr.abs _section_cstart, $3  }
0xc0: {  	[dreg:$0x1] =	wrdreg $0xFFFFFFFF  }
0xc1: {  	_ =	task.clear_ibuf [dreg:s6], $0x2FFFF;
	_ =	strace $0x9FFFFFFF  }
0xc2: {  	(tm) =	ssettm $0x7FFFFFFF  }
0xc3: {  	_ =	shalt  }
tec
execute0_lowered:
.L_overlay_start_1:
0x0: {  	(tag) =	ssettag $0x1  }
0x1: {  	s0 =	rddreg [dreg:$0x0]  }
0x2: {  	s2 =	rddreg [dreg:$0x1];
	s1 =	srdreg.scid  }
0x3: {  	s13 =	stileid.u32;
	s3 =	simm.s32 $0x0;
	s28 =	simm.s32 $0xA0A0  }
0x4: {  	s29 =	simm.s32 $0x7;
	s30 =	simm.s32 $0xA000;
	s9 =	smul.u32 $0xA000, s13  }
0x5: {  	s31 =	simm.s32 $0xA050;
	[smem:$0x7FF] =	sst s3;
	s10 =	smul.u32 $0x28000, s13  }
0x6: {  	s1 =	sand.u32 $0x1, s1;
	s5 =	sadd.s32 $0xA17E00, s0;
	s18 =	smul.u32 $0x138800, s13  }
0x7: {  	s4 =	sadd.s32 $0x2C800, s0;
	s6 =	smul.u32 $0xA0000, s1;
	_ =	strace $0x80000047  }
0x8: {  	s24 =	ssub.s32 $0x2, s1;
	s12 =	sshll.u32 s1, $0x4;
	s10 =	sshrl.u32 s10, $0x2  }
0x9: {  	s11 =	sshrl.u32 s24, $0x1;
	s23 =	sadd.s32 s9, s2;
	s10 =	sadd.s32 s10, s2  }
0xa: {  	s25 =	sor.u32 s13, s12;
	[dreg:$0x3] =	wrdreg s23;
	s26 =	sadd.s32 $0x1400, s10  }
0xb: {  	s7 =	sadd.s32 s9, s6;
	s12 =	sadd.s32 $0x2800, s10;
	[dreg:$0x4] =	wrdreg s26  }
0xc: {  	s6 =	sadd.s32 $0xA0E000, s0;
	s14 =	sadd.s32 $0x3C00, s10;
	[dreg:$0x5] =	wrdreg s12  }
0xd: {  	s11 =	ssub.s32 s24, s11;
	s15 =	sadd.s32 $0x5000, s10;
	[dreg:$0x6] =	wrdreg s14  }
0xe: {  	s8 =	sshrl.u32 s7, $0x3;
	s16 =	sadd.s32 $0x6400, s10;
	[dreg:$0x7] =	wrdreg s15  }
0xf: {  	s7 =	sadd.s32 $0xA04200, s0;
	s17 =	sadd.s32 $0x7800, s10;
	[dreg:$0x8] =	wrdreg s16  }
0x10: {  	s10 =	sadd.s32 $0x8C00, s10;
	s0 =	sadd.s32 s8, s0;
	[dreg:$0x9] =	wrdreg s17  }
0x11: {  	s8 =	smul.u32 $0x2710, s25;
	[dreg:$0xa] =	wrdreg s10;
	s17 =	sshll.u32 s1, $0x6  }
0x12: {  	s26 =	smax.u32 s11, $0x1;
	s11 =	simm.s32 $0xC8A0;
	s12 =	simm.s32 $0xC8F0  }
0x13: {  	s14 =	simm.s32 $0x1;
	s15 =	simm.s32 $0x50;
	s16 =	simm.s32 $0x4  }
0x14: {  	s22 =	sor.u32 s17, s18;
	s0 =	sadd.s32 $0x40200, s0;
	[dreg:$0x12] =	wrdreg s26  }
0x15: {  	s26 =	smul.u32 $0x2710, s13;
	s18 =	simm.s32 $0xC940;
	s19 =	sshrl.u32 s8, $0x3  }
0x16: {  	s9 =	sshrl.u32 s22, $0x3;
	s1 =	sadd.s32 $0x2800, s22;
	[dreg:$0x11] =	wrdreg s0  }
0x17: {  	s0 =	simm.s32 $0x40;
	s22 =	simm.s32 $0x6;
	s20 =	sadd.s32 s6, s19  }
0x18: {  	s21 =	sadd.s32 s7, s19;
	s10 =	sadd.s32 $0xA, s19;
	[dreg:$0xb] =	wrdreg s20  }
0x19: {  	s9 =	sadd.s32 s5, s9;
	s1 =	sshrl.u32 s1, $0x3;
	[dreg:$0xc] =	wrdreg s21  }
0x1a: {  	s19 =	simm.s32 $0x2;
	[dreg:$0xd] =	wrdreg s9;
	s24 =	sadd.s32 s6, s10  }
0x1b: {  	s25 =	sadd.s32 s7, s10;
	s1 =	sadd.s32 s5, s1;
	[dreg:$0xe] =	wrdreg s24  }
0x1c: {  	s20 =	simm.s32 $0x3;
	s21 =	simm.s32 $0x5;
	[dreg:$0xf] =	wrdreg s25  }
0x1d: {  	v0 =	vimm.f32 $0.0e+00;
	s10 =	simm.s32 $0x0;
	[dreg:$0x10] =	wrdreg s1;
	s1 =	simm.s32 $0x80  }
.LBB2_1:
0x1e: {  	[dreg:$0x13] =	wrdreg s10;
	s9 =	simm.s32 $0xA120  }
0x1f: {  	[tilespmem:s9+$0xFFFFFF80] =	vst v0  }
0x20: {  	[tilespmem:s9+$0x70] =	vst v0  }
0x21: {  	[tilespmem:s9+$0x60] =	vst v0  }
0x22: {  	[tilespmem:s9+$0x50] =	vst v0  }
0x23: {  	[tilespmem:s9+$0x40] =	vst v0  }
0x24: {  	[tilespmem:s9+$0x30] =	vst v0  }
0x25: {  	[tilespmem:s9+$0x20] =	vst v0  }
0x26: {  	[tilespmem:s9+$0x10] =	vst v0  }
0x27: {  	[tilespmem:s9+$0x0] =	vst v0  }
0x28: {  	[tilespmem:s9+$0xFFFFFFF0] =	vst v0  }
0x29: {  	[tilespmem:s9+$0xFFFFFFE0] =	vst v0  }
0x2a: {  	[tilespmem:s9+$0xFFFFFFD0] =	vst v0  }
0x2b: {  	[tilespmem:s9+$0xFFFFFFC0] =	vst v0  }
0x2c: {  	[tilespmem:s9+$0xFFFFFFB0] =	vst v0  }
0x2d: {  	s10 =	simm.s32 $0x0;
	[tilespmem:s9+$0xFFFFFFA0] =	vst v0  }
.LBB2_2:
0x2e: {  	s10 =	sadd.s32 $0x4, s10;
	[tilespmem:s9+$0xFFFFFF90] =	vst v0;
	s9 =	sadd.s32 $0x100, s9  }
0x2f: {  	[tilespmem:s9+$0xFFFFFF80] =	vst v0;
	p0 =	slt.u32 s10, $0x4C  }
0x30: {  	[tilespmem:s9+$0x70] =	vst v0  }
0x31: {  	[tilespmem:s9+$0x60] =	vst v0  }
0x32: {  	[tilespmem:s9+$0x50] =	vst v0  }
0x33: {  	[tilespmem:s9+$0x40] =	vst v0  }
0x34: {  	[tilespmem:s9+$0x30] =	vst v0  }
0x35: {  	[tilespmem:s9+$0x20] =	vst v0  }
0x36: {  	[tilespmem:s9+$0x10] =	vst v0  }
0x37: {  	[tilespmem:s9+$0x0] =	vst v0  }
0x38: {  	[tilespmem:s9+$0xFFFFFFF0] =	vst v0  }
.Ltmp0:
0x39: {  	[tilespmem:s9+$0xFFFFFFE0] =	vst v0;
	(pc) =	sbr.rel @p0 .LBB2_2-.Ltmp0, $4  }
0x3a: {  	[tilespmem:s9+$0xFFFFFFD0] =	vst v0  }
0x3b: {  	[tilespmem:s9+$0xFFFFFFC0] =	vst v0  }
0x3c: {  	[tilespmem:s9+$0xFFFFFFB0] =	vst v0  }
0x3d: {  	[tilespmem:s9+$0xFFFFFFA0] =	vst v0  }
0x3e: {  	[tilespmem:s9+$0xFFFFFF90] =	vst v0  }
0x3f: {  	[spmem:s23] =	stream.linear.scatter [tilespmem:s28], [sflag:$0x7], $0x1400, $0x38;
	[tilespmem:$0xF140] =	vst v63  }
0x40: {  	_ =	swait.ge [sflag:s29], $0x1400  }
0x41: {  	[sflag:s29] =	ssyncset.done $0x0  }
0x42: {  	s25 =	rddreg [dreg:$0x4];
	[sflag:s29] =	ssyncadd.s32 $0xFFFFEC00  }
0x43: {  	[spmem:s25] =	stream.linear.scatter [tilespmem:s28], [sflag:$0x7], $0x1400, $0x38;
	[tilespmem:$0xF140] =	vst v63  }
0x44: {  	_ =	swait.ge [sflag:s29], $0x1400  }
0x45: {  	[sflag:s29] =	ssyncset.done $0x0  }
0x46: {  	s10 =	rddreg [dreg:$0x5];
	[sflag:s29] =	ssyncadd.s32 $0xFFFFEC00  }
0x47: {  	[spmem:s10] =	stream.linear.scatter [tilespmem:s28], [sflag:$0x7], $0x1400, $0x38;
	[tilespmem:$0xF140] =	vst v63  }
0x48: {  	_ =	swait.ge [sflag:s29], $0x1400  }
0x49: {  	[sflag:s29] =	ssyncset.done $0x0  }
0x4a: {  	s13 =	rddreg [dreg:$0x6];
	[sflag:s29] =	ssyncadd.s32 $0xFFFFEC00  }
0x4b: {  	[spmem:s13] =	stream.linear.scatter [tilespmem:s28], [sflag:$0x7], $0x1400, $0x38;
	[tilespmem:$0xF140] =	vst v63  }
0x4c: {  	_ =	swait.ge [sflag:s29], $0x1400  }
0x4d: {  	[sflag:s29] =	ssyncset.done $0x0  }
0x4e: {  	s23 =	rddreg [dreg:$0x7];
	[sflag:s29] =	ssyncadd.s32 $0xFFFFEC00  }
0x4f: {  	[spmem:s23] =	stream.linear.scatter [tilespmem:s28], [sflag:$0x7], $0x1400, $0x38;
	[tilespmem:$0xF140] =	vst v63  }
0x50: {  	_ =	swait.ge [sflag:s29], $0x1400  }
0x51: {  	[sflag:s29] =	ssyncset.done $0x0  }
0x52: {  	s24 =	rddreg [dreg:$0x8];
	[sflag:s29] =	ssyncadd.s32 $0xFFFFEC00  }
0x53: {  	[spmem:s24] =	stream.linear.scatter [tilespmem:s28], [sflag:$0x7], $0x1400, $0x38;
	[tilespmem:$0xF140] =	vst v63  }
0x54: {  	_ =	swait.ge [sflag:s29], $0x1400  }
0x55: {  	[sflag:s29] =	ssyncset.done $0x0  }
0x56: {  	s25 =	rddreg [dreg:$0x9];
	[sflag:s29] =	ssyncadd.s32 $0xFFFFEC00  }
0x57: {  	[spmem:s25] =	stream.linear.scatter [tilespmem:s28], [sflag:$0x7], $0x1400, $0x38;
	[tilespmem:$0xF140] =	vst v63  }
0x58: {  	_ =	swait.ge [sflag:s29], $0x1400  }
0x59: {  	[sflag:s29] =	ssyncset.done $0x0  }
0x5a: {  	s10 =	rddreg [dreg:$0xa];
	[sflag:s29] =	ssyncadd.s32 $0xFFFFEC00  }
0x5b: {  	[spmem:s10] =	stream.linear.scatter [tilespmem:s28], [sflag:$0x7], $0x1400, $0x38;
	[tilespmem:$0xF140] =	vst v63  }
0x5c: {  	_ =	swait.ge [sflag:s29], $0x1400  }
0x5d: {  	[sflag:s29] =	ssyncset.done $0x0  }
0x5e: {  	[sflag:s29] =	ssyncadd.s32 $0xFFFFEC00  }
0x5f: {  	[bflag:$0x0] =	sbarrier.arrive $0xFFFF  }
0x60: {  	s24 =	simm.s32 $0x0;
	s13 =	rddreg [dreg:$0xb]  }
0x61: {  	[tilespmem:s30], [sflag:$0x1] =	stream.linear.gather [hbm4b:s13+s24], $0x50, $0x38;
	[tilespmem:$0xF140] =	vst v63  }
0x62: {  	s23 =	rddreg [dreg:$0xc]  }
0x63: {  	[tilespmem:s31], [sflag:$0x1] =	stream.linear.gather [hbm4b:s23+s24], $0x50, $0x38;
	[tilespmem:$0xF140] =	vst v63  }
0x64: {  	s10 =	simm.s32 $0xB4A0;
	s25 =	rddreg [dreg:$0xd]  }
0x65: {  	[tilespmem:s10], [sflag:$0x2] =	stream.strided.gather [hbm4b:s25+s0], $0x1400, s1, s0, $0x38;
	[tilespmem:$0xF140] =	vst v63  }
0x66: {  	s10 =	rddreg [dreg:$0xe]  }
0x67: {  	[tilespmem:s11], [sflag:$0x4] =	stream.linear.gather [hbm4b:s10+s24], $0x50, $0x38;
	[tilespmem:$0xF140] =	vst v63  }
0x68: {  	s13 =	rddreg [dreg:$0xf]  }
0x69: {  	[tilespmem:s12], [sflag:$0x4] =	stream.linear.gather [hbm4b:s13+s24], $0x50, $0x38;
	[tilespmem:$0xF140] =	vst v63  }
0x6a: {  	s23 =	rddreg [dreg:$0x10];
	s25 =	simm.s32 $0xDD40  }
0x6b: {  	[tilespmem:s25], [sflag:$0x5] =	stream.strided.gather [hbm4b:s23+s0], $0x1400, s1, s0, $0x38;
	[tilespmem:$0xF140] =	vst v63  }
0x6c: {  	_ =	swait.ge [sflag:s14], $0x50  }
0x6d: {  	[sflag:s14] =	ssyncset.done $0x0  }
0x6e: {  	[sflag:s14] =	ssyncadd.s32 $0xFFFFFFB0  }
0x6f: {  	_ =	swait.ge [sflag:s14], $0x50  }
0x70: {  	[sflag:s14] =	ssyncset.done $0x0  }
0x71: {  	[sflag:s14] =	ssyncadd.s32 $0xFFFFFFB0  }
0x72: {  	[tilespmem:s28], [sflag:$0x3] =	stream.indirect.gather [hbm4b:s4+s15], $0x40, s30, s15, $0xb8;
	[tilespmem:$0xF140] =	vst v63  }
.LBB2_4:
0x73: {  	_ =	swait.ge [sflag:s16], $0x50  }
0x74: {  	[sflag:s16] =	ssyncset.done $0x0  }
0x75: {  	[sflag:s16] =	ssyncadd.s32 $0xFFFFFFB0  }
0x76: {  	_ =	swait.ge [sflag:s16], $0x50  }
0x77: {  	[sflag:s16] =	ssyncset.done $0x0  }
0x78: {  	[sflag:s16] =	ssyncadd.s32 $0xFFFFFFB0  }
0x79: {  	[tilespmem:s18], [sflag:$0x6] =	stream.indirect.gather [hbm4b:s4+s15], $0x40, s11, s15, $0xb8;
	[tilespmem:$0xF140] =	vst v63  }
0x7a: {  	_ =	swait.ge [sflag:s19], $0x1400  }
0x7b: {  	[sflag:s19] =	ssyncset.done $0x0  }
0x7c: {  	[sflag:s19] =	ssyncadd.s32 $0xFFFFEC00  }
0x7d: {  	_ =	swait.ge [sflag:s20], $0x1400  }
0x7e: {  	[sflag:s20] =	ssyncset.done $0x0  }
0x7f: {  	s25 =	simm.s32 $0xA120;
	[sflag:s20] =	ssyncadd.s32 $0xFFFFEC00  }
0x80: {  	s9 =	simm.s32 $0xB520;
	v1 =	vld [tilespmem:s25+$0x40]  }
0x81: {  	v2 =	vld [tilespmem:s9+$0x40]  }
0x82: {  	v3 =	vld [tilespmem:s25+$0xFFFFFFC0]  }
0x83: {  	v4 =	vld [tilespmem:s9+$0xFFFFFFC0]  }
0x84: {  	v5 =	vld [tilespmem:s25+$0x0]  }
0x85: {  	v6 =	vld [tilespmem:s9+$0x0]  }
0x86: {  	v7 =	vld [tilespmem:s25+$0xFFFFFF80];
	v1 =	vmul.f32 v2, v1  }
0x87: {  	v2 =	vld [tilespmem:s9+$0xFFFFFF80]  }
0x88: {  	[tilespmem:s25+$0x40] =	vst v1;
	v1 =	vld [tilespmem:s25+$0x50]  }
0x89: {  	v3 =	vmul.f32 v4, v3;
	v4 =	vld [tilespmem:s9+$0x50]  }
0x8a: {  	v8 =	vld [tilespmem:s25+$0xFFFFFF90]  }
0x8b: {  	[tilespmem:s25+$0xFFFFFFC0] =	vst v3;
	v3 =	vmul.f32 v6, v5;
	v5 =	vld [tilespmem:s25+$0xFFFFFFD0]  }
0x8c: {  	v6 =	vld [tilespmem:s9+$0xFFFFFFD0];
	v2 =	vmul.f32 v2, v7  }
0x8d: {  	[tilespmem:s25+$0x0] =	vst v3;
	v3 =	vld [tilespmem:s25+$0x10]  }
0x8e: {  	v7 =	vld [tilespmem:s9+$0x10];
	[tilespmem:s25+$0xFFFFFF80] =	vst v2;
	v1 =	vmul.f32 v4, v1  }
0x8f: {  	v2 =	vld [tilespmem:s9+$0xFFFFFF90]  }
0x90: {  	[tilespmem:s25+$0x50] =	vst v1;
	v1 =	vld [tilespmem:s25+$0x60]  }
0x91: {  	v4 =	vmul.f32 v6, v5;
	v5 =	vld [tilespmem:s9+$0x60]  }
0x92: {  	v6 =	vld [tilespmem:s25+$0xFFFFFFA0]  }
0x93: {  	[tilespmem:s25+$0xFFFFFFD0] =	vst v4;
	v3 =	vmul.f32 v7, v3;
	v4 =	vld [tilespmem:s25+$0xFFFFFFE0]  }
0x94: {  	v7 =	vld [tilespmem:s9+$0xFFFFFFE0];
	v2 =	vmul.f32 v2, v8  }
0x95: {  	[tilespmem:s25+$0x10] =	vst v3;
	v3 =	vld [tilespmem:s25+$0x20]  }
0x96: {  	v8 =	vld [tilespmem:s9+$0x20];
	[tilespmem:s25+$0xFFFFFF90] =	vst v2;
	v1 =	vmul.f32 v5, v1  }
0x97: {  	v5 =	vld [tilespmem:s9+$0xFFFFFFA0]  }
0x98: {  	v9 =	vld [tilespmem:s25+$0x70];
	[tilespmem:s25+$0x60] =	vst v1  }
0x99: {  	v2 =	vmul.f32 v7, v4;
	v7 =	vld [tilespmem:s9+$0x70]  }
0x9a: {  	v1 =	vld [tilespmem:s25+$0xFFFFFFB0]  }
0x9b: {  	[tilespmem:s25+$0xFFFFFFE0] =	vst v2;
	v3 =	vmul.f32 v8, v3;
	v2 =	vld [tilespmem:s25+$0xFFFFFFF0]  }
0x9c: {  	v4 =	vld [tilespmem:s9+$0xFFFFFFF0];
	v5 =	vmul.f32 v5, v6  }
0x9d: {  	[tilespmem:s25+$0x20] =	vst v3;
	v3 =	vld [tilespmem:s25+$0x30]  }
0x9e: {  	[tilespmem:s25+$0xFFFFFFA0] =	vst v5;
	v5 =	vld [tilespmem:s9+$0x30];
	v7 =	vmul.f32 v7, v9  }
0x9f: {  	s23 =	simm.s32 $0x0;
	s13 =	simm.s32 $0xA220;
	v6 =	vld [tilespmem:s9+$0xFFFFFFB0]  }
.LBB2_5:
0xa0: {  	v8 =	vld [tilespmem:s13+$0x40];
	[tilespmem:s25+$0x70] =	vst v7;
	s9 =	sadd.s32 $0x100, s9  }
0xa1: {  	s23 =	sadd.s32 $0x4, s23;
	v7 =	vld [tilespmem:s9+$0x40];
	v2 =	vmul.f32 v4, v2  }
0xa2: {  	p0 =	slt.u32 s23, $0x4C;
	v4 =	vld [tilespmem:s9+$0xFFFFFF80]  }
0xa3: {  	v9 =	vld [tilespmem:s13+$0xFFFFFFC0];
	[tilespmem:s25+$0xFFFFFFF0] =	vst v2;
	v2 =	vmul.f32 v5, v3  }
0xa4: {  	v3 =	vld [tilespmem:s9+$0xFFFFFFC0];
	v1 =	vmul.f32 v6, v1  }
0xa5: {  	v5 =	vld [tilespmem:s13+$0x0];
	[tilespmem:s25+$0x30] =	vst v2  }
0xa6: {  	v2 =	vld [tilespmem:s9+$0x0];
	v6 =	vmul.f32 v7, v8;
	[tilespmem:s25+$0xFFFFFFB0] =	vst v1;
	s25 =	smov.u32 s13  }
0xa7: {  	v1 =	vld [tilespmem:s13+$0xFFFFFF80]  }
0xa8: {  	[tilespmem:s13+$0x40] =	vst v6;
	v6 =	vld [tilespmem:s13+$0x50]  }
0xa9: {  	v3 =	vmul.f32 v3, v9;
	v7 =	vld [tilespmem:s9+$0x50]  }
0xaa: {  	v8 =	vld [tilespmem:s13+$0xFFFFFF90]  }
0xab: {  	[tilespmem:s13+$0xFFFFFFC0] =	vst v3;
	v3 =	vld [tilespmem:s13+$0xFFFFFFD0];
	v2 =	vmul.f32 v2, v5  }
0xac: {  	v1 =	vmul.f32 v4, v1;
	v4 =	vld [tilespmem:s9+$0xFFFFFFD0]  }
0xad: {  	[tilespmem:s13+$0x0] =	vst v2;
	v2 =	vld [tilespmem:s13+$0x10]  }
0xae: {  	[tilespmem:s13+$0xFFFFFF80] =	vst v1;
	v1 =	vld [tilespmem:s9+$0x10];
	v5 =	vmul.f32 v7, v6  }
0xaf: {  	v6 =	vld [tilespmem:s9+$0xFFFFFF90]  }
0xb0: {  	[tilespmem:s13+$0x50] =	vst v5;
	v5 =	vld [tilespmem:s13+$0x60]  }
0xb1: {  	v3 =	vmul.f32 v4, v3;
	v4 =	vld [tilespmem:s9+$0x60]  }
0xb2: {  	v7 =	vld [tilespmem:s13+$0xFFFFFFA0]  }
0xb3: {  	[tilespmem:s13+$0xFFFFFFD0] =	vst v3;
	v3 =	vld [tilespmem:s13+$0xFFFFFFE0];
	v1 =	vmul.f32 v1, v2  }
0xb4: {  	v2 =	vmul.f32 v6, v8;
	v6 =	vld [tilespmem:s9+$0xFFFFFFE0]  }
0xb5: {  	[tilespmem:s13+$0x10] =	vst v1;
	v8 =	vld [tilespmem:s13+$0x20]  }
0xb6: {  	[tilespmem:s13+$0xFFFFFF90] =	vst v2;
	v9 =	vld [tilespmem:s9+$0x20];
	v1 =	vmul.f32 v4, v5  }
0xb7: {  	v4 =	vld [tilespmem:s9+$0xFFFFFFA0]  }
0xb8: {  	[tilespmem:s13+$0x60] =	vst v1;
	v10 =	vld [tilespmem:s13+$0x70]  }
0xb9: {  	v2 =	vmul.f32 v6, v3;
	v6 =	vld [tilespmem:s9+$0x70]  }
0xba: {  	v1 =	vld [tilespmem:s13+$0xFFFFFFB0]  }
.Ltmp1:
0xbb: {  	[tilespmem:s13+$0xFFFFFFE0] =	vst v2;
	v2 =	vld [tilespmem:s13+$0xFFFFFFF0];
	v3 =	vmul.f32 v9, v8;
	(pc) =	sbr.rel @p0 .LBB2_5-.Ltmp1, $4  }
0xbc: {  	v5 =	vmul.f32 v4, v7;
	v4 =	vld [tilespmem:s9+$0xFFFFFFF0]  }
0xbd: {  	[tilespmem:s13+$0x20] =	vst v3;
	v3 =	vld [tilespmem:s13+$0x30]  }
0xbe: {  	[tilespmem:s13+$0xFFFFFFA0] =	vst v5;
	v5 =	vld [tilespmem:s9+$0x30];
	v7 =	vmul.f32 v6, v10  }
0xbf: {  	s13 =	sadd.s32 $0x100, s13;
	v6 =	vld [tilespmem:s9+$0xFFFFFFB0]  }
0xc0: {  	_ =	sdelay $0x1  }
0xc1: {  	v2 =	vmul.f32 v4, v2  }
0xc2: {  	[tilespmem:s25+$0x70] =	vst v7;
	v3 =	vmul.f32 v5, v3  }
0xc3: {  	[tilespmem:s25+$0xFFFFFFF0] =	vst v2;
	v1 =	vmul.f32 v6, v1  }
0xc4: {  	[tilespmem:s25+$0x30] =	vst v3  }
0xc5: {  	[tilespmem:s25+$0xFFFFFFB0] =	vst v1;
	s25 =	smul.u32 $0xA0, s24  }
0xc6: {  	[spmem:s2] =	stream.indirect.scatter.add.f32 [tilespmem:s28], [sflag:$0x7], $0x40, s31, s15, $0xb8;
	[tilespmem:$0xF140] =	vst v63  }
0xc7: {  	s9 =	sadd.s32 $0xA0, s25  }
0xc8: {  	_ =	swait.ge [sflag:s29], $0x1400;
	s10 =	sadd.s32 s8, s9;
	s9 =	sadd.s32 s26, s9  }
0xc9: {  	[sflag:s29] =	ssyncset.done $0x0;
	s10 =	sshrl.u32 s10, $0x3;
	s9 =	sshll.u32 s9, $0x7  }
0xca: {  	[sflag:s29] =	ssyncadd.s32 $0xFFFFEC00;
	s13 =	sadd.s32 s6, s10;
	s9 =	sor.u32 s17, s9  }
0xcb: {  	[tilespmem:s30], [sflag:$0x1] =	stream.linear.gather [hbm4b:s13+s3], $0x50, $0x38;
	[tilespmem:$0xF140] =	vst v63  }
0xcc: {  	s10 =	sadd.s32 s7, s10;
	s9 =	sshrl.u32 s9, $0x3  }
0xcd: {  	[tilespmem:s31], [sflag:$0x1] =	stream.linear.gather [hbm4b:s10+s3], $0x50, $0x38;
	[tilespmem:$0xF140] =	vst v63  }
0xce: {  	s23 =	simm.s32 $0xB4A0;
	s9 =	sadd.s32 s5, s9  }
0xcf: {  	[tilespmem:s23], [sflag:$0x2] =	stream.strided.gather [hbm4b:s9+s0], $0x1400, s1, s0, $0x38;
	[tilespmem:$0xF140] =	vst v63  }
0xd0: {  	_ =	swait.ge [sflag:s14], $0x50  }
0xd1: {  	[sflag:s14] =	ssyncset.done $0x0  }
0xd2: {  	[sflag:s14] =	ssyncadd.s32 $0xFFFFFFB0  }
0xd3: {  	_ =	swait.ge [sflag:s14], $0x50  }
0xd4: {  	[sflag:s14] =	ssyncset.done $0x0  }
0xd5: {  	[sflag:s14] =	ssyncadd.s32 $0xFFFFFFB0  }
0xd6: {  	[tilespmem:s28], [sflag:$0x3] =	stream.indirect.gather [hbm4b:s4+s15], $0x40, s30, s15, $0xb8;
	[tilespmem:$0xF140] =	vst v63  }
0xd7: {  	_ =	swait.ge [sflag:s21], $0x1400  }
0xd8: {  	[sflag:s21] =	ssyncset.done $0x0  }
0xd9: {  	[sflag:s21] =	ssyncadd.s32 $0xFFFFEC00  }
0xda: {  	_ =	swait.ge [sflag:s22], $0x1400  }
0xdb: {  	[sflag:s22] =	ssyncset.done $0x0  }
0xdc: {  	s9 =	simm.s32 $0xC9C0;
	[sflag:s22] =	ssyncadd.s32 $0xFFFFEC00  }
0xdd: {  	s23 =	simm.s32 $0xDDC0;
	v1 =	vld [tilespmem:s9+$0x40]  }
0xde: {  	v2 =	vld [tilespmem:s23+$0x40]  }
0xdf: {  	v3 =	vld [tilespmem:s9+$0xFFFFFFC0]  }
0xe0: {  	v4 =	vld [tilespmem:s23+$0xFFFFFFC0]  }
0xe1: {  	v5 =	vld [tilespmem:s9+$0x0]  }
0xe2: {  	v6 =	vld [tilespmem:s23+$0x0]  }
0xe3: {  	v7 =	vld [tilespmem:s9+$0xFFFFFF80];
	v1 =	vmul.f32 v2, v1  }
0xe4: {  	v2 =	vld [tilespmem:s23+$0xFFFFFF80]  }
0xe5: {  	[tilespmem:s9+$0x40] =	vst v1;
	v1 =	vld [tilespmem:s9+$0x50]  }
0xe6: {  	v3 =	vmul.f32 v4, v3;
	v4 =	vld [tilespmem:s23+$0x50]  }
0xe7: {  	v8 =	vld [tilespmem:s9+$0xFFFFFF90]  }
0xe8: {  	[tilespmem:s9+$0xFFFFFFC0] =	vst v3;
	v3 =	vmul.f32 v6, v5;
	v5 =	vld [tilespmem:s9+$0xFFFFFFD0]  }
0xe9: {  	v6 =	vld [tilespmem:s23+$0xFFFFFFD0];
	v2 =	vmul.f32 v2, v7  }
0xea: {  	[tilespmem:s9+$0x0] =	vst v3;
	v3 =	vld [tilespmem:s9+$0x10]  }
0xeb: {  	v7 =	vld [tilespmem:s23+$0x10];
	[tilespmem:s9+$0xFFFFFF80] =	vst v2;
	v1 =	vmul.f32 v4, v1  }
0xec: {  	v2 =	vld [tilespmem:s23+$0xFFFFFF90]  }
0xed: {  	[tilespmem:s9+$0x50] =	vst v1;
	v1 =	vld [tilespmem:s9+$0x60]  }
0xee: {  	v4 =	vmul.f32 v6, v5;
	v5 =	vld [tilespmem:s23+$0x60]  }
0xef: {  	v6 =	vld [tilespmem:s9+$0xFFFFFFA0]  }
0xf0: {  	[tilespmem:s9+$0xFFFFFFD0] =	vst v4;
	v3 =	vmul.f32 v7, v3;
	v4 =	vld [tilespmem:s9+$0xFFFFFFE0]  }
0xf1: {  	v7 =	vld [tilespmem:s23+$0xFFFFFFE0];
	v2 =	vmul.f32 v2, v8  }
0xf2: {  	[tilespmem:s9+$0x10] =	vst v3;
	v3 =	vld [tilespmem:s9+$0x20]  }
0xf3: {  	v8 =	vld [tilespmem:s23+$0x20];
	[tilespmem:s9+$0xFFFFFF90] =	vst v2;
	v1 =	vmul.f32 v5, v1  }
0xf4: {  	v5 =	vld [tilespmem:s23+$0xFFFFFFA0]  }
0xf5: {  	v9 =	vld [tilespmem:s9+$0x70];
	[tilespmem:s9+$0x60] =	vst v1  }
0xf6: {  	v2 =	vmul.f32 v7, v4;
	v7 =	vld [tilespmem:s23+$0x70]  }
0xf7: {  	v1 =	vld [tilespmem:s9+$0xFFFFFFB0]  }
0xf8: {  	[tilespmem:s9+$0xFFFFFFE0] =	vst v2;
	v3 =	vmul.f32 v8, v3;
	v2 =	vld [tilespmem:s9+$0xFFFFFFF0]  }
0xf9: {  	v4 =	vld [tilespmem:s23+$0xFFFFFFF0];
	v5 =	vmul.f32 v5, v6  }
0xfa: {  	[tilespmem:s9+$0x20] =	vst v3;
	v3 =	vld [tilespmem:s9+$0x30]  }
0xfb: {  	[tilespmem:s9+$0xFFFFFFA0] =	vst v5;
	v5 =	vld [tilespmem:s23+$0x30];
	v7 =	vmul.f32 v7, v9  }
0xfc: {  	s13 =	simm.s32 $0x0;
	s10 =	simm.s32 $0xCAC0;
	v6 =	vld [tilespmem:s23+$0xFFFFFFB0]  }
.LBB2_7:
0xfd: {  	v8 =	vld [tilespmem:s10+$0x40];
	[tilespmem:s9+$0x70] =	vst v7;
	s23 =	sadd.s32 $0x100, s23  }
0xfe: {  	s13 =	sadd.s32 $0x4, s13;
	v7 =	vld [tilespmem:s23+$0x40];
	v2 =	vmul.f32 v4, v2  }
0xff: {  	p0 =	slt.u32 s13, $0x4C;
	v4 =	vld [tilespmem:s23+$0xFFFFFF80]  }
0x100: {  	v9 =	vld [tilespmem:s10+$0xFFFFFFC0];
	[tilespmem:s9+$0xFFFFFFF0] =	vst v2;
	v2 =	vmul.f32 v5, v3  }
0x101: {  	v3 =	vld [tilespmem:s23+$0xFFFFFFC0];
	v1 =	vmul.f32 v6, v1  }
0x102: {  	v5 =	vld [tilespmem:s10+$0x0];
	[tilespmem:s9+$0x30] =	vst v2  }
0x103: {  	v2 =	vld [tilespmem:s23+$0x0];
	v6 =	vmul.f32 v7, v8;
	[tilespmem:s9+$0xFFFFFFB0] =	vst v1;
	s9 =	smov.u32 s10  }
0x104: {  	v1 =	vld [tilespmem:s10+$0xFFFFFF80]  }
0x105: {  	[tilespmem:s10+$0x40] =	vst v6;
	v6 =	vld [tilespmem:s10+$0x50]  }
0x106: {  	v3 =	vmul.f32 v3, v9;
	v7 =	vld [tilespmem:s23+$0x50]  }
0x107: {  	v8 =	vld [tilespmem:s10+$0xFFFFFF90]  }
0x108: {  	[tilespmem:s10+$0xFFFFFFC0] =	vst v3;
	v3 =	vld [tilespmem:s10+$0xFFFFFFD0];
	v2 =	vmul.f32 v2, v5  }
0x109: {  	v1 =	vmul.f32 v4, v1;
	v4 =	vld [tilespmem:s23+$0xFFFFFFD0]  }
0x10a: {  	[tilespmem:s10+$0x0] =	vst v2;
	v2 =	vld [tilespmem:s10+$0x10]  }
0x10b: {  	[tilespmem:s10+$0xFFFFFF80] =	vst v1;
	v1 =	vld [tilespmem:s23+$0x10];
	v5 =	vmul.f32 v7, v6  }
0x10c: {  	v6 =	vld [tilespmem:s23+$0xFFFFFF90]  }
0x10d: {  	[tilespmem:s10+$0x50] =	vst v5;
	v5 =	vld [tilespmem:s10+$0x60]  }
0x10e: {  	v3 =	vmul.f32 v4, v3;
	v4 =	vld [tilespmem:s23+$0x60]  }
0x10f: {  	v7 =	vld [tilespmem:s10+$0xFFFFFFA0]  }
0x110: {  	[tilespmem:s10+$0xFFFFFFD0] =	vst v3;
	v3 =	vld [tilespmem:s10+$0xFFFFFFE0];
	v1 =	vmul.f32 v1, v2  }
0x111: {  	v2 =	vmul.f32 v6, v8;
	v6 =	vld [tilespmem:s23+$0xFFFFFFE0]  }
0x112: {  	[tilespmem:s10+$0x10] =	vst v1;
	v8 =	vld [tilespmem:s10+$0x20]  }
0x113: {  	[tilespmem:s10+$0xFFFFFF90] =	vst v2;
	v9 =	vld [tilespmem:s23+$0x20];
	v1 =	vmul.f32 v4, v5  }
0x114: {  	v4 =	vld [tilespmem:s23+$0xFFFFFFA0]  }
0x115: {  	[tilespmem:s10+$0x60] =	vst v1;
	v10 =	vld [tilespmem:s10+$0x70]  }
0x116: {  	v2 =	vmul.f32 v6, v3;
	v6 =	vld [tilespmem:s23+$0x70]  }
0x117: {  	v1 =	vld [tilespmem:s10+$0xFFFFFFB0]  }
.Ltmp2:
0x118: {  	[tilespmem:s10+$0xFFFFFFE0] =	vst v2;
	v2 =	vld [tilespmem:s10+$0xFFFFFFF0];
	v3 =	vmul.f32 v9, v8;
	(pc) =	sbr.rel @p0 .LBB2_7-.Ltmp2, $4  }
0x119: {  	v5 =	vmul.f32 v4, v7;
	v4 =	vld [tilespmem:s23+$0xFFFFFFF0]  }
0x11a: {  	[tilespmem:s10+$0x20] =	vst v3;
	v3 =	vld [tilespmem:s10+$0x30]  }
0x11b: {  	[tilespmem:s10+$0xFFFFFFA0] =	vst v5;
	v5 =	vld [tilespmem:s23+$0x30];
	v7 =	vmul.f32 v6, v10  }
0x11c: {  	s10 =	sadd.s32 $0x100, s10;
	v6 =	vld [tilespmem:s23+$0xFFFFFFB0]  }
0x11d: {  	_ =	sdelay $0x1  }
0x11e: {  	v2 =	vmul.f32 v4, v2  }
0x11f: {  	[tilespmem:s9+$0x70] =	vst v7;
	v3 =	vmul.f32 v5, v3  }
0x120: {  	[tilespmem:s9+$0xFFFFFFF0] =	vst v2;
	v1 =	vmul.f32 v6, v1  }
0x121: {  	p0 =	seq.s32 s24, $0x3D;
	[tilespmem:s9+$0x30] =	vst v3  }
.Ltmp3:
0x122: {  	[tilespmem:s9+$0xFFFFFFB0] =	vst v1;
	(pc) =	sbr.rel @p0 .LBB2_10-.Ltmp3, $4  }
0x123: {  	[spmem:s2] =	stream.indirect.scatter.add.f32 [tilespmem:s18], [sflag:$0x7], $0x40, s12, s15, $0xb8;
	[tilespmem:$0xF140] =	vst v63  }
0x124: {  	_ =	swait.ge [sflag:s29], $0x1400  }
0x125: {  	[sflag:s29] =	ssyncset.done $0x0  }
0x126: {  	[sflag:s29] =	ssyncadd.s32 $0xFFFFEC00  }
0x127: {  	s9 =	sadd.s32 $0xF0, s25  }
0x128: {  	s10 =	sadd.s32 s8, s9  }
0x129: {  	s9 =	sadd.s32 s26, s9;
	s10 =	sshrl.u32 s10, $0x3  }
0x12a: {  	s9 =	sshll.u32 s9, $0x7;
	s13 =	sadd.s32 s6, s10  }
0x12b: {  	[tilespmem:s11], [sflag:$0x4] =	stream.linear.gather [hbm4b:s13+s3], $0x50, $0x38;
	[tilespmem:$0xF140] =	vst v63  }
.Ltmp4:
0x12c: {  	s9 =	sor.u32 s17, s9;
	(pc) =	sbr.rel .LBB2_4-.Ltmp4, $4  }
0x12d: {  	s10 =	sadd.s32 s7, s10;
	s9 =	sshrl.u32 s9, $0x3  }
0x12e: {  	[tilespmem:s12], [sflag:$0x4] =	stream.linear.gather [hbm4b:s10+s3], $0x50, $0x38;
	[tilespmem:$0xF140] =	vst v63  }
0x12f: {  	s25 =	simm.s32 $0xDD40;
	s24 =	sadd.s32 $0x1, s24;
	s9 =	sadd.s32 s5, s9  }
0x130: {  	[tilespmem:s25], [sflag:$0x5] =	stream.strided.gather [hbm4b:s9+s0], $0x1400, s1, s0, $0x38;
	[tilespmem:$0xF140] =	vst v63  }
.LBB2_10:
0x131: {  	_ =	swait.ge [sflag:s19], $0x1400  }
0x132: {  	[sflag:s19] =	ssyncset.done $0x0  }
0x133: {  	[sflag:s19] =	ssyncadd.s32 $0xFFFFEC00  }
0x134: {  	_ =	swait.ge [sflag:s20], $0x1400  }
0x135: {  	[sflag:s20] =	ssyncset.done $0x0  }
0x136: {  	s9 =	simm.s32 $0xA120;
	[sflag:s20] =	ssyncadd.s32 $0xFFFFEC00  }
0x137: {  	s23 =	simm.s32 $0xB520;
	v1 =	vld [tilespmem:s9+$0x40]  }
0x138: {  	v2 =	vld [tilespmem:s23+$0x40]  }
0x139: {  	v3 =	vld [tilespmem:s9+$0xFFFFFFC0]  }
0x13a: {  	v4 =	vld [tilespmem:s23+$0xFFFFFFC0]  }
0x13b: {  	v5 =	vld [tilespmem:s9+$0x0]  }
0x13c: {  	v6 =	vld [tilespmem:s23+$0x0]  }
0x13d: {  	v7 =	vld [tilespmem:s9+$0xFFFFFF80];
	v1 =	vmul.f32 v2, v1  }
0x13e: {  	v2 =	vld [tilespmem:s23+$0xFFFFFF80]  }
0x13f: {  	[tilespmem:s9+$0x40] =	vst v1;
	v1 =	vld [tilespmem:s9+$0x50]  }
0x140: {  	v3 =	vmul.f32 v4, v3;
	v4 =	vld [tilespmem:s23+$0x50]  }
0x141: {  	v8 =	vld [tilespmem:s9+$0xFFFFFF90]  }
0x142: {  	[tilespmem:s9+$0xFFFFFFC0] =	vst v3;
	v3 =	vmul.f32 v6, v5;
	v5 =	vld [tilespmem:s9+$0xFFFFFFD0]  }
0x143: {  	v6 =	vld [tilespmem:s23+$0xFFFFFFD0];
	v2 =	vmul.f32 v2, v7  }
0x144: {  	[tilespmem:s9+$0x0] =	vst v3;
	v3 =	vld [tilespmem:s9+$0x10]  }
0x145: {  	v7 =	vld [tilespmem:s23+$0x10];
	[tilespmem:s9+$0xFFFFFF80] =	vst v2;
	v1 =	vmul.f32 v4, v1  }
0x146: {  	v2 =	vld [tilespmem:s23+$0xFFFFFF90]  }
0x147: {  	[tilespmem:s9+$0x50] =	vst v1;
	v1 =	vld [tilespmem:s9+$0x60]  }
0x148: {  	v4 =	vmul.f32 v6, v5;
	v5 =	vld [tilespmem:s23+$0x60]  }
0x149: {  	v6 =	vld [tilespmem:s9+$0xFFFFFFA0]  }
0x14a: {  	[tilespmem:s9+$0xFFFFFFD0] =	vst v4;
	v3 =	vmul.f32 v7, v3;
	v4 =	vld [tilespmem:s9+$0xFFFFFFE0]  }
0x14b: {  	v7 =	vld [tilespmem:s23+$0xFFFFFFE0];
	v2 =	vmul.f32 v2, v8  }
0x14c: {  	[tilespmem:s9+$0x10] =	vst v3;
	v3 =	vld [tilespmem:s9+$0x20]  }
0x14d: {  	v8 =	vld [tilespmem:s23+$0x20];
	[tilespmem:s9+$0xFFFFFF90] =	vst v2;
	v1 =	vmul.f32 v5, v1  }
0x14e: {  	v5 =	vld [tilespmem:s23+$0xFFFFFFA0]  }
0x14f: {  	v9 =	vld [tilespmem:s9+$0x70];
	[tilespmem:s9+$0x60] =	vst v1  }
0x150: {  	v2 =	vmul.f32 v7, v4;
	v7 =	vld [tilespmem:s23+$0x70]  }
0x151: {  	v1 =	vld [tilespmem:s9+$0xFFFFFFB0]  }
0x152: {  	[tilespmem:s9+$0xFFFFFFE0] =	vst v2;
	v3 =	vmul.f32 v8, v3;
	v2 =	vld [tilespmem:s9+$0xFFFFFFF0]  }
0x153: {  	v4 =	vld [tilespmem:s23+$0xFFFFFFF0];
	v5 =	vmul.f32 v5, v6  }
0x154: {  	[tilespmem:s9+$0x20] =	vst v3;
	v3 =	vld [tilespmem:s9+$0x30]  }
0x155: {  	[tilespmem:s9+$0xFFFFFFA0] =	vst v5;
	v5 =	vld [tilespmem:s23+$0x30];
	v7 =	vmul.f32 v7, v9  }
0x156: {  	s13 =	simm.s32 $0x0;
	s10 =	simm.s32 $0xA220;
	v6 =	vld [tilespmem:s23+$0xFFFFFFB0]  }
.LBB2_11:
0x157: {  	v8 =	vld [tilespmem:s10+$0x40];
	[tilespmem:s9+$0x70] =	vst v7;
	s23 =	sadd.s32 $0x100, s23  }
0x158: {  	s13 =	sadd.s32 $0x4, s13;
	v7 =	vld [tilespmem:s23+$0x40];
	v2 =	vmul.f32 v4, v2  }
0x159: {  	p0 =	slt.u32 s13, $0x4C;
	v4 =	vld [tilespmem:s23+$0xFFFFFF80]  }
0x15a: {  	v9 =	vld [tilespmem:s10+$0xFFFFFFC0];
	[tilespmem:s9+$0xFFFFFFF0] =	vst v2;
	v2 =	vmul.f32 v5, v3  }
0x15b: {  	v3 =	vld [tilespmem:s23+$0xFFFFFFC0];
	v1 =	vmul.f32 v6, v1  }
0x15c: {  	v5 =	vld [tilespmem:s10+$0x0];
	[tilespmem:s9+$0x30] =	vst v2  }
0x15d: {  	v2 =	vld [tilespmem:s23+$0x0];
	v6 =	vmul.f32 v7, v8;
	[tilespmem:s9+$0xFFFFFFB0] =	vst v1;
	s9 =	smov.u32 s10  }
0x15e: {  	v1 =	vld [tilespmem:s10+$0xFFFFFF80]  }
0x15f: {  	[tilespmem:s10+$0x40] =	vst v6;
	v6 =	vld [tilespmem:s10+$0x50]  }
0x160: {  	v3 =	vmul.f32 v3, v9;
	v7 =	vld [tilespmem:s23+$0x50]  }
0x161: {  	v8 =	vld [tilespmem:s10+$0xFFFFFF90]  }
0x162: {  	[tilespmem:s10+$0xFFFFFFC0] =	vst v3;
	v3 =	vld [tilespmem:s10+$0xFFFFFFD0];
	v2 =	vmul.f32 v2, v5  }
0x163: {  	v1 =	vmul.f32 v4, v1;
	v4 =	vld [tilespmem:s23+$0xFFFFFFD0]  }
0x164: {  	[tilespmem:s10+$0x0] =	vst v2;
	v2 =	vld [tilespmem:s10+$0x10]  }
0x165: {  	[tilespmem:s10+$0xFFFFFF80] =	vst v1;
	v1 =	vld [tilespmem:s23+$0x10];
	v5 =	vmul.f32 v7, v6  }
0x166: {  	v6 =	vld [tilespmem:s23+$0xFFFFFF90]  }
0x167: {  	[tilespmem:s10+$0x50] =	vst v5;
	v5 =	vld [tilespmem:s10+$0x60]  }
0x168: {  	v3 =	vmul.f32 v4, v3;
	v4 =	vld [tilespmem:s23+$0x60]  }
0x169: {  	v7 =	vld [tilespmem:s10+$0xFFFFFFA0]  }
0x16a: {  	[tilespmem:s10+$0xFFFFFFD0] =	vst v3;
	v3 =	vld [tilespmem:s10+$0xFFFFFFE0];
	v1 =	vmul.f32 v1, v2  }
0x16b: {  	v2 =	vmul.f32 v6, v8;
	v6 =	vld [tilespmem:s23+$0xFFFFFFE0]  }
0x16c: {  	[tilespmem:s10+$0x10] =	vst v1;
	v8 =	vld [tilespmem:s10+$0x20]  }
0x16d: {  	[tilespmem:s10+$0xFFFFFF90] =	vst v2;
	v9 =	vld [tilespmem:s23+$0x20];
	v1 =	vmul.f32 v4, v5  }
0x16e: {  	v4 =	vld [tilespmem:s23+$0xFFFFFFA0]  }
0x16f: {  	[tilespmem:s10+$0x60] =	vst v1;
	v10 =	vld [tilespmem:s10+$0x70]  }
0x170: {  	v2 =	vmul.f32 v6, v3;
	v6 =	vld [tilespmem:s23+$0x70]  }
0x171: {  	v1 =	vld [tilespmem:s10+$0xFFFFFFB0]  }
.Ltmp5:
0x172: {  	[tilespmem:s10+$0xFFFFFFE0] =	vst v2;
	v2 =	vld [tilespmem:s10+$0xFFFFFFF0];
	v3 =	vmul.f32 v9, v8;
	(pc) =	sbr.rel @p0 .LBB2_11-.Ltmp5, $4  }
0x173: {  	v5 =	vmul.f32 v4, v7;
	v4 =	vld [tilespmem:s23+$0xFFFFFFF0]  }
0x174: {  	[tilespmem:s10+$0x20] =	vst v3;
	v3 =	vld [tilespmem:s10+$0x30]  }
0x175: {  	[tilespmem:s10+$0xFFFFFFA0] =	vst v5;
	v5 =	vld [tilespmem:s23+$0x30];
	v7 =	vmul.f32 v6, v10  }
0x176: {  	s10 =	sadd.s32 $0x100, s10;
	v6 =	vld [tilespmem:s23+$0xFFFFFFB0]  }
0x177: {  	_ =	sdelay $0x1  }
0x178: {  	v2 =	vmul.f32 v4, v2  }
0x179: {  	[tilespmem:s9+$0x70] =	vst v7;
	v3 =	vmul.f32 v5, v3  }
0x17a: {  	[tilespmem:s9+$0xFFFFFFF0] =	vst v2;
	v1 =	vmul.f32 v6, v1  }
0x17b: {  	[tilespmem:s9+$0x30] =	vst v3  }
0x17c: {  	[tilespmem:s9+$0xFFFFFFB0] =	vst v1  }
0x17d: {  	[spmem:s2] =	stream.indirect.scatter.add.f32 [tilespmem:s28], [sflag:$0x7], $0x40, s31, s15, $0xb8;
	[tilespmem:$0xF140] =	vst v63  }
0x17e: {  	_ =	swait.ge [sflag:s29], $0x1400  }
0x17f: {  	[sflag:s29] =	ssyncset.done $0x0  }
0x180: {  	[sflag:s29] =	ssyncadd.s32 $0xFFFFEC00  }
0x181: {  	s23 =	stileid.u32;
	[bflag:$0x0] =	sbarrier.arrive $0xFFFF  }
0x182: {  	s9 =	sshll.u32 s23, $0x6;
	s23 =	rddreg [dreg:$0x3]  }
0x183: {  	s9 =	sor.u32 $0x1C07, s9;
	s13 =	rddreg [dreg:$0x11];
	s10 =	sshrl.u32 s23, $0x3  }
0x184: {  	[hbm:s13], [sflag:s9] =	dma.local [spmem:s10], $0x1400  }
0x185: {  	_ =	swait.ge [sflag:s29], $0x1400  }
0x186: {  	s24 =	rddreg [dreg:$0x13]  }
0x187: {  	s25 =	rddreg [dreg:$0x12];
	s10 =	sadd.s32 $0x1, s24  }
0x188: {  	p0 =	sne.s32 s10, s25  }
.Ltmp6:
0x189: {  	_ = 	snop;
	(pc) =	sbr.rel @p0 .LBB2_1-.Ltmp6, $3  }
0x18a: {  	_ =	sdelay $0x1  }
0x18b: {  	[sflag:s29] =	ssyncset.done $0x0  }
0x18c: {  	[sflag:s29] =	ssyncadd.s32 $0xFFFFEC00  }
0x18d: {  	_ =	sfence.sel $0x180000  }
0x18e: {  	[bflag:$0x0] =	sbarrier.arrive $0xFFFF  }
0x18f: {  	_ =	strace $0x90000047  }
0x190: {  	s0 =	stileid.u32;
	[bflag:$0x2] =	sbarrier.arrive $0xFFFF  }
0x191: {  	p0 =	sne.s32 s0, $0x0;
	s0 =	rddreg [dreg:$0x2]  }
0x192: {  	s0 =	sadd.s32 @!p0 $0x100000, s0  }
0x193: {  	[sflag:s0] =	ssyncadd.tile.s32 @!p0 $0x1;
	_ =	shalt  }
.Lfunc_end2:
_tile_overlayer_lowered:
.L_overlay_start_2:
0x194: {  	(tag) =	ssettag $0x2  }
0x195: {  	s0 =	rddreg [dreg:$0x0];
	s2 =	stileid.u32  }
0x196: {  	s1 =	rddreg [dreg:$0x1];
	p0 =	sne.s32 s2, $0x0  }
0x197: {  	s3 =	rddreg [dreg:$0x2];
	[bflag:$0x3] =	sbarrier.arrive $0xFFFF;
	s2 =	simm.s32 @!p0 $0x1C07  }
0x198: {  	[timem:s3], [sflag:s2] =	dma.local @!p0 [hbm:s0], s1  }
0x199: {  	s0 =	simm.s32 @!p0 $0x7  }
0x19a: {  	_ =	swait.ge @!p0 [sflag:s0], s1  }
0x19b: {  	s1 =	ssub.s32 @!p0 $0x0, s1;
	[sflag:s0] =	ssyncset.done @!p0 $0x0  }
0x19c: {  	[sflag:s0] =	ssyncadd.s32 @!p0 s1  }
0x19d: {  	[bflag:$0x3] =	sbarrier.arrive $0xFFFF  }
0x19e: {  	_ =	shalt  }

// kernel: kernel.16.cloned.1.call-start
scs
__scs_entry_jumppad:
0x0: {  	(pc) =	sbr.rel $0x88, $3  }
0x1: {  	(tag) =	ssettag $0x0;
	lr =	simm.s32 $0x1  }
0x2: {  	[smem:$0x3F8B] =	sst lr;
	_ =	strace $0xD0000000  }
0x3: {  	_ = 	snop  }
0x4: {  	_ = 	snop  }
0x5: {  	_ = 	snop  }
0x6: {  	_ = 	snop  }
0x7: {  	_ = 	snop  }
__scs_overlays_trampoline_lowered:
0x8: {  	[smem:$0x3F9A] =	sst s0  }
0x9: {  	[smem:$0x3F9B] =	sst s1  }
0xa: {  	[smem:$0x3F9C] =	sst s2  }
0xb: {  	[smem:$0x3F9D] =	sst s3  }
0xc: {  	[smem:$0x3F9E] =	sst s4  }
0xd: {  	[smem:$0x3F9F] =	sst s5  }
0xe: {  	[smem:$0x3FA0] =	sst s6  }
0xf: {  	[smem:$0x3FA1] =	sst s7  }
0x10: {  	[smem:$0x3FA2] =	sst s8  }
0x11: {  	[smem:$0x3FA3] =	sst s9;
	s0 =	simm.s32 @!p0 $0x0  }
0x12: {  	s1 =	sld [smem:$0x3F89];
	s0 =	simm.s32 @p0 $0x1  }
0x13: {  	[smem:$0x3FA4] =	sst s0;
	s0 =	simm.s32 @!p1 $0x0  }
0x14: {  	s2 =	sld [smem:$0x3F88];
	s0 =	simm.s32 @p1 $0x1  }
0x15: {  	[smem:$0x3FA5] =	sst s0;
	s0 =	simm.s32 @!p2 $0x0  }
0x16: {  	s3 =	sld [smem:$0x3FDB];
	s0 =	simm.s32 @p2 $0x1  }
0x17: {  	s4 =	simm.s32 $0x1BF5;
	[smem:$0x3FA7] =	sst s0  }
0x18: {  	s0 =	sld [smem:$0x3F8A];
	_ =	swait.ge [sflag:s4], $0x0  }
0x19: {  	s7 =	sld [smem:$0x3F8B]  }
0x1a: {  	s8 =	sadd.s32 $0xFFFFE003, lr  }
0x1b: {  	s9 =	sadd.s32 $0xFFFFFEF7, lr;
	s5 =	simm.s32 $0xFFFFFFFF;
	p2 =	slt.u32 s8, $0xFFFFF086  }
0x1c: {  	p1 =	slt.u32 s9, $0xF7A;
	s5 =	simm.s32 @!p2 $0x0  }
0x1d: {  	s5 =	simm.s32 @p1 $0x1;
	p0 =	seq.s32 s7, s2  }
0x1e: {  	s7 =	smul.u32 @!p0 $0xF7A, s2;
	p2 =	seq.s32 @!p0 s5, $0x0  }
0x1f: {  	s9 =	smul.u32 $0xF7A, s1;
	s8 =	simm.s32 @!p0 $0x1BF5;
	p2 =	por !p2, p0  }
0x20: {  	[sflag:s8] =	ssyncset.s32 @!p0 $0xFFFFF086;
	s6 =	sadd.s32 @!p0 s3, s7;
	s7 =	simm.s32 @!p0 $0x108  }
0x21: {  	s3 =	sadd.s32 s3, s9;
	s6 =	sadd.s32 @!p0 $0x88, s6;
	s7 =	simm.s32 @p2 $0x1082  }
0x22: {  	[simem:s7], [sflag:s8] =	dma.local @!p0 [hbm:s6], $0xF7A  }
0x23: {  	s9 =	sor.u32 $0xD0000000, s2;
	s6 =	simm.s32 $0x108;
	_ =	swait.ge @!p0 [sflag:s8], $0x0  }
0x24: {  	s3 =	sadd.s32 $0x88, s3;
	s6 =	simm.s32 @!p1 $0x1082;
	[sflag:s4] =	ssyncset.s32 $0xFFFFF086  }
0x25: {  	[simem:s6], [sflag:s4] =	dma.local [hbm:s3], $0xF7A  }
0x26: {  	[smem:$0x3F8B] =	sst s1;
	(tag) =	ssettag s2;
	_ =	strace s9  }
0x27: {  	s1 =	sld [smem:$0x3F9B]  }
0x28: {  	s2 =	sld [smem:$0x3F9C]  }
0x29: {  	s4 =	sld [smem:$0x3F9E]  }
0x2a: {  	p0 =	seq.s32 s5, $0x0;
	s5 =	sld [smem:$0x3F9F]  }
0x2b: {  	s6 =	sld [smem:$0x3FA0]  }
0x2c: {  	s7 =	sld [smem:$0x3FA1]  }
0x2d: {  	s3 =	simm.s32 $0x108;
	s8 =	sld [smem:$0x3FA2]  }
0x2e: {  	s3 =	simm.s32 @!p0 $0x1082;
	s9 =	sld [smem:$0x3FA3]  }
0x2f: {  	lr =	sadd.s32 s0, s3;
	s0 =	sld [smem:$0x3F9A]  }
0x30: {  	s3 =	sld [smem:$0x3F9D]  }
0x31: {  	[smem:$0x3FA6] =	sst s10  }
0x32: {  	s10 =	sld [smem:$0x3FA4];
	_ =	sdelay $0x3  }
0x33: {  	p0 =	seq.s32 s10, $0x1;
	s10 =	sld [smem:$0x3FA6];
	_ =	sdelay $0x3  }
0x34: {  	[smem:$0x3FA6] =	sst s10  }
0x35: {  	s10 =	sld [smem:$0x3FA5];
	_ =	sdelay $0x3  }
0x36: {  	p1 =	seq.s32 s10, $0x1;
	s10 =	sld [smem:$0x3FA6];
	_ =	sdelay $0x3  }
0x37: {  	[smem:$0x3FA6] =	sst s10  }
0x38: {  	s10 =	sld [smem:$0x3FA7]  }
0x39: {  	_ = 	snop;
	(pc) =	sbr.ind lr, $3  }
0x3a: {  	_ = 	snop  }
0x3b: {  	_ = 	snop  }
0x3c: {  	p2 =	seq.s32 s10, $0x1;
	s10 =	sld [smem:$0x3FA6]  }
0x3d: {  	_ =	shalt  }
0x3e: {  	_ =	shalt  }
0x3f: {  	_ =	shalt  }
0x40: {  	_ =	shalt  }
0x41: {  	_ =	shalt  }
0x42: {  	_ =	shalt  }
0x43: {  	_ =	shalt  }
0x44: {  	_ =	shalt  }
0x45: {  	_ =	shalt  }
0x46: {  	_ =	shalt  }
0x47: {  	_ =	shalt  }
0x48: {  	_ =	shalt  }
0x49: {  	_ =	shalt  }
0x4a: {  	_ =	shalt  }
0x4b: {  	_ =	shalt  }
0x4c: {  	_ =	shalt  }
0x4d: {  	_ =	shalt  }
0x4e: {  	_ =	shalt  }
0x4f: {  	_ =	shalt  }
0x50: {  	_ =	shalt  }
0x51: {  	_ =	shalt  }
0x52: {  	_ =	shalt  }
0x53: {  	_ =	shalt  }
0x54: {  	_ =	shalt  }
0x55: {  	_ =	shalt  }
0x56: {  	_ =	shalt  }
0x57: {  	_ =	shalt  }
0x58: {  	_ =	shalt  }
0x59: {  	_ =	shalt  }
0x5a: {  	_ =	shalt  }
0x5b: {  	_ =	shalt  }
0x5c: {  	_ =	shalt  }
0x5d: {  	_ =	shalt  }
0x5e: {  	_ =	shalt  }
0x5f: {  	_ =	shalt  }
0x60: {  	_ =	shalt  }
0x61: {  	_ =	shalt  }
0x62: {  	_ =	shalt  }
0x63: {  	_ =	shalt  }
0x64: {  	_ =	shalt  }
0x65: {  	_ =	shalt  }
0x66: {  	_ =	shalt  }
0x67: {  	_ =	shalt  }
0x68: {  	_ =	shalt  }
0x69: {  	_ =	shalt  }
0x6a: {  	_ =	shalt  }
0x6b: {  	_ =	shalt  }
0x6c: {  	_ =	shalt  }
0x6d: {  	_ =	shalt  }
0x6e: {  	_ =	shalt  }
0x6f: {  	_ =	shalt  }
0x70: {  	_ =	shalt  }
0x71: {  	_ =	shalt  }
0x72: {  	_ =	shalt  }
0x73: {  	_ =	shalt  }
0x74: {  	_ =	shalt  }
0x75: {  	_ =	shalt  }
0x76: {  	_ =	shalt  }
0x77: {  	_ =	shalt  }
0x78: {  	_ =	shalt  }
0x79: {  	_ =	shalt  }
0x7a: {  	_ =	shalt  }
0x7b: {  	_ =	shalt  }
0x7c: {  	_ =	shalt  }
0x7d: {  	_ =	shalt  }
0x7e: {  	_ =	shalt  }
0x7f: {  	_ =	shalt  }
0x80: {  	_ =	shalt  }
0x81: {  	_ =	shalt  }
0x82: {  	_ =	shalt  }
0x83: {  	_ =	shalt  }
0x84: {  	_ =	shalt  }
0x85: {  	_ =	shalt  }
0x86: {  	_ =	shalt  }
0x87: {  	_ =	shalt  }
.Lfunc_end0:
.L_simem_size_0:
called_computation.1_lowered:
.L_overlay_start_0:
0x88: {  	s2 =	sld [smem:$0x3FD9]  }
0x89: {  	s3 =	sld [smem:$0x3FFE];
	_ =	sdelay $0x1  }
0x8a: {  	s1 =	srdreg.scid  }
0x8b: {  	s0 =	sand.u32 $0x1, s1  }
0x8c: {  	s16 =	sshll.u32 s0, $0xA;
	s2 =	sadd.s32 s3, s2  }
0x8d: {  	s2 =	sadd.s32 s2, s16  }
0x8e: {  	[smem:$0x3FB2] =	sst s2  }
0x8f: {  	_ = 	snop  }
0x90: {  	(tm) =	ssettm $0x1  }
0x91: {  	s17 =	sld [smem:$0x3FFB];
	_ =	sdelay $0x3  }
0x92: {  	_ =	strace s17  }
0x93: {  	s2 =	sld [smem:$0x3FFC];
	_ =	sdelay $0x3  }
0x94: {  	_ =	strace s2  }
0x95: {  	s2 =	sld [smem:$0x3FFD];
	_ =	sdelay $0x3  }
0x96: {  	_ =	strace s2  }
0x97: {  	_ =	strace $0x8FFFFFFF  }
0x98: {  	s18 =	sld [smem:$0x3FDB];
	_ =	sdelay $0x1  }
0x99: {  	s19 =	simm.s32 $_scs_section_size  }
0x9a: {  	s4 =	simm.s32 $_size__tile_overlayer_lowered;
	s5 =	simm.s32 $_tile_overlayer_lowered  }
0x9b: {  	s22 =	simm.s32 $0x1BFF;
	s21 =	sshll.u32 s5, $0x1;
	s2 =	sadd.s32 s19, s18  }
0x9c: {  	s6 =	simm.s32 $0x0;
	s20 =	sshll.u32 s4, $0x1;
	s4 =	sadd.s32 s21, s2  }
0x9d: {  	[timem:s6], [sflag:s22] =	dma.local [hbm:s4], s20  }
0x9e: {  	_ =	swait.ge [sflag:s22], s20  }
0x9f: {  	s3 =	ssub.s32 $0x0, s20;
	[sflag:s22] =	ssyncset.done $0x0  }
0xa0: {  	[sflag:s22] =	ssyncadd.s32 s3;
	_ =	sdelay $0x1  }
0xa1: {  	s23 =	simm.s32 $0x1B8B  }
0xa2: {  	_ =	swait.ge [sflag:s23], $0x1  }
0xa3: {  	[sflag:s23] =	ssyncset.done $0x0  }
0xa4: {  	s25 =	simm.s32 $0x1B8E;
	s24 =	sld [smem:$0x3FFE];
	[sflag:s23] =	ssyncadd.s32 $0xFFFFFFFF  }
0xa5: {  	s26 =	simm.s32 $execute0_lowered;
	[smem:$0x3FD2] =	sst s25  }
0xa6: {  	s4 =	sshll.u32 s26, $0x1;
	_ =	strace $0x80000049;
	[dreg:$0x1] =	wrdreg $0xFFFFFFFF  }
0xa7: {  	s28 =	simm.s32 $_size_execute0_lowered;
	s2 =	sadd.s32 s2, s4;
	[dreg:$0x0] =	wrdreg $0x0  }
0xa8: {  	s4 =	sshll.u32 s28, $0x1;
	[dreg:$0x2] =	wrdreg s2  }
0xa9: {  	[dreg:$0x3] =	wrdreg s4  }
0xaa: {  	[dreg:$0x4] =	wrdreg $0xC0  }
0xab: {  	_ =	task [dreg:s6], $0x5FFFF  }
0xac: {  	[dreg:$0x1] =	wrdreg $0xFFFFFFFF  }
0xad: {  	[dreg:$0x0] =	wrdreg $0x60  }
0xae: {  	[dreg:$0x2] =	wrdreg s24  }
0xaf: {  	[dreg:$0x3] =	wrdreg $0x0  }
0xb0: {  	[dreg:$0x4] =	wrdreg $0x9  }
0xb1: {  	_ =	task.clear_ibuf [dreg:s6], $0x5FFFF;
	_ =	strace $0x90000049  }
0xb2: {  	s29 =	simm.s32 $0x9;
	_ =	strace $0x8000004B  }
0xb3: {  	_ =	swait.ge [sflag:s29], $0x1  }
0xb4: {  	[sflag:s29] =	ssyncadd.s32 $0xFFFFFFFF  }
0xb5: {  	_ =	strace $0x9000004B  }
0xb6: {  	_ =	sfence  }
0xb7: {  	s30 =	sld [smem:$0x0];
	_ =	sdelay $0x2  }
0xb8: {  	s31 =	sshll.u32 s1, $0xD;
	s1 =	sshrl.u32 s1, $0x2  }
0xb9: {  	s3 =	sand.u32 $0x4000, s31;
	s1 =	sadd.s32 s1, s30  }
0xba: {  	s0 =	sor.u32 s3, s0;
	s1 =	sshll.u32 s1, $0x11  }
0xbb: {  	s0 =	sor.u32 s1, s0  }
0xbc: {  	s0 =	sadd.s32 $0x8F2B, s0  }
0xbd: {  	[sflag:s0] =	ssyncadd.remote.s32 $0x1  }
0xbe: {  	_ =	sfence.sel $0xFFFF  }
0xbf: {  	[dreg:$0x0] =	wrdreg $0xFFFFFFFF;
	(pc) =	sbr.abs _section_cstart, $3  }
0xc0: {  	[dreg:$0x1] =	wrdreg $0xFFFFFFFF  }
0xc1: {  	_ =	task.clear_ibuf [dreg:s6], $0x2FFFF;
	_ =	strace $0x9FFFFFFF  }
0xc2: {  	(tm) =	ssettm $0x7FFFFFFF  }
0xc3: {  	_ =	shalt  }
tec
execute0_lowered:
.L_overlay_start_1:
0x0: {  	(tag) =	ssettag $0x1  }
0x1: {  	s0 =	rddreg [dreg:$0x0]  }
0x2: {  	s2 =	rddreg [dreg:$0x1];
	s1 =	srdreg.scid  }
0x3: {  	s13 =	stileid.u32;
	s3 =	simm.s32 $0x0;
	s28 =	simm.s32 $0xA0A0  }
0x4: {  	s29 =	simm.s32 $0x7;
	s30 =	simm.s32 $0xA000;
	s9 =	smul.u32 $0xA000, s13  }
0x5: {  	s31 =	simm.s32 $0xA050;
	[smem:$0x7FF] =	sst s3;
	s10 =	smul.u32 $0x28000, s13  }
0x6: {  	s1 =	sand.u32 $0x1, s1;
	s5 =	sadd.s32 $0xC88E00, s0;
	s18 =	smul.u32 $0x138800, s13  }
0x7: {  	s4 =	sadd.s32 $0x5600, s0;
	s6 =	smul.u32 $0xA0000, s1;
	_ =	strace $0x8000004A  }
0x8: {  	s24 =	ssub.s32 $0x2, s1;
	s12 =	sshll.u32 s1, $0x4;
	s10 =	sshrl.u32 s10, $0x2  }
0x9: {  	s11 =	sshrl.u32 s24, $0x1;
	s23 =	sadd.s32 s9, s2;
	s10 =	sadd.s32 s10, s2  }
0xa: {  	s25 =	sor.u32 s13, s12;
	[dreg:$0x3] =	wrdreg s23;
	s26 =	sadd.s32 $0x1400, s10  }
0xb: {  	s7 =	sadd.s32 s9, s6;
	s12 =	sadd.s32 $0x2800, s10;
	[dreg:$0x4] =	wrdreg s26  }
0xc: {  	s6 =	sadd.s32 $0xA0E000, s0;
	s14 =	sadd.s32 $0x3C00, s10;
	[dreg:$0x5] =	wrdreg s12  }
0xd: {  	s11 =	ssub.s32 s24, s11;
	s15 =	sadd.s32 $0x5000, s10;
	[dreg:$0x6] =	wrdreg s14  }
0xe: {  	s8 =	sshrl.u32 s7, $0x3;
	s16 =	sadd.s32 $0x6400, s10;
	[dreg:$0x7] =	wrdreg s15  }
0xf: {  	s7 =	sadd.s32 $0xA04200, s0;
	s17 =	sadd.s32 $0x7800, s10;
	[dreg:$0x8] =	wrdreg s16  }
0x10: {  	s10 =	sadd.s32 $0x8C00, s10;
	s0 =	sadd.s32 s8, s0;
	[dreg:$0x9] =	wrdreg s17  }
0x11: {  	s8 =	smul.u32 $0x2710, s25;
	[dreg:$0xa] =	wrdreg s10;
	s17 =	sshll.u32 s1, $0x6  }
0x12: {  	s26 =	smax.u32 s11, $0x1;
	s11 =	simm.s32 $0xC8A0;
	s12 =	simm.s32 $0xC8F0  }
0x13: {  	s14 =	simm.s32 $0x1;
	s15 =	simm.s32 $0x50;
	s16 =	simm.s32 $0x4  }
0x14: {  	s22 =	sor.u32 s17, s18;
	s0 =	sadd.s32 $0x19000, s0;
	[dreg:$0x12] =	wrdreg s26  }
0x15: {  	s26 =	smul.u32 $0x2710, s13;
	s18 =	simm.s32 $0xC940;
	s19 =	sshrl.u32 s8, $0x3  }
0x16: {  	s9 =	sshrl.u32 s22, $0x3;
	s1 =	sadd.s32 $0x2800, s22;
	[dreg:$0x11] =	wrdreg s0  }
0x17: {  	s0 =	simm.s32 $0x40;
	s22 =	simm.s32 $0x6;
	s20 =	sadd.s32 s6, s19  }
0x18: {  	s21 =	sadd.s32 s7, s19;
	s10 =	sadd.s32 $0xA, s19;
	[dreg:$0xb] =	wrdreg s20  }
0x19: {  	s9 =	sadd.s32 s5, s9;
	s1 =	sshrl.u32 s1, $0x3;
	[dreg:$0xc] =	wrdreg s21  }
0x1a: {  	s19 =	simm.s32 $0x2;
	[dreg:$0xd] =	wrdreg s9;
	s24 =	sadd.s32 s6, s10  }
0x1b: {  	s25 =	sadd.s32 s7, s10;
	s1 =	sadd.s32 s5, s1;
	[dreg:$0xe] =	wrdreg s24  }
0x1c: {  	s20 =	simm.s32 $0x3;
	s21 =	simm.s32 $0x5;
	[dreg:$0xf] =	wrdreg s25  }
0x1d: {  	v0 =	vimm.f32 $0.0e+00;
	s10 =	simm.s32 $0x0;
	[dreg:$0x10] =	wrdreg s1;
	s1 =	simm.s32 $0x80  }
.LBB2_1:
0x1e: {  	[dreg:$0x13] =	wrdreg s10;
	s9 =	simm.s32 $0xA120  }
0x1f: {  	[tilespmem:s9+$0xFFFFFF80] =	vst v0  }
0x20: {  	[tilespmem:s9+$0x70] =	vst v0  }
0x21: {  	[tilespmem:s9+$0x60] =	vst v0  }
0x22: {  	[tilespmem:s9+$0x50] =	vst v0  }
0x23: {  	[tilespmem:s9+$0x40] =	vst v0  }
0x24: {  	[tilespmem:s9+$0x30] =	vst v0  }
0x25: {  	[tilespmem:s9+$0x20] =	vst v0  }
0x26: {  	[tilespmem:s9+$0x10] =	vst v0  }
0x27: {  	[tilespmem:s9+$0x0] =	vst v0  }
0x28: {  	[tilespmem:s9+$0xFFFFFFF0] =	vst v0  }
0x29: {  	[tilespmem:s9+$0xFFFFFFE0] =	vst v0  }
0x2a: {  	[tilespmem:s9+$0xFFFFFFD0] =	vst v0  }
0x2b: {  	[tilespmem:s9+$0xFFFFFFC0] =	vst v0  }
0x2c: {  	[tilespmem:s9+$0xFFFFFFB0] =	vst v0  }
0x2d: {  	s10 =	simm.s32 $0x0;
	[tilespmem:s9+$0xFFFFFFA0] =	vst v0  }
.LBB2_2:
0x2e: {  	s10 =	sadd.s32 $0x4, s10;
	[tilespmem:s9+$0xFFFFFF90] =	vst v0;
	s9 =	sadd.s32 $0x100, s9  }
0x2f: {  	[tilespmem:s9+$0xFFFFFF80] =	vst v0;
	p0 =	slt.u32 s10, $0x4C  }
0x30: {  	[tilespmem:s9+$0x70] =	vst v0  }
0x31: {  	[tilespmem:s9+$0x60] =	vst v0  }
0x32: {  	[tilespmem:s9+$0x50] =	vst v0  }
0x33: {  	[tilespmem:s9+$0x40] =	vst v0  }
0x34: {  	[tilespmem:s9+$0x30] =	vst v0  }
0x35: {  	[tilespmem:s9+$0x20] =	vst v0  }
0x36: {  	[tilespmem:s9+$0x10] =	vst v0  }
0x37: {  	[tilespmem:s9+$0x0] =	vst v0  }
0x38: {  	[tilespmem:s9+$0xFFFFFFF0] =	vst v0  }
.Ltmp0:
0x39: {  	[tilespmem:s9+$0xFFFFFFE0] =	vst v0;
	(pc) =	sbr.rel @p0 .LBB2_2-.Ltmp0, $4  }
0x3a: {  	[tilespmem:s9+$0xFFFFFFD0] =	vst v0  }
0x3b: {  	[tilespmem:s9+$0xFFFFFFC0] =	vst v0  }
0x3c: {  	[tilespmem:s9+$0xFFFFFFB0] =	vst v0  }
0x3d: {  	[tilespmem:s9+$0xFFFFFFA0] =	vst v0  }
0x3e: {  	[tilespmem:s9+$0xFFFFFF90] =	vst v0  }
0x3f: {  	[spmem:s23] =	stream.linear.scatter [tilespmem:s28], [sflag:$0x7], $0x1400, $0x38;
	[tilespmem:$0xF140] =	vst v63  }
0x40: {  	_ =	swait.ge [sflag:s29], $0x1400  }
0x41: {  	[sflag:s29] =	ssyncset.done $0x0  }
0x42: {  	s25 =	rddreg [dreg:$0x4];
	[sflag:s29] =	ssyncadd.s32 $0xFFFFEC00  }
0x43: {  	[spmem:s25] =	stream.linear.scatter [tilespmem:s28], [sflag:$0x7], $0x1400, $0x38;
	[tilespmem:$0xF140] =	vst v63  }
0x44: {  	_ =	swait.ge [sflag:s29], $0x1400  }
0x45: {  	[sflag:s29] =	ssyncset.done $0x0  }
0x46: {  	s10 =	rddreg [dreg:$0x5];
	[sflag:s29] =	ssyncadd.s32 $0xFFFFEC00  }
0x47: {  	[spmem:s10] =	stream.linear.scatter [tilespmem:s28], [sflag:$0x7], $0x1400, $0x38;
	[tilespmem:$0xF140] =	vst v63  }
0x48: {  	_ =	swait.ge [sflag:s29], $0x1400  }
0x49: {  	[sflag:s29] =	ssyncset.done $0x0  }
0x4a: {  	s13 =	rddreg [dreg:$0x6];
	[sflag:s29] =	ssyncadd.s32 $0xFFFFEC00  }
0x4b: {  	[spmem:s13] =	stream.linear.scatter [tilespmem:s28], [sflag:$0x7], $0x1400, $0x38;
	[tilespmem:$0xF140] =	vst v63  }
0x4c: {  	_ =	swait.ge [sflag:s29], $0x1400  }
0x4d: {  	[sflag:s29] =	ssyncset.done $0x0  }
0x4e: {  	s23 =	rddreg [dreg:$0x7];
	[sflag:s29] =	ssyncadd.s32 $0xFFFFEC00  }
0x4f: {  	[spmem:s23] =	stream.linear.scatter [tilespmem:s28], [sflag:$0x7], $0x1400, $0x38;
	[tilespmem:$0xF140] =	vst v63  }
0x50: {  	_ =	swait.ge [sflag:s29], $0x1400  }
0x51: {  	[sflag:s29] =	ssyncset.done $0x0  }
0x52: {  	s24 =	rddreg [dreg:$0x8];
	[sflag:s29] =	ssyncadd.s32 $0xFFFFEC00  }
0x53: {  	[spmem:s24] =	stream.linear.scatter [tilespmem:s28], [sflag:$0x7], $0x1400, $0x38;
	[tilespmem:$0xF140] =	vst v63  }
0x54: {  	_ =	swait.ge [sflag:s29], $0x1400  }
0x55: {  	[sflag:s29] =	ssyncset.done $0x0  }
0x56: {  	s25 =	rddreg [dreg:$0x9];
	[sflag:s29] =	ssyncadd.s32 $0xFFFFEC00  }
0x57: {  	[spmem:s25] =	stream.linear.scatter [tilespmem:s28], [sflag:$0x7], $0x1400, $0x38;
	[tilespmem:$0xF140] =	vst v63  }
0x58: {  	_ =	swait.ge [sflag:s29], $0x1400  }
0x59: {  	[sflag:s29] =	ssyncset.done $0x0  }
0x5a: {  	s10 =	rddreg [dreg:$0xa];
	[sflag:s29] =	ssyncadd.s32 $0xFFFFEC00  }
0x5b: {  	[spmem:s10] =	stream.linear.scatter [tilespmem:s28], [sflag:$0x7], $0x1400, $0x38;
	[tilespmem:$0xF140] =	vst v63  }
0x5c: {  	_ =	swait.ge [sflag:s29], $0x1400  }
0x5d: {  	[sflag:s29] =	ssyncset.done $0x0  }
0x5e: {  	[sflag:s29] =	ssyncadd.s32 $0xFFFFEC00  }
0x5f: {  	[bflag:$0x0] =	sbarrier.arrive $0xFFFF  }
0x60: {  	s24 =	simm.s32 $0x0;
	s13 =	rddreg [dreg:$0xb]  }
0x61: {  	[tilespmem:s30], [sflag:$0x1] =	stream.linear.gather [hbm4b:s13+s24], $0x50, $0x38;
	[tilespmem:$0xF140] =	vst v63  }
0x62: {  	s23 =	rddreg [dreg:$0xc]  }
0x63: {  	[tilespmem:s31], [sflag:$0x1] =	stream.linear.gather [hbm4b:s23+s24], $0x50, $0x38;
	[tilespmem:$0xF140] =	vst v63  }
0x64: {  	s10 =	simm.s32 $0xB4A0;
	s25 =	rddreg [dreg:$0xd]  }
0x65: {  	[tilespmem:s10], [sflag:$0x2] =	stream.strided.gather [hbm4b:s25+s0], $0x1400, s1, s0, $0x38;
	[tilespmem:$0xF140] =	vst v63  }
0x66: {  	s10 =	rddreg [dreg:$0xe]  }
0x67: {  	[tilespmem:s11], [sflag:$0x4] =	stream.linear.gather [hbm4b:s10+s24], $0x50, $0x38;
	[tilespmem:$0xF140] =	vst v63  }
0x68: {  	s13 =	rddreg [dreg:$0xf]  }
0x69: {  	[tilespmem:s12], [sflag:$0x4] =	stream.linear.gather [hbm4b:s13+s24], $0x50, $0x38;
	[tilespmem:$0xF140] =	vst v63  }
0x6a: {  	s23 =	rddreg [dreg:$0x10];
	s25 =	simm.s32 $0xDD40  }
0x6b: {  	[tilespmem:s25], [sflag:$0x5] =	stream.strided.gather [hbm4b:s23+s0], $0x1400, s1, s0, $0x38;
	[tilespmem:$0xF140] =	vst v63  }
0x6c: {  	_ =	swait.ge [sflag:s14], $0x50  }
0x6d: {  	[sflag:s14] =	ssyncset.done $0x0  }
0x6e: {  	[sflag:s14] =	ssyncadd.s32 $0xFFFFFFB0  }
0x6f: {  	_ =	swait.ge [sflag:s14], $0x50  }
0x70: {  	[sflag:s14] =	ssyncset.done $0x0  }
0x71: {  	[sflag:s14] =	ssyncadd.s32 $0xFFFFFFB0  }
0x72: {  	[tilespmem:s28], [sflag:$0x3] =	stream.indirect.gather [hbm4b:s4+s15], $0x40, s30, s15, $0xb8;
	[tilespmem:$0xF140] =	vst v63  }
.LBB2_4:
0x73: {  	_ =	swait.ge [sflag:s16], $0x50  }
0x74: {  	[sflag:s16] =	ssyncset.done $0x0  }
0x75: {  	[sflag:s16] =	ssyncadd.s32 $0xFFFFFFB0  }
0x76: {  	_ =	swait.ge [sflag:s16], $0x50  }
0x77: {  	[sflag:s16] =	ssyncset.done $0x0  }
0x78: {  	[sflag:s16] =	ssyncadd.s32 $0xFFFFFFB0  }
0x79: {  	[tilespmem:s18], [sflag:$0x6] =	stream.indirect.gather [hbm4b:s4+s15], $0x40, s11, s15, $0xb8;
	[tilespmem:$0xF140] =	vst v63  }
0x7a: {  	_ =	swait.ge [sflag:s19], $0x1400  }
0x7b: {  	[sflag:s19] =	ssyncset.done $0x0  }
0x7c: {  	[sflag:s19] =	ssyncadd.s32 $0xFFFFEC00  }
0x7d: {  	_ =	swait.ge [sflag:s20], $0x1400  }
0x7e: {  	[sflag:s20] =	ssyncset.done $0x0  }
0x7f: {  	s25 =	simm.s32 $0xA120;
	[sflag:s20] =	ssyncadd.s32 $0xFFFFEC00  }
0x80: {  	s9 =	simm.s32 $0xB520;
	v1 =	vld [tilespmem:s25+$0x40]  }
0x81: {  	v2 =	vld [tilespmem:s9+$0x40]  }
0x82: {  	v3 =	vld [tilespmem:s25+$0xFFFFFFC0]  }
0x83: {  	v4 =	vld [tilespmem:s9+$0xFFFFFFC0]  }
0x84: {  	v5 =	vld [tilespmem:s25+$0x0]  }
0x85: {  	v6 =	vld [tilespmem:s9+$0x0]  }
0x86: {  	v7 =	vld [tilespmem:s25+$0xFFFFFF80];
	v1 =	vmul.f32 v2, v1  }
0x87: {  	v2 =	vld [tilespmem:s9+$0xFFFFFF80]  }
0x88: {  	[tilespmem:s25+$0x40] =	vst v1;
	v1 =	vld [tilespmem:s25+$0x50]  }
0x89: {  	v3 =	vmul.f32 v4, v3;
	v4 =	vld [tilespmem:s9+$0x50]  }
0x8a: {  	v8 =	vld [tilespmem:s25+$0xFFFFFF90]  }
0x8b: {  	[tilespmem:s25+$0xFFFFFFC0] =	vst v3;
	v3 =	vmul.f32 v6, v5;
	v5 =	vld [tilespmem:s25+$0xFFFFFFD0]  }
0x8c: {  	v6 =	vld [tilespmem:s9+$0xFFFFFFD0];
	v2 =	vmul.f32 v2, v7  }
0x8d: {  	[tilespmem:s25+$0x0] =	vst v3;
	v3 =	vld [tilespmem:s25+$0x10]  }
0x8e: {  	v7 =	vld [tilespmem:s9+$0x10];
	[tilespmem:s25+$0xFFFFFF80] =	vst v2;
	v1 =	vmul.f32 v4, v1  }
0x8f: {  	v2 =	vld [tilespmem:s9+$0xFFFFFF90]  }
0x90: {  	[tilespmem:s25+$0x50] =	vst v1;
	v1 =	vld [tilespmem:s25+$0x60]  }
0x91: {  	v4 =	vmul.f32 v6, v5;
	v5 =	vld [tilespmem:s9+$0x60]  }
0x92: {  	v6 =	vld [tilespmem:s25+$0xFFFFFFA0]  }
0x93: {  	[tilespmem:s25+$0xFFFFFFD0] =	vst v4;
	v3 =	vmul.f32 v7, v3;
	v4 =	vld [tilespmem:s25+$0xFFFFFFE0]  }
0x94: {  	v7 =	vld [tilespmem:s9+$0xFFFFFFE0];
	v2 =	vmul.f32 v2, v8  }
0x95: {  	[tilespmem:s25+$0x10] =	vst v3;
	v3 =	vld [tilespmem:s25+$0x20]  }
0x96: {  	v8 =	vld [tilespmem:s9+$0x20];
	[tilespmem:s25+$0xFFFFFF90] =	vst v2;
	v1 =	vmul.f32 v5, v1  }
0x97: {  	v5 =	vld [tilespmem:s9+$0xFFFFFFA0]  }
0x98: {  	v9 =	vld [tilespmem:s25+$0x70];
	[tilespmem:s25+$0x60] =	vst v1  }
0x99: {  	v2 =	vmul.f32 v7, v4;
	v7 =	vld [tilespmem:s9+$0x70]  }
0x9a: {  	v1 =	vld [tilespmem:s25+$0xFFFFFFB0]  }
0x9b: {  	[tilespmem:s25+$0xFFFFFFE0] =	vst v2;
	v3 =	vmul.f32 v8, v3;
	v2 =	vld [tilespmem:s25+$0xFFFFFFF0]  }
0x9c: {  	v4 =	vld [tilespmem:s9+$0xFFFFFFF0];
	v5 =	vmul.f32 v5, v6  }
0x9d: {  	[tilespmem:s25+$0x20] =	vst v3;
	v3 =	vld [tilespmem:s25+$0x30]  }
0x9e: {  	[tilespmem:s25+$0xFFFFFFA0] =	vst v5;
	v5 =	vld [tilespmem:s9+$0x30];
	v7 =	vmul.f32 v7, v9  }
0x9f: {  	s23 =	simm.s32 $0x0;
	s13 =	simm.s32 $0xA220;
	v6 =	vld [tilespmem:s9+$0xFFFFFFB0]  }
.LBB2_5:
0xa0: {  	v8 =	vld [tilespmem:s13+$0x40];
	[tilespmem:s25+$0x70] =	vst v7;
	s9 =	sadd.s32 $0x100, s9  }
0xa1: {  	s23 =	sadd.s32 $0x4, s23;
	v7 =	vld [tilespmem:s9+$0x40];
	v2 =	vmul.f32 v4, v2  }
0xa2: {  	p0 =	slt.u32 s23, $0x4C;
	v4 =	vld [tilespmem:s9+$0xFFFFFF80]  }
0xa3: {  	v9 =	vld [tilespmem:s13+$0xFFFFFFC0];
	[tilespmem:s25+$0xFFFFFFF0] =	vst v2;
	v2 =	vmul.f32 v5, v3  }
0xa4: {  	v3 =	vld [tilespmem:s9+$0xFFFFFFC0];
	v1 =	vmul.f32 v6, v1  }
0xa5: {  	v5 =	vld [tilespmem:s13+$0x0];
	[tilespmem:s25+$0x30] =	vst v2  }
0xa6: {  	v2 =	vld [tilespmem:s9+$0x0];
	v6 =	vmul.f32 v7, v8;
	[tilespmem:s25+$0xFFFFFFB0] =	vst v1;
	s25 =	smov.u32 s13  }
0xa7: {  	v1 =	vld [tilespmem:s13+$0xFFFFFF80]  }
0xa8: {  	[tilespmem:s13+$0x40] =	vst v6;
	v6 =	vld [tilespmem:s13+$0x50]  }
0xa9: {  	v3 =	vmul.f32 v3, v9;
	v7 =	vld [tilespmem:s9+$0x50]  }
0xaa: {  	v8 =	vld [tilespmem:s13+$0xFFFFFF90]  }
0xab: {  	[tilespmem:s13+$0xFFFFFFC0] =	vst v3;
	v3 =	vld [tilespmem:s13+$0xFFFFFFD0];
	v2 =	vmul.f32 v2, v5  }
0xac: {  	v1 =	vmul.f32 v4, v1;
	v4 =	vld [tilespmem:s9+$0xFFFFFFD0]  }
0xad: {  	[tilespmem:s13+$0x0] =	vst v2;
	v2 =	vld [tilespmem:s13+$0x10]  }
0xae: {  	[tilespmem:s13+$0xFFFFFF80] =	vst v1;
	v1 =	vld [tilespmem:s9+$0x10];
	v5 =	vmul.f32 v7, v6  }
0xaf: {  	v6 =	vld [tilespmem:s9+$0xFFFFFF90]  }
0xb0: {  	[tilespmem:s13+$0x50] =	vst v5;
	v5 =	vld [tilespmem:s13+$0x60]  }
0xb1: {  	v3 =	vmul.f32 v4, v3;
	v4 =	vld [tilespmem:s9+$0x60]  }
0xb2: {  	v7 =	vld [tilespmem:s13+$0xFFFFFFA0]  }
0xb3: {  	[tilespmem:s13+$0xFFFFFFD0] =	vst v3;
	v3 =	vld [tilespmem:s13+$0xFFFFFFE0];
	v1 =	vmul.f32 v1, v2  }
0xb4: {  	v2 =	vmul.f32 v6, v8;
	v6 =	vld [tilespmem:s9+$0xFFFFFFE0]  }
0xb5: {  	[tilespmem:s13+$0x10] =	vst v1;
	v8 =	vld [tilespmem:s13+$0x20]  }
0xb6: {  	[tilespmem:s13+$0xFFFFFF90] =	vst v2;
	v9 =	vld [tilespmem:s9+$0x20];
	v1 =	vmul.f32 v4, v5  }
0xb7: {  	v4 =	vld [tilespmem:s9+$0xFFFFFFA0]  }
0xb8: {  	[tilespmem:s13+$0x60] =	vst v1;
	v10 =	vld [tilespmem:s13+$0x70]  }
0xb9: {  	v2 =	vmul.f32 v6, v3;
	v6 =	vld [tilespmem:s9+$0x70]  }
0xba: {  	v1 =	vld [tilespmem:s13+$0xFFFFFFB0]  }
.Ltmp1:
0xbb: {  	[tilespmem:s13+$0xFFFFFFE0] =	vst v2;
	v2 =	vld [tilespmem:s13+$0xFFFFFFF0];
	v3 =	vmul.f32 v9, v8;
	(pc) =	sbr.rel @p0 .LBB2_5-.Ltmp1, $4  }
0xbc: {  	v5 =	vmul.f32 v4, v7;
	v4 =	vld [tilespmem:s9+$0xFFFFFFF0]  }
0xbd: {  	[tilespmem:s13+$0x20] =	vst v3;
	v3 =	vld [tilespmem:s13+$0x30]  }
0xbe: {  	[tilespmem:s13+$0xFFFFFFA0] =	vst v5;
	v5 =	vld [tilespmem:s9+$0x30];
	v7 =	vmul.f32 v6, v10  }
0xbf: {  	s13 =	sadd.s32 $0x100, s13;
	v6 =	vld [tilespmem:s9+$0xFFFFFFB0]  }
0xc0: {  	_ =	sdelay $0x1  }
0xc1: {  	v2 =	vmul.f32 v4, v2  }
0xc2: {  	[tilespmem:s25+$0x70] =	vst v7;
	v3 =	vmul.f32 v5, v3  }
0xc3: {  	[tilespmem:s25+$0xFFFFFFF0] =	vst v2;
	v1 =	vmul.f32 v6, v1  }
0xc4: {  	[tilespmem:s25+$0x30] =	vst v3  }
0xc5: {  	[tilespmem:s25+$0xFFFFFFB0] =	vst v1;
	s25 =	smul.u32 $0xA0, s24  }
0xc6: {  	[spmem:s2] =	stream.indirect.scatter.add.f32 [tilespmem:s28], [sflag:$0x7], $0x40, s31, s15, $0xb8;
	[tilespmem:$0xF140] =	vst v63  }
0xc7: {  	s9 =	sadd.s32 $0xA0, s25  }
0xc8: {  	_ =	swait.ge [sflag:s29], $0x1400;
	s10 =	sadd.s32 s8, s9;
	s9 =	sadd.s32 s26, s9  }
0xc9: {  	[sflag:s29] =	ssyncset.done $0x0;
	s10 =	sshrl.u32 s10, $0x3;
	s9 =	sshll.u32 s9, $0x7  }
0xca: {  	[sflag:s29] =	ssyncadd.s32 $0xFFFFEC00;
	s13 =	sadd.s32 s6, s10;
	s9 =	sor.u32 s17, s9  }
0xcb: {  	[tilespmem:s30], [sflag:$0x1] =	stream.linear.gather [hbm4b:s13+s3], $0x50, $0x38;
	[tilespmem:$0xF140] =	vst v63  }
0xcc: {  	s10 =	sadd.s32 s7, s10;
	s9 =	sshrl.u32 s9, $0x3  }
0xcd: {  	[tilespmem:s31], [sflag:$0x1] =	stream.linear.gather [hbm4b:s10+s3], $0x50, $0x38;
	[tilespmem:$0xF140] =	vst v63  }
0xce: {  	s23 =	simm.s32 $0xB4A0;
	s9 =	sadd.s32 s5, s9  }
0xcf: {  	[tilespmem:s23], [sflag:$0x2] =	stream.strided.gather [hbm4b:s9+s0], $0x1400, s1, s0, $0x38;
	[tilespmem:$0xF140] =	vst v63  }
0xd0: {  	_ =	swait.ge [sflag:s14], $0x50  }
0xd1: {  	[sflag:s14] =	ssyncset.done $0x0  }
0xd2: {  	[sflag:s14] =	ssyncadd.s32 $0xFFFFFFB0  }
0xd3: {  	_ =	swait.ge [sflag:s14], $0x50  }
0xd4: {  	[sflag:s14] =	ssyncset.done $0x0  }
0xd5: {  	[sflag:s14] =	ssyncadd.s32 $0xFFFFFFB0  }
0xd6: {  	[tilespmem:s28], [sflag:$0x3] =	stream.indirect.gather [hbm4b:s4+s15], $0x40, s30, s15, $0xb8;
	[tilespmem:$0xF140] =	vst v63  }
0xd7: {  	_ =	swait.ge [sflag:s21], $0x1400  }
0xd8: {  	[sflag:s21] =	ssyncset.done $0x0  }
0xd9: {  	[sflag:s21] =	ssyncadd.s32 $0xFFFFEC00  }
0xda: {  	_ =	swait.ge [sflag:s22], $0x1400  }
0xdb: {  	[sflag:s22] =	ssyncset.done $0x0  }
0xdc: {  	s9 =	simm.s32 $0xC9C0;
	[sflag:s22] =	ssyncadd.s32 $0xFFFFEC00  }
0xdd: {  	s23 =	simm.s32 $0xDDC0;
	v1 =	vld [tilespmem:s9+$0x40]  }
0xde: {  	v2 =	vld [tilespmem:s23+$0x40]  }
0xdf: {  	v3 =	vld [tilespmem:s9+$0xFFFFFFC0]  }
0xe0: {  	v4 =	vld [tilespmem:s23+$0xFFFFFFC0]  }
0xe1: {  	v5 =	vld [tilespmem:s9+$0x0]  }
0xe2: {  	v6 =	vld [tilespmem:s23+$0x0]  }
0xe3: {  	v7 =	vld [tilespmem:s9+$0xFFFFFF80];
	v1 =	vmul.f32 v2, v1  }
0xe4: {  	v2 =	vld [tilespmem:s23+$0xFFFFFF80]  }
0xe5: {  	[tilespmem:s9+$0x40] =	vst v1;
	v1 =	vld [tilespmem:s9+$0x50]  }
0xe6: {  	v3 =	vmul.f32 v4, v3;
	v4 =	vld [tilespmem:s23+$0x50]  }
0xe7: {  	v8 =	vld [tilespmem:s9+$0xFFFFFF90]  }
0xe8: {  	[tilespmem:s9+$0xFFFFFFC0] =	vst v3;
	v3 =	vmul.f32 v6, v5;
	v5 =	vld [tilespmem:s9+$0xFFFFFFD0]  }
0xe9: {  	v6 =	vld [tilespmem:s23+$0xFFFFFFD0];
	v2 =	vmul.f32 v2, v7  }
0xea: {  	[tilespmem:s9+$0x0] =	vst v3;
	v3 =	vld [tilespmem:s9+$0x10]  }
0xeb: {  	v7 =	vld [tilespmem:s23+$0x10];
	[tilespmem:s9+$0xFFFFFF80] =	vst v2;
	v1 =	vmul.f32 v4, v1  }
0xec: {  	v2 =	vld [tilespmem:s23+$0xFFFFFF90]  }
0xed: {  	[tilespmem:s9+$0x50] =	vst v1;
	v1 =	vld [tilespmem:s9+$0x60]  }
0xee: {  	v4 =	vmul.f32 v6, v5;
	v5 =	vld [tilespmem:s23+$0x60]  }
0xef: {  	v6 =	vld [tilespmem:s9+$0xFFFFFFA0]  }
0xf0: {  	[tilespmem:s9+$0xFFFFFFD0] =	vst v4;
	v3 =	vmul.f32 v7, v3;
	v4 =	vld [tilespmem:s9+$0xFFFFFFE0]  }
0xf1: {  	v7 =	vld [tilespmem:s23+$0xFFFFFFE0];
	v2 =	vmul.f32 v2, v8  }
0xf2: {  	[tilespmem:s9+$0x10] =	vst v3;
	v3 =	vld [tilespmem:s9+$0x20]  }
0xf3: {  	v8 =	vld [tilespmem:s23+$0x20];
	[tilespmem:s9+$0xFFFFFF90] =	vst v2;
	v1 =	vmul.f32 v5, v1  }
0xf4: {  	v5 =	vld [tilespmem:s23+$0xFFFFFFA0]  }
0xf5: {  	v9 =	vld [tilespmem:s9+$0x70];
	[tilespmem:s9+$0x60] =	vst v1  }
0xf6: {  	v2 =	vmul.f32 v7, v4;
	v7 =	vld [tilespmem:s23+$0x70]  }
0xf7: {  	v1 =	vld [tilespmem:s9+$0xFFFFFFB0]  }
0xf8: {  	[tilespmem:s9+$0xFFFFFFE0] =	vst v2;
	v3 =	vmul.f32 v8, v3;
	v2 =	vld [tilespmem:s9+$0xFFFFFFF0]  }
0xf9: {  	v4 =	vld [tilespmem:s23+$0xFFFFFFF0];
	v5 =	vmul.f32 v5, v6  }
0xfa: {  	[tilespmem:s9+$0x20] =	vst v3;
	v3 =	vld [tilespmem:s9+$0x30]  }
0xfb: {  	[tilespmem:s9+$0xFFFFFFA0] =	vst v5;
	v5 =	vld [tilespmem:s23+$0x30];
	v7 =	vmul.f32 v7, v9  }
0xfc: {  	s13 =	simm.s32 $0x0;
	s10 =	simm.s32 $0xCAC0;
	v6 =	vld [tilespmem:s23+$0xFFFFFFB0]  }
.LBB2_7:
0xfd: {  	v8 =	vld [tilespmem:s10+$0x40];
	[tilespmem:s9+$0x70] =	vst v7;
	s23 =	sadd.s32 $0x100, s23  }
0xfe: {  	s13 =	sadd.s32 $0x4, s13;
	v7 =	vld [tilespmem:s23+$0x40];
	v2 =	vmul.f32 v4, v2  }
0xff: {  	p0 =	slt.u32 s13, $0x4C;
	v4 =	vld [tilespmem:s23+$0xFFFFFF80]  }
0x100: {  	v9 =	vld [tilespmem:s10+$0xFFFFFFC0];
	[tilespmem:s9+$0xFFFFFFF0] =	vst v2;
	v2 =	vmul.f32 v5, v3  }
0x101: {  	v3 =	vld [tilespmem:s23+$0xFFFFFFC0];
	v1 =	vmul.f32 v6, v1  }
0x102: {  	v5 =	vld [tilespmem:s10+$0x0];
	[tilespmem:s9+$0x30] =	vst v2  }
0x103: {  	v2 =	vld [tilespmem:s23+$0x0];
	v6 =	vmul.f32 v7, v8;
	[tilespmem:s9+$0xFFFFFFB0] =	vst v1;
	s9 =	smov.u32 s10  }
0x104: {  	v1 =	vld [tilespmem:s10+$0xFFFFFF80]  }
0x105: {  	[tilespmem:s10+$0x40] =	vst v6;
	v6 =	vld [tilespmem:s10+$0x50]  }
0x106: {  	v3 =	vmul.f32 v3, v9;
	v7 =	vld [tilespmem:s23+$0x50]  }
0x107: {  	v8 =	vld [tilespmem:s10+$0xFFFFFF90]  }
0x108: {  	[tilespmem:s10+$0xFFFFFFC0] =	vst v3;
	v3 =	vld [tilespmem:s10+$0xFFFFFFD0];
	v2 =	vmul.f32 v2, v5  }
0x109: {  	v1 =	vmul.f32 v4, v1;
	v4 =	vld [tilespmem:s23+$0xFFFFFFD0]  }
0x10a: {  	[tilespmem:s10+$0x0] =	vst v2;
	v2 =	vld [tilespmem:s10+$0x10]  }
0x10b: {  	[tilespmem:s10+$0xFFFFFF80] =	vst v1;
	v1 =	vld [tilespmem:s23+$0x10];
	v5 =	vmul.f32 v7, v6  }
0x10c: {  	v6 =	vld [tilespmem:s23+$0xFFFFFF90]  }
0x10d: {  	[tilespmem:s10+$0x50] =	vst v5;
	v5 =	vld [tilespmem:s10+$0x60]  }
0x10e: {  	v3 =	vmul.f32 v4, v3;
	v4 =	vld [tilespmem:s23+$0x60]  }
0x10f: {  	v7 =	vld [tilespmem:s10+$0xFFFFFFA0]  }
0x110: {  	[tilespmem:s10+$0xFFFFFFD0] =	vst v3;
	v3 =	vld [tilespmem:s10+$0xFFFFFFE0];
	v1 =	vmul.f32 v1, v2  }
0x111: {  	v2 =	vmul.f32 v6, v8;
	v6 =	vld [tilespmem:s23+$0xFFFFFFE0]  }
0x112: {  	[tilespmem:s10+$0x10] =	vst v1;
	v8 =	vld [tilespmem:s10+$0x20]  }
0x113: {  	[tilespmem:s10+$0xFFFFFF90] =	vst v2;
	v9 =	vld [tilespmem:s23+$0x20];
	v1 =	vmul.f32 v4, v5  }
0x114: {  	v4 =	vld [tilespmem:s23+$0xFFFFFFA0]  }
0x115: {  	[tilespmem:s10+$0x60] =	vst v1;
	v10 =	vld [tilespmem:s10+$0x70]  }
0x116: {  	v2 =	vmul.f32 v6, v3;
	v6 =	vld [tilespmem:s23+$0x70]  }
0x117: {  	v1 =	vld [tilespmem:s10+$0xFFFFFFB0]  }
.Ltmp2:
0x118: {  	[tilespmem:s10+$0xFFFFFFE0] =	vst v2;
	v2 =	vld [tilespmem:s10+$0xFFFFFFF0];
	v3 =	vmul.f32 v9, v8;
	(pc) =	sbr.rel @p0 .LBB2_7-.Ltmp2, $4  }
0x119: {  	v5 =	vmul.f32 v4, v7;
	v4 =	vld [tilespmem:s23+$0xFFFFFFF0]  }
0x11a: {  	[tilespmem:s10+$0x20] =	vst v3;
	v3 =	vld [tilespmem:s10+$0x30]  }
0x11b: {  	[tilespmem:s10+$0xFFFFFFA0] =	vst v5;
	v5 =	vld [tilespmem:s23+$0x30];
	v7 =	vmul.f32 v6, v10  }
0x11c: {  	s10 =	sadd.s32 $0x100, s10;
	v6 =	vld [tilespmem:s23+$0xFFFFFFB0]  }
0x11d: {  	_ =	sdelay $0x1  }
0x11e: {  	v2 =	vmul.f32 v4, v2  }
0x11f: {  	[tilespmem:s9+$0x70] =	vst v7;
	v3 =	vmul.f32 v5, v3  }
0x120: {  	[tilespmem:s9+$0xFFFFFFF0] =	vst v2;
	v1 =	vmul.f32 v6, v1  }
0x121: {  	p0 =	seq.s32 s24, $0x3D;
	[tilespmem:s9+$0x30] =	vst v3  }
.Ltmp3:
0x122: {  	[tilespmem:s9+$0xFFFFFFB0] =	vst v1;
	(pc) =	sbr.rel @p0 .LBB2_10-.Ltmp3, $4  }
0x123: {  	[spmem:s2] =	stream.indirect.scatter.add.f32 [tilespmem:s18], [sflag:$0x7], $0x40, s12, s15, $0xb8;
	[tilespmem:$0xF140] =	vst v63  }
0x124: {  	_ =	swait.ge [sflag:s29], $0x1400  }
0x125: {  	[sflag:s29] =	ssyncset.done $0x0  }
0x126: {  	[sflag:s29] =	ssyncadd.s32 $0xFFFFEC00  }
0x127: {  	s9 =	sadd.s32 $0xF0, s25  }
0x128: {  	s10 =	sadd.s32 s8, s9  }
0x129: {  	s9 =	sadd.s32 s26, s9;
	s10 =	sshrl.u32 s10, $0x3  }
0x12a: {  	s9 =	sshll.u32 s9, $0x7;
	s13 =	sadd.s32 s6, s10  }
0x12b: {  	[tilespmem:s11], [sflag:$0x4] =	stream.linear.gather [hbm4b:s13+s3], $0x50, $0x38;
	[tilespmem:$0xF140] =	vst v63  }
.Ltmp4:
0x12c: {  	s9 =	sor.u32 s17, s9;
	(pc) =	sbr.rel .LBB2_4-.Ltmp4, $4  }
0x12d: {  	s10 =	sadd.s32 s7, s10;
	s9 =	sshrl.u32 s9, $0x3  }
0x12e: {  	[tilespmem:s12], [sflag:$0x4] =	stream.linear.gather [hbm4b:s10+s3], $0x50, $0x38;
	[tilespmem:$0xF140] =	vst v63  }
0x12f: {  	s25 =	simm.s32 $0xDD40;
	s24 =	sadd.s32 $0x1, s24;
	s9 =	sadd.s32 s5, s9  }
0x130: {  	[tilespmem:s25], [sflag:$0x5] =	stream.strided.gather [hbm4b:s9+s0], $0x1400, s1, s0, $0x38;
	[tilespmem:$0xF140] =	vst v63  }
.LBB2_10:
0x131: {  	_ =	swait.ge [sflag:s19], $0x1400  }
0x132: {  	[sflag:s19] =	ssyncset.done $0x0  }
0x133: {  	[sflag:s19] =	ssyncadd.s32 $0xFFFFEC00  }
0x134: {  	_ =	swait.ge [sflag:s20], $0x1400  }
0x135: {  	[sflag:s20] =	ssyncset.done $0x0  }
0x136: {  	s9 =	simm.s32 $0xA120;
	[sflag:s20] =	ssyncadd.s32 $0xFFFFEC00  }
0x137: {  	s23 =	simm.s32 $0xB520;
	v1 =	vld [tilespmem:s9+$0x40]  }
0x138: {  	v2 =	vld [tilespmem:s23+$0x40]  }
0x139: {  	v3 =	vld [tilespmem:s9+$0xFFFFFFC0]  }
0x13a: {  	v4 =	vld [tilespmem:s23+$0xFFFFFFC0]  }
0x13b: {  	v5 =	vld [tilespmem:s9+$0x0]  }
0x13c: {  	v6 =	vld [tilespmem:s23+$0x0]  }
0x13d: {  	v7 =	vld [tilespmem:s9+$0xFFFFFF80];
	v1 =	vmul.f32 v2, v1  }
0x13e: {  	v2 =	vld [tilespmem:s23+$0xFFFFFF80]  }
0x13f: {  	[tilespmem:s9+$0x40] =	vst v1;
	v1 =	vld [tilespmem:s9+$0x50]  }
0x140: {  	v3 =	vmul.f32 v4, v3;
	v4 =	vld [tilespmem:s23+$0x50]  }
0x141: {  	v8 =	vld [tilespmem:s9+$0xFFFFFF90]  }
0x142: {  	[tilespmem:s9+$0xFFFFFFC0] =	vst v3;
	v3 =	vmul.f32 v6, v5;
	v5 =	vld [tilespmem:s9+$0xFFFFFFD0]  }
0x143: {  	v6 =	vld [tilespmem:s23+$0xFFFFFFD0];
	v2 =	vmul.f32 v2, v7  }
0x144: {  	[tilespmem:s9+$0x0] =	vst v3;
	v3 =	vld [tilespmem:s9+$0x10]  }
0x145: {  	v7 =	vld [tilespmem:s23+$0x10];
	[tilespmem:s9+$0xFFFFFF80] =	vst v2;
	v1 =	vmul.f32 v4, v1  }
0x146: {  	v2 =	vld [tilespmem:s23+$0xFFFFFF90]  }
0x147: {  	[tilespmem:s9+$0x50] =	vst v1;
	v1 =	vld [tilespmem:s9+$0x60]  }
0x148: {  	v4 =	vmul.f32 v6, v5;
	v5 =	vld [tilespmem:s23+$0x60]  }
0x149: {  	v6 =	vld [tilespmem:s9+$0xFFFFFFA0]  }
0x14a: {  	[tilespmem:s9+$0xFFFFFFD0] =	vst v4;
	v3 =	vmul.f32 v7, v3;
	v4 =	vld [tilespmem:s9+$0xFFFFFFE0]  }
0x14b: {  	v7 =	vld [tilespmem:s23+$0xFFFFFFE0];
	v2 =	vmul.f32 v2, v8  }
0x14c: {  	[tilespmem:s9+$0x10] =	vst v3;
	v3 =	vld [tilespmem:s9+$0x20]  }
0x14d: {  	v8 =	vld [tilespmem:s23+$0x20];
	[tilespmem:s9+$0xFFFFFF90] =	vst v2;
	v1 =	vmul.f32 v5, v1  }
0x14e: {  	v5 =	vld [tilespmem:s23+$0xFFFFFFA0]  }
0x14f: {  	v9 =	vld [tilespmem:s9+$0x70];
	[tilespmem:s9+$0x60] =	vst v1  }
0x150: {  	v2 =	vmul.f32 v7, v4;
	v7 =	vld [tilespmem:s23+$0x70]  }
0x151: {  	v1 =	vld [tilespmem:s9+$0xFFFFFFB0]  }
0x152: {  	[tilespmem:s9+$0xFFFFFFE0] =	vst v2;
	v3 =	vmul.f32 v8, v3;
	v2 =	vld [tilespmem:s9+$0xFFFFFFF0]  }
0x153: {  	v4 =	vld [tilespmem:s23+$0xFFFFFFF0];
	v5 =	vmul.f32 v5, v6  }
0x154: {  	[tilespmem:s9+$0x20] =	vst v3;
	v3 =	vld [tilespmem:s9+$0x30]  }
0x155: {  	[tilespmem:s9+$0xFFFFFFA0] =	vst v5;
	v5 =	vld [tilespmem:s23+$0x30];
	v7 =	vmul.f32 v7, v9  }
0x156: {  	s13 =	simm.s32 $0x0;
	s10 =	simm.s32 $0xA220;
	v6 =	vld [tilespmem:s23+$0xFFFFFFB0]  }
.LBB2_11:
0x157: {  	v8 =	vld [tilespmem:s10+$0x40];
	[tilespmem:s9+$0x70] =	vst v7;
	s23 =	sadd.s32 $0x100, s23  }
0x158: {  	s13 =	sadd.s32 $0x4, s13;
	v7 =	vld [tilespmem:s23+$0x40];
	v2 =	vmul.f32 v4, v2  }
0x159: {  	p0 =	slt.u32 s13, $0x4C;
	v4 =	vld [tilespmem:s23+$0xFFFFFF80]  }
0x15a: {  	v9 =	vld [tilespmem:s10+$0xFFFFFFC0];
	[tilespmem:s9+$0xFFFFFFF0] =	vst v2;
	v2 =	vmul.f32 v5, v3  }
0x15b: {  	v3 =	vld [tilespmem:s23+$0xFFFFFFC0];
	v1 =	vmul.f32 v6, v1  }
0x15c: {  	v5 =	vld [tilespmem:s10+$0x0];
	[tilespmem:s9+$0x30] =	vst v2  }
0x15d: {  	v2 =	vld [tilespmem:s23+$0x0];
	v6 =	vmul.f32 v7, v8;
	[tilespmem:s9+$0xFFFFFFB0] =	vst v1;
	s9 =	smov.u32 s10  }
0x15e: {  	v1 =	vld [tilespmem:s10+$0xFFFFFF80]  }
0x15f: {  	[tilespmem:s10+$0x40] =	vst v6;
	v6 =	vld [tilespmem:s10+$0x50]  }
0x160: {  	v3 =	vmul.f32 v3, v9;
	v7 =	vld [tilespmem:s23+$0x50]  }
0x161: {  	v8 =	vld [tilespmem:s10+$0xFFFFFF90]  }
0x162: {  	[tilespmem:s10+$0xFFFFFFC0] =	vst v3;
	v3 =	vld [tilespmem:s10+$0xFFFFFFD0];
	v2 =	vmul.f32 v2, v5  }
0x163: {  	v1 =	vmul.f32 v4, v1;
	v4 =	vld [tilespmem:s23+$0xFFFFFFD0]  }
0x164: {  	[tilespmem:s10+$0x0] =	vst v2;
	v2 =	vld [tilespmem:s10+$0x10]  }
0x165: {  	[tilespmem:s10+$0xFFFFFF80] =	vst v1;
	v1 =	vld [tilespmem:s23+$0x10];
	v5 =	vmul.f32 v7, v6  }
0x166: {  	v6 =	vld [tilespmem:s23+$0xFFFFFF90]  }
0x167: {  	[tilespmem:s10+$0x50] =	vst v5;
	v5 =	vld [tilespmem:s10+$0x60]  }
0x168: {  	v3 =	vmul.f32 v4, v3;
	v4 =	vld [tilespmem:s23+$0x60]  }
0x169: {  	v7 =	vld [tilespmem:s10+$0xFFFFFFA0]  }
0x16a: {  	[tilespmem:s10+$0xFFFFFFD0] =	vst v3;
	v3 =	vld [tilespmem:s10+$0xFFFFFFE0];
	v1 =	vmul.f32 v1, v2  }
0x16b: {  	v2 =	vmul.f32 v6, v8;
	v6 =	vld [tilespmem:s23+$0xFFFFFFE0]  }
0x16c: {  	[tilespmem:s10+$0x10] =	vst v1;
	v8 =	vld [tilespmem:s10+$0x20]  }
0x16d: {  	[tilespmem:s10+$0xFFFFFF90] =	vst v2;
	v9 =	vld [tilespmem:s23+$0x20];
	v1 =	vmul.f32 v4, v5  }
0x16e: {  	v4 =	vld [tilespmem:s23+$0xFFFFFFA0]  }
0x16f: {  	[tilespmem:s10+$0x60] =	vst v1;
	v10 =	vld [tilespmem:s10+$0x70]  }
0x170: {  	v2 =	vmul.f32 v6, v3;
	v6 =	vld [tilespmem:s23+$0x70]  }
0x171: {  	v1 =	vld [tilespmem:s10+$0xFFFFFFB0]  }
.Ltmp5:
0x172: {  	[tilespmem:s10+$0xFFFFFFE0] =	vst v2;
	v2 =	vld [tilespmem:s10+$0xFFFFFFF0];
	v3 =	vmul.f32 v9, v8;
	(pc) =	sbr.rel @p0 .LBB2_11-.Ltmp5, $4  }
0x173: {  	v5 =	vmul.f32 v4, v7;
	v4 =	vld [tilespmem:s23+$0xFFFFFFF0]  }
0x174: {  	[tilespmem:s10+$0x20] =	vst v3;
	v3 =	vld [tilespmem:s10+$0x30]  }
0x175: {  	[tilespmem:s10+$0xFFFFFFA0] =	vst v5;
	v5 =	vld [tilespmem:s23+$0x30];
	v7 =	vmul.f32 v6, v10  }
0x176: {  	s10 =	sadd.s32 $0x100, s10;
	v6 =	vld [tilespmem:s23+$0xFFFFFFB0]  }
0x177: {  	_ =	sdelay $0x1  }
0x178: {  	v2 =	vmul.f32 v4, v2  }
0x179: {  	[tilespmem:s9+$0x70] =	vst v7;
	v3 =	vmul.f32 v5, v3  }
0x17a: {  	[tilespmem:s9+$0xFFFFFFF0] =	vst v2;
	v1 =	vmul.f32 v6, v1  }
0x17b: {  	[tilespmem:s9+$0x30] =	vst v3  }
0x17c: {  	[tilespmem:s9+$0xFFFFFFB0] =	vst v1  }
0x17d: {  	[spmem:s2] =	stream.indirect.scatter.add.f32 [tilespmem:s28], [sflag:$0x7], $0x40, s31, s15, $0xb8;
	[tilespmem:$0xF140] =	vst v63  }
0x17e: {  	_ =	swait.ge [sflag:s29], $0x1400  }
0x17f: {  	[sflag:s29] =	ssyncset.done $0x0  }
0x180: {  	[sflag:s29] =	ssyncadd.s32 $0xFFFFEC00  }
0x181: {  	s23 =	stileid.u32;
	[bflag:$0x0] =	sbarrier.arrive $0xFFFF  }
0x182: {  	s9 =	sshll.u32 s23, $0x6;
	s23 =	rddreg [dreg:$0x3]  }
0x183: {  	s9 =	sor.u32 $0x1C07, s9;
	s13 =	rddreg [dreg:$0x11];
	s10 =	sshrl.u32 s23, $0x3  }
0x184: {  	[hbm:s13], [sflag:s9] =	dma.local [spmem:s10], $0x1400  }
0x185: {  	_ =	swait.ge [sflag:s29], $0x1400  }
0x186: {  	s24 =	rddreg [dreg:$0x13]  }
0x187: {  	s25 =	rddreg [dreg:$0x12];
	s10 =	sadd.s32 $0x1, s24  }
0x188: {  	p0 =	sne.s32 s10, s25  }
.Ltmp6:
0x189: {  	_ = 	snop;
	(pc) =	sbr.rel @p0 .LBB2_1-.Ltmp6, $3  }
0x18a: {  	_ =	sdelay $0x1  }
0x18b: {  	[sflag:s29] =	ssyncset.done $0x0  }
0x18c: {  	[sflag:s29] =	ssyncadd.s32 $0xFFFFEC00  }
0x18d: {  	_ =	sfence.sel $0x180000  }
0x18e: {  	[bflag:$0x0] =	sbarrier.arrive $0xFFFF  }
0x18f: {  	_ =	strace $0x9000004A  }
0x190: {  	s0 =	stileid.u32;
	[bflag:$0x2] =	sbarrier.arrive $0xFFFF  }
0x191: {  	p0 =	sne.s32 s0, $0x0;
	s0 =	rddreg [dreg:$0x2]  }
0x192: {  	s0 =	sadd.s32 @!p0 $0x100000, s0  }
0x193: {  	[sflag:s0] =	ssyncadd.tile.s32 @!p0 $0x1;
	_ =	shalt  }
.Lfunc_end2:
_tile_overlayer_lowered:
.L_overlay_start_2:
0x194: {  	(tag) =	ssettag $0x2  }
0x195: {  	s0 =	rddreg [dreg:$0x0];
	s2 =	stileid.u32  }
0x196: {  	s1 =	rddreg [dreg:$0x1];
	p0 =	sne.s32 s2, $0x0  }
0x197: {  	s3 =	rddreg [dreg:$0x2];
	[bflag:$0x3] =	sbarrier.arrive $0xFFFF;
	s2 =	simm.s32 @!p0 $0x1C07  }
0x198: {  	[timem:s3], [sflag:s2] =	dma.local @!p0 [hbm:s0], s1  }
0x199: {  	s0 =	simm.s32 @!p0 $0x7  }
0x19a: {  	_ =	swait.ge @!p0 [sflag:s0], s1  }
0x19b: {  	s1 =	ssub.s32 @!p0 $0x0, s1;
	[sflag:s0] =	ssyncset.done @!p0 $0x0  }
0x19c: {  	[sflag:s0] =	ssyncadd.s32 @!p0 s1  }
0x19d: {  	[bflag:$0x3] =	sbarrier.arrive $0xFFFF  }
0x19e: {  	_ =	shalt  }

// kernel: kernel.19.cloned.1.call-start
scs
__scs_entry_jumppad:
0x0: {  	(pc) =	sbr.rel $0x88, $3  }
0x1: {  	(tag) =	ssettag $0x0;
	lr =	simm.s32 $0x1  }
0x2: {  	[smem:$0x3F8B] =	sst lr;
	_ =	strace $0xD0000000  }
0x3: {  	_ = 	snop  }
0x4: {  	_ = 	snop  }
0x5: {  	_ = 	snop  }
0x6: {  	_ = 	snop  }
0x7: {  	_ = 	snop  }
__scs_overlays_trampoline_lowered:
0x8: {  	[smem:$0x3F9A] =	sst s0  }
0x9: {  	[smem:$0x3F9B] =	sst s1  }
0xa: {  	[smem:$0x3F9C] =	sst s2  }
0xb: {  	[smem:$0x3F9D] =	sst s3  }
0xc: {  	[smem:$0x3F9E] =	sst s4  }
0xd: {  	[smem:$0x3F9F] =	sst s5  }
0xe: {  	[smem:$0x3FA0] =	sst s6  }
0xf: {  	[smem:$0x3FA1] =	sst s7  }
0x10: {  	[smem:$0x3FA2] =	sst s8  }
0x11: {  	[smem:$0x3FA3] =	sst s9;
	s0 =	simm.s32 @!p0 $0x0  }
0x12: {  	s1 =	sld [smem:$0x3F89];
	s0 =	simm.s32 @p0 $0x1  }
0x13: {  	[smem:$0x3FA4] =	sst s0;
	s0 =	simm.s32 @!p1 $0x0  }
0x14: {  	s2 =	sld [smem:$0x3F88];
	s0 =	simm.s32 @p1 $0x1  }
0x15: {  	[smem:$0x3FA5] =	sst s0;
	s0 =	simm.s32 @!p2 $0x0  }
0x16: {  	s3 =	sld [smem:$0x3FDB];
	s0 =	simm.s32 @p2 $0x1  }
0x17: {  	s4 =	simm.s32 $0x1BF5;
	[smem:$0x3FA7] =	sst s0  }
0x18: {  	s0 =	sld [smem:$0x3F8A];
	_ =	swait.ge [sflag:s4], $0x0  }
0x19: {  	s7 =	sld [smem:$0x3F8B]  }
0x1a: {  	s8 =	sadd.s32 $0xFFFFE003, lr  }
0x1b: {  	s9 =	sadd.s32 $0xFFFFFEF7, lr;
	s5 =	simm.s32 $0xFFFFFFFF;
	p2 =	slt.u32 s8, $0xFFFFF086  }
0x1c: {  	p1 =	slt.u32 s9, $0xF7A;
	s5 =	simm.s32 @!p2 $0x0  }
0x1d: {  	s5 =	simm.s32 @p1 $0x1;
	p0 =	seq.s32 s7, s2  }
0x1e: {  	s7 =	smul.u32 @!p0 $0xF7A, s2;
	p2 =	seq.s32 @!p0 s5, $0x0  }
0x1f: {  	s9 =	smul.u32 $0xF7A, s1;
	s8 =	simm.s32 @!p0 $0x1BF5;
	p2 =	por !p2, p0  }
0x20: {  	[sflag:s8] =	ssyncset.s32 @!p0 $0xFFFFF086;
	s6 =	sadd.s32 @!p0 s3, s7;
	s7 =	simm.s32 @!p0 $0x108  }
0x21: {  	s3 =	sadd.s32 s3, s9;
	s6 =	sadd.s32 @!p0 $0x88, s6;
	s7 =	simm.s32 @p2 $0x1082  }
0x22: {  	[simem:s7], [sflag:s8] =	dma.local @!p0 [hbm:s6], $0xF7A  }
0x23: {  	s9 =	sor.u32 $0xD0000000, s2;
	s6 =	simm.s32 $0x108;
	_ =	swait.ge @!p0 [sflag:s8], $0x0  }
0x24: {  	s3 =	sadd.s32 $0x88, s3;
	s6 =	simm.s32 @!p1 $0x1082;
	[sflag:s4] =	ssyncset.s32 $0xFFFFF086  }
0x25: {  	[simem:s6], [sflag:s4] =	dma.local [hbm:s3], $0xF7A  }
0x26: {  	[smem:$0x3F8B] =	sst s1;
	(tag) =	ssettag s2;
	_ =	strace s9  }
0x27: {  	s1 =	sld [smem:$0x3F9B]  }
0x28: {  	s2 =	sld [smem:$0x3F9C]  }
0x29: {  	s4 =	sld [smem:$0x3F9E]  }
0x2a: {  	p0 =	seq.s32 s5, $0x0;
	s5 =	sld [smem:$0x3F9F]  }
0x2b: {  	s6 =	sld [smem:$0x3FA0]  }
0x2c: {  	s7 =	sld [smem:$0x3FA1]  }
0x2d: {  	s3 =	simm.s32 $0x108;
	s8 =	sld [smem:$0x3FA2]  }
0x2e: {  	s3 =	simm.s32 @!p0 $0x1082;
	s9 =	sld [smem:$0x3FA3]  }
0x2f: {  	lr =	sadd.s32 s0, s3;
	s0 =	sld [smem:$0x3F9A]  }
0x30: {  	s3 =	sld [smem:$0x3F9D]  }
0x31: {  	[smem:$0x3FA6] =	sst s10  }
0x32: {  	s10 =	sld [smem:$0x3FA4];
	_ =	sdelay $0x3  }
0x33: {  	p0 =	seq.s32 s10, $0x1;
	s10 =	sld [smem:$0x3FA6];
	_ =	sdelay $0x3  }
0x34: {  	[smem:$0x3FA6] =	sst s10  }
0x35: {  	s10 =	sld [smem:$0x3FA5];
	_ =	sdelay $0x3  }
0x36: {  	p1 =	seq.s32 s10, $0x1;
	s10 =	sld [smem:$0x3FA6];
	_ =	sdelay $0x3  }
0x37: {  	[smem:$0x3FA6] =	sst s10  }
0x38: {  	s10 =	sld [smem:$0x3FA7]  }
0x39: {  	_ = 	snop;
	(pc) =	sbr.ind lr, $3  }
0x3a: {  	_ = 	snop  }
0x3b: {  	_ = 	snop  }
0x3c: {  	p2 =	seq.s32 s10, $0x1;
	s10 =	sld [smem:$0x3FA6]  }
0x3d: {  	_ =	shalt  }
0x3e: {  	_ =	shalt  }
0x3f: {  	_ =	shalt  }
0x40: {  	_ =	shalt  }
0x41: {  	_ =	shalt  }
0x42: {  	_ =	shalt  }
0x43: {  	_ =	shalt  }
0x44: {  	_ =	shalt  }
0x45: {  	_ =	shalt  }
0x46: {  	_ =	shalt  }
0x47: {  	_ =	shalt  }
0x48: {  	_ =	shalt  }
0x49: {  	_ =	shalt  }
0x4a: {  	_ =	shalt  }
0x4b: {  	_ =	shalt  }
0x4c: {  	_ =	shalt  }
0x4d: {  	_ =	shalt  }
0x4e: {  	_ =	shalt  }
0x4f: {  	_ =	shalt  }
0x50: {  	_ =	shalt  }
0x51: {  	_ =	shalt  }
0x52: {  	_ =	shalt  }
0x53: {  	_ =	shalt  }
0x54: {  	_ =	shalt  }
0x55: {  	_ =	shalt  }
0x56: {  	_ =	shalt  }
0x57: {  	_ =	shalt  }
0x58: {  	_ =	shalt  }
0x59: {  	_ =	shalt  }
0x5a: {  	_ =	shalt  }
0x5b: {  	_ =	shalt  }
0x5c: {  	_ =	shalt  }
0x5d: {  	_ =	shalt  }
0x5e: {  	_ =	shalt  }
0x5f: {  	_ =	shalt  }
0x60: {  	_ =	shalt  }
0x61: {  	_ =	shalt  }
0x62: {  	_ =	shalt  }
0x63: {  	_ =	shalt  }
0x64: {  	_ =	shalt  }
0x65: {  	_ =	shalt  }
0x66: {  	_ =	shalt  }
0x67: {  	_ =	shalt  }
0x68: {  	_ =	shalt  }
0x69: {  	_ =	shalt  }
0x6a: {  	_ =	shalt  }
0x6b: {  	_ =	shalt  }
0x6c: {  	_ =	shalt  }
0x6d: {  	_ =	shalt  }
0x6e: {  	_ =	shalt  }
0x6f: {  	_ =	shalt  }
0x70: {  	_ =	shalt  }
0x71: {  	_ =	shalt  }
0x72: {  	_ =	shalt  }
0x73: {  	_ =	shalt  }
0x74: {  	_ =	shalt  }
0x75: {  	_ =	shalt  }
0x76: {  	_ =	shalt  }
0x77: {  	_ =	shalt  }
0x78: {  	_ =	shalt  }
0x79: {  	_ =	shalt  }
0x7a: {  	_ =	shalt  }
0x7b: {  	_ =	shalt  }
0x7c: {  	_ =	shalt  }
0x7d: {  	_ =	shalt  }
0x7e: {  	_ =	shalt  }
0x7f: {  	_ =	shalt  }
0x80: {  	_ =	shalt  }
0x81: {  	_ =	shalt  }
0x82: {  	_ =	shalt  }
0x83: {  	_ =	shalt  }
0x84: {  	_ =	shalt  }
0x85: {  	_ =	shalt  }
0x86: {  	_ =	shalt  }
0x87: {  	_ =	shalt  }
.Lfunc_end0:
.L_simem_size_0:
called_computation.2_lowered:
.L_overlay_start_0:
0x88: {  	s2 =	sld [smem:$0x3FD9]  }
0x89: {  	s3 =	sld [smem:$0x3FFE];
	_ =	sdelay $0x1  }
0x8a: {  	s1 =	srdreg.scid  }
0x8b: {  	s0 =	sand.u32 $0x1, s1  }
0x8c: {  	s16 =	sshll.u32 s0, $0xA;
	s2 =	sadd.s32 s3, s2  }
0x8d: {  	s2 =	sadd.s32 s2, s16  }
0x8e: {  	[smem:$0x3FB2] =	sst s2  }
0x8f: {  	_ = 	snop  }
0x90: {  	(tm) =	ssettm $0x1  }
0x91: {  	s17 =	sld [smem:$0x3FFB];
	_ =	sdelay $0x3  }
0x92: {  	_ =	strace s17  }
0x93: {  	s2 =	sld [smem:$0x3FFC];
	_ =	sdelay $0x3  }
0x94: {  	_ =	strace s2  }
0x95: {  	s2 =	sld [smem:$0x3FFD];
	_ =	sdelay $0x3  }
0x96: {  	_ =	strace s2  }
0x97: {  	_ =	strace $0x8FFFFFFF  }
0x98: {  	s18 =	sld [smem:$0x3FDB];
	_ =	sdelay $0x1  }
0x99: {  	s19 =	simm.s32 $_scs_section_size  }
0x9a: {  	s4 =	simm.s32 $_size__tile_overlayer_lowered;
	s5 =	simm.s32 $_tile_overlayer_lowered  }
0x9b: {  	s22 =	simm.s32 $0x1BFF;
	s21 =	sshll.u32 s5, $0x1;
	s2 =	sadd.s32 s19, s18  }
0x9c: {  	s6 =	simm.s32 $0x0;
	s20 =	sshll.u32 s4, $0x1;
	s4 =	sadd.s32 s21, s2  }
0x9d: {  	[timem:s6], [sflag:s22] =	dma.local [hbm:s4], s20  }
0x9e: {  	_ =	swait.ge [sflag:s22], s20  }
0x9f: {  	s3 =	ssub.s32 $0x0, s20;
	[sflag:s22] =	ssyncset.done $0x0  }
0xa0: {  	[sflag:s22] =	ssyncadd.s32 s3;
	_ =	sdelay $0x1  }
0xa1: {  	s23 =	simm.s32 $0x1B8B  }
0xa2: {  	_ =	swait.ge [sflag:s23], $0x1  }
0xa3: {  	[sflag:s23] =	ssyncset.done $0x0  }
0xa4: {  	s25 =	simm.s32 $0x1B8E;
	s24 =	sld [smem:$0x3FFE];
	[sflag:s23] =	ssyncadd.s32 $0xFFFFFFFF  }
0xa5: {  	s26 =	simm.s32 $execute0_lowered;
	[smem:$0x3FD2] =	sst s25  }
0xa6: {  	s4 =	sshll.u32 s26, $0x1;
	_ =	strace $0x8000004C;
	[dreg:$0x1] =	wrdreg $0xFFFFFFFF  }
0xa7: {  	s28 =	simm.s32 $_size_execute0_lowered;
	s2 =	sadd.s32 s2, s4;
	[dreg:$0x0] =	wrdreg $0x0  }
0xa8: {  	s4 =	sshll.u32 s28, $0x1;
	[dreg:$0x2] =	wrdreg s2  }
0xa9: {  	[dreg:$0x3] =	wrdreg s4  }
0xaa: {  	[dreg:$0x4] =	wrdreg $0xC0  }
0xab: {  	_ =	task [dreg:s6], $0x5FFFF  }
0xac: {  	[dreg:$0x1] =	wrdreg $0xFFFFFFFF  }
0xad: {  	[dreg:$0x0] =	wrdreg $0x60  }
0xae: {  	[dreg:$0x2] =	wrdreg s24  }
0xaf: {  	[dreg:$0x3] =	wrdreg $0x0  }
0xb0: {  	[dreg:$0x4] =	wrdreg $0x9  }
0xb1: {  	_ =	task.clear_ibuf [dreg:s6], $0x5FFFF;
	_ =	strace $0x9000004C  }
0xb2: {  	s29 =	simm.s32 $0x9;
	_ =	strace $0x8000004E  }
0xb3: {  	_ =	swait.ge [sflag:s29], $0x1  }
0xb4: {  	[sflag:s29] =	ssyncadd.s32 $0xFFFFFFFF  }
0xb5: {  	_ =	strace $0x9000004E  }
0xb6: {  	_ =	sfence  }
0xb7: {  	s30 =	sld [smem:$0x0];
	_ =	sdelay $0x2  }
0xb8: {  	s31 =	sshll.u32 s1, $0xD;
	s1 =	sshrl.u32 s1, $0x2  }
0xb9: {  	s3 =	sand.u32 $0x4000, s31;
	s1 =	sadd.s32 s1, s30  }
0xba: {  	s0 =	sor.u32 s3, s0;
	s1 =	sshll.u32 s1, $0x11  }
0xbb: {  	s0 =	sor.u32 s1, s0  }
0xbc: {  	s0 =	sadd.s32 $0x8F2B, s0  }
0xbd: {  	[sflag:s0] =	ssyncadd.remote.s32 $0x1  }
0xbe: {  	_ =	sfence.sel $0xFFFF  }
0xbf: {  	[dreg:$0x0] =	wrdreg $0xFFFFFFFF;
	(pc) =	sbr.abs _section_cstart, $3  }
0xc0: {  	[dreg:$0x1] =	wrdreg $0xFFFFFFFF  }
0xc1: {  	_ =	task.clear_ibuf [dreg:s6], $0x2FFFF;
	_ =	strace $0x9FFFFFFF  }
0xc2: {  	(tm) =	ssettm $0x7FFFFFFF  }
0xc3: {  	_ =	shalt  }
tec
execute0_lowered:
.L_overlay_start_1:
0x0: {  	(tag) =	ssettag $0x1  }
0x1: {  	s0 =	rddreg [dreg:$0x0]  }
0x2: {  	s2 =	rddreg [dreg:$0x1];
	s1 =	srdreg.scid  }
0x3: {  	s13 =	stileid.u32;
	s3 =	simm.s32 $0x0;
	s28 =	simm.s32 $0xA0A0  }
0x4: {  	s29 =	simm.s32 $0x7;
	s30 =	simm.s32 $0xA000;
	s9 =	smul.u32 $0xA000, s13  }
0x5: {  	s31 =	simm.s32 $0xA050;
	[smem:$0x7FF] =	sst s3;
	s10 =	smul.u32 $0x28000, s13  }
0x6: {  	s1 =	sand.u32 $0x1, s1;
	s5 =	sadd.s32 $0xEF9E00, s0;
	s18 =	smul.u32 $0x138800, s13  }
0x7: {  	s4 =	sadd.s32 $0x5200, s0;
	s6 =	smul.u32 $0xA0000, s1;
	_ =	strace $0x8000004D  }
0x8: {  	s24 =	ssub.s32 $0x2, s1;
	s12 =	sshll.u32 s1, $0x4;
	s10 =	sshrl.u32 s10, $0x2  }
0x9: {  	s11 =	sshrl.u32 s24, $0x1;
	s23 =	sadd.s32 s9, s2;
	s10 =	sadd.s32 s10, s2  }
0xa: {  	s25 =	sor.u32 s13, s12;
	[dreg:$0x3] =	wrdreg s23;
	s26 =	sadd.s32 $0x1400, s10  }
0xb: {  	s7 =	sadd.s32 s9, s6;
	s12 =	sadd.s32 $0x2800, s10;
	[dreg:$0x4] =	wrdreg s26  }
0xc: {  	s6 =	sadd.s32 $0xA0E000, s0;
	s14 =	sadd.s32 $0x3C00, s10;
	[dreg:$0x5] =	wrdreg s12  }
0xd: {  	s11 =	ssub.s32 s24, s11;
	s15 =	sadd.s32 $0x5000, s10;
	[dreg:$0x6] =	wrdreg s14  }
0xe: {  	s8 =	sshrl.u32 s7, $0x3;
	s16 =	sadd.s32 $0x6400, s10;
	[dreg:$0x7] =	wrdreg s15  }
0xf: {  	s7 =	sadd.s32 $0xA04200, s0;
	s17 =	sadd.s32 $0x7800, s10;
	[dreg:$0x8] =	wrdreg s16  }
0x10: {  	s10 =	sadd.s32 $0x8C00, s10;
	s0 =	sadd.s32 s8, s0;
	[dreg:$0x9] =	wrdreg s17  }
0x11: {  	s8 =	smul.u32 $0x2710, s25;
	[dreg:$0xa] =	wrdreg s10;
	s17 =	sshll.u32 s1, $0x6  }
0x12: {  	s26 =	smax.u32 s11, $0x1;
	s11 =	simm.s32 $0xC8A0;
	s12 =	simm.s32 $0xC8F0  }
0x13: {  	s14 =	simm.s32 $0x1;
	s15 =	simm.s32 $0x50;
	s16 =	simm.s32 $0x4  }
0x14: {  	s22 =	sor.u32 s17, s18;
	s0 =	sadd.s32 $0x18C00, s0;
	[dreg:$0x12] =	wrdreg s26  }
0x15: {  	s26 =	smul.u32 $0x2710, s13;
	s18 =	simm.s32 $0xC940;
	s19 =	sshrl.u32 s8, $0x3  }
0x16: {  	s9 =	sshrl.u32 s22, $0x3;
	s1 =	sadd.s32 $0x2800, s22;
	[dreg:$0x11] =	wrdreg s0  }
0x17: {  	s0 =	simm.s32 $0x40;
	s22 =	simm.s32 $0x6;
	s20 =	sadd.s32 s6, s19  }
0x18: {  	s21 =	sadd.s32 s7, s19;
	s10 =	sadd.s32 $0xA, s19;
	[dreg:$0xb] =	wrdreg s20  }
0x19: {  	s9 =	sadd.s32 s5, s9;
	s1 =	sshrl.u32 s1, $0x3;
	[dreg:$0xc] =	wrdreg s21  }
0x1a: {  	s19 =	simm.s32 $0x2;
	[dreg:$0xd] =	wrdreg s9;
	s24 =	sadd.s32 s6, s10  }
0x1b: {  	s25 =	sadd.s32 s7, s10;
	s1 =	sadd.s32 s5, s1;
	[dreg:$0xe] =	wrdreg s24  }
0x1c: {  	s20 =	simm.s32 $0x3;
	s21 =	simm.s32 $0x5;
	[dreg:$0xf] =	wrdreg s25  }
0x1d: {  	v0 =	vimm.f32 $0.0e+00;
	s10 =	simm.s32 $0x0;
	[dreg:$0x10] =	wrdreg s1;
	s1 =	simm.s32 $0x80  }
.LBB2_1:
0x1e: {  	[dreg:$0x13] =	wrdreg s10;
	s9 =	simm.s32 $0xA120  }
0x1f: {  	[tilespmem:s9+$0xFFFFFF80] =	vst v0  }
0x20: {  	[tilespmem:s9+$0x70] =	vst v0  }
0x21: {  	[tilespmem:s9+$0x60] =	vst v0  }
0x22: {  	[tilespmem:s9+$0x50] =	vst v0  }
0x23: {  	[tilespmem:s9+$0x40] =	vst v0  }
0x24: {  	[tilespmem:s9+$0x30] =	vst v0  }
0x25: {  	[tilespmem:s9+$0x20] =	vst v0  }
0x26: {  	[tilespmem:s9+$0x10] =	vst v0  }
0x27: {  	[tilespmem:s9+$0x0] =	vst v0  }
0x28: {  	[tilespmem:s9+$0xFFFFFFF0] =	vst v0  }
0x29: {  	[tilespmem:s9+$0xFFFFFFE0] =	vst v0  }
0x2a: {  	[tilespmem:s9+$0xFFFFFFD0] =	vst v0  }
0x2b: {  	[tilespmem:s9+$0xFFFFFFC0] =	vst v0  }
0x2c: {  	[tilespmem:s9+$0xFFFFFFB0] =	vst v0  }
0x2d: {  	s10 =	simm.s32 $0x0;
	[tilespmem:s9+$0xFFFFFFA0] =	vst v0  }
.LBB2_2:
0x2e: {  	s10 =	sadd.s32 $0x4, s10;
	[tilespmem:s9+$0xFFFFFF90] =	vst v0;
	s9 =	sadd.s32 $0x100, s9  }
0x2f: {  	[tilespmem:s9+$0xFFFFFF80] =	vst v0;
	p0 =	slt.u32 s10, $0x4C  }
0x30: {  	[tilespmem:s9+$0x70] =	vst v0  }
0x31: {  	[tilespmem:s9+$0x60] =	vst v0  }
0x32: {  	[tilespmem:s9+$0x50] =	vst v0  }
0x33: {  	[tilespmem:s9+$0x40] =	vst v0  }
0x34: {  	[tilespmem:s9+$0x30] =	vst v0  }
0x35: {  	[tilespmem:s9+$0x20] =	vst v0  }
0x36: {  	[tilespmem:s9+$0x10] =	vst v0  }
0x37: {  	[tilespmem:s9+$0x0] =	vst v0  }
0x38: {  	[tilespmem:s9+$0xFFFFFFF0] =	vst v0  }
.Ltmp0:
0x39: {  	[tilespmem:s9+$0xFFFFFFE0] =	vst v0;
	(pc) =	sbr.rel @p0 .LBB2_2-.Ltmp0, $4  }
0x3a: {  	[tilespmem:s9+$0xFFFFFFD0] =	vst v0  }
0x3b: {  	[tilespmem:s9+$0xFFFFFFC0] =	vst v0  }
0x3c: {  	[tilespmem:s9+$0xFFFFFFB0] =	vst v0  }
0x3d: {  	[tilespmem:s9+$0xFFFFFFA0] =	vst v0  }
0x3e: {  	[tilespmem:s9+$0xFFFFFF90] =	vst v0  }
0x3f: {  	[spmem:s23] =	stream.linear.scatter [tilespmem:s28], [sflag:$0x7], $0x1400, $0x38;
	[tilespmem:$0xF140] =	vst v63  }
0x40: {  	_ =	swait.ge [sflag:s29], $0x1400  }
0x41: {  	[sflag:s29] =	ssyncset.done $0x0  }
0x42: {  	s25 =	rddreg [dreg:$0x4];
	[sflag:s29] =	ssyncadd.s32 $0xFFFFEC00  }
0x43: {  	[spmem:s25] =	stream.linear.scatter [tilespmem:s28], [sflag:$0x7], $0x1400, $0x38;
	[tilespmem:$0xF140] =	vst v63  }
0x44: {  	_ =	swait.ge [sflag:s29], $0x1400  }
0x45: {  	[sflag:s29] =	ssyncset.done $0x0  }
0x46: {  	s10 =	rddreg [dreg:$0x5];
	[sflag:s29] =	ssyncadd.s32 $0xFFFFEC00  }
0x47: {  	[spmem:s10] =	stream.linear.scatter [tilespmem:s28], [sflag:$0x7], $0x1400, $0x38;
	[tilespmem:$0xF140] =	vst v63  }
0x48: {  	_ =	swait.ge [sflag:s29], $0x1400  }
0x49: {  	[sflag:s29] =	ssyncset.done $0x0  }
0x4a: {  	s13 =	rddreg [dreg:$0x6];
	[sflag:s29] =	ssyncadd.s32 $0xFFFFEC00  }
0x4b: {  	[spmem:s13] =	stream.linear.scatter [tilespmem:s28], [sflag:$0x7], $0x1400, $0x38;
	[tilespmem:$0xF140] =	vst v63  }
0x4c: {  	_ =	swait.ge [sflag:s29], $0x1400  }
0x4d: {  	[sflag:s29] =	ssyncset.done $0x0  }
0x4e: {  	s23 =	rddreg [dreg:$0x7];
	[sflag:s29] =	ssyncadd.s32 $0xFFFFEC00  }
0x4f: {  	[spmem:s23] =	stream.linear.scatter [tilespmem:s28], [sflag:$0x7], $0x1400, $0x38;
	[tilespmem:$0xF140] =	vst v63  }
0x50: {  	_ =	swait.ge [sflag:s29], $0x1400  }
0x51: {  	[sflag:s29] =	ssyncset.done $0x0  }
0x52: {  	s24 =	rddreg [dreg:$0x8];
	[sflag:s29] =	ssyncadd.s32 $0xFFFFEC00  }
0x53: {  	[spmem:s24] =	stream.linear.scatter [tilespmem:s28], [sflag:$0x7], $0x1400, $0x38;
	[tilespmem:$0xF140] =	vst v63  }
0x54: {  	_ =	swait.ge [sflag:s29], $0x1400  }
0x55: {  	[sflag:s29] =	ssyncset.done $0x0  }
0x56: {  	s25 =	rddreg [dreg:$0x9];
	[sflag:s29] =	ssyncadd.s32 $0xFFFFEC00  }
0x57: {  	[spmem:s25] =	stream.linear.scatter [tilespmem:s28], [sflag:$0x7], $0x1400, $0x38;
	[tilespmem:$0xF140] =	vst v63  }
0x58: {  	_ =	swait.ge [sflag:s29], $0x1400  }
0x59: {  	[sflag:s29] =	ssyncset.done $0x0  }
0x5a: {  	s10 =	rddreg [dreg:$0xa];
	[sflag:s29] =	ssyncadd.s32 $0xFFFFEC00  }
0x5b: {  	[spmem:s10] =	stream.linear.scatter [tilespmem:s28], [sflag:$0x7], $0x1400, $0x38;
	[tilespmem:$0xF140] =	vst v63  }
0x5c: {  	_ =	swait.ge [sflag:s29], $0x1400  }
0x5d: {  	[sflag:s29] =	ssyncset.done $0x0  }
0x5e: {  	[sflag:s29] =	ssyncadd.s32 $0xFFFFEC00  }
0x5f: {  	[bflag:$0x0] =	sbarrier.arrive $0xFFFF  }
0x60: {  	s24 =	simm.s32 $0x0;
	s13 =	rddreg [dreg:$0xb]  }
0x61: {  	[tilespmem:s30], [sflag:$0x1] =	stream.linear.gather [hbm4b:s13+s24], $0x50, $0x38;
	[tilespmem:$0xF140] =	vst v63  }
0x62: {  	s23 =	rddreg [dreg:$0xc]  }
0x63: {  	[tilespmem:s31], [sflag:$0x1] =	stream.linear.gather [hbm4b:s23+s24], $0x50, $0x38;
	[tilespmem:$0xF140] =	vst v63  }
0x64: {  	s10 =	simm.s32 $0xB4A0;
	s25 =	rddreg [dreg:$0xd]  }
0x65: {  	[tilespmem:s10], [sflag:$0x2] =	stream.strided.gather [hbm4b:s25+s0], $0x1400, s1, s0, $0x38;
	[tilespmem:$0xF140] =	vst v63  }
0x66: {  	s10 =	rddreg [dreg:$0xe]  }
0x67: {  	[tilespmem:s11], [sflag:$0x4] =	stream.linear.gather [hbm4b:s10+s24], $0x50, $0x38;
	[tilespmem:$0xF140] =	vst v63  }
0x68: {  	s13 =	rddreg [dreg:$0xf]  }
0x69: {  	[tilespmem:s12], [sflag:$0x4] =	stream.linear.gather [hbm4b:s13+s24], $0x50, $0x38;
	[tilespmem:$0xF140] =	vst v63  }
0x6a: {  	s23 =	rddreg [dreg:$0x10];
	s25 =	simm.s32 $0xDD40  }
0x6b: {  	[tilespmem:s25], [sflag:$0x5] =	stream.strided.gather [hbm4b:s23+s0], $0x1400, s1, s0, $0x38;
	[tilespmem:$0xF140] =	vst v63  }
0x6c: {  	_ =	swait.ge [sflag:s14], $0x50  }
0x6d: {  	[sflag:s14] =	ssyncset.done $0x0  }
0x6e: {  	[sflag:s14] =	ssyncadd.s32 $0xFFFFFFB0  }
0x6f: {  	_ =	swait.ge [sflag:s14], $0x50  }
0x70: {  	[sflag:s14] =	ssyncset.done $0x0  }
0x71: {  	[sflag:s14] =	ssyncadd.s32 $0xFFFFFFB0  }
0x72: {  	[tilespmem:s28], [sflag:$0x3] =	stream.indirect.gather [hbm4b:s4+s15], $0x40, s30, s15, $0xb8;
	[tilespmem:$0xF140] =	vst v63  }
.LBB2_4:
0x73: {  	_ =	swait.ge [sflag:s16], $0x50  }
0x74: {  	[sflag:s16] =	ssyncset.done $0x0  }
0x75: {  	[sflag:s16] =	ssyncadd.s32 $0xFFFFFFB0  }
0x76: {  	_ =	swait.ge [sflag:s16], $0x50  }
0x77: {  	[sflag:s16] =	ssyncset.done $0x0  }
0x78: {  	[sflag:s16] =	ssyncadd.s32 $0xFFFFFFB0  }
0x79: {  	[tilespmem:s18], [sflag:$0x6] =	stream.indirect.gather [hbm4b:s4+s15], $0x40, s11, s15, $0xb8;
	[tilespmem:$0xF140] =	vst v63  }
0x7a: {  	_ =	swait.ge [sflag:s19], $0x1400  }
0x7b: {  	[sflag:s19] =	ssyncset.done $0x0  }
0x7c: {  	[sflag:s19] =	ssyncadd.s32 $0xFFFFEC00  }
0x7d: {  	_ =	swait.ge [sflag:s20], $0x1400  }
0x7e: {  	[sflag:s20] =	ssyncset.done $0x0  }
0x7f: {  	s25 =	simm.s32 $0xA120;
	[sflag:s20] =	ssyncadd.s32 $0xFFFFEC00  }
0x80: {  	s9 =	simm.s32 $0xB520;
	v1 =	vld [tilespmem:s25+$0x40]  }
0x81: {  	v2 =	vld [tilespmem:s9+$0x40]  }
0x82: {  	v3 =	vld [tilespmem:s25+$0xFFFFFFC0]  }
0x83: {  	v4 =	vld [tilespmem:s9+$0xFFFFFFC0]  }
0x84: {  	v5 =	vld [tilespmem:s25+$0x0]  }
0x85: {  	v6 =	vld [tilespmem:s9+$0x0]  }
0x86: {  	v7 =	vld [tilespmem:s25+$0xFFFFFF80];
	v1 =	vmul.f32 v2, v1  }
0x87: {  	v2 =	vld [tilespmem:s9+$0xFFFFFF80]  }
0x88: {  	[tilespmem:s25+$0x40] =	vst v1;
	v1 =	vld [tilespmem:s25+$0x50]  }
0x89: {  	v3 =	vmul.f32 v4, v3;
	v4 =	vld [tilespmem:s9+$0x50]  }
0x8a: {  	v8 =	vld [tilespmem:s25+$0xFFFFFF90]  }
0x8b: {  	[tilespmem:s25+$0xFFFFFFC0] =	vst v3;
	v3 =	vmul.f32 v6, v5;
	v5 =	vld [tilespmem:s25+$0xFFFFFFD0]  }
0x8c: {  	v6 =	vld [tilespmem:s9+$0xFFFFFFD0];
	v2 =	vmul.f32 v2, v7  }
0x8d: {  	[tilespmem:s25+$0x0] =	vst v3;
	v3 =	vld [tilespmem:s25+$0x10]  }
0x8e: {  	v7 =	vld [tilespmem:s9+$0x10];
	[tilespmem:s25+$0xFFFFFF80] =	vst v2;
	v1 =	vmul.f32 v4, v1  }
0x8f: {  	v2 =	vld [tilespmem:s9+$0xFFFFFF90]  }
0x90: {  	[tilespmem:s25+$0x50] =	vst v1;
	v1 =	vld [tilespmem:s25+$0x60]  }
0x91: {  	v4 =	vmul.f32 v6, v5;
	v5 =	vld [tilespmem:s9+$0x60]  }
0x92: {  	v6 =	vld [tilespmem:s25+$0xFFFFFFA0]  }
0x93: {  	[tilespmem:s25+$0xFFFFFFD0] =	vst v4;
	v3 =	vmul.f32 v7, v3;
	v4 =	vld [tilespmem:s25+$0xFFFFFFE0]  }
0x94: {  	v7 =	vld [tilespmem:s9+$0xFFFFFFE0];
	v2 =	vmul.f32 v2, v8  }
0x95: {  	[tilespmem:s25+$0x10] =	vst v3;
	v3 =	vld [tilespmem:s25+$0x20]  }
0x96: {  	v8 =	vld [tilespmem:s9+$0x20];
	[tilespmem:s25+$0xFFFFFF90] =	vst v2;
	v1 =	vmul.f32 v5, v1  }
0x97: {  	v5 =	vld [tilespmem:s9+$0xFFFFFFA0]  }
0x98: {  	v9 =	vld [tilespmem:s25+$0x70];
	[tilespmem:s25+$0x60] =	vst v1  }
0x99: {  	v2 =	vmul.f32 v7, v4;
	v7 =	vld [tilespmem:s9+$0x70]  }
0x9a: {  	v1 =	vld [tilespmem:s25+$0xFFFFFFB0]  }
0x9b: {  	[tilespmem:s25+$0xFFFFFFE0] =	vst v2;
	v3 =	vmul.f32 v8, v3;
	v2 =	vld [tilespmem:s25+$0xFFFFFFF0]  }
0x9c: {  	v4 =	vld [tilespmem:s9+$0xFFFFFFF0];
	v5 =	vmul.f32 v5, v6  }
0x9d: {  	[tilespmem:s25+$0x20] =	vst v3;
	v3 =	vld [tilespmem:s25+$0x30]  }
0x9e: {  	[tilespmem:s25+$0xFFFFFFA0] =	vst v5;
	v5 =	vld [tilespmem:s9+$0x30];
	v7 =	vmul.f32 v7, v9  }
0x9f: {  	s23 =	simm.s32 $0x0;
	s13 =	simm.s32 $0xA220;
	v6 =	vld [tilespmem:s9+$0xFFFFFFB0]  }
.LBB2_5:
0xa0: {  	v8 =	vld [tilespmem:s13+$0x40];
	[tilespmem:s25+$0x70] =	vst v7;
	s9 =	sadd.s32 $0x100, s9  }
0xa1: {  	s23 =	sadd.s32 $0x4, s23;
	v7 =	vld [tilespmem:s9+$0x40];
	v2 =	vmul.f32 v4, v2  }
0xa2: {  	p0 =	slt.u32 s23, $0x4C;
	v4 =	vld [tilespmem:s9+$0xFFFFFF80]  }
0xa3: {  	v9 =	vld [tilespmem:s13+$0xFFFFFFC0];
	[tilespmem:s25+$0xFFFFFFF0] =	vst v2;
	v2 =	vmul.f32 v5, v3  }
0xa4: {  	v3 =	vld [tilespmem:s9+$0xFFFFFFC0];
	v1 =	vmul.f32 v6, v1  }
0xa5: {  	v5 =	vld [tilespmem:s13+$0x0];
	[tilespmem:s25+$0x30] =	vst v2  }
0xa6: {  	v2 =	vld [tilespmem:s9+$0x0];
	v6 =	vmul.f32 v7, v8;
	[tilespmem:s25+$0xFFFFFFB0] =	vst v1;
	s25 =	smov.u32 s13  }
0xa7: {  	v1 =	vld [tilespmem:s13+$0xFFFFFF80]  }
0xa8: {  	[tilespmem:s13+$0x40] =	vst v6;
	v6 =	vld [tilespmem:s13+$0x50]  }
0xa9: {  	v3 =	vmul.f32 v3, v9;
	v7 =	vld [tilespmem:s9+$0x50]  }
0xaa: {  	v8 =	vld [tilespmem:s13+$0xFFFFFF90]  }
0xab: {  	[tilespmem:s13+$0xFFFFFFC0] =	vst v3;
	v3 =	vld [tilespmem:s13+$0xFFFFFFD0];
	v2 =	vmul.f32 v2, v5  }
0xac: {  	v1 =	vmul.f32 v4, v1;
	v4 =	vld [tilespmem:s9+$0xFFFFFFD0]  }
0xad: {  	[tilespmem:s13+$0x0] =	vst v2;
	v2 =	vld [tilespmem:s13+$0x10]  }
0xae: {  	[tilespmem:s13+$0xFFFFFF80] =	vst v1;
	v1 =	vld [tilespmem:s9+$0x10];
	v5 =	vmul.f32 v7, v6  }
0xaf: {  	v6 =	vld [tilespmem:s9+$0xFFFFFF90]  }
0xb0: {  	[tilespmem:s13+$0x50] =	vst v5;
	v5 =	vld [tilespmem:s13+$0x60]  }
0xb1: {  	v3 =	vmul.f32 v4, v3;
	v4 =	vld [tilespmem:s9+$0x60]  }
0xb2: {  	v7 =	vld [tilespmem:s13+$0xFFFFFFA0]  }
0xb3: {  	[tilespmem:s13+$0xFFFFFFD0] =	vst v3;
	v3 =	vld [tilespmem:s13+$0xFFFFFFE0];
	v1 =	vmul.f32 v1, v2  }
0xb4: {  	v2 =	vmul.f32 v6, v8;
	v6 =	vld [tilespmem:s9+$0xFFFFFFE0]  }
0xb5: {  	[tilespmem:s13+$0x10] =	vst v1;
	v8 =	vld [tilespmem:s13+$0x20]  }
0xb6: {  	[tilespmem:s13+$0xFFFFFF90] =	vst v2;
	v9 =	vld [tilespmem:s9+$0x20];
	v1 =	vmul.f32 v4, v5  }
0xb7: {  	v4 =	vld [tilespmem:s9+$0xFFFFFFA0]  }
0xb8: {  	[tilespmem:s13+$0x60] =	vst v1;
	v10 =	vld [tilespmem:s13+$0x70]  }
0xb9: {  	v2 =	vmul.f32 v6, v3;
	v6 =	vld [tilespmem:s9+$0x70]  }
0xba: {  	v1 =	vld [tilespmem:s13+$0xFFFFFFB0]  }
.Ltmp1:
0xbb: {  	[tilespmem:s13+$0xFFFFFFE0] =	vst v2;
	v2 =	vld [tilespmem:s13+$0xFFFFFFF0];
	v3 =	vmul.f32 v9, v8;
	(pc) =	sbr.rel @p0 .LBB2_5-.Ltmp1, $4  }
0xbc: {  	v5 =	vmul.f32 v4, v7;
	v4 =	vld [tilespmem:s9+$0xFFFFFFF0]  }
0xbd: {  	[tilespmem:s13+$0x20] =	vst v3;
	v3 =	vld [tilespmem:s13+$0x30]  }
0xbe: {  	[tilespmem:s13+$0xFFFFFFA0] =	vst v5;
	v5 =	vld [tilespmem:s9+$0x30];
	v7 =	vmul.f32 v6, v10  }
0xbf: {  	s13 =	sadd.s32 $0x100, s13;
	v6 =	vld [tilespmem:s9+$0xFFFFFFB0]  }
0xc0: {  	_ =	sdelay $0x1  }
0xc1: {  	v2 =	vmul.f32 v4, v2  }
0xc2: {  	[tilespmem:s25+$0x70] =	vst v7;
	v3 =	vmul.f32 v5, v3  }
0xc3: {  	[tilespmem:s25+$0xFFFFFFF0] =	vst v2;
	v1 =	vmul.f32 v6, v1  }
0xc4: {  	[tilespmem:s25+$0x30] =	vst v3  }
0xc5: {  	[tilespmem:s25+$0xFFFFFFB0] =	vst v1;
	s25 =	smul.u32 $0xA0, s24  }
0xc6: {  	[spmem:s2] =	stream.indirect.scatter.add.f32 [tilespmem:s28], [sflag:$0x7], $0x40, s31, s15, $0xb8;
	[tilespmem:$0xF140] =	vst v63  }
0xc7: {  	s9 =	sadd.s32 $0xA0, s25  }
0xc8: {  	_ =	swait.ge [sflag:s29], $0x1400;
	s10 =	sadd.s32 s8, s9;
	s9 =	sadd.s32 s26, s9  }
0xc9: {  	[sflag:s29] =	ssyncset.done $0x0;
	s10 =	sshrl.u32 s10, $0x3;
	s9 =	sshll.u32 s9, $0x7  }
0xca: {  	[sflag:s29] =	ssyncadd.s32 $0xFFFFEC00;
	s13 =	sadd.s32 s6, s10;
	s9 =	sor.u32 s17, s9  }
0xcb: {  	[tilespmem:s30], [sflag:$0x1] =	stream.linear.gather [hbm4b:s13+s3], $0x50, $0x38;
	[tilespmem:$0xF140] =	vst v63  }
0xcc: {  	s10 =	sadd.s32 s7, s10;
	s9 =	sshrl.u32 s9, $0x3  }
0xcd: {  	[tilespmem:s31], [sflag:$0x1] =	stream.linear.gather [hbm4b:s10+s3], $0x50, $0x38;
	[tilespmem:$0xF140] =	vst v63  }
0xce: {  	s23 =	simm.s32 $0xB4A0;
	s9 =	sadd.s32 s5, s9  }
0xcf: {  	[tilespmem:s23], [sflag:$0x2] =	stream.strided.gather [hbm4b:s9+s0], $0x1400, s1, s0, $0x38;
	[tilespmem:$0xF140] =	vst v63  }
0xd0: {  	_ =	swait.ge [sflag:s14], $0x50  }
0xd1: {  	[sflag:s14] =	ssyncset.done $0x0  }
0xd2: {  	[sflag:s14] =	ssyncadd.s32 $0xFFFFFFB0  }
0xd3: {  	_ =	swait.ge [sflag:s14], $0x50  }
0xd4: {  	[sflag:s14] =	ssyncset.done $0x0  }
0xd5: {  	[sflag:s14] =	ssyncadd.s32 $0xFFFFFFB0  }
0xd6: {  	[tilespmem:s28], [sflag:$0x3] =	stream.indirect.gather [hbm4b:s4+s15], $0x40, s30, s15, $0xb8;
	[tilespmem:$0xF140] =	vst v63  }
0xd7: {  	_ =	swait.ge [sflag:s21], $0x1400  }
0xd8: {  	[sflag:s21] =	ssyncset.done $0x0  }
0xd9: {  	[sflag:s21] =	ssyncadd.s32 $0xFFFFEC00  }
0xda: {  	_ =	swait.ge [sflag:s22], $0x1400  }
0xdb: {  	[sflag:s22] =	ssyncset.done $0x0  }
0xdc: {  	s9 =	simm.s32 $0xC9C0;
	[sflag:s22] =	ssyncadd.s32 $0xFFFFEC00  }
0xdd: {  	s23 =	simm.s32 $0xDDC0;
	v1 =	vld [tilespmem:s9+$0x40]  }
0xde: {  	v2 =	vld [tilespmem:s23+$0x40]  }
0xdf: {  	v3 =	vld [tilespmem:s9+$0xFFFFFFC0]  }
0xe0: {  	v4 =	vld [tilespmem:s23+$0xFFFFFFC0]  }
0xe1: {  	v5 =	vld [tilespmem:s9+$0x0]  }
0xe2: {  	v6 =	vld [tilespmem:s23+$0x0]  }
0xe3: {  	v7 =	vld [tilespmem:s9+$0xFFFFFF80];
	v1 =	vmul.f32 v2, v1  }
0xe4: {  	v2 =	vld [tilespmem:s23+$0xFFFFFF80]  }
0xe5: {  	[tilespmem:s9+$0x40] =	vst v1;
	v1 =	vld [tilespmem:s9+$0x50]  }
0xe6: {  	v3 =	vmul.f32 v4, v3;
	v4 =	vld [tilespmem:s23+$0x50]  }
0xe7: {  	v8 =	vld [tilespmem:s9+$0xFFFFFF90]  }
0xe8: {  	[tilespmem:s9+$0xFFFFFFC0] =	vst v3;
	v3 =	vmul.f32 v6, v5;
	v5 =	vld [tilespmem:s9+$0xFFFFFFD0]  }
0xe9: {  	v6 =	vld [tilespmem:s23+$0xFFFFFFD0];
	v2 =	vmul.f32 v2, v7  }
0xea: {  	[tilespmem:s9+$0x0] =	vst v3;
	v3 =	vld [tilespmem:s9+$0x10]  }
0xeb: {  	v7 =	vld [tilespmem:s23+$0x10];
	[tilespmem:s9+$0xFFFFFF80] =	vst v2;
	v1 =	vmul.f32 v4, v1  }
0xec: {  	v2 =	vld [tilespmem:s23+$0xFFFFFF90]  }
0xed: {  	[tilespmem:s9+$0x50] =	vst v1;
	v1 =	vld [tilespmem:s9+$0x60]  }
0xee: {  	v4 =	vmul.f32 v6, v5;
	v5 =	vld [tilespmem:s23+$0x60]  }
0xef: {  	v6 =	vld [tilespmem:s9+$0xFFFFFFA0]  }
0xf0: {  	[tilespmem:s9+$0xFFFFFFD0] =	vst v4;
	v3 =	vmul.f32 v7, v3;
	v4 =	vld [tilespmem:s9+$0xFFFFFFE0]  }
0xf1: {  	v7 =	vld [tilespmem:s23+$0xFFFFFFE0];
	v2 =	vmul.f32 v2, v8  }
0xf2: {  	[tilespmem:s9+$0x10] =	vst v3;
	v3 =	vld [tilespmem:s9+$0x20]  }
0xf3: {  	v8 =	vld [tilespmem:s23+$0x20];
	[tilespmem:s9+$0xFFFFFF90] =	vst v2;
	v1 =	vmul.f32 v5, v1  }
0xf4: {  	v5 =	vld [tilespmem:s23+$0xFFFFFFA0]  }
0xf5: {  	v9 =	vld [tilespmem:s9+$0x70];
	[tilespmem:s9+$0x60] =	vst v1  }
0xf6: {  	v2 =	vmul.f32 v7, v4;
	v7 =	vld [tilespmem:s23+$0x70]  }
0xf7: {  	v1 =	vld [tilespmem:s9+$0xFFFFFFB0]  }
0xf8: {  	[tilespmem:s9+$0xFFFFFFE0] =	vst v2;
	v3 =	vmul.f32 v8, v3;
	v2 =	vld [tilespmem:s9+$0xFFFFFFF0]  }
0xf9: {  	v4 =	vld [tilespmem:s23+$0xFFFFFFF0];
	v5 =	vmul.f32 v5, v6  }
0xfa: {  	[tilespmem:s9+$0x20] =	vst v3;
	v3 =	vld [tilespmem:s9+$0x30]  }
0xfb: {  	[tilespmem:s9+$0xFFFFFFA0] =	vst v5;
	v5 =	vld [tilespmem:s23+$0x30];
	v7 =	vmul.f32 v7, v9  }
0xfc: {  	s13 =	simm.s32 $0x0;
	s10 =	simm.s32 $0xCAC0;
	v6 =	vld [tilespmem:s23+$0xFFFFFFB0]  }
.LBB2_7:
0xfd: {  	v8 =	vld [tilespmem:s10+$0x40];
	[tilespmem:s9+$0x70] =	vst v7;
	s23 =	sadd.s32 $0x100, s23  }
0xfe: {  	s13 =	sadd.s32 $0x4, s13;
	v7 =	vld [tilespmem:s23+$0x40];
	v2 =	vmul.f32 v4, v2  }
0xff: {  	p0 =	slt.u32 s13, $0x4C;
	v4 =	vld [tilespmem:s23+$0xFFFFFF80]  }
0x100: {  	v9 =	vld [tilespmem:s10+$0xFFFFFFC0];
	[tilespmem:s9+$0xFFFFFFF0] =	vst v2;
	v2 =	vmul.f32 v5, v3  }
0x101: {  	v3 =	vld [tilespmem:s23+$0xFFFFFFC0];
	v1 =	vmul.f32 v6, v1  }
0x102: {  	v5 =	vld [tilespmem:s10+$0x0];
	[tilespmem:s9+$0x30] =	vst v2  }
0x103: {  	v2 =	vld [tilespmem:s23+$0x0];
	v6 =	vmul.f32 v7, v8;
	[tilespmem:s9+$0xFFFFFFB0] =	vst v1;
	s9 =	smov.u32 s10  }
0x104: {  	v1 =	vld [tilespmem:s10+$0xFFFFFF80]  }
0x105: {  	[tilespmem:s10+$0x40] =	vst v6;
	v6 =	vld [tilespmem:s10+$0x50]  }
0x106: {  	v3 =	vmul.f32 v3, v9;
	v7 =	vld [tilespmem:s23+$0x50]  }
0x107: {  	v8 =	vld [tilespmem:s10+$0xFFFFFF90]  }
0x108: {  	[tilespmem:s10+$0xFFFFFFC0] =	vst v3;
	v3 =	vld [tilespmem:s10+$0xFFFFFFD0];
	v2 =	vmul.f32 v2, v5  }
0x109: {  	v1 =	vmul.f32 v4, v1;
	v4 =	vld [tilespmem:s23+$0xFFFFFFD0]  }
0x10a: {  	[tilespmem:s10+$0x0] =	vst v2;
	v2 =	vld [tilespmem:s10+$0x10]  }
0x10b: {  	[tilespmem:s10+$0xFFFFFF80] =	vst v1;
	v1 =	vld [tilespmem:s23+$0x10];
	v5 =	vmul.f32 v7, v6  }
0x10c: {  	v6 =	vld [tilespmem:s23+$0xFFFFFF90]  }
0x10d: {  	[tilespmem:s10+$0x50] =	vst v5;
	v5 =	vld [tilespmem:s10+$0x60]  }
0x10e: {  	v3 =	vmul.f32 v4, v3;
	v4 =	vld [tilespmem:s23+$0x60]  }
0x10f: {  	v7 =	vld [tilespmem:s10+$0xFFFFFFA0]  }
0x110: {  	[tilespmem:s10+$0xFFFFFFD0] =	vst v3;
	v3 =	vld [tilespmem:s10+$0xFFFFFFE0];
	v1 =	vmul.f32 v1, v2  }
0x111: {  	v2 =	vmul.f32 v6, v8;
	v6 =	vld [tilespmem:s23+$0xFFFFFFE0]  }
0x112: {  	[tilespmem:s10+$0x10] =	vst v1;
	v8 =	vld [tilespmem:s10+$0x20]  }
0x113: {  	[tilespmem:s10+$0xFFFFFF90] =	vst v2;
	v9 =	vld [tilespmem:s23+$0x20];
	v1 =	vmul.f32 v4, v5  }
0x114: {  	v4 =	vld [tilespmem:s23+$0xFFFFFFA0]  }
0x115: {  	[tilespmem:s10+$0x60] =	vst v1;
	v10 =	vld [tilespmem:s10+$0x70]  }
0x116: {  	v2 =	vmul.f32 v6, v3;
	v6 =	vld [tilespmem:s23+$0x70]  }
0x117: {  	v1 =	vld [tilespmem:s10+$0xFFFFFFB0]  }
.Ltmp2:
0x118: {  	[tilespmem:s10+$0xFFFFFFE0] =	vst v2;
	v2 =	vld [tilespmem:s10+$0xFFFFFFF0];
	v3 =	vmul.f32 v9, v8;
	(pc) =	sbr.rel @p0 .LBB2_7-.Ltmp2, $4  }
0x119: {  	v5 =	vmul.f32 v4, v7;
	v4 =	vld [tilespmem:s23+$0xFFFFFFF0]  }
0x11a: {  	[tilespmem:s10+$0x20] =	vst v3;
	v3 =	vld [tilespmem:s10+$0x30]  }
0x11b: {  	[tilespmem:s10+$0xFFFFFFA0] =	vst v5;
	v5 =	vld [tilespmem:s23+$0x30];
	v7 =	vmul.f32 v6, v10  }
0x11c: {  	s10 =	sadd.s32 $0x100, s10;
	v6 =	vld [tilespmem:s23+$0xFFFFFFB0]  }
0x11d: {  	_ =	sdelay $0x1  }
0x11e: {  	v2 =	vmul.f32 v4, v2  }
0x11f: {  	[tilespmem:s9+$0x70] =	vst v7;
	v3 =	vmul.f32 v5, v3  }
0x120: {  	[tilespmem:s9+$0xFFFFFFF0] =	vst v2;
	v1 =	vmul.f32 v6, v1  }
0x121: {  	p0 =	seq.s32 s24, $0x3D;
	[tilespmem:s9+$0x30] =	vst v3  }
.Ltmp3:
0x122: {  	[tilespmem:s9+$0xFFFFFFB0] =	vst v1;
	(pc) =	sbr.rel @p0 .LBB2_10-.Ltmp3, $4  }
0x123: {  	[spmem:s2] =	stream.indirect.scatter.add.f32 [tilespmem:s18], [sflag:$0x7], $0x40, s12, s15, $0xb8;
	[tilespmem:$0xF140] =	vst v63  }
0x124: {  	_ =	swait.ge [sflag:s29], $0x1400  }
0x125: {  	[sflag:s29] =	ssyncset.done $0x0  }
0x126: {  	[sflag:s29] =	ssyncadd.s32 $0xFFFFEC00  }
0x127: {  	s9 =	sadd.s32 $0xF0, s25  }
0x128: {  	s10 =	sadd.s32 s8, s9  }
0x129: {  	s9 =	sadd.s32 s26, s9;
	s10 =	sshrl.u32 s10, $0x3  }
0x12a: {  	s9 =	sshll.u32 s9, $0x7;
	s13 =	sadd.s32 s6, s10  }
0x12b: {  	[tilespmem:s11], [sflag:$0x4] =	stream.linear.gather [hbm4b:s13+s3], $0x50, $0x38;
	[tilespmem:$0xF140] =	vst v63  }
.Ltmp4:
0x12c: {  	s9 =	sor.u32 s17, s9;
	(pc) =	sbr.rel .LBB2_4-.Ltmp4, $4  }
0x12d: {  	s10 =	sadd.s32 s7, s10;
	s9 =	sshrl.u32 s9, $0x3  }
0x12e: {  	[tilespmem:s12], [sflag:$0x4] =	stream.linear.gather [hbm4b:s10+s3], $0x50, $0x38;
	[tilespmem:$0xF140] =	vst v63  }
0x12f: {  	s25 =	simm.s32 $0xDD40;
	s24 =	sadd.s32 $0x1, s24;
	s9 =	sadd.s32 s5, s9  }
0x130: {  	[tilespmem:s25], [sflag:$0x5] =	stream.strided.gather [hbm4b:s9+s0], $0x1400, s1, s0, $0x38;
	[tilespmem:$0xF140] =	vst v63  }
.LBB2_10:
0x131: {  	_ =	swait.ge [sflag:s19], $0x1400  }
0x132: {  	[sflag:s19] =	ssyncset.done $0x0  }
0x133: {  	[sflag:s19] =	ssyncadd.s32 $0xFFFFEC00  }
0x134: {  	_ =	swait.ge [sflag:s20], $0x1400  }
0x135: {  	[sflag:s20] =	ssyncset.done $0x0  }
0x136: {  	s9 =	simm.s32 $0xA120;
	[sflag:s20] =	ssyncadd.s32 $0xFFFFEC00  }
0x137: {  	s23 =	simm.s32 $0xB520;
	v1 =	vld [tilespmem:s9+$0x40]  }
0x138: {  	v2 =	vld [tilespmem:s23+$0x40]  }
0x139: {  	v3 =	vld [tilespmem:s9+$0xFFFFFFC0]  }
0x13a: {  	v4 =	vld [tilespmem:s23+$0xFFFFFFC0]  }
0x13b: {  	v5 =	vld [tilespmem:s9+$0x0]  }
0x13c: {  	v6 =	vld [tilespmem:s23+$0x0]  }
0x13d: {  	v7 =	vld [tilespmem:s9+$0xFFFFFF80];
	v1 =	vmul.f32 v2, v1  }
0x13e: {  	v2 =	vld [tilespmem:s23+$0xFFFFFF80]  }
0x13f: {  	[tilespmem:s9+$0x40] =	vst v1;
	v1 =	vld [tilespmem:s9+$0x50]  }
0x140: {  	v3 =	vmul.f32 v4, v3;
	v4 =	vld [tilespmem:s23+$0x50]  }
0x141: {  	v8 =	vld [tilespmem:s9+$0xFFFFFF90]  }
0x142: {  	[tilespmem:s9+$0xFFFFFFC0] =	vst v3;
	v3 =	vmul.f32 v6, v5;
	v5 =	vld [tilespmem:s9+$0xFFFFFFD0]  }
0x143: {  	v6 =	vld [tilespmem:s23+$0xFFFFFFD0];
	v2 =	vmul.f32 v2, v7  }
0x144: {  	[tilespmem:s9+$0x0] =	vst v3;
	v3 =	vld [tilespmem:s9+$0x10]  }
0x145: {  	v7 =	vld [tilespmem:s23+$0x10];
	[tilespmem:s9+$0xFFFFFF80] =	vst v2;
	v1 =	vmul.f32 v4, v1  }
0x146: {  	v2 =	vld [tilespmem:s23+$0xFFFFFF90]  }
0x147: {  	[tilespmem:s9+$0x50] =	vst v1;
	v1 =	vld [tilespmem:s9+$0x60]  }
0x148: {  	v4 =	vmul.f32 v6, v5;
	v5 =	vld [tilespmem:s23+$0x60]  }
0x149: {  	v6 =	vld [tilespmem:s9+$0xFFFFFFA0]  }
0x14a: {  	[tilespmem:s9+$0xFFFFFFD0] =	vst v4;
	v3 =	vmul.f32 v7, v3;
	v4 =	vld [tilespmem:s9+$0xFFFFFFE0]  }
0x14b: {  	v7 =	vld [tilespmem:s23+$0xFFFFFFE0];
	v2 =	vmul.f32 v2, v8  }
0x14c: {  	[tilespmem:s9+$0x10] =	vst v3;
	v3 =	vld [tilespmem:s9+$0x20]  }
0x14d: {  	v8 =	vld [tilespmem:s23+$0x20];
	[tilespmem:s9+$0xFFFFFF90] =	vst v2;
	v1 =	vmul.f32 v5, v1  }
0x14e: {  	v5 =	vld [tilespmem:s23+$0xFFFFFFA0]  }
0x14f: {  	v9 =	vld [tilespmem:s9+$0x70];
	[tilespmem:s9+$0x60] =	vst v1  }
0x150: {  	v2 =	vmul.f32 v7, v4;
	v7 =	vld [tilespmem:s23+$0x70]  }
0x151: {  	v1 =	vld [tilespmem:s9+$0xFFFFFFB0]  }
0x152: {  	[tilespmem:s9+$0xFFFFFFE0] =	vst v2;
	v3 =	vmul.f32 v8, v3;
	v2 =	vld [tilespmem:s9+$0xFFFFFFF0]  }
0x153: {  	v4 =	vld [tilespmem:s23+$0xFFFFFFF0];
	v5 =	vmul.f32 v5, v6  }
0x154: {  	[tilespmem:s9+$0x20] =	vst v3;
	v3 =	vld [tilespmem:s9+$0x30]  }
0x155: {  	[tilespmem:s9+$0xFFFFFFA0] =	vst v5;
	v5 =	vld [tilespmem:s23+$0x30];
	v7 =	vmul.f32 v7, v9  }
0x156: {  	s13 =	simm.s32 $0x0;
	s10 =	simm.s32 $0xA220;
	v6 =	vld [tilespmem:s23+$0xFFFFFFB0]  }
.LBB2_11:
0x157: {  	v8 =	vld [tilespmem:s10+$0x40];
	[tilespmem:s9+$0x70] =	vst v7;
	s23 =	sadd.s32 $0x100, s23  }
0x158: {  	s13 =	sadd.s32 $0x4, s13;
	v7 =	vld [tilespmem:s23+$0x40];
	v2 =	vmul.f32 v4, v2  }
0x159: {  	p0 =	slt.u32 s13, $0x4C;
	v4 =	vld [tilespmem:s23+$0xFFFFFF80]  }
0x15a: {  	v9 =	vld [tilespmem:s10+$0xFFFFFFC0];
	[tilespmem:s9+$0xFFFFFFF0] =	vst v2;
	v2 =	vmul.f32 v5, v3  }
0x15b: {  	v3 =	vld [tilespmem:s23+$0xFFFFFFC0];
	v1 =	vmul.f32 v6, v1  }
0x15c: {  	v5 =	vld [tilespmem:s10+$0x0];
	[tilespmem:s9+$0x30] =	vst v2  }
0x15d: {  	v2 =	vld [tilespmem:s23+$0x0];
	v6 =	vmul.f32 v7, v8;
	[tilespmem:s9+$0xFFFFFFB0] =	vst v1;
	s9 =	smov.u32 s10  }
0x15e: {  	v1 =	vld [tilespmem:s10+$0xFFFFFF80]  }
0x15f: {  	[tilespmem:s10+$0x40] =	vst v6;
	v6 =	vld [tilespmem:s10+$0x50]  }
0x160: {  	v3 =	vmul.f32 v3, v9;
	v7 =	vld [tilespmem:s23+$0x50]  }
0x161: {  	v8 =	vld [tilespmem:s10+$0xFFFFFF90]  }
0x162: {  	[tilespmem:s10+$0xFFFFFFC0] =	vst v3;
	v3 =	vld [tilespmem:s10+$0xFFFFFFD0];
	v2 =	vmul.f32 v2, v5  }
0x163: {  	v1 =	vmul.f32 v4, v1;
	v4 =	vld [tilespmem:s23+$0xFFFFFFD0]  }
0x164: {  	[tilespmem:s10+$0x0] =	vst v2;
	v2 =	vld [tilespmem:s10+$0x10]  }
0x165: {  	[tilespmem:s10+$0xFFFFFF80] =	vst v1;
	v1 =	vld [tilespmem:s23+$0x10];
	v5 =	vmul.f32 v7, v6  }
0x166: {  	v6 =	vld [tilespmem:s23+$0xFFFFFF90]  }
0x167: {  	[tilespmem:s10+$0x50] =	vst v5;
	v5 =	vld [tilespmem:s10+$0x60]  }
0x168: {  	v3 =	vmul.f32 v4, v3;
	v4 =	vld [tilespmem:s23+$0x60]  }
0x169: {  	v7 =	vld [tilespmem:s10+$0xFFFFFFA0]  }
0x16a: {  	[tilespmem:s10+$0xFFFFFFD0] =	vst v3;
	v3 =	vld [tilespmem:s10+$0xFFFFFFE0];
	v1 =	vmul.f32 v1, v2  }
0x16b: {  	v2 =	vmul.f32 v6, v8;
	v6 =	vld [tilespmem:s23+$0xFFFFFFE0]  }
0x16c: {  	[tilespmem:s10+$0x10] =	vst v1;
	v8 =	vld [tilespmem:s10+$0x20]  }
0x16d: {  	[tilespmem:s10+$0xFFFFFF90] =	vst v2;
	v9 =	vld [tilespmem:s23+$0x20];
	v1 =	vmul.f32 v4, v5  }
0x16e: {  	v4 =	vld [tilespmem:s23+$0xFFFFFFA0]  }
0x16f: {  	[tilespmem:s10+$0x60] =	vst v1;
	v10 =	vld [tilespmem:s10+$0x70]  }
0x170: {  	v2 =	vmul.f32 v6, v3;
	v6 =	vld [tilespmem:s23+$0x70]  }
0x171: {  	v1 =	vld [tilespmem:s10+$0xFFFFFFB0]  }
.Ltmp5:
0x172: {  	[tilespmem:s10+$0xFFFFFFE0] =	vst v2;
	v2 =	vld [tilespmem:s10+$0xFFFFFFF0];
	v3 =	vmul.f32 v9, v8;
	(pc) =	sbr.rel @p0 .LBB2_11-.Ltmp5, $4  }
0x173: {  	v5 =	vmul.f32 v4, v7;
	v4 =	vld [tilespmem:s23+$0xFFFFFFF0]  }
0x174: {  	[tilespmem:s10+$0x20] =	vst v3;
	v3 =	vld [tilespmem:s10+$0x30]  }
0x175: {  	[tilespmem:s10+$0xFFFFFFA0] =	vst v5;
	v5 =	vld [tilespmem:s23+$0x30];
	v7 =	vmul.f32 v6, v10  }
0x176: {  	s10 =	sadd.s32 $0x100, s10;
	v6 =	vld [tilespmem:s23+$0xFFFFFFB0]  }
0x177: {  	_ =	sdelay $0x1  }
0x178: {  	v2 =	vmul.f32 v4, v2  }
0x179: {  	[tilespmem:s9+$0x70] =	vst v7;
	v3 =	vmul.f32 v5, v3  }
0x17a: {  	[tilespmem:s9+$0xFFFFFFF0] =	vst v2;
	v1 =	vmul.f32 v6, v1  }
0x17b: {  	[tilespmem:s9+$0x30] =	vst v3  }
0x17c: {  	[tilespmem:s9+$0xFFFFFFB0] =	vst v1  }
0x17d: {  	[spmem:s2] =	stream.indirect.scatter.add.f32 [tilespmem:s28], [sflag:$0x7], $0x40, s31, s15, $0xb8;
	[tilespmem:$0xF140] =	vst v63  }
0x17e: {  	_ =	swait.ge [sflag:s29], $0x1400  }
0x17f: {  	[sflag:s29] =	ssyncset.done $0x0  }
0x180: {  	[sflag:s29] =	ssyncadd.s32 $0xFFFFEC00  }
0x181: {  	s23 =	stileid.u32;
	[bflag:$0x0] =	sbarrier.arrive $0xFFFF  }
0x182: {  	s9 =	sshll.u32 s23, $0x6;
	s23 =	rddreg [dreg:$0x3]  }
0x183: {  	s9 =	sor.u32 $0x1C07, s9;
	s13 =	rddreg [dreg:$0x11];
	s10 =	sshrl.u32 s23, $0x3  }
0x184: {  	[hbm:s13], [sflag:s9] =	dma.local [spmem:s10], $0x1400  }
0x185: {  	_ =	swait.ge [sflag:s29], $0x1400  }
0x186: {  	s24 =	rddreg [dreg:$0x13]  }
0x187: {  	s25 =	rddreg [dreg:$0x12];
	s10 =	sadd.s32 $0x1, s24  }
0x188: {  	p0 =	sne.s32 s10, s25  }
.Ltmp6:
0x189: {  	_ = 	snop;
	(pc) =	sbr.rel @p0 .LBB2_1-.Ltmp6, $3  }
0x18a: {  	_ =	sdelay $0x1  }
0x18b: {  	[sflag:s29] =	ssyncset.done $0x0  }
0x18c: {  	[sflag:s29] =	ssyncadd.s32 $0xFFFFEC00  }
0x18d: {  	_ =	sfence.sel $0x180000  }
0x18e: {  	[bflag:$0x0] =	sbarrier.arrive $0xFFFF  }
0x18f: {  	_ =	strace $0x9000004D  }
0x190: {  	s0 =	stileid.u32;
	[bflag:$0x2] =	sbarrier.arrive $0xFFFF  }
0x191: {  	p0 =	sne.s32 s0, $0x0;
	s0 =	rddreg [dreg:$0x2]  }
0x192: {  	s0 =	sadd.s32 @!p0 $0x100000, s0  }
0x193: {  	[sflag:s0] =	ssyncadd.tile.s32 @!p0 $0x1;
	_ =	shalt  }
.Lfunc_end2:
_tile_overlayer_lowered:
.L_overlay_start_2:
0x194: {  	(tag) =	ssettag $0x2  }
0x195: {  	s0 =	rddreg [dreg:$0x0];
	s2 =	stileid.u32  }
0x196: {  	s1 =	rddreg [dreg:$0x1];
	p0 =	sne.s32 s2, $0x0  }
0x197: {  	s3 =	rddreg [dreg:$0x2];
	[bflag:$0x3] =	sbarrier.arrive $0xFFFF;
	s2 =	simm.s32 @!p0 $0x1C07  }
0x198: {  	[timem:s3], [sflag:s2] =	dma.local @!p0 [hbm:s0], s1  }
0x199: {  	s0 =	simm.s32 @!p0 $0x7  }
0x19a: {  	_ =	swait.ge @!p0 [sflag:s0], s1  }
0x19b: {  	s1 =	ssub.s32 @!p0 $0x0, s1;
	[sflag:s0] =	ssyncset.done @!p0 $0x0  }
0x19c: {  	[sflag:s0] =	ssyncadd.s32 @!p0 s1  }
0x19d: {  	[bflag:$0x3] =	sbarrier.arrive $0xFFFF  }
0x19e: {  	_ =	shalt  }

</sc_bundles>
